<compile_context>
chip_gen: v7x
topology: tpu7x:2x2x1
jax: 0.10.2.dev20260603
libtpu: 0.0.44.dev20260713+nightly
codegen_flags: <defaults>
</compile_context>

<pallas_src>
import jax
import jax.numpy as jnp
from jax import lax
from jax.experimental import pallas as pl
from jax.experimental.pallas import tpu as pltpu
from jax.experimental.pallas import tpu_sc as plsc

B = 16384
D = 64
L = 16
NC = 2
NS = 16
NW = NC * NS
B_PER_W = B // NW
PASS_ROWS = B_PER_W // 2


def _body(users, items, user_table, item_table, out,
          idx_u_v, idx_i_v, rows_u, rows_i, out_v, sem_g):
  wid = lax.axis_index("s") * NC + lax.axis_index("c")
  base = wid * B_PER_W

  pltpu.sync_copy(users.at[pl.ds(base, B_PER_W)], idx_u_v)
  pltpu.sync_copy(items.at[pl.ds(base, B_PER_W)], idx_i_v)

  riota = lax.iota(jnp.int32, L)

  for p in range(2):
    poff = p * PASS_ROWS

    def issue(g, carry, poff=poff):
      uvec = idx_u_v[pl.ds(poff + g * L, L)]
      ivec = idx_i_v[pl.ds(poff + g * L, L)]
      for l in range(L):
        pltpu.async_copy(user_table.at[uvec[l]], rows_u.at[g * L + l], sem_g)
        pltpu.async_copy(item_table.at[ivec[l]], rows_i.at[g * L + l], sem_g)
      return carry

    lax.fori_loop(0, PASS_ROWS // L, issue, 0)

    def drain(r, carry):
      pltpu.make_async_copy(user_table.at[0], rows_u.at[0], sem_g).wait()
      pltpu.make_async_copy(item_table.at[0], rows_i.at[0], sem_g).wait()
      return carry

    lax.fori_loop(0, PASS_ROWS, drain, 0)

    def block(j, carry):
      ro = j * L
      row_ids = riota + ro
      acc = jnp.zeros((L,), jnp.float32)
      for k in range(D):
        col = jnp.full((L,), k, jnp.int32)
        uv = plsc.load_gather(rows_u, [row_ids, col])
        iv = plsc.load_gather(rows_i, [row_ids, col])
        acc = acc + uv * iv
      out_v[pl.ds(ro, L)] = acc
      return carry

    lax.fori_loop(0, PASS_ROWS // L, block, 0)

    pltpu.sync_copy(out_v, out.at[pl.ds(base + poff, PASS_ROWS)])


@jax.jit
def kernel(users, items, user_table, item_table):
  mesh = plsc.VectorSubcoreMesh(core_axis_name="c", subcore_axis_name="s")
  k = pl.kernel(
      _body,
      out_type=jax.ShapeDtypeStruct((B,), jnp.float32),
      mesh=mesh,
      scratch_types=[
          pltpu.VMEM((B_PER_W,), jnp.int32),
          pltpu.VMEM((B_PER_W,), jnp.int32),
          pltpu.VMEM((PASS_ROWS, D), jnp.float32),
          pltpu.VMEM((PASS_ROWS, D), jnp.float32),
          pltpu.VMEM((PASS_ROWS,), jnp.float32),
          pltpu.SemaphoreType.DMA,
      ],
      compiler_params=pltpu.CompilerParams(needs_layout_passes=False),
  )
  return k(users, items, user_table, item_table)

# --- scband reference (transcript-rebuilt; emitter-appended) ---
"""Pipeline reference for scband-pure-mf-27444841021790 (READ-ONLY COPY).

The authoritative reference and input builder live on the scoring server;
editing this copy changes nothing except your own understanding.
"""

import jax, jax.numpy as jnp
import numpy as np

NUM_USERS = 1000000
NUM_ITEMS = 1000000
LATENT_DIM = 64
BATCH = 16384


def setup_inputs(seed: int = 0) -> dict:
    key = jax.random.key(seed)
    k1, k2, k3, k4 = jax.random.split(key, 4)
    users = jax.random.randint(k1, (BATCH,), 0, NUM_USERS, dtype=jnp.int64 if jax.config.jax_enable_x64 else jnp.int32).astype(jnp.int32)
    items = jax.random.randint(k2, (BATCH,), 0, NUM_ITEMS, dtype=jnp.int32)
    # nn.init.normal_(std=1.0) -> standard normal embeddings
    user_table = jax.random.normal(k3, (NUM_USERS, LATENT_DIM), dtype=jnp.float32)
    item_table = jax.random.normal(k4, (NUM_ITEMS, LATENT_DIM), dtype=jnp.float32)
    return {"users": users, "items": items, "user_table": user_table, "item_table": item_table}


def reference(users, items, user_table, item_table):
    # PureMF.forward: gather user/item embeddings, elementwise product, sum over dim
    users_emb = jnp.take(user_table, users, axis=0)  # [B, D]
    items_emb = jnp.take(item_table, items, axis=0)  # [B, D]
    inner_pro = users_emb * items_emb
    scores = jnp.sum(inner_pro, axis=1)  # [B]
    return scores

if __name__ == "__main__":
    import jax
    _d = setup_inputs()
    print(jax.jit(kernel)(*tuple(_d.values())))

</pallas_src>

<mosaic_0001>
#map = affine_map<(d0, d1) -> (0)>
#map1 = affine_map<(d0, d1) -> (0, 0)>
module attributes {stable_mosaic.version = 14 : i64} {
  func.func @_body(%arg0: i32, %arg1: i32, %arg2: memref<16384xi32, #tpu.memory_space<hbm>>, %arg3: memref<16384xi32, #tpu.memory_space<hbm>>, %arg4: memref<1000000x64xf32, #tpu.memory_space<hbm>>, %arg5: memref<1000000x64xf32, #tpu.memory_space<hbm>>, %arg6: memref<16384xf32, #tpu.memory_space<hbm>>, %arg7: memref<512xi32, #tpu.memory_space<vmem>>, %arg8: memref<512xi32, #tpu.memory_space<vmem>>, %arg9: memref<256x64xf32, #tpu.memory_space<vmem>>, %arg10: memref<256x64xf32, #tpu.memory_space<vmem>>, %arg11: memref<256xf32, #tpu.memory_space<vmem>>, %arg12: memref<!tpu.dma_semaphore, #tpu.memory_space<semaphore_mem>>) attributes {dimension_semantics = [#tpu.dimension_semantics<core_parallel>, #tpu.dimension_semantics<subcore_parallel>], iteration_bounds = array<i64: 2, 16>, scalar_prefetch = 0 : i64, scratch_operands = 6 : i64, tpu.core_type = #tpu.core_type<sc_vector_subcore>, window_params = [{transform_indices = #map}, {transform_indices = #map}, {transform_indices = #map1}, {transform_indices = #map1}, {transform_indices = #map}]} {
    %mul3A = arith.constant 2 : i32
    %mul3A_0 = arith.muli %arg1, %mul3A : i32
    %add3A = arith.addi %mul3A_0, %arg0 : i32
    %mul3A_1 = arith.constant 512 : i32
    %mul3A_2 = arith.muli %add3A, %mul3A_1 : i32
    "tpu.region"() ({
      %run_scoped3A = tpu.sem_alloc : memref<!tpu.dma_semaphore, #tpu.memory_space<semaphore_mem>>
      %dma_start3A = tpu.memref_slice %arg2[%mul3A_2] : memref<16384xi32, #tpu.memory_space<hbm>> -> memref<512xi32, #tpu.memory_space<hbm>>
      %dma_start3A_42 = tpu.memref_slice %arg2[%mul3A_2] : memref<16384xi32, #tpu.memory_space<hbm>> -> memref<512xi32, #tpu.memory_space<hbm>>
      tpu.enqueue_dma source(%dma_start3A_42 : memref<512xi32, #tpu.memory_space<hbm>>) target(%arg7 : memref<512xi32, #tpu.memory_space<vmem>>) target_semaphore(%run_scoped3A : memref<!tpu.dma_semaphore, #tpu.memory_space<semaphore_mem>>)
      %dma_wait3A = tpu.memref_slice %arg2[%mul3A_2] : memref<16384xi32, #tpu.memory_space<hbm>> -> memref<512xi32, #tpu.memory_space<hbm>>
      %dma_wait3A_43 = tpu.memref_slice %arg2[%mul3A_2] : memref<16384xi32, #tpu.memory_space<hbm>> -> memref<512xi32, #tpu.memory_space<hbm>>
      tpu.wait_dma2 semaphore(%run_scoped3A : memref<!tpu.dma_semaphore, #tpu.memory_space<semaphore_mem>>) src(%dma_wait3A_43 : memref<512xi32, #tpu.memory_space<hbm>>) dst(%arg7 : memref<512xi32, #tpu.memory_space<vmem>>)
      tpu.yield
    }) : () -> ()
    "tpu.region"() ({
      %run_scoped3A = tpu.sem_alloc : memref<!tpu.dma_semaphore, #tpu.memory_space<semaphore_mem>>
      %dma_start3A = tpu.memref_slice %arg3[%mul3A_2] : memref<16384xi32, #tpu.memory_space<hbm>> -> memref<512xi32, #tpu.memory_space<hbm>>
      %dma_start3A_42 = tpu.memref_slice %arg3[%mul3A_2] : memref<16384xi32, #tpu.memory_space<hbm>> -> memref<512xi32, #tpu.memory_space<hbm>>
      tpu.enqueue_dma source(%dma_start3A_42 : memref<512xi32, #tpu.memory_space<hbm>>) target(%arg8 : memref<512xi32, #tpu.memory_space<vmem>>) target_semaphore(%run_scoped3A : memref<!tpu.dma_semaphore, #tpu.memory_space<semaphore_mem>>)
      %dma_wait3A = tpu.memref_slice %arg3[%mul3A_2] : memref<16384xi32, #tpu.memory_space<hbm>> -> memref<512xi32, #tpu.memory_space<hbm>>
      %dma_wait3A_43 = tpu.memref_slice %arg3[%mul3A_2] : memref<16384xi32, #tpu.memory_space<hbm>> -> memref<512xi32, #tpu.memory_space<hbm>>
      tpu.wait_dma2 semaphore(%run_scoped3A : memref<!tpu.dma_semaphore, #tpu.memory_space<semaphore_mem>>) src(%dma_wait3A_43 : memref<512xi32, #tpu.memory_space<hbm>>) dst(%arg8 : memref<512xi32, #tpu.memory_space<vmem>>)
      tpu.yield
    }) : () -> ()
    %iota3A = tpu.iota {dimensions = array<i32: 0>} : vector<16xi32>
    %scan3A = arith.constant 0 : i32
    %scan3A_3 = arith.constant 0 : i32
    %scan3A_4 = arith.constant 16 : i32
    %scan3A_5 = arith.addi %scan3A_3, %scan3A_4 : i32
    %scan3A_6 = arith.constant 1 : i32
    scf.for %scan3A_42 = %scan3A_3 to %scan3A_5 step %scan3A_6  : i32 {
      %mul3A_43 = arith.constant 16 : i32
      %mul3A_44 = arith.muli %scan3A_42, %mul3A_43 : i32
      %add3A_45 = arith.constant 0 : i32
      %add3A_46 = arith.addi %add3A_45, %mul3A_44 : i32
      %get3A = arith.index_cast %add3A_46 : i32 to index
      %get3A_47 = tpu.vector_load %arg7[%get3A] {strides = array<i32>} : memref<512xi32, #tpu.memory_space<vmem>>, vector<16xi32>,
      %mul3A_48 = arith.constant 16 : i32
      %mul3A_49 = arith.muli %scan3A_42, %mul3A_48 : i32
      %add3A_50 = arith.constant 0 : i32
      %add3A_51 = arith.addi %add3A_50, %mul3A_49 : i32
      %get3A_52 = arith.index_cast %add3A_51 : i32 to index
      %get3A_53 = tpu.vector_load %arg8[%get3A_52] {strides = array<i32>} : memref<512xi32, #tpu.memory_space<vmem>>, vector<16xi32>,
      %slice3A = vector.extract_strided_slice %get3A_47 {offsets = [0], sizes = [1], strides = [1]} : vector<16xi32> to vector<1xi32>
      %squeeze3A = vector.extract %slice3A[0] : i32 from vector<1xi32>
      %mul3A_54 = arith.constant 16 : i32
      %mul3A_55 = arith.muli %scan3A_42, %mul3A_54 : i32
      %add3A_56 = arith.constant 0 : i32
      %add3A_57 = arith.addi %mul3A_55, %add3A_56 : i32
      %dma_start3A = arith.constant 0 : i32
      %dma_start3A_58 = tpu.memref_slice %arg9[%add3A_57, %dma_start3A] : memref<256x64xf32, #tpu.memory_space<vmem>> -> memref<1x64xf32, #tpu.memory_space<vmem>>
      %dma_start3A_59 = tpu.memref_squeeze %dma_start3A_58 : memref<1x64xf32, #tpu.memory_space<vmem>> -> memref<64xf32, #tpu.memory_space<vmem>>
      %dma_start3A_60 = arith.constant 0 : i32
      %dma_start3A_61 = tpu.memref_slice %arg4[%squeeze3A, %dma_start3A_60] : memref<1000000x64xf32, #tpu.memory_space<hbm>> -> memref<1x64xf32, #tpu.memory_space<hbm>>
      %dma_start3A_62 = tpu.memref_squeeze %dma_start3A_61 : memref<1x64xf32, #tpu.memory_space<hbm>> -> memref<64xf32, #tpu.memory_space<hbm>>
      %dma_start3A_63 = arith.constant 0 : i32
      %dma_start3A_64 = tpu.memref_slice %arg9[%add3A_57, %dma_start3A_63] : memref<256x64xf32, #tpu.memory_space<vmem>> -> memref<1x64xf32, #tpu.memory_space<vmem>>
      %dma_start3A_65 = tpu.memref_squeeze %dma_start3A_64 : memref<1x64xf32, #tpu.memory_space<vmem>> -> memref<64xf32, #tpu.memory_space<vmem>>
      %dma_start3A_66 = arith.constant 0 : i32
      %dma_start3A_67 = tpu.memref_slice %arg4[%squeeze3A, %dma_start3A_66] : memref<1000000x64xf32, #tpu.memory_space<hbm>> -> memref<1x64xf32, #tpu.memory_space<hbm>>
      %dma_start3A_68 = tpu.memref_squeeze %dma_start3A_67 : memref<1x64xf32, #tpu.memory_space<hbm>> -> memref<64xf32, #tpu.memory_space<hbm>>
      tpu.enqueue_dma source(%dma_start3A_68 : memref<64xf32, #tpu.memory_space<hbm>>) target(%dma_start3A_65 : memref<64xf32, #tpu.memory_space<vmem>>) target_semaphore(%arg12 : memref<!tpu.dma_semaphore, #tpu.memory_space<semaphore_mem>>)
      %slice3A_69 = vector.extract_strided_slice %get3A_53 {offsets = [0], sizes = [1], strides = [1]} : vector<16xi32> to vector<1xi32>
      %squeeze3A_70 = vector.extract %slice3A_69[0] : i32 from vector<1xi32>
      %mul3A_71 = arith.constant 16 : i32
      %mul3A_72 = arith.muli %scan3A_42, %mul3A_71 : i32
      %add3A_73 = arith.constant 0 : i32
      %add3A_74 = arith.addi %mul3A_72, %add3A_73 : i32
      %dma_start3A_75 = arith.constant 0 : i32
      %dma_start3A_76 = tpu.memref_slice %arg10[%add3A_74, %dma_start3A_75] : memref<256x64xf32, #tpu.memory_space<vmem>> -> memref<1x64xf32, #tpu.memory_space<vmem>>
      %dma_start3A_77 = tpu.memref_squeeze %dma_start3A_76 : memref<1x64xf32, #tpu.memory_space<vmem>> -> memref<64xf32, #tpu.memory_space<vmem>>
      %dma_start3A_78 = arith.constant 0 : i32
      %dma_start3A_79 = tpu.memref_slice %arg5[%squeeze3A_70, %dma_start3A_78] : memref<1000000x64xf32, #tpu.memory_space<hbm>> -> memref<1x64xf32, #tpu.memory_space<hbm>>
      %dma_start3A_80 = tpu.memref_squeeze %dma_start3A_79 : memref<1x64xf32, #tpu.memory_space<hbm>> -> memref<64xf32, #tpu.memory_space<hbm>>
      %dma_start3A_81 = arith.constant 0 : i32
      %dma_start3A_82 = tpu.memref_slice %arg10[%add3A_74, %dma_start3A_81] : memref<256x64xf32, #tpu.memory_space<vmem>> -> memref<1x64xf32, #tpu.memory_space<vmem>>
      %dma_start3A_83 = tpu.memref_squeeze %dma_start3A_82 : memref<1x64xf32, #tpu.memory_space<vmem>> -> memref<64xf32, #tpu.memory_space<vmem>>
      %dma_start3A_84 = arith.constant 0 : i32
      %dma_start3A_85 = tpu.memref_slice %arg5[%squeeze3A_70, %dma_start3A_84] : memref<1000000x64xf32, #tpu.memory_space<hbm>> -> memref<1x64xf32, #tpu.memory_space<hbm>>
      %dma_start3A_86 = tpu.memref_squeeze %dma_start3A_85 : memref<1x64xf32, #tpu.memory_space<hbm>> -> memref<64xf32, #tpu.memory_space<hbm>>
      tpu.enqueue_dma source(%dma_start3A_86 : memref<64xf32, #tpu.memory_space<hbm>>) target(%dma_start3A_83 : memref<64xf32, #tpu.memory_space<vmem>>) target_semaphore(%arg12 : memref<!tpu.dma_semaphore, #tpu.memory_space<semaphore_mem>>)
      %slice3A_87 = vector.extract_strided_slice %get3A_47 {offsets = [1], sizes = [1], strides = [1]} : vector<16xi32> to vector<1xi32>
      %squeeze3A_88 = vector.extract %slice3A_87[0] : i32 from vector<1xi32>
      %mul3A_89 = arith.constant 16 : i32
      %mul3A_90 = arith.muli %scan3A_42, %mul3A_89 : i32
      %add3A_91 = arith.constant 1 : i32
      %add3A_92 = arith.addi %mul3A_90, %add3A_91 : i32
      %dma_start3A_93 = arith.constant 0 : i32
      %dma_start3A_94 = tpu.memref_slice %arg9[%add3A_92, %dma_start3A_93] : memref<256x64xf32, #tpu.memory_space<vmem>> -> memref<1x64xf32, #tpu.memory_space<vmem>>
      %dma_start3A_95 = tpu.memref_squeeze %dma_start3A_94 : memref<1x64xf32, #tpu.memory_space<vmem>> -> memref<64xf32, #tpu.memory_space<vmem>>
      %dma_start3A_96 = arith.constant 0 : i32
      %dma_start3A_97 = tpu.memref_slice %arg4[%squeeze3A_88, %dma_start3A_96] : memref<1000000x64xf32, #tpu.memory_space<hbm>> -> memref<1x64xf32, #tpu.memory_space<hbm>>
      %dma_start3A_98 = tpu.memref_squeeze %dma_start3A_97 : memref<1x64xf32, #tpu.memory_space<hbm>> -> memref<64xf32, #tpu.memory_space<hbm>>
      %dma_start3A_99 = arith.constant 0 : i32
      %dma_start3A_100 = tpu.memref_slice %arg9[%add3A_92, %dma_start3A_99] : memref<256x64xf32, #tpu.memory_space<vmem>> -> memref<1x64xf32, #tpu.memory_space<vmem>>
      %dma_start3A_101 = tpu.memref_squeeze %dma_start3A_100 : memref<1x64xf32, #tpu.memory_space<vmem>> -> memref<64xf32, #tpu.memory_space<vmem>>
      %dma_start3A_102 = arith.constant 0 : i32
      %dma_start3A_103 = tpu.memref_slice %arg4[%squeeze3A_88, %dma_start3A_102] : memref<1000000x64xf32, #tpu.memory_space<hbm>> -> memref<1x64xf32, #tpu.memory_space<hbm>>
      %dma_start3A_104 = tpu.memref_squeeze %dma_start3A_103 : memref<1x64xf32, #tpu.memory_space<hbm>> -> memref<64xf32, #tpu.memory_space<hbm>>
      tpu.enqueue_dma source(%dma_start3A_104 : memref<64xf32, #tpu.memory_space<hbm>>) target(%dma_start3A_101 : memref<64xf32, #tpu.memory_space<vmem>>) target_semaphore(%arg12 : memref<!tpu.dma_semaphore, #tpu.memory_space<semaphore_mem>>)
      %slice3A_105 = vector.extract_strided_slice %get3A_53 {offsets = [1], sizes = [1], strides = [1]} : vector<16xi32> to vector<1xi32>
      %squeeze3A_106 = vector.extract %slice3A_105[0] : i32 from vector<1xi32>
      %mul3A_107 = arith.constant 16 : i32
      %mul3A_108 = arith.muli %scan3A_42, %mul3A_107 : i32
      %add3A_109 = arith.constant 1 : i32
      %add3A_110 = arith.addi %mul3A_108, %add3A_109 : i32
      %dma_start3A_111 = arith.constant 0 : i32
      %dma_start3A_112 = tpu.memref_slice %arg10[%add3A_110, %dma_start3A_111] : memref<256x64xf32, #tpu.memory_space<vmem>> -> memref<1x64xf32, #tpu.memory_space<vmem>>
      %dma_start3A_113 = tpu.memref_squeeze %dma_start3A_112 : memref<1x64xf32, #tpu.memory_space<vmem>> -> memref<64xf32, #tpu.memory_space<vmem>>
      %dma_start3A_114 = arith.constant 0 : i32
      %dma_start3A_115 = tpu.memref_slice %arg5[%squeeze3A_106, %dma_start3A_114] : memref<1000000x64xf32, #tpu.memory_space<hbm>> -> memref<1x64xf32, #tpu.memory_space<hbm>>
      %dma_start3A_116 = tpu.memref_squeeze %dma_start3A_115 : memref<1x64xf32, #tpu.memory_space<hbm>> -> memref<64xf32, #tpu.memory_space<hbm>>
      %dma_start3A_117 = arith.constant 0 : i32
      %dma_start3A_118 = tpu.memref_slice %arg10[%add3A_110, %dma_start3A_117] : memref<256x64xf32, #tpu.memory_space<vmem>> -> memref<1x64xf32, #tpu.memory_space<vmem>>
      %dma_start3A_119 = tpu.memref_squeeze %dma_start3A_118 : memref<1x64xf32, #tpu.memory_space<vmem>> -> memref<64xf32, #tpu.memory_space<vmem>>
      %dma_start3A_120 = arith.constant 0 : i32
      %dma_start3A_121 = tpu.memref_slice %arg5[%squeeze3A_106, %dma_start3A_120] : memref<1000000x64xf32, #tpu.memory_space<hbm>> -> memref<1x64xf32, #tpu.memory_space<hbm>>
      %dma_start3A_122 = tpu.memref_squeeze %dma_start3A_121 : memref<1x64xf32, #tpu.memory_space<hbm>> -> memref<64xf32, #tpu.memory_space<hbm>>
      tpu.enqueue_dma source(%dma_start3A_122 : memref<64xf32, #tpu.memory_space<hbm>>) target(%dma_start3A_119 : memref<64xf32, #tpu.memory_space<vmem>>) target_semaphore(%arg12 : memref<!tpu.dma_semaphore, #tpu.memory_space<semaphore_mem>>)
      %slice3A_123 = vector.extract_strided_slice %get3A_47 {offsets = [2], sizes = [1], strides = [1]} : vector<16xi32> to vector<1xi32>
      %squeeze3A_124 = vector.extract %slice3A_123[0] : i32 from vector<1xi32>
      %mul3A_125 = arith.constant 16 : i32
      %mul3A_126 = arith.muli %scan3A_42, %mul3A_125 : i32
      %add3A_127 = arith.constant 2 : i32
      %add3A_128 = arith.addi %mul3A_126, %add3A_127 : i32
      %dma_start3A_129 = arith.constant 0 : i32
      %dma_start3A_130 = tpu.memref_slice %arg9[%add3A_128, %dma_start3A_129] : memref<256x64xf32, #tpu.memory_space<vmem>> -> memref<1x64xf32, #tpu.memory_space<vmem>>
      %dma_start3A_131 = tpu.memref_squeeze %dma_start3A_130 : memref<1x64xf32, #tpu.memory_space<vmem>> -> memref<64xf32, #tpu.memory_space<vmem>>
      %dma_start3A_132 = arith.constant 0 : i32
      %dma_start3A_133 = tpu.memref_slice %arg4[%squeeze3A_124, %dma_start3A_132] : memref<1000000x64xf32, #tpu.memory_space<hbm>> -> memref<1x64xf32, #tpu.memory_space<hbm>>
      %dma_start3A_134 = tpu.memref_squeeze %dma_start3A_133 : memref<1x64xf32, #tpu.memory_space<hbm>> -> memref<64xf32, #tpu.memory_space<hbm>>
      %dma_start3A_135 = arith.constant 0 : i32
      %dma_start3A_136 = tpu.memref_slice %arg9[%add3A_128, %dma_start3A_135] : memref<256x64xf32, #tpu.memory_space<vmem>> -> memref<1x64xf32, #tpu.memory_space<vmem>>
      %dma_start3A_137 = tpu.memref_squeeze %dma_start3A_136 : memref<1x64xf32, #tpu.memory_space<vmem>> -> memref<64xf32, #tpu.memory_space<vmem>>
      %dma_start3A_138 = arith.constant 0 : i32
      %dma_start3A_139 = tpu.memref_slice %arg4[%squeeze3A_124, %dma_start3A_138] : memref<1000000x64xf32, #tpu.memory_space<hbm>> -> memref<1x64xf32, #tpu.memory_space<hbm>>
      %dma_start3A_140 = tpu.memref_squeeze %dma_start3A_139 : memref<1x64xf32, #tpu.memory_space<hbm>> -> memref<64xf32, #tpu.memory_space<hbm>>
      tpu.enqueue_dma source(%dma_start3A_140 : memref<64xf32, #tpu.memory_space<hbm>>) target(%dma_start3A_137 : memref<64xf32, #tpu.memory_space<vmem>>) target_semaphore(%arg12 : memref<!tpu.dma_semaphore, #tpu.memory_space<semaphore_mem>>)
      %slice3A_141 = vector.extract_strided_slice %get3A_53 {offsets = [2], sizes = [1], strides = [1]} : vector<16xi32> to vector<1xi32>
      %squeeze3A_142 = vector.extract %slice3A_141[0] : i32 from vector<1xi32>
      %mul3A_143 = arith.constant 16 : i32
      %mul3A_144 = arith.muli %scan3A_42, %mul3A_143 : i32
      %add3A_145 = arith.constant 2 : i32
      %add3A_146 = arith.addi %mul3A_144, %add3A_145 : i32
      %dma_start3A_147 = arith.constant 0 : i32
      %dma_start3A_148 = tpu.memref_slice %arg10[%add3A_146, %dma_start3A_147] : memref<256x64xf32, #tpu.memory_space<vmem>> -> memref<1x64xf32, #tpu.memory_space<vmem>>
      %dma_start3A_149 = tpu.memref_squeeze %dma_start3A_148 : memref<1x64xf32, #tpu.memory_space<vmem>> -> memref<64xf32, #tpu.memory_space<vmem>>
      %dma_start3A_150 = arith.constant 0 : i32
      %dma_start3A_151 = tpu.memref_slice %arg5[%squeeze3A_142, %dma_start3A_150] : memref<1000000x64xf32, #tpu.memory_space<hbm>> -> memref<1x64xf32, #tpu.memory_space<hbm>>
      %dma_start3A_152 = tpu.memref_squeeze %dma_start3A_151 : memref<1x64xf32, #tpu.memory_space<hbm>> -> memref<64xf32, #tpu.memory_space<hbm>>
      %dma_start3A_153 = arith.constant 0 : i32
      %dma_start3A_154 = tpu.memref_slice %arg10[%add3A_146, %dma_start3A_153] : memref<256x64xf32, #tpu.memory_space<vmem>> -> memref<1x64xf32, #tpu.memory_space<vmem>>
      %dma_start3A_155 = tpu.memref_squeeze %dma_start3A_154 : memref<1x64xf32, #tpu.memory_space<vmem>> -> memref<64xf32, #tpu.memory_space<vmem>>
      %dma_start3A_156 = arith.constant 0 : i32
      %dma_start3A_157 = tpu.memref_slice %arg5[%squeeze3A_142, %dma_start3A_156] : memref<1000000x64xf32, #tpu.memory_space<hbm>> -> memref<1x64xf32, #tpu.memory_space<hbm>>
      %dma_start3A_158 = tpu.memref_squeeze %dma_start3A_157 : memref<1x64xf32, #tpu.memory_space<hbm>> -> memref<64xf32, #tpu.memory_space<hbm>>
      tpu.enqueue_dma source(%dma_start3A_158 : memref<64xf32, #tpu.memory_space<hbm>>) target(%dma_start3A_155 : memref<64xf32, #tpu.memory_space<vmem>>) target_semaphore(%arg12 : memref<!tpu.dma_semaphore, #tpu.memory_space<semaphore_mem>>)
      %slice3A_159 = vector.extract_strided_slice %get3A_47 {offsets = [3], sizes = [1], strides = [1]} : vector<16xi32> to vector<1xi32>
      %squeeze3A_160 = vector.extract %slice3A_159[0] : i32 from vector<1xi32>
      %mul3A_161 = arith.constant 16 : i32
      %mul3A_162 = arith.muli %scan3A_42, %mul3A_161 : i32
      %add3A_163 = arith.constant 3 : i32
      %add3A_164 = arith.addi %mul3A_162, %add3A_163 : i32
      %dma_start3A_165 = arith.constant 0 : i32
      %dma_start3A_166 = tpu.memref_slice %arg9[%add3A_164, %dma_start3A_165] : memref<256x64xf32, #tpu.memory_space<vmem>> -> memref<1x64xf32, #tpu.memory_space<vmem>>
      %dma_start3A_167 = tpu.memref_squeeze %dma_start3A_166 : memref<1x64xf32, #tpu.memory_space<vmem>> -> memref<64xf32, #tpu.memory_space<vmem>>
      %dma_start3A_168 = arith.constant 0 : i32
      %dma_start3A_169 = tpu.memref_slice %arg4[%squeeze3A_160, %dma_start3A_168] : memref<1000000x64xf32, #tpu.memory_space<hbm>> -> memref<1x64xf32, #tpu.memory_space<hbm>>
      %dma_start3A_170 = tpu.memref_squeeze %dma_start3A_169 : memref<1x64xf32, #tpu.memory_space<hbm>> -> memref<64xf32, #tpu.memory_space<hbm>>
      %dma_start3A_171 = arith.constant 0 : i32
      %dma_start3A_172 = tpu.memref_slice %arg9[%add3A_164, %dma_start3A_171] : memref<256x64xf32, #tpu.memory_space<vmem>> -> memref<1x64xf32, #tpu.memory_space<vmem>>
      %dma_start3A_173 = tpu.memref_squeeze %dma_start3A_172 : memref<1x64xf32, #tpu.memory_space<vmem>> -> memref<64xf32, #tpu.memory_space<vmem>>
      %dma_start3A_174 = arith.constant 0 : i32
      %dma_start3A_175 = tpu.memref_slice %arg4[%squeeze3A_160, %dma_start3A_174] : memref<1000000x64xf32, #tpu.memory_space<hbm>> -> memref<1x64xf32, #tpu.memory_space<hbm>>
      %dma_start3A_176 = tpu.memref_squeeze %dma_start3A_175 : memref<1x64xf32, #tpu.memory_space<hbm>> -> memref<64xf32, #tpu.memory_space<hbm>>
      tpu.enqueue_dma source(%dma_start3A_176 : memref<64xf32, #tpu.memory_space<hbm>>) target(%dma_start3A_173 : memref<64xf32, #tpu.memory_space<vmem>>) target_semaphore(%arg12 : memref<!tpu.dma_semaphore, #tpu.memory_space<semaphore_mem>>)
      %slice3A_177 = vector.extract_strided_slice %get3A_53 {offsets = [3], sizes = [1], strides = [1]} : vector<16xi32> to vector<1xi32>
      %squeeze3A_178 = vector.extract %slice3A_177[0] : i32 from vector<1xi32>
      %mul3A_179 = arith.constant 16 : i32
      %mul3A_180 = arith.muli %scan3A_42, %mul3A_179 : i32
      %add3A_181 = arith.constant 3 : i32
      %add3A_182 = arith.addi %mul3A_180, %add3A_181 : i32
      %dma_start3A_183 = arith.constant 0 : i32
      %dma_start3A_184 = tpu.memref_slice %arg10[%add3A_182, %dma_start3A_183] : memref<256x64xf32, #tpu.memory_space<vmem>> -> memref<1x64xf32, #tpu.memory_space<vmem>>
      %dma_start3A_185 = tpu.memref_squeeze %dma_start3A_184 : memref<1x64xf32, #tpu.memory_space<vmem>> -> memref<64xf32, #tpu.memory_space<vmem>>
      %dma_start3A_186 = arith.constant 0 : i32
      %dma_start3A_187 = tpu.memref_slice %arg5[%squeeze3A_178, %dma_start3A_186] : memref<1000000x64xf32, #tpu.memory_space<hbm>> -> memref<1x64xf32, #tpu.memory_space<hbm>>
      %dma_start3A_188 = tpu.memref_squeeze %dma_start3A_187 : memref<1x64xf32, #tpu.memory_space<hbm>> -> memref<64xf32, #tpu.memory_space<hbm>>
      %dma_start3A_189 = arith.constant 0 : i32
      %dma_start3A_190 = tpu.memref_slice %arg10[%add3A_182, %dma_start3A_189] : memref<256x64xf32, #tpu.memory_space<vmem>> -> memref<1x64xf32, #tpu.memory_space<vmem>>
      %dma_start3A_191 = tpu.memref_squeeze %dma_start3A_190 : memref<1x64xf32, #tpu.memory_space<vmem>> -> memref<64xf32, #tpu.memory_space<vmem>>
      %dma_start3A_192 = arith.constant 0 : i32
      %dma_start3A_193 = tpu.memref_slice %arg5[%squeeze3A_178, %dma_start3A_192] : memref<1000000x64xf32, #tpu.memory_space<hbm>> -> memref<1x64xf32, #tpu.memory_space<hbm>>
      %dma_start3A_194 = tpu.memref_squeeze %dma_start3A_193 : memref<1x64xf32, #tpu.memory_space<hbm>> -> memref<64xf32, #tpu.memory_space<hbm>>
      tpu.enqueue_dma source(%dma_start3A_194 : memref<64xf32, #tpu.memory_space<hbm>>) target(%dma_start3A_191 : memref<64xf32, #tpu.memory_space<vmem>>) target_semaphore(%arg12 : memref<!tpu.dma_semaphore, #tpu.memory_space<semaphore_mem>>)
      %slice3A_195 = vector.extract_strided_slice %get3A_47 {offsets = [4], sizes = [1], strides = [1]} : vector<16xi32> to vector<1xi32>
      %squeeze3A_196 = vector.extract %slice3A_195[0] : i32 from vector<1xi32>
      %mul3A_197 = arith.constant 16 : i32
      %mul3A_198 = arith.muli %scan3A_42, %mul3A_197 : i32
      %add3A_199 = arith.constant 4 : i32
      %add3A_200 = arith.addi %mul3A_198, %add3A_199 : i32
      %dma_start3A_201 = arith.constant 0 : i32
      %dma_start3A_202 = tpu.memref_slice %arg9[%add3A_200, %dma_start3A_201] : memref<256x64xf32, #tpu.memory_space<vmem>> -> memref<1x64xf32, #tpu.memory_space<vmem>>
      %dma_start3A_203 = tpu.memref_squeeze %dma_start3A_202 : memref<1x64xf32, #tpu.memory_space<vmem>> -> memref<64xf32, #tpu.memory_space<vmem>>
      %dma_start3A_204 = arith.constant 0 : i32
      %dma_start3A_205 = tpu.memref_slice %arg4[%squeeze3A_196, %dma_start3A_204] : memref<1000000x64xf32, #tpu.memory_space<hbm>> -> memref<1x64xf32, #tpu.memory_space<hbm>>
      %dma_start3A_206 = tpu.memref_squeeze %dma_start3A_205 : memref<1x64xf32, #tpu.memory_space<hbm>> -> memref<64xf32, #tpu.memory_space<hbm>>
      %dma_start3A_207 = arith.constant 0 : i32
      %dma_start3A_208 = tpu.memref_slice %arg9[%add3A_200, %dma_start3A_207] : memref<256x64xf32, #tpu.memory_space<vmem>> -> memref<1x64xf32, #tpu.memory_space<vmem>>
      %dma_start3A_209 = tpu.memref_squeeze %dma_start3A_208 : memref<1x64xf32, #tpu.memory_space<vmem>> -> memref<64xf32, #tpu.memory_space<vmem>>
      %dma_start3A_210 = arith.constant 0 : i32
      %dma_start3A_211 = tpu.memref_slice %arg4[%squeeze3A_196, %dma_start3A_210] : memref<1000000x64xf32, #tpu.memory_space<hbm>> -> memref<1x64xf32, #tpu.memory_space<hbm>>
      %dma_start3A_212 = tpu.memref_squeeze %dma_start3A_211 : memref<1x64xf32, #tpu.memory_space<hbm>> -> memref<64xf32, #tpu.memory_space<hbm>>
      tpu.enqueue_dma source(%dma_start3A_212 : memref<64xf32, #tpu.memory_space<hbm>>) target(%dma_start3A_209 : memref<64xf32, #tpu.memory_space<vmem>>) target_semaphore(%arg12 : memref<!tpu.dma_semaphore, #tpu.memory_space<semaphore_mem>>)
      %slice3A_213 = vector.extract_strided_slice %get3A_53 {offsets = [4], sizes = [1], strides = [1]} : vector<16xi32> to vector<1xi32>
      %squeeze3A_214 = vector.extract %slice3A_213[0] : i32 from vector<1xi32>
      %mul3A_215 = arith.constant 16 : i32
      %mul3A_216 = arith.muli %scan3A_42, %mul3A_215 : i32
      %add3A_217 = arith.constant 4 : i32
      %add3A_218 = arith.addi %mul3A_216, %add3A_217 : i32
      %dma_start3A_219 = arith.constant 0 : i32
      %dma_start3A_220 = tpu.memref_slice %arg10[%add3A_218, %dma_start3A_219] : memref<256x64xf32, #tpu.memory_space<vmem>> -> memref<1x64xf32, #tpu.memory_space<vmem>>
      %dma_start3A_221 = tpu.memref_squeeze %dma_start3A_220 : memref<1x64xf32, #tpu.memory_space<vmem>> -> memref<64xf32, #tpu.memory_space<vmem>>
      %dma_start3A_222 = arith.constant 0 : i32
      %dma_start3A_223 = tpu.memref_slice %arg5[%squeeze3A_214, %dma_start3A_222] : memref<1000000x64xf32, #tpu.memory_space<hbm>> -> memref<1x64xf32, #tpu.memory_space<hbm>>
      %dma_start3A_224 = tpu.memref_squeeze %dma_start3A_223 : memref<1x64xf32, #tpu.memory_space<hbm>> -> memref<64xf32, #tpu.memory_space<hbm>>
      %dma_start3A_225 = arith.constant 0 : i32
      %dma_start3A_226 = tpu.memref_slice %arg10[%add3A_218, %dma_start3A_225] : memref<256x64xf32, #tpu.memory_space<vmem>> -> memref<1x64xf32, #tpu.memory_space<vmem>>
      %dma_start3A_227 = tpu.memref_squeeze %dma_start3A_226 : memref<1x64xf32, #tpu.memory_space<vmem>> -> memref<64xf32, #tpu.memory_space<vmem>>
      %dma_start3A_228 = arith.constant 0 : i32
      %dma_start3A_229 = tpu.memref_slice %arg5[%squeeze3A_214, %dma_start3A_228] : memref<1000000x64xf32, #tpu.memory_space<hbm>> -> memref<1x64xf32, #tpu.memory_space<hbm>>
      %dma_start3A_230 = tpu.memref_squeeze %dma_start3A_229 : memref<1x64xf32, #tpu.memory_space<hbm>> -> memref<64xf32, #tpu.memory_space<hbm>>
      tpu.enqueue_dma source(%dma_start3A_230 : memref<64xf32, #tpu.memory_space<hbm>>) target(%dma_start3A_227 : memref<64xf32, #tpu.memory_space<vmem>>) target_semaphore(%arg12 : memref<!tpu.dma_semaphore, #tpu.memory_space<semaphore_mem>>)
      %slice3A_231 = vector.extract_strided_slice %get3A_47 {offsets = [5], sizes = [1], strides = [1]} : vector<16xi32> to vector<1xi32>
      %squeeze3A_232 = vector.extract %slice3A_231[0] : i32 from vector<1xi32>
      %mul3A_233 = arith.constant 16 : i32
      %mul3A_234 = arith.muli %scan3A_42, %mul3A_233 : i32
      %add3A_235 = arith.constant 5 : i32
      %add3A_236 = arith.addi %mul3A_234, %add3A_235 : i32
      %dma_start3A_237 = arith.constant 0 : i32
      %dma_start3A_238 = tpu.memref_slice %arg9[%add3A_236, %dma_start3A_237] : memref<256x64xf32, #tpu.memory_space<vmem>> -> memref<1x64xf32, #tpu.memory_space<vmem>>
      %dma_start3A_239 = tpu.memref_squeeze %dma_start3A_238 : memref<1x64xf32, #tpu.memory_space<vmem>> -> memref<64xf32, #tpu.memory_space<vmem>>
      %dma_start3A_240 = arith.constant 0 : i32
      %dma_start3A_241 = tpu.memref_slice %arg4[%squeeze3A_232, %dma_start3A_240] : memref<1000000x64xf32, #tpu.memory_space<hbm>> -> memref<1x64xf32, #tpu.memory_space<hbm>>
      %dma_start3A_242 = tpu.memref_squeeze %dma_start3A_241 : memref<1x64xf32, #tpu.memory_space<hbm>> -> memref<64xf32, #tpu.memory_space<hbm>>
      %dma_start3A_243 = arith.constant 0 : i32
      %dma_start3A_244 = tpu.memref_slice %arg9[%add3A_236, %dma_start3A_243] : memref<256x64xf32, #tpu.memory_space<vmem>> -> memref<1x64xf32, #tpu.memory_space<vmem>>
      %dma_start3A_245 = tpu.memref_squeeze %dma_start3A_244 : memref<1x64xf32, #tpu.memory_space<vmem>> -> memref<64xf32, #tpu.memory_space<vmem>>
      %dma_start3A_246 = arith.constant 0 : i32
      %dma_start3A_247 = tpu.memref_slice %arg4[%squeeze3A_232, %dma_start3A_246] : memref<1000000x64xf32, #tpu.memory_space<hbm>> -> memref<1x64xf32, #tpu.memory_space<hbm>>
      %dma_start3A_248 = tpu.memref_squeeze %dma_start3A_247 : memref<1x64xf32, #tpu.memory_space<hbm>> -> memref<64xf32, #tpu.memory_space<hbm>>
      tpu.enqueue_dma source(%dma_start3A_248 : memref<64xf32, #tpu.memory_space<hbm>>) target(%dma_start3A_245 : memref<64xf32, #tpu.memory_space<vmem>>) target_semaphore(%arg12 : memref<!tpu.dma_semaphore, #tpu.memory_space<semaphore_mem>>)
      %slice3A_249 = vector.extract_strided_slice %get3A_53 {offsets = [5], sizes = [1], strides = [1]} : vector<16xi32> to vector<1xi32>
      %squeeze3A_250 = vector.extract %slice3A_249[0] : i32 from vector<1xi32>
      %mul3A_251 = arith.constant 16 : i32
      %mul3A_252 = arith.muli %scan3A_42, %mul3A_251 : i32
      %add3A_253 = arith.constant 5 : i32
      %add3A_254 = arith.addi %mul3A_252, %add3A_253 : i32
      %dma_start3A_255 = arith.constant 0 : i32
      %dma_start3A_256 = tpu.memref_slice %arg10[%add3A_254, %dma_start3A_255] : memref<256x64xf32, #tpu.memory_space<vmem>> -> memref<1x64xf32, #tpu.memory_space<vmem>>
      %dma_start3A_257 = tpu.memref_squeeze %dma_start3A_256 : memref<1x64xf32, #tpu.memory_space<vmem>> -> memref<64xf32, #tpu.memory_space<vmem>>
      %dma_start3A_258 = arith.constant 0 : i32
      %dma_start3A_259 = tpu.memref_slice %arg5[%squeeze3A_250, %dma_start3A_258] : memref<1000000x64xf32, #tpu.memory_space<hbm>> -> memref<1x64xf32, #tpu.memory_space<hbm>>
      %dma_start3A_260 = tpu.memref_squeeze %dma_start3A_259 : memref<1x64xf32, #tpu.memory_space<hbm>> -> memref<64xf32, #tpu.memory_space<hbm>>
      %dma_start3A_261 = arith.constant 0 : i32
      %dma_start3A_262 = tpu.memref_slice %arg10[%add3A_254, %dma_start3A_261] : memref<256x64xf32, #tpu.memory_space<vmem>> -> memref<1x64xf32, #tpu.memory_space<vmem>>
      %dma_start3A_263 = tpu.memref_squeeze %dma_start3A_262 : memref<1x64xf32, #tpu.memory_space<vmem>> -> memref<64xf32, #tpu.memory_space<vmem>>
      %dma_start3A_264 = arith.constant 0 : i32
      %dma_start3A_265 = tpu.memref_slice %arg5[%squeeze3A_250, %dma_start3A_264] : memref<1000000x64xf32, #tpu.memory_space<hbm>> -> memref<1x64xf32, #tpu.memory_space<hbm>>
      %dma_start3A_266 = tpu.memref_squeeze %dma_start3A_265 : memref<1x64xf32, #tpu.memory_space<hbm>> -> memref<64xf32, #tpu.memory_space<hbm>>
      tpu.enqueue_dma source(%dma_start3A_266 : memref<64xf32, #tpu.memory_space<hbm>>) target(%dma_start3A_263 : memref<64xf32, #tpu.memory_space<vmem>>) target_semaphore(%arg12 : memref<!tpu.dma_semaphore, #tpu.memory_space<semaphore_mem>>)
      %slice3A_267 = vector.extract_strided_slice %get3A_47 {offsets = [6], sizes = [1], strides = [1]} : vector<16xi32> to vector<1xi32>
      %squeeze3A_268 = vector.extract %slice3A_267[0] : i32 from vector<1xi32>
      %mul3A_269 = arith.constant 16 : i32
      %mul3A_270 = arith.muli %scan3A_42, %mul3A_269 : i32
      %add3A_271 = arith.constant 6 : i32
      %add3A_272 = arith.addi %mul3A_270, %add3A_271 : i32
      %dma_start3A_273 = arith.constant 0 : i32
      %dma_start3A_274 = tpu.memref_slice %arg9[%add3A_272, %dma_start3A_273] : memref<256x64xf32, #tpu.memory_space<vmem>> -> memref<1x64xf32, #tpu.memory_space<vmem>>
      %dma_start3A_275 = tpu.memref_squeeze %dma_start3A_274 : memref<1x64xf32, #tpu.memory_space<vmem>> -> memref<64xf32, #tpu.memory_space<vmem>>
      %dma_start3A_276 = arith.constant 0 : i32
      %dma_start3A_277 = tpu.memref_slice %arg4[%squeeze3A_268, %dma_start3A_276] : memref<1000000x64xf32, #tpu.memory_space<hbm>> -> memref<1x64xf32, #tpu.memory_space<hbm>>
      %dma_start3A_278 = tpu.memref_squeeze %dma_start3A_277 : memref<1x64xf32, #tpu.memory_space<hbm>> -> memref<64xf32, #tpu.memory_space<hbm>>
      %dma_start3A_279 = arith.constant 0 : i32
      %dma_start3A_280 = tpu.memref_slice %arg9[%add3A_272, %dma_start3A_279] : memref<256x64xf32, #tpu.memory_space<vmem>> -> memref<1x64xf32, #tpu.memory_space<vmem>>
      %dma_start3A_281 = tpu.memref_squeeze %dma_start3A_280 : memref<1x64xf32, #tpu.memory_space<vmem>> -> memref<64xf32, #tpu.memory_space<vmem>>
      %dma_start3A_282 = arith.constant 0 : i32
      %dma_start3A_283 = tpu.memref_slice %arg4[%squeeze3A_268, %dma_start3A_282] : memref<1000000x64xf32, #tpu.memory_space<hbm>> -> memref<1x64xf32, #tpu.memory_space<hbm>>
      %dma_start3A_284 = tpu.memref_squeeze %dma_start3A_283 : memref<1x64xf32, #tpu.memory_space<hbm>> -> memref<64xf32, #tpu.memory_space<hbm>>
      tpu.enqueue_dma source(%dma_start3A_284 : memref<64xf32, #tpu.memory_space<hbm>>) target(%dma_start3A_281 : memref<64xf32, #tpu.memory_space<vmem>>) target_semaphore(%arg12 : memref<!tpu.dma_semaphore, #tpu.memory_space<semaphore_mem>>)
      %slice3A_285 = vector.extract_strided_slice %get3A_53 {offsets = [6], sizes = [1], strides = [1]} : vector<16xi32> to vector<1xi32>
      %squeeze3A_286 = vector.extract %slice3A_285[0] : i32 from vector<1xi32>
      %mul3A_287 = arith.constant 16 : i32
      %mul3A_288 = arith.muli %scan3A_42, %mul3A_287 : i32
      %add3A_289 = arith.constant 6 : i32
      %add3A_290 = arith.addi %mul3A_288, %add3A_289 : i32
      %dma_start3A_291 = arith.constant 0 : i32
      %dma_start3A_292 = tpu.memref_slice %arg10[%add3A_290, %dma_start3A_291] : memref<256x64xf32, #tpu.memory_space<vmem>> -> memref<1x64xf32, #tpu.memory_space<vmem>>
      %dma_start3A_293 = tpu.memref_squeeze %dma_start3A_292 : memref<1x64xf32, #tpu.memory_space<vmem>> -> memref<64xf32, #tpu.memory_space<vmem>>
      %dma_start3A_294 = arith.constant 0 : i32
      %dma_start3A_295 = tpu.memref_slice %arg5[%squeeze3A_286, %dma_start3A_294] : memref<1000000x64xf32, #tpu.memory_space<hbm>> -> memref<1x64xf32, #tpu.memory_space<hbm>>
      %dma_start3A_296 = tpu.memref_squeeze %dma_start3A_295 : memref<1x64xf32, #tpu.memory_space<hbm>> -> memref<64xf32, #tpu.memory_space<hbm>>
      %dma_start3A_297 = arith.constant 0 : i32
      %dma_start3A_298 = tpu.memref_slice %arg10[%add3A_290, %dma_start3A_297] : memref<256x64xf32, #tpu.memory_space<vmem>> -> memref<1x64xf32, #tpu.memory_space<vmem>>
      %dma_start3A_299 = tpu.memref_squeeze %dma_start3A_298 : memref<1x64xf32, #tpu.memory_space<vmem>> -> memref<64xf32, #tpu.memory_space<vmem>>
      %dma_start3A_300 = arith.constant 0 : i32
      %dma_start3A_301 = tpu.memref_slice %arg5[%squeeze3A_286, %dma_start3A_300] : memref<1000000x64xf32, #tpu.memory_space<hbm>> -> memref<1x64xf32, #tpu.memory_space<hbm>>
      %dma_start3A_302 = tpu.memref_squeeze %dma_start3A_301 : memref<1x64xf32, #tpu.memory_space<hbm>> -> memref<64xf32, #tpu.memory_space<hbm>>
      tpu.enqueue_dma source(%dma_start3A_302 : memref<64xf32, #tpu.memory_space<hbm>>) target(%dma_start3A_299 : memref<64xf32, #tpu.memory_space<vmem>>) target_semaphore(%arg12 : memref<!tpu.dma_semaphore, #tpu.memory_space<semaphore_mem>>)
      %slice3A_303 = vector.extract_strided_slice %get3A_47 {offsets = [7], sizes = [1], strides = [1]} : vector<16xi32> to vector<1xi32>
      %squeeze3A_304 = vector.extract %slice3A_303[0] : i32 from vector<1xi32>
      %mul3A_305 = arith.constant 16 : i32
      %mul3A_306 = arith.muli %scan3A_42, %mul3A_305 : i32
      %add3A_307 = arith.constant 7 : i32
      %add3A_308 = arith.addi %mul3A_306, %add3A_307 : i32
      %dma_start3A_309 = arith.constant 0 : i32
      %dma_start3A_310 = tpu.memref_slice %arg9[%add3A_308, %dma_start3A_309] : memref<256x64xf32, #tpu.memory_space<vmem>> -> memref<1x64xf32, #tpu.memory_space<vmem>>
      %dma_start3A_311 = tpu.memref_squeeze %dma_start3A_310 : memref<1x64xf32, #tpu.memory_space<vmem>> -> memref<64xf32, #tpu.memory_space<vmem>>
      %dma_start3A_312 = arith.constant 0 : i32
      %dma_start3A_313 = tpu.memref_slice %arg4[%squeeze3A_304, %dma_start3A_312] : memref<1000000x64xf32, #tpu.memory_space<hbm>> -> memref<1x64xf32, #tpu.memory_space<hbm>>
      %dma_start3A_314 = tpu.memref_squeeze %dma_start3A_313 : memref<1x64xf32, #tpu.memory_space<hbm>> -> memref<64xf32, #tpu.memory_space<hbm>>
      %dma_start3A_315 = arith.constant 0 : i32
      %dma_start3A_316 = tpu.memref_slice %arg9[%add3A_308, %dma_start3A_315] : memref<256x64xf32, #tpu.memory_space<vmem>> -> memref<1x64xf32, #tpu.memory_space<vmem>>
      %dma_start3A_317 = tpu.memref_squeeze %dma_start3A_316 : memref<1x64xf32, #tpu.memory_space<vmem>> -> memref<64xf32, #tpu.memory_space<vmem>>
      %dma_start3A_318 = arith.constant 0 : i32
      %dma_start3A_319 = tpu.memref_slice %arg4[%squeeze3A_304, %dma_start3A_318] : memref<1000000x64xf32, #tpu.memory_space<hbm>> -> memref<1x64xf32, #tpu.memory_space<hbm>>
      %dma_start3A_320 = tpu.memref_squeeze %dma_start3A_319 : memref<1x64xf32, #tpu.memory_space<hbm>> -> memref<64xf32, #tpu.memory_space<hbm>>
      tpu.enqueue_dma source(%dma_start3A_320 : memref<64xf32, #tpu.memory_space<hbm>>) target(%dma_start3A_317 : memref<64xf32, #tpu.memory_space<vmem>>) target_semaphore(%arg12 : memref<!tpu.dma_semaphore, #tpu.memory_space<semaphore_mem>>)
      %slice3A_321 = vector.extract_strided_slice %get3A_53 {offsets = [7], sizes = [1], strides = [1]} : vector<16xi32> to vector<1xi32>
      %squeeze3A_322 = vector.extract %slice3A_321[0] : i32 from vector<1xi32>
      %mul3A_323 = arith.constant 16 : i32
      %mul3A_324 = arith.muli %scan3A_42, %mul3A_323 : i32
      %add3A_325 = arith.constant 7 : i32
      %add3A_326 = arith.addi %mul3A_324, %add3A_325 : i32
      %dma_start3A_327 = arith.constant 0 : i32
      %dma_start3A_328 = tpu.memref_slice %arg10[%add3A_326, %dma_start3A_327] : memref<256x64xf32, #tpu.memory_space<vmem>> -> memref<1x64xf32, #tpu.memory_space<vmem>>
      %dma_start3A_329 = tpu.memref_squeeze %dma_start3A_328 : memref<1x64xf32, #tpu.memory_space<vmem>> -> memref<64xf32, #tpu.memory_space<vmem>>
      %dma_start3A_330 = arith.constant 0 : i32
      %dma_start3A_331 = tpu.memref_slice %arg5[%squeeze3A_322, %dma_start3A_330] : memref<1000000x64xf32, #tpu.memory_space<hbm>> -> memref<1x64xf32, #tpu.memory_space<hbm>>
      %dma_start3A_332 = tpu.memref_squeeze %dma_start3A_331 : memref<1x64xf32, #tpu.memory_space<hbm>> -> memref<64xf32, #tpu.memory_space<hbm>>
      %dma_start3A_333 = arith.constant 0 : i32
      %dma_start3A_334 = tpu.memref_slice %arg10[%add3A_326, %dma_start3A_333] : memref<256x64xf32, #tpu.memory_space<vmem>> -> memref<1x64xf32, #tpu.memory_space<vmem>>
      %dma_start3A_335 = tpu.memref_squeeze %dma_start3A_334 : memref<1x64xf32, #tpu.memory_space<vmem>> -> memref<64xf32, #tpu.memory_space<vmem>>
      %dma_start3A_336 = arith.constant 0 : i32
      %dma_start3A_337 = tpu.memref_slice %arg5[%squeeze3A_322, %dma_start3A_336] : memref<1000000x64xf32, #tpu.memory_space<hbm>> -> memref<1x64xf32, #tpu.memory_space<hbm>>
      %dma_start3A_338 = tpu.memref_squeeze %dma_start3A_337 : memref<1x64xf32, #tpu.memory_space<hbm>> -> memref<64xf32, #tpu.memory_space<hbm>>
      tpu.enqueue_dma source(%dma_start3A_338 : memref<64xf32, #tpu.memory_space<hbm>>) target(%dma_start3A_335 : memref<64xf32, #tpu.memory_space<vmem>>) target_semaphore(%arg12 : memref<!tpu.dma_semaphore, #tpu.memory_space<semaphore_mem>>)
      %slice3A_339 = vector.extract_strided_slice %get3A_47 {offsets = [8], sizes = [1], strides = [1]} : vector<16xi32> to vector<1xi32>
      %squeeze3A_340 = vector.extract %slice3A_339[0] : i32 from vector<1xi32>
      %mul3A_341 = arith.constant 16 : i32
      %mul3A_342 = arith.muli %scan3A_42, %mul3A_341 : i32
      %add3A_343 = arith.constant 8 : i32
      %add3A_344 = arith.addi %mul3A_342, %add3A_343 : i32
      %dma_start3A_345 = arith.constant 0 : i32
      %dma_start3A_346 = tpu.memref_slice %arg9[%add3A_344, %dma_start3A_345] : memref<256x64xf32, #tpu.memory_space<vmem>> -> memref<1x64xf32, #tpu.memory_space<vmem>>
      %dma_start3A_347 = tpu.memref_squeeze %dma_start3A_346 : memref<1x64xf32, #tpu.memory_space<vmem>> -> memref<64xf32, #tpu.memory_space<vmem>>
      %dma_start3A_348 = arith.constant 0 : i32
      %dma_start3A_349 = tpu.memref_slice %arg4[%squeeze3A_340, %dma_start3A_348] : memref<1000000x64xf32, #tpu.memory_space<hbm>> -> memref<1x64xf32, #tpu.memory_space<hbm>>
      %dma_start3A_350 = tpu.memref_squeeze %dma_start3A_349 : memref<1x64xf32, #tpu.memory_space<hbm>> -> memref<64xf32, #tpu.memory_space<hbm>>
      %dma_start3A_351 = arith.constant 0 : i32
      %dma_start3A_352 = tpu.memref_slice %arg9[%add3A_344, %dma_start3A_351] : memref<256x64xf32, #tpu.memory_space<vmem>> -> memref<1x64xf32, #tpu.memory_space<vmem>>
      %dma_start3A_353 = tpu.memref_squeeze %dma_start3A_352 : memref<1x64xf32, #tpu.memory_space<vmem>> -> memref<64xf32, #tpu.memory_space<vmem>>
      %dma_start3A_354 = arith.constant 0 : i32
      %dma_start3A_355 = tpu.memref_slice %arg4[%squeeze3A_340, %dma_start3A_354] : memref<1000000x64xf32, #tpu.memory_space<hbm>> -> memref<1x64xf32, #tpu.memory_space<hbm>>
      %dma_start3A_356 = tpu.memref_squeeze %dma_start3A_355 : memref<1x64xf32, #tpu.memory_space<hbm>> -> memref<64xf32, #tpu.memory_space<hbm>>
      tpu.enqueue_dma source(%dma_start3A_356 : memref<64xf32, #tpu.memory_space<hbm>>) target(%dma_start3A_353 : memref<64xf32, #tpu.memory_space<vmem>>) target_semaphore(%arg12 : memref<!tpu.dma_semaphore, #tpu.memory_space<semaphore_mem>>)
      %slice3A_357 = vector.extract_strided_slice %get3A_53 {offsets = [8], sizes = [1], strides = [1]} : vector<16xi32> to vector<1xi32>
      %squeeze3A_358 = vector.extract %slice3A_357[0] : i32 from vector<1xi32>
      %mul3A_359 = arith.constant 16 : i32
      %mul3A_360 = arith.muli %scan3A_42, %mul3A_359 : i32
      %add3A_361 = arith.constant 8 : i32
      %add3A_362 = arith.addi %mul3A_360, %add3A_361 : i32
      %dma_start3A_363 = arith.constant 0 : i32
      %dma_start3A_364 = tpu.memref_slice %arg10[%add3A_362, %dma_start3A_363] : memref<256x64xf32, #tpu.memory_space<vmem>> -> memref<1x64xf32, #tpu.memory_space<vmem>>
      %dma_start3A_365 = tpu.memref_squeeze %dma_start3A_364 : memref<1x64xf32, #tpu.memory_space<vmem>> -> memref<64xf32, #tpu.memory_space<vmem>>
      %dma_start3A_366 = arith.constant 0 : i32
      %dma_start3A_367 = tpu.memref_slice %arg5[%squeeze3A_358, %dma_start3A_366] : memref<1000000x64xf32, #tpu.memory_space<hbm>> -> memref<1x64xf32, #tpu.memory_space<hbm>>
      %dma_start3A_368 = tpu.memref_squeeze %dma_start3A_367 : memref<1x64xf32, #tpu.memory_space<hbm>> -> memref<64xf32, #tpu.memory_space<hbm>>
      %dma_start3A_369 = arith.constant 0 : i32
      %dma_start3A_370 = tpu.memref_slice %arg10[%add3A_362, %dma_start3A_369] : memref<256x64xf32, #tpu.memory_space<vmem>> -> memref<1x64xf32, #tpu.memory_space<vmem>>
      %dma_start3A_371 = tpu.memref_squeeze %dma_start3A_370 : memref<1x64xf32, #tpu.memory_space<vmem>> -> memref<64xf32, #tpu.memory_space<vmem>>
      %dma_start3A_372 = arith.constant 0 : i32
      %dma_start3A_373 = tpu.memref_slice %arg5[%squeeze3A_358, %dma_start3A_372] : memref<1000000x64xf32, #tpu.memory_space<hbm>> -> memref<1x64xf32, #tpu.memory_space<hbm>>
      %dma_start3A_374 = tpu.memref_squeeze %dma_start3A_373 : memref<1x64xf32, #tpu.memory_space<hbm>> -> memref<64xf32, #tpu.memory_space<hbm>>
      tpu.enqueue_dma source(%dma_start3A_374 : memref<64xf32, #tpu.memory_space<hbm>>) target(%dma_start3A_371 : memref<64xf32, #tpu.memory_space<vmem>>) target_semaphore(%arg12 : memref<!tpu.dma_semaphore, #tpu.memory_space<semaphore_mem>>)
      %slice3A_375 = vector.extract_strided_slice %get3A_47 {offsets = [9], sizes = [1], strides = [1]} : vector<16xi32> to vector<1xi32>
      %squeeze3A_376 = vector.extract %slice3A_375[0] : i32 from vector<1xi32>
      %mul3A_377 = arith.constant 16 : i32
      %mul3A_378 = arith.muli %scan3A_42, %mul3A_377 : i32
      %add3A_379 = arith.constant 9 : i32
      %add3A_380 = arith.addi %mul3A_378, %add3A_379 : i32
      %dma_start3A_381 = arith.constant 0 : i32
      %dma_start3A_382 = tpu.memref_slice %arg9[%add3A_380, %dma_start3A_381] : memref<256x64xf32, #tpu.memory_space<vmem>> -> memref<1x64xf32, #tpu.memory_space<vmem>>
      %dma_start3A_383 = tpu.memref_squeeze %dma_start3A_382 : memref<1x64xf32, #tpu.memory_space<vmem>> -> memref<64xf32, #tpu.memory_space<vmem>>
      %dma_start3A_384 = arith.constant 0 : i32
      %dma_start3A_385 = tpu.memref_slice %arg4[%squeeze3A_376, %dma_start3A_384] : memref<1000000x64xf32, #tpu.memory_space<hbm>> -> memref<1x64xf32, #tpu.memory_space<hbm>>
      %dma_start3A_386 = tpu.memref_squeeze %dma_start3A_385 : memref<1x64xf32, #tpu.memory_space<hbm>> -> memref<64xf32, #tpu.memory_space<hbm>>
      %dma_start3A_387 = arith.constant 0 : i32
      %dma_start3A_388 = tpu.memref_slice %arg9[%add3A_380, %dma_start3A_387] : memref<256x64xf32, #tpu.memory_space<vmem>> -> memref<1x64xf32, #tpu.memory_space<vmem>>
      %dma_start3A_389 = tpu.memref_squeeze %dma_start3A_388 : memref<1x64xf32, #tpu.memory_space<vmem>> -> memref<64xf32, #tpu.memory_space<vmem>>
      %dma_start3A_390 = arith.constant 0 : i32
      %dma_start3A_391 = tpu.memref_slice %arg4[%squeeze3A_376, %dma_start3A_390] : memref<1000000x64xf32, #tpu.memory_space<hbm>> -> memref<1x64xf32, #tpu.memory_space<hbm>>
      %dma_start3A_392 = tpu.memref_squeeze %dma_start3A_391 : memref<1x64xf32, #tpu.memory_space<hbm>> -> memref<64xf32, #tpu.memory_space<hbm>>
      tpu.enqueue_dma source(%dma_start3A_392 : memref<64xf32, #tpu.memory_space<hbm>>) target(%dma_start3A_389 : memref<64xf32, #tpu.memory_space<vmem>>) target_semaphore(%arg12 : memref<!tpu.dma_semaphore, #tpu.memory_space<semaphore_mem>>)
      %slice3A_393 = vector.extract_strided_slice %get3A_53 {offsets = [9], sizes = [1], strides = [1]} : vector<16xi32> to vector<1xi32>
      %squeeze3A_394 = vector.extract %slice3A_393[0] : i32 from vector<1xi32>
      %mul3A_395 = arith.constant 16 : i32
      %mul3A_396 = arith.muli %scan3A_42, %mul3A_395 : i32
      %add3A_397 = arith.constant 9 : i32
      %add3A_398 = arith.addi %mul3A_396, %add3A_397 : i32
      %dma_start3A_399 = arith.constant 0 : i32
      %dma_start3A_400 = tpu.memref_slice %arg10[%add3A_398, %dma_start3A_399] : memref<256x64xf32, #tpu.memory_space<vmem>> -> memref<1x64xf32, #tpu.memory_space<vmem>>
      %dma_start3A_401 = tpu.memref_squeeze %dma_start3A_400 : memref<1x64xf32, #tpu.memory_space<vmem>> -> memref<64xf32, #tpu.memory_space<vmem>>
      %dma_start3A_402 = arith.constant 0 : i32
      %dma_start3A_403 = tpu.memref_slice %arg5[%squeeze3A_394, %dma_start3A_402] : memref<1000000x64xf32, #tpu.memory_space<hbm>> -> memref<1x64xf32, #tpu.memory_space<hbm>>
      %dma_start3A_404 = tpu.memref_squeeze %dma_start3A_403 : memref<1x64xf32, #tpu.memory_space<hbm>> -> memref<64xf32, #tpu.memory_space<hbm>>
      %dma_start3A_405 = arith.constant 0 : i32
      %dma_start3A_406 = tpu.memref_slice %arg10[%add3A_398, %dma_start3A_405] : memref<256x64xf32, #tpu.memory_space<vmem>> -> memref<1x64xf32, #tpu.memory_space<vmem>>
      %dma_start3A_407 = tpu.memref_squeeze %dma_start3A_406 : memref<1x64xf32, #tpu.memory_space<vmem>> -> memref<64xf32, #tpu.memory_space<vmem>>
      %dma_start3A_408 = arith.constant 0 : i32
      %dma_start3A_409 = tpu.memref_slice %arg5[%squeeze3A_394, %dma_start3A_408] : memref<1000000x64xf32, #tpu.memory_space<hbm>> -> memref<1x64xf32, #tpu.memory_space<hbm>>
      %dma_start3A_410 = tpu.memref_squeeze %dma_start3A_409 : memref<1x64xf32, #tpu.memory_space<hbm>> -> memref<64xf32, #tpu.memory_space<hbm>>
      tpu.enqueue_dma source(%dma_start3A_410 : memref<64xf32, #tpu.memory_space<hbm>>) target(%dma_start3A_407 : memref<64xf32, #tpu.memory_space<vmem>>) target_semaphore(%arg12 : memref<!tpu.dma_semaphore, #tpu.memory_space<semaphore_mem>>)
      %slice3A_411 = vector.extract_strided_slice %get3A_47 {offsets = [10], sizes = [1], strides = [1]} : vector<16xi32> to vector<1xi32>
      %squeeze3A_412 = vector.extract %slice3A_411[0] : i32 from vector<1xi32>
      %mul3A_413 = arith.constant 16 : i32
      %mul3A_414 = arith.muli %scan3A_42, %mul3A_413 : i32
      %add3A_415 = arith.constant 10 : i32
      %add3A_416 = arith.addi %mul3A_414, %add3A_415 : i32
      %dma_start3A_417 = arith.constant 0 : i32
      %dma_start3A_418 = tpu.memref_slice %arg9[%add3A_416, %dma_start3A_417] : memref<256x64xf32, #tpu.memory_space<vmem>> -> memref<1x64xf32, #tpu.memory_space<vmem>>
      %dma_start3A_419 = tpu.memref_squeeze %dma_start3A_418 : memref<1x64xf32, #tpu.memory_space<vmem>> -> memref<64xf32, #tpu.memory_space<vmem>>
      %dma_start3A_420 = arith.constant 0 : i32
      %dma_start3A_421 = tpu.memref_slice %arg4[%squeeze3A_412, %dma_start3A_420] : memref<1000000x64xf32, #tpu.memory_space<hbm>> -> memref<1x64xf32, #tpu.memory_space<hbm>>
      %dma_start3A_422 = tpu.memref_squeeze %dma_start3A_421 : memref<1x64xf32, #tpu.memory_space<hbm>> -> memref<64xf32, #tpu.memory_space<hbm>>
      %dma_start3A_423 = arith.constant 0 : i32
      %dma_start3A_424 = tpu.memref_slice %arg9[%add3A_416, %dma_start3A_423] : memref<256x64xf32, #tpu.memory_space<vmem>> -> memref<1x64xf32, #tpu.memory_space<vmem>>
      %dma_start3A_425 = tpu.memref_squeeze %dma_start3A_424 : memref<1x64xf32, #tpu.memory_space<vmem>> -> memref<64xf32, #tpu.memory_space<vmem>>
      %dma_start3A_426 = arith.constant 0 : i32
      %dma_start3A_427 = tpu.memref_slice %arg4[%squeeze3A_412, %dma_start3A_426] : memref<1000000x64xf32, #tpu.memory_space<hbm>> -> memref<1x64xf32, #tpu.memory_space<hbm>>
      %dma_start3A_428 = tpu.memref_squeeze %dma_start3A_427 : memref<1x64xf32, #tpu.memory_space<hbm>> -> memref<64xf32, #tpu.memory_space<hbm>>
      tpu.enqueue_dma source(%dma_start3A_428 : memref<64xf32, #tpu.memory_space<hbm>>) target(%dma_start3A_425 : memref<64xf32, #tpu.memory_space<vmem>>) target_semaphore(%arg12 : memref<!tpu.dma_semaphore, #tpu.memory_space<semaphore_mem>>)
      %slice3A_429 = vector.extract_strided_slice %get3A_53 {offsets = [10], sizes = [1], strides = [1]} : vector<16xi32> to vector<1xi32>
      %squeeze3A_430 = vector.extract %slice3A_429[0] : i32 from vector<1xi32>
      %mul3A_431 = arith.constant 16 : i32
      %mul3A_432 = arith.muli %scan3A_42, %mul3A_431 : i32
      %add3A_433 = arith.constant 10 : i32
      %add3A_434 = arith.addi %mul3A_432, %add3A_433 : i32
      %dma_start3A_435 = arith.constant 0 : i32
      %dma_start3A_436 = tpu.memref_slice %arg10[%add3A_434, %dma_start3A_435] : memref<256x64xf32, #tpu.memory_space<vmem>> -> memref<1x64xf32, #tpu.memory_space<vmem>>
      %dma_start3A_437 = tpu.memref_squeeze %dma_start3A_436 : memref<1x64xf32, #tpu.memory_space<vmem>> -> memref<64xf32, #tpu.memory_space<vmem>>
      %dma_start3A_438 = arith.constant 0 : i32
      %dma_start3A_439 = tpu.memref_slice %arg5[%squeeze3A_430, %dma_start3A_438] : memref<1000000x64xf32, #tpu.memory_space<hbm>> -> memref<1x64xf32, #tpu.memory_space<hbm>>
      %dma_start3A_440 = tpu.memref_squeeze %dma_start3A_439 : memref<1x64xf32, #tpu.memory_space<hbm>> -> memref<64xf32, #tpu.memory_space<hbm>>
      %dma_start3A_441 = arith.constant 0 : i32
      %dma_start3A_442 = tpu.memref_slice %arg10[%add3A_434, %dma_start3A_441] : memref<256x64xf32, #tpu.memory_space<vmem>> -> memref<1x64xf32, #tpu.memory_space<vmem>>
      %dma_start3A_443 = tpu.memref_squeeze %dma_start3A_442 : memref<1x64xf32, #tpu.memory_space<vmem>> -> memref<64xf32, #tpu.memory_space<vmem>>
      %dma_start3A_444 = arith.constant 0 : i32
      %dma_start3A_445 = tpu.memref_slice %arg5[%squeeze3A_430, %dma_start3A_444] : memref<1000000x64xf32, #tpu.memory_space<hbm>> -> memref<1x64xf32, #tpu.memory_space<hbm>>
      %dma_start3A_446 = tpu.memref_squeeze %dma_start3A_445 : memref<1x64xf32, #tpu.memory_space<hbm>> -> memref<64xf32, #tpu.memory_space<hbm>>
      tpu.enqueue_dma source(%dma_start3A_446 : memref<64xf32, #tpu.memory_space<hbm>>) target(%dma_start3A_443 : memref<64xf32, #tpu.memory_space<vmem>>) target_semaphore(%arg12 : memref<!tpu.dma_semaphore, #tpu.memory_space<semaphore_mem>>)
      %slice3A_447 = vector.extract_strided_slice %get3A_47 {offsets = [11], sizes = [1], strides = [1]} : vector<16xi32> to vector<1xi32>
      %squeeze3A_448 = vector.extract %slice3A_447[0] : i32 from vector<1xi32>
      %mul3A_449 = arith.constant 16 : i32
      %mul3A_450 = arith.muli %scan3A_42, %mul3A_449 : i32
      %add3A_451 = arith.constant 11 : i32
      %add3A_452 = arith.addi %mul3A_450, %add3A_451 : i32
      %dma_start3A_453 = arith.constant 0 : i32
      %dma_start3A_454 = tpu.memref_slice %arg9[%add3A_452, %dma_start3A_453] : memref<256x64xf32, #tpu.memory_space<vmem>> -> memref<1x64xf32, #tpu.memory_space<vmem>>
      %dma_start3A_455 = tpu.memref_squeeze %dma_start3A_454 : memref<1x64xf32, #tpu.memory_space<vmem>> -> memref<64xf32, #tpu.memory_space<vmem>>
      %dma_start3A_456 = arith.constant 0 : i32
      %dma_start3A_457 = tpu.memref_slice %arg4[%squeeze3A_448, %dma_start3A_456] : memref<1000000x64xf32, #tpu.memory_space<hbm>> -> memref<1x64xf32, #tpu.memory_space<hbm>>
      %dma_start3A_458 = tpu.memref_squeeze %dma_start3A_457 : memref<1x64xf32, #tpu.memory_space<hbm>> -> memref<64xf32, #tpu.memory_space<hbm>>
      %dma_start3A_459 = arith.constant 0 : i32
      %dma_start3A_460 = tpu.memref_slice %arg9[%add3A_452, %dma_start3A_459] : memref<256x64xf32, #tpu.memory_space<vmem>> -> memref<1x64xf32, #tpu.memory_space<vmem>>
      %dma_start3A_461 = tpu.memref_squeeze %dma_start3A_460 : memref<1x64xf32, #tpu.memory_space<vmem>> -> memref<64xf32, #tpu.memory_space<vmem>>
      %dma_start3A_462 = arith.constant 0 : i32
      %dma_start3A_463 = tpu.memref_slice %arg4[%squeeze3A_448, %dma_start3A_462] : memref<1000000x64xf32, #tpu.memory_space<hbm>> -> memref<1x64xf32, #tpu.memory_space<hbm>>
      %dma_start3A_464 = tpu.memref_squeeze %dma_start3A_463 : memref<1x64xf32, #tpu.memory_space<hbm>> -> memref<64xf32, #tpu.memory_space<hbm>>
      tpu.enqueue_dma source(%dma_start3A_464 : memref<64xf32, #tpu.memory_space<hbm>>) target(%dma_start3A_461 : memref<64xf32, #tpu.memory_space<vmem>>) target_semaphore(%arg12 : memref<!tpu.dma_semaphore, #tpu.memory_space<semaphore_mem>>)
      %slice3A_465 = vector.extract_strided_slice %get3A_53 {offsets = [11], sizes = [1], strides = [1]} : vector<16xi32> to vector<1xi32>
      %squeeze3A_466 = vector.extract %slice3A_465[0] : i32 from vector<1xi32>
      %mul3A_467 = arith.constant 16 : i32
      %mul3A_468 = arith.muli %scan3A_42, %mul3A_467 : i32
      %add3A_469 = arith.constant 11 : i32
      %add3A_470 = arith.addi %mul3A_468, %add3A_469 : i32
      %dma_start3A_471 = arith.constant 0 : i32
      %dma_start3A_472 = tpu.memref_slice %arg10[%add3A_470, %dma_start3A_471] : memref<256x64xf32, #tpu.memory_space<vmem>> -> memref<1x64xf32, #tpu.memory_space<vmem>>
      %dma_start3A_473 = tpu.memref_squeeze %dma_start3A_472 : memref<1x64xf32, #tpu.memory_space<vmem>> -> memref<64xf32, #tpu.memory_space<vmem>>
      %dma_start3A_474 = arith.constant 0 : i32
      %dma_start3A_475 = tpu.memref_slice %arg5[%squeeze3A_466, %dma_start3A_474] : memref<1000000x64xf32, #tpu.memory_space<hbm>> -> memref<1x64xf32, #tpu.memory_space<hbm>>
      %dma_start3A_476 = tpu.memref_squeeze %dma_start3A_475 : memref<1x64xf32, #tpu.memory_space<hbm>> -> memref<64xf32, #tpu.memory_space<hbm>>
      %dma_start3A_477 = arith.constant 0 : i32
      %dma_start3A_478 = tpu.memref_slice %arg10[%add3A_470, %dma_start3A_477] : memref<256x64xf32, #tpu.memory_space<vmem>> -> memref<1x64xf32, #tpu.memory_space<vmem>>
      %dma_start3A_479 = tpu.memref_squeeze %dma_start3A_478 : memref<1x64xf32, #tpu.memory_space<vmem>> -> memref<64xf32, #tpu.memory_space<vmem>>
      %dma_start3A_480 = arith.constant 0 : i32
      %dma_start3A_481 = tpu.memref_slice %arg5[%squeeze3A_466, %dma_start3A_480] : memref<1000000x64xf32, #tpu.memory_space<hbm>> -> memref<1x64xf32, #tpu.memory_space<hbm>>
      %dma_start3A_482 = tpu.memref_squeeze %dma_start3A_481 : memref<1x64xf32, #tpu.memory_space<hbm>> -> memref<64xf32, #tpu.memory_space<hbm>>
      tpu.enqueue_dma source(%dma_start3A_482 : memref<64xf32, #tpu.memory_space<hbm>>) target(%dma_start3A_479 : memref<64xf32, #tpu.memory_space<vmem>>) target_semaphore(%arg12 : memref<!tpu.dma_semaphore, #tpu.memory_space<semaphore_mem>>)
      %slice3A_483 = vector.extract_strided_slice %get3A_47 {offsets = [12], sizes = [1], strides = [1]} : vector<16xi32> to vector<1xi32>
      %squeeze3A_484 = vector.extract %slice3A_483[0] : i32 from vector<1xi32>
      %mul3A_485 = arith.constant 16 : i32
      %mul3A_486 = arith.muli %scan3A_42, %mul3A_485 : i32
      %add3A_487 = arith.constant 12 : i32
      %add3A_488 = arith.addi %mul3A_486, %add3A_487 : i32
      %dma_start3A_489 = arith.constant 0 : i32
      %dma_start3A_490 = tpu.memref_slice %arg9[%add3A_488, %dma_start3A_489] : memref<256x64xf32, #tpu.memory_space<vmem>> -> memref<1x64xf32, #tpu.memory_space<vmem>>
      %dma_start3A_491 = tpu.memref_squeeze %dma_start3A_490 : memref<1x64xf32, #tpu.memory_space<vmem>> -> memref<64xf32, #tpu.memory_space<vmem>>
      %dma_start3A_492 = arith.constant 0 : i32
      %dma_start3A_493 = tpu.memref_slice %arg4[%squeeze3A_484, %dma_start3A_492] : memref<1000000x64xf32, #tpu.memory_space<hbm>> -> memref<1x64xf32, #tpu.memory_space<hbm>>
      %dma_start3A_494 = tpu.memref_squeeze %dma_start3A_493 : memref<1x64xf32, #tpu.memory_space<hbm>> -> memref<64xf32, #tpu.memory_space<hbm>>
      %dma_start3A_495 = arith.constant 0 : i32
      %dma_start3A_496 = tpu.memref_slice %arg9[%add3A_488, %dma_start3A_495] : memref<256x64xf32, #tpu.memory_space<vmem>> -> memref<1x64xf32, #tpu.memory_space<vmem>>
      %dma_start3A_497 = tpu.memref_squeeze %dma_start3A_496 : memref<1x64xf32, #tpu.memory_space<vmem>> -> memref<64xf32, #tpu.memory_space<vmem>>
      %dma_start3A_498 = arith.constant 0 : i32
      %dma_start3A_499 = tpu.memref_slice %arg4[%squeeze3A_484, %dma_start3A_498] : memref<1000000x64xf32, #tpu.memory_space<hbm>> -> memref<1x64xf32, #tpu.memory_space<hbm>>
      %dma_start3A_500 = tpu.memref_squeeze %dma_start3A_499 : memref<1x64xf32, #tpu.memory_space<hbm>> -> memref<64xf32, #tpu.memory_space<hbm>>
      tpu.enqueue_dma source(%dma_start3A_500 : memref<64xf32, #tpu.memory_space<hbm>>) target(%dma_start3A_497 : memref<64xf32, #tpu.memory_space<vmem>>) target_semaphore(%arg12 : memref<!tpu.dma_semaphore, #tpu.memory_space<semaphore_mem>>)
      %slice3A_501 = vector.extract_strided_slice %get3A_53 {offsets = [12], sizes = [1], strides = [1]} : vector<16xi32> to vector<1xi32>
      %squeeze3A_502 = vector.extract %slice3A_501[0] : i32 from vector<1xi32>
      %mul3A_503 = arith.constant 16 : i32
      %mul3A_504 = arith.muli %scan3A_42, %mul3A_503 : i32
      %add3A_505 = arith.constant 12 : i32
      %add3A_506 = arith.addi %mul3A_504, %add3A_505 : i32
      %dma_start3A_507 = arith.constant 0 : i32
      %dma_start3A_508 = tpu.memref_slice %arg10[%add3A_506, %dma_start3A_507] : memref<256x64xf32, #tpu.memory_space<vmem>> -> memref<1x64xf32, #tpu.memory_space<vmem>>
      %dma_start3A_509 = tpu.memref_squeeze %dma_start3A_508 : memref<1x64xf32, #tpu.memory_space<vmem>> -> memref<64xf32, #tpu.memory_space<vmem>>
      %dma_start3A_510 = arith.constant 0 : i32
      %dma_start3A_511 = tpu.memref_slice %arg5[%squeeze3A_502, %dma_start3A_510] : memref<1000000x64xf32, #tpu.memory_space<hbm>> -> memref<1x64xf32, #tpu.memory_space<hbm>>
      %dma_start3A_512 = tpu.memref_squeeze %dma_start3A_511 : memref<1x64xf32, #tpu.memory_space<hbm>> -> memref<64xf32, #tpu.memory_space<hbm>>
      %dma_start3A_513 = arith.constant 0 : i32
      %dma_start3A_514 = tpu.memref_slice %arg10[%add3A_506, %dma_start3A_513] : memref<256x64xf32, #tpu.memory_space<vmem>> -> memref<1x64xf32, #tpu.memory_space<vmem>>
      %dma_start3A_515 = tpu.memref_squeeze %dma_start3A_514 : memref<1x64xf32, #tpu.memory_space<vmem>> -> memref<64xf32, #tpu.memory_space<vmem>>
      %dma_start3A_516 = arith.constant 0 : i32
      %dma_start3A_517 = tpu.memref_slice %arg5[%squeeze3A_502, %dma_start3A_516] : memref<1000000x64xf32, #tpu.memory_space<hbm>> -> memref<1x64xf32, #tpu.memory_space<hbm>>
      %dma_start3A_518 = tpu.memref_squeeze %dma_start3A_517 : memref<1x64xf32, #tpu.memory_space<hbm>> -> memref<64xf32, #tpu.memory_space<hbm>>
      tpu.enqueue_dma source(%dma_start3A_518 : memref<64xf32, #tpu.memory_space<hbm>>) target(%dma_start3A_515 : memref<64xf32, #tpu.memory_space<vmem>>) target_semaphore(%arg12 : memref<!tpu.dma_semaphore, #tpu.memory_space<semaphore_mem>>)
      %slice3A_519 = vector.extract_strided_slice %get3A_47 {offsets = [13], sizes = [1], strides = [1]} : vector<16xi32> to vector<1xi32>
      %squeeze3A_520 = vector.extract %slice3A_519[0] : i32 from vector<1xi32>
      %mul3A_521 = arith.constant 16 : i32
      %mul3A_522 = arith.muli %scan3A_42, %mul3A_521 : i32
      %add3A_523 = arith.constant 13 : i32
      %add3A_524 = arith.addi %mul3A_522, %add3A_523 : i32
      %dma_start3A_525 = arith.constant 0 : i32
      %dma_start3A_526 = tpu.memref_slice %arg9[%add3A_524, %dma_start3A_525] : memref<256x64xf32, #tpu.memory_space<vmem>> -> memref<1x64xf32, #tpu.memory_space<vmem>>
      %dma_start3A_527 = tpu.memref_squeeze %dma_start3A_526 : memref<1x64xf32, #tpu.memory_space<vmem>> -> memref<64xf32, #tpu.memory_space<vmem>>
      %dma_start3A_528 = arith.constant 0 : i32
      %dma_start3A_529 = tpu.memref_slice %arg4[%squeeze3A_520, %dma_start3A_528] : memref<1000000x64xf32, #tpu.memory_space<hbm>> -> memref<1x64xf32, #tpu.memory_space<hbm>>
      %dma_start3A_530 = tpu.memref_squeeze %dma_start3A_529 : memref<1x64xf32, #tpu.memory_space<hbm>> -> memref<64xf32, #tpu.memory_space<hbm>>
      %dma_start3A_531 = arith.constant 0 : i32
      %dma_start3A_532 = tpu.memref_slice %arg9[%add3A_524, %dma_start3A_531] : memref<256x64xf32, #tpu.memory_space<vmem>> -> memref<1x64xf32, #tpu.memory_space<vmem>>
      %dma_start3A_533 = tpu.memref_squeeze %dma_start3A_532 : memref<1x64xf32, #tpu.memory_space<vmem>> -> memref<64xf32, #tpu.memory_space<vmem>>
      %dma_start3A_534 = arith.constant 0 : i32
      %dma_start3A_535 = tpu.memref_slice %arg4[%squeeze3A_520, %dma_start3A_534] : memref<1000000x64xf32, #tpu.memory_space<hbm>> -> memref<1x64xf32, #tpu.memory_space<hbm>>
      %dma_start3A_536 = tpu.memref_squeeze %dma_start3A_535 : memref<1x64xf32, #tpu.memory_space<hbm>> -> memref<64xf32, #tpu.memory_space<hbm>>
      tpu.enqueue_dma source(%dma_start3A_536 : memref<64xf32, #tpu.memory_space<hbm>>) target(%dma_start3A_533 : memref<64xf32, #tpu.memory_space<vmem>>) target_semaphore(%arg12 : memref<!tpu.dma_semaphore, #tpu.memory_space<semaphore_mem>>)
      %slice3A_537 = vector.extract_strided_slice %get3A_53 {offsets = [13], sizes = [1], strides = [1]} : vector<16xi32> to vector<1xi32>
      %squeeze3A_538 = vector.extract %slice3A_537[0] : i32 from vector<1xi32>
      %mul3A_539 = arith.constant 16 : i32
      %mul3A_540 = arith.muli %scan3A_42, %mul3A_539 : i32
      %add3A_541 = arith.constant 13 : i32
      %add3A_542 = arith.addi %mul3A_540, %add3A_541 : i32
      %dma_start3A_543 = arith.constant 0 : i32
      %dma_start3A_544 = tpu.memref_slice %arg10[%add3A_542, %dma_start3A_543] : memref<256x64xf32, #tpu.memory_space<vmem>> -> memref<1x64xf32, #tpu.memory_space<vmem>>
      %dma_start3A_545 = tpu.memref_squeeze %dma_start3A_544 : memref<1x64xf32, #tpu.memory_space<vmem>> -> memref<64xf32, #tpu.memory_space<vmem>>
      %dma_start3A_546 = arith.constant 0 : i32
      %dma_start3A_547 = tpu.memref_slice %arg5[%squeeze3A_538, %dma_start3A_546] : memref<1000000x64xf32, #tpu.memory_space<hbm>> -> memref<1x64xf32, #tpu.memory_space<hbm>>
      %dma_start3A_548 = tpu.memref_squeeze %dma_start3A_547 : memref<1x64xf32, #tpu.memory_space<hbm>> -> memref<64xf32, #tpu.memory_space<hbm>>
      %dma_start3A_549 = arith.constant 0 : i32
      %dma_start3A_550 = tpu.memref_slice %arg10[%add3A_542, %dma_start3A_549] : memref<256x64xf32, #tpu.memory_space<vmem>> -> memref<1x64xf32, #tpu.memory_space<vmem>>
      %dma_start3A_551 = tpu.memref_squeeze %dma_start3A_550 : memref<1x64xf32, #tpu.memory_space<vmem>> -> memref<64xf32, #tpu.memory_space<vmem>>
      %dma_start3A_552 = arith.constant 0 : i32
      %dma_start3A_553 = tpu.memref_slice %arg5[%squeeze3A_538, %dma_start3A_552] : memref<1000000x64xf32, #tpu.memory_space<hbm>> -> memref<1x64xf32, #tpu.memory_space<hbm>>
      %dma_start3A_554 = tpu.memref_squeeze %dma_start3A_553 : memref<1x64xf32, #tpu.memory_space<hbm>> -> memref<64xf32, #tpu.memory_space<hbm>>
      tpu.enqueue_dma source(%dma_start3A_554 : memref<64xf32, #tpu.memory_space<hbm>>) target(%dma_start3A_551 : memref<64xf32, #tpu.memory_space<vmem>>) target_semaphore(%arg12 : memref<!tpu.dma_semaphore, #tpu.memory_space<semaphore_mem>>)
      %slice3A_555 = vector.extract_strided_slice %get3A_47 {offsets = [14], sizes = [1], strides = [1]} : vector<16xi32> to vector<1xi32>
      %squeeze3A_556 = vector.extract %slice3A_555[0] : i32 from vector<1xi32>
      %mul3A_557 = arith.constant 16 : i32
      %mul3A_558 = arith.muli %scan3A_42, %mul3A_557 : i32
      %add3A_559 = arith.constant 14 : i32
      %add3A_560 = arith.addi %mul3A_558, %add3A_559 : i32
      %dma_start3A_561 = arith.constant 0 : i32
      %dma_start3A_562 = tpu.memref_slice %arg9[%add3A_560, %dma_start3A_561] : memref<256x64xf32, #tpu.memory_space<vmem>> -> memref<1x64xf32, #tpu.memory_space<vmem>>
      %dma_start3A_563 = tpu.memref_squeeze %dma_start3A_562 : memref<1x64xf32, #tpu.memory_space<vmem>> -> memref<64xf32, #tpu.memory_space<vmem>>
      %dma_start3A_564 = arith.constant 0 : i32
      %dma_start3A_565 = tpu.memref_slice %arg4[%squeeze3A_556, %dma_start3A_564] : memref<1000000x64xf32, #tpu.memory_space<hbm>> -> memref<1x64xf32, #tpu.memory_space<hbm>>
      %dma_start3A_566 = tpu.memref_squeeze %dma_start3A_565 : memref<1x64xf32, #tpu.memory_space<hbm>> -> memref<64xf32, #tpu.memory_space<hbm>>
      %dma_start3A_567 = arith.constant 0 : i32
      %dma_start3A_568 = tpu.memref_slice %arg9[%add3A_560, %dma_start3A_567] : memref<256x64xf32, #tpu.memory_space<vmem>> -> memref<1x64xf32, #tpu.memory_space<vmem>>
      %dma_start3A_569 = tpu.memref_squeeze %dma_start3A_568 : memref<1x64xf32, #tpu.memory_space<vmem>> -> memref<64xf32, #tpu.memory_space<vmem>>
      %dma_start3A_570 = arith.constant 0 : i32
      %dma_start3A_571 = tpu.memref_slice %arg4[%squeeze3A_556, %dma_start3A_570] : memref<1000000x64xf32, #tpu.memory_space<hbm>> -> memref<1x64xf32, #tpu.memory_space<hbm>>
      %dma_start3A_572 = tpu.memref_squeeze %dma_start3A_571 : memref<1x64xf32, #tpu.memory_space<hbm>> -> memref<64xf32, #tpu.memory_space<hbm>>
      tpu.enqueue_dma source(%dma_start3A_572 : memref<64xf32, #tpu.memory_space<hbm>>) target(%dma_start3A_569 : memref<64xf32, #tpu.memory_space<vmem>>) target_semaphore(%arg12 : memref<!tpu.dma_semaphore, #tpu.memory_space<semaphore_mem>>)
      %slice3A_573 = vector.extract_strided_slice %get3A_53 {offsets = [14], sizes = [1], strides = [1]} : vector<16xi32> to vector<1xi32>
      %squeeze3A_574 = vector.extract %slice3A_573[0] : i32 from vector<1xi32>
      %mul3A_575 = arith.constant 16 : i32
      %mul3A_576 = arith.muli %scan3A_42, %mul3A_575 : i32
      %add3A_577 = arith.constant 14 : i32
      %add3A_578 = arith.addi %mul3A_576, %add3A_577 : i32
      %dma_start3A_579 = arith.constant 0 : i32
      %dma_start3A_580 = tpu.memref_slice %arg10[%add3A_578, %dma_start3A_579] : memref<256x64xf32, #tpu.memory_space<vmem>> -> memref<1x64xf32, #tpu.memory_space<vmem>>
      %dma_start3A_581 = tpu.memref_squeeze %dma_start3A_580 : memref<1x64xf32, #tpu.memory_space<vmem>> -> memref<64xf32, #tpu.memory_space<vmem>>
      %dma_start3A_582 = arith.constant 0 : i32
      %dma_start3A_583 = tpu.memref_slice %arg5[%squeeze3A_574, %dma_start3A_582] : memref<1000000x64xf32, #tpu.memory_space<hbm>> -> memref<1x64xf32, #tpu.memory_space<hbm>>
      %dma_start3A_584 = tpu.memref_squeeze %dma_start3A_583 : memref<1x64xf32, #tpu.memory_space<hbm>> -> memref<64xf32, #tpu.memory_space<hbm>>
      %dma_start3A_585 = arith.constant 0 : i32
      %dma_start3A_586 = tpu.memref_slice %arg10[%add3A_578, %dma_start3A_585] : memref<256x64xf32, #tpu.memory_space<vmem>> -> memref<1x64xf32, #tpu.memory_space<vmem>>
      %dma_start3A_587 = tpu.memref_squeeze %dma_start3A_586 : memref<1x64xf32, #tpu.memory_space<vmem>> -> memref<64xf32, #tpu.memory_space<vmem>>
      %dma_start3A_588 = arith.constant 0 : i32
      %dma_start3A_589 = tpu.memref_slice %arg5[%squeeze3A_574, %dma_start3A_588] : memref<1000000x64xf32, #tpu.memory_space<hbm>> -> memref<1x64xf32, #tpu.memory_space<hbm>>
      %dma_start3A_590 = tpu.memref_squeeze %dma_start3A_589 : memref<1x64xf32, #tpu.memory_space<hbm>> -> memref<64xf32, #tpu.memory_space<hbm>>
      tpu.enqueue_dma source(%dma_start3A_590 : memref<64xf32, #tpu.memory_space<hbm>>) target(%dma_start3A_587 : memref<64xf32, #tpu.memory_space<vmem>>) target_semaphore(%arg12 : memref<!tpu.dma_semaphore, #tpu.memory_space<semaphore_mem>>)
      %slice3A_591 = vector.extract_strided_slice %get3A_47 {offsets = [15], sizes = [1], strides = [1]} : vector<16xi32> to vector<1xi32>
      %squeeze3A_592 = vector.extract %slice3A_591[0] : i32 from vector<1xi32>
      %mul3A_593 = arith.constant 16 : i32
      %mul3A_594 = arith.muli %scan3A_42, %mul3A_593 : i32
      %add3A_595 = arith.constant 15 : i32
      %add3A_596 = arith.addi %mul3A_594, %add3A_595 : i32
      %dma_start3A_597 = arith.constant 0 : i32
      %dma_start3A_598 = tpu.memref_slice %arg9[%add3A_596, %dma_start3A_597] : memref<256x64xf32, #tpu.memory_space<vmem>> -> memref<1x64xf32, #tpu.memory_space<vmem>>
      %dma_start3A_599 = tpu.memref_squeeze %dma_start3A_598 : memref<1x64xf32, #tpu.memory_space<vmem>> -> memref<64xf32, #tpu.memory_space<vmem>>
      %dma_start3A_600 = arith.constant 0 : i32
      %dma_start3A_601 = tpu.memref_slice %arg4[%squeeze3A_592, %dma_start3A_600] : memref<1000000x64xf32, #tpu.memory_space<hbm>> -> memref<1x64xf32, #tpu.memory_space<hbm>>
      %dma_start3A_602 = tpu.memref_squeeze %dma_start3A_601 : memref<1x64xf32, #tpu.memory_space<hbm>> -> memref<64xf32, #tpu.memory_space<hbm>>
      %dma_start3A_603 = arith.constant 0 : i32
      %dma_start3A_604 = tpu.memref_slice %arg9[%add3A_596, %dma_start3A_603] : memref<256x64xf32, #tpu.memory_space<vmem>> -> memref<1x64xf32, #tpu.memory_space<vmem>>
      %dma_start3A_605 = tpu.memref_squeeze %dma_start3A_604 : memref<1x64xf32, #tpu.memory_space<vmem>> -> memref<64xf32, #tpu.memory_space<vmem>>
      %dma_start3A_606 = arith.constant 0 : i32
      %dma_start3A_607 = tpu.memref_slice %arg4[%squeeze3A_592, %dma_start3A_606] : memref<1000000x64xf32, #tpu.memory_space<hbm>> -> memref<1x64xf32, #tpu.memory_space<hbm>>
      %dma_start3A_608 = tpu.memref_squeeze %dma_start3A_607 : memref<1x64xf32, #tpu.memory_space<hbm>> -> memref<64xf32, #tpu.memory_space<hbm>>
      tpu.enqueue_dma source(%dma_start3A_608 : memref<64xf32, #tpu.memory_space<hbm>>) target(%dma_start3A_605 : memref<64xf32, #tpu.memory_space<vmem>>) target_semaphore(%arg12 : memref<!tpu.dma_semaphore, #tpu.memory_space<semaphore_mem>>)
      %slice3A_609 = vector.extract_strided_slice %get3A_53 {offsets = [15], sizes = [1], strides = [1]} : vector<16xi32> to vector<1xi32>
      %squeeze3A_610 = vector.extract %slice3A_609[0] : i32 from vector<1xi32>
      %mul3A_611 = arith.constant 16 : i32
      %mul3A_612 = arith.muli %scan3A_42, %mul3A_611 : i32
      %add3A_613 = arith.constant 15 : i32
      %add3A_614 = arith.addi %mul3A_612, %add3A_613 : i32
      %dma_start3A_615 = arith.constant 0 : i32
      %dma_start3A_616 = tpu.memref_slice %arg10[%add3A_614, %dma_start3A_615] : memref<256x64xf32, #tpu.memory_space<vmem>> -> memref<1x64xf32, #tpu.memory_space<vmem>>
      %dma_start3A_617 = tpu.memref_squeeze %dma_start3A_616 : memref<1x64xf32, #tpu.memory_space<vmem>> -> memref<64xf32, #tpu.memory_space<vmem>>
      %dma_start3A_618 = arith.constant 0 : i32
      %dma_start3A_619 = tpu.memref_slice %arg5[%squeeze3A_610, %dma_start3A_618] : memref<1000000x64xf32, #tpu.memory_space<hbm>> -> memref<1x64xf32, #tpu.memory_space<hbm>>
      %dma_start3A_620 = tpu.memref_squeeze %dma_start3A_619 : memref<1x64xf32, #tpu.memory_space<hbm>> -> memref<64xf32, #tpu.memory_space<hbm>>
      %dma_start3A_621 = arith.constant 0 : i32
      %dma_start3A_622 = tpu.memref_slice %arg10[%add3A_614, %dma_start3A_621] : memref<256x64xf32, #tpu.memory_space<vmem>> -> memref<1x64xf32, #tpu.memory_space<vmem>>
      %dma_start3A_623 = tpu.memref_squeeze %dma_start3A_622 : memref<1x64xf32, #tpu.memory_space<vmem>> -> memref<64xf32, #tpu.memory_space<vmem>>
      %dma_start3A_624 = arith.constant 0 : i32
      %dma_start3A_625 = tpu.memref_slice %arg5[%squeeze3A_610, %dma_start3A_624] : memref<1000000x64xf32, #tpu.memory_space<hbm>> -> memref<1x64xf32, #tpu.memory_space<hbm>>
      %dma_start3A_626 = tpu.memref_squeeze %dma_start3A_625 : memref<1x64xf32, #tpu.memory_space<hbm>> -> memref<64xf32, #tpu.memory_space<hbm>>
      tpu.enqueue_dma source(%dma_start3A_626 : memref<64xf32, #tpu.memory_space<hbm>>) target(%dma_start3A_623 : memref<64xf32, #tpu.memory_space<vmem>>) target_semaphore(%arg12 : memref<!tpu.dma_semaphore, #tpu.memory_space<semaphore_mem>>)
    }
    %scan3A_7 = arith.constant 16 : i32
    %scan3A_8 = arith.constant 0 : i32
    %scan3A_9 = arith.constant 0 : i32
    %scan3A_10 = arith.constant 256 : i32
    %scan3A_11 = arith.addi %scan3A_9, %scan3A_10 : i32
    %scan3A_12 = arith.constant 1 : i32
    scf.for %scan3A_42 = %scan3A_9 to %scan3A_11 step %scan3A_12  : i32 {
      %dma_wait3A = arith.constant 0 : i32
      %dma_wait3A_43 = arith.constant 0 : i32
      %dma_wait3A_44 = arith.constant 0 : i32
      %dma_wait3A_45 = tpu.memref_slice %arg9[%dma_wait3A_43, %dma_wait3A_44] : memref<256x64xf32, #tpu.memory_space<vmem>> -> memref<1x64xf32, #tpu.memory_space<vmem>>
      %dma_wait3A_46 = tpu.memref_squeeze %dma_wait3A_45 : memref<1x64xf32, #tpu.memory_space<vmem>> -> memref<64xf32, #tpu.memory_space<vmem>>
      %dma_wait3A_47 = arith.constant 0 : i32
      %dma_wait3A_48 = tpu.memref_slice %arg4[%dma_wait3A, %dma_wait3A_47] : memref<1000000x64xf32, #tpu.memory_space<hbm>> -> memref<1x64xf32, #tpu.memory_space<hbm>>
      %dma_wait3A_49 = tpu.memref_squeeze %dma_wait3A_48 : memref<1x64xf32, #tpu.memory_space<hbm>> -> memref<64xf32, #tpu.memory_space<hbm>>
      %dma_wait3A_50 = arith.constant 0 : i32
      %dma_wait3A_51 = tpu.memref_slice %arg9[%dma_wait3A_43, %dma_wait3A_50] : memref<256x64xf32, #tpu.memory_space<vmem>> -> memref<1x64xf32, #tpu.memory_space<vmem>>
      %dma_wait3A_52 = tpu.memref_squeeze %dma_wait3A_51 : memref<1x64xf32, #tpu.memory_space<vmem>> -> memref<64xf32, #tpu.memory_space<vmem>>
      %dma_wait3A_53 = arith.constant 0 : i32
      %dma_wait3A_54 = tpu.memref_slice %arg4[%dma_wait3A, %dma_wait3A_53] : memref<1000000x64xf32, #tpu.memory_space<hbm>> -> memref<1x64xf32, #tpu.memory_space<hbm>>
      %dma_wait3A_55 = tpu.memref_squeeze %dma_wait3A_54 : memref<1x64xf32, #tpu.memory_space<hbm>> -> memref<64xf32, #tpu.memory_space<hbm>>
      tpu.wait_dma2 semaphore(%arg12 : memref<!tpu.dma_semaphore, #tpu.memory_space<semaphore_mem>>) src(%dma_wait3A_55 : memref<64xf32, #tpu.memory_space<hbm>>) dst(%dma_wait3A_52 : memref<64xf32, #tpu.memory_space<vmem>>)
      %dma_wait3A_56 = arith.constant 0 : i32
      %dma_wait3A_57 = arith.constant 0 : i32
      %dma_wait3A_58 = arith.constant 0 : i32
      %dma_wait3A_59 = tpu.memref_slice %arg10[%dma_wait3A_57, %dma_wait3A_58] : memref<256x64xf32, #tpu.memory_space<vmem>> -> memref<1x64xf32, #tpu.memory_space<vmem>>
      %dma_wait3A_60 = tpu.memref_squeeze %dma_wait3A_59 : memref<1x64xf32, #tpu.memory_space<vmem>> -> memref<64xf32, #tpu.memory_space<vmem>>
      %dma_wait3A_61 = arith.constant 0 : i32
      %dma_wait3A_62 = tpu.memref_slice %arg5[%dma_wait3A_56, %dma_wait3A_61] : memref<1000000x64xf32, #tpu.memory_space<hbm>> -> memref<1x64xf32, #tpu.memory_space<hbm>>
      %dma_wait3A_63 = tpu.memref_squeeze %dma_wait3A_62 : memref<1x64xf32, #tpu.memory_space<hbm>> -> memref<64xf32, #tpu.memory_space<hbm>>
      %dma_wait3A_64 = arith.constant 0 : i32
      %dma_wait3A_65 = tpu.memref_slice %arg10[%dma_wait3A_57, %dma_wait3A_64] : memref<256x64xf32, #tpu.memory_space<vmem>> -> memref<1x64xf32, #tpu.memory_space<vmem>>
      %dma_wait3A_66 = tpu.memref_squeeze %dma_wait3A_65 : memref<1x64xf32, #tpu.memory_space<vmem>> -> memref<64xf32, #tpu.memory_space<vmem>>
      %dma_wait3A_67 = arith.constant 0 : i32
      %dma_wait3A_68 = tpu.memref_slice %arg5[%dma_wait3A_56, %dma_wait3A_67] : memref<1000000x64xf32, #tpu.memory_space<hbm>> -> memref<1x64xf32, #tpu.memory_space<hbm>>
      %dma_wait3A_69 = tpu.memref_squeeze %dma_wait3A_68 : memref<1x64xf32, #tpu.memory_space<hbm>> -> memref<64xf32, #tpu.memory_space<hbm>>
      tpu.wait_dma2 semaphore(%arg12 : memref<!tpu.dma_semaphore, #tpu.memory_space<semaphore_mem>>) src(%dma_wait3A_69 : memref<64xf32, #tpu.memory_space<hbm>>) dst(%dma_wait3A_66 : memref<64xf32, #tpu.memory_space<vmem>>)
    }
    %scan3A_13 = arith.constant 256 : i32
    %scan3A_14 = arith.constant 0 : i32
    %scan3A_15 = arith.constant 0 : i32
    %scan3A_16 = arith.constant 16 : i32
    %scan3A_17 = arith.addi %scan3A_15, %scan3A_16 : i32
    %scan3A_18 = arith.constant 1 : i32
    scf.for %scan3A_42 = %scan3A_15 to %scan3A_17 step %scan3A_18  : i32 {
      %mul3A_43 = arith.constant 16 : i32
      %mul3A_44 = arith.muli %scan3A_42, %mul3A_43 : i32
      %add3A_45 = vector.broadcast %mul3A_44 : i32 to vector<16xi32>
      %add3A_46 = arith.addi %iota3A, %add3A_45 : vector<16xi32>
      %broadcast_in_dim3A = arith.constant 0.000000e+00 : f32
      %broadcast_in_dim3A_47 = vector.broadcast %broadcast_in_dim3A : f32 to vector<16xf32>
      %broadcast_in_dim3A_48 = arith.constant 0 : i32
      %broadcast_in_dim3A_49 = vector.broadcast %broadcast_in_dim3A_48 : i32 to vector<16xi32>
      %gather3A = tpu.vector_load_idx %arg9[%add3A_46, %broadcast_in_dim3A_49] : memref<256x64xf32, #tpu.memory_space<vmem>>[vector<16xi32>, vector<16xi32>], vector<16xf32>,
      %gather3A_50 = tpu.vector_load_idx %arg10[%add3A_46, %broadcast_in_dim3A_49] : memref<256x64xf32, #tpu.memory_space<vmem>>[vector<16xi32>, vector<16xi32>], vector<16xf32>,
      %mul3A_51 = arith.mulf %gather3A, %gather3A_50 : vector<16xf32>
      %add3A_52 = arith.addf %broadcast_in_dim3A_47, %mul3A_51 : vector<16xf32>
      %broadcast_in_dim3A_53 = arith.constant 1 : i32
      %broadcast_in_dim3A_54 = vector.broadcast %broadcast_in_dim3A_53 : i32 to vector<16xi32>
      %gather3A_55 = tpu.vector_load_idx %arg9[%add3A_46, %broadcast_in_dim3A_54] : memref<256x64xf32, #tpu.memory_space<vmem>>[vector<16xi32>, vector<16xi32>], vector<16xf32>,
      %gather3A_56 = tpu.vector_load_idx %arg10[%add3A_46, %broadcast_in_dim3A_54] : memref<256x64xf32, #tpu.memory_space<vmem>>[vector<16xi32>, vector<16xi32>], vector<16xf32>,
      %mul3A_57 = arith.mulf %gather3A_55, %gather3A_56 : vector<16xf32>
      %add3A_58 = arith.addf %add3A_52, %mul3A_57 : vector<16xf32>
      %broadcast_in_dim3A_59 = arith.constant 2 : i32
      %broadcast_in_dim3A_60 = vector.broadcast %broadcast_in_dim3A_59 : i32 to vector<16xi32>
      %gather3A_61 = tpu.vector_load_idx %arg9[%add3A_46, %broadcast_in_dim3A_60] : memref<256x64xf32, #tpu.memory_space<vmem>>[vector<16xi32>, vector<16xi32>], vector<16xf32>,
      %gather3A_62 = tpu.vector_load_idx %arg10[%add3A_46, %broadcast_in_dim3A_60] : memref<256x64xf32, #tpu.memory_space<vmem>>[vector<16xi32>, vector<16xi32>], vector<16xf32>,
      %mul3A_63 = arith.mulf %gather3A_61, %gather3A_62 : vector<16xf32>
      %add3A_64 = arith.addf %add3A_58, %mul3A_63 : vector<16xf32>
      %broadcast_in_dim3A_65 = arith.constant 3 : i32
      %broadcast_in_dim3A_66 = vector.broadcast %broadcast_in_dim3A_65 : i32 to vector<16xi32>
      %gather3A_67 = tpu.vector_load_idx %arg9[%add3A_46, %broadcast_in_dim3A_66] : memref<256x64xf32, #tpu.memory_space<vmem>>[vector<16xi32>, vector<16xi32>], vector<16xf32>,
      %gather3A_68 = tpu.vector_load_idx %arg10[%add3A_46, %broadcast_in_dim3A_66] : memref<256x64xf32, #tpu.memory_space<vmem>>[vector<16xi32>, vector<16xi32>], vector<16xf32>,
      %mul3A_69 = arith.mulf %gather3A_67, %gather3A_68 : vector<16xf32>
      %add3A_70 = arith.addf %add3A_64, %mul3A_69 : vector<16xf32>
      %broadcast_in_dim3A_71 = arith.constant 4 : i32
      %broadcast_in_dim3A_72 = vector.broadcast %broadcast_in_dim3A_71 : i32 to vector<16xi32>
      %gather3A_73 = tpu.vector_load_idx %arg9[%add3A_46, %broadcast_in_dim3A_72] : memref<256x64xf32, #tpu.memory_space<vmem>>[vector<16xi32>, vector<16xi32>], vector<16xf32>,
      %gather3A_74 = tpu.vector_load_idx %arg10[%add3A_46, %broadcast_in_dim3A_72] : memref<256x64xf32, #tpu.memory_space<vmem>>[vector<16xi32>, vector<16xi32>], vector<16xf32>,
      %mul3A_75 = arith.mulf %gather3A_73, %gather3A_74 : vector<16xf32>
      %add3A_76 = arith.addf %add3A_70, %mul3A_75 : vector<16xf32>
      %broadcast_in_dim3A_77 = arith.constant 5 : i32
      %broadcast_in_dim3A_78 = vector.broadcast %broadcast_in_dim3A_77 : i32 to vector<16xi32>
      %gather3A_79 = tpu.vector_load_idx %arg9[%add3A_46, %broadcast_in_dim3A_78] : memref<256x64xf32, #tpu.memory_space<vmem>>[vector<16xi32>, vector<16xi32>], vector<16xf32>,
      %gather3A_80 = tpu.vector_load_idx %arg10[%add3A_46, %broadcast_in_dim3A_78] : memref<256x64xf32, #tpu.memory_space<vmem>>[vector<16xi32>, vector<16xi32>], vector<16xf32>,
      %mul3A_81 = arith.mulf %gather3A_79, %gather3A_80 : vector<16xf32>
      %add3A_82 = arith.addf %add3A_76, %mul3A_81 : vector<16xf32>
      %broadcast_in_dim3A_83 = arith.constant 6 : i32
      %broadcast_in_dim3A_84 = vector.broadcast %broadcast_in_dim3A_83 : i32 to vector<16xi32>
      %gather3A_85 = tpu.vector_load_idx %arg9[%add3A_46, %broadcast_in_dim3A_84] : memref<256x64xf32, #tpu.memory_space<vmem>>[vector<16xi32>, vector<16xi32>], vector<16xf32>,
      %gather3A_86 = tpu.vector_load_idx %arg10[%add3A_46, %broadcast_in_dim3A_84] : memref<256x64xf32, #tpu.memory_space<vmem>>[vector<16xi32>, vector<16xi32>], vector<16xf32>,
      %mul3A_87 = arith.mulf %gather3A_85, %gather3A_86 : vector<16xf32>
      %add3A_88 = arith.addf %add3A_82, %mul3A_87 : vector<16xf32>
      %broadcast_in_dim3A_89 = arith.constant 7 : i32
      %broadcast_in_dim3A_90 = vector.broadcast %broadcast_in_dim3A_89 : i32 to vector<16xi32>
      %gather3A_91 = tpu.vector_load_idx %arg9[%add3A_46, %broadcast_in_dim3A_90] : memref<256x64xf32, #tpu.memory_space<vmem>>[vector<16xi32>, vector<16xi32>], vector<16xf32>,
      %gather3A_92 = tpu.vector_load_idx %arg10[%add3A_46, %broadcast_in_dim3A_90] : memref<256x64xf32, #tpu.memory_space<vmem>>[vector<16xi32>, vector<16xi32>], vector<16xf32>,
      %mul3A_93 = arith.mulf %gather3A_91, %gather3A_92 : vector<16xf32>
      %add3A_94 = arith.addf %add3A_88, %mul3A_93 : vector<16xf32>
      %broadcast_in_dim3A_95 = arith.constant 8 : i32
      %broadcast_in_dim3A_96 = vector.broadcast %broadcast_in_dim3A_95 : i32 to vector<16xi32>
      %gather3A_97 = tpu.vector_load_idx %arg9[%add3A_46, %broadcast_in_dim3A_96] : memref<256x64xf32, #tpu.memory_space<vmem>>[vector<16xi32>, vector<16xi32>], vector<16xf32>,
      %gather3A_98 = tpu.vector_load_idx %arg10[%add3A_46, %broadcast_in_dim3A_96] : memref<256x64xf32, #tpu.memory_space<vmem>>[vector<16xi32>, vector<16xi32>], vector<16xf32>,
      %mul3A_99 = arith.mulf %gather3A_97, %gather3A_98 : vector<16xf32>
      %add3A_100 = arith.addf %add3A_94, %mul3A_99 : vector<16xf32>
      %broadcast_in_dim3A_101 = arith.constant 9 : i32
      %broadcast_in_dim3A_102 = vector.broadcast %broadcast_in_dim3A_101 : i32 to vector<16xi32>
      %gather3A_103 = tpu.vector_load_idx %arg9[%add3A_46, %broadcast_in_dim3A_102] : memref<256x64xf32, #tpu.memory_space<vmem>>[vector<16xi32>, vector<16xi32>], vector<16xf32>,
      %gather3A_104 = tpu.vector_load_idx %arg10[%add3A_46, %broadcast_in_dim3A_102] : memref<256x64xf32, #tpu.memory_space<vmem>>[vector<16xi32>, vector<16xi32>], vector<16xf32>,
      %mul3A_105 = arith.mulf %gather3A_103, %gather3A_104 : vector<16xf32>
      %add3A_106 = arith.addf %add3A_100, %mul3A_105 : vector<16xf32>
      %broadcast_in_dim3A_107 = arith.constant 10 : i32
      %broadcast_in_dim3A_108 = vector.broadcast %broadcast_in_dim3A_107 : i32 to vector<16xi32>
      %gather3A_109 = tpu.vector_load_idx %arg9[%add3A_46, %broadcast_in_dim3A_108] : memref<256x64xf32, #tpu.memory_space<vmem>>[vector<16xi32>, vector<16xi32>], vector<16xf32>,
      %gather3A_110 = tpu.vector_load_idx %arg10[%add3A_46, %broadcast_in_dim3A_108] : memref<256x64xf32, #tpu.memory_space<vmem>>[vector<16xi32>, vector<16xi32>], vector<16xf32>,
      %mul3A_111 = arith.mulf %gather3A_109, %gather3A_110 : vector<16xf32>
      %add3A_112 = arith.addf %add3A_106, %mul3A_111 : vector<16xf32>
      %broadcast_in_dim3A_113 = arith.constant 11 : i32
      %broadcast_in_dim3A_114 = vector.broadcast %broadcast_in_dim3A_113 : i32 to vector<16xi32>
      %gather3A_115 = tpu.vector_load_idx %arg9[%add3A_46, %broadcast_in_dim3A_114] : memref<256x64xf32, #tpu.memory_space<vmem>>[vector<16xi32>, vector<16xi32>], vector<16xf32>,
      %gather3A_116 = tpu.vector_load_idx %arg10[%add3A_46, %broadcast_in_dim3A_114] : memref<256x64xf32, #tpu.memory_space<vmem>>[vector<16xi32>, vector<16xi32>], vector<16xf32>,
      %mul3A_117 = arith.mulf %gather3A_115, %gather3A_116 : vector<16xf32>
      %add3A_118 = arith.addf %add3A_112, %mul3A_117 : vector<16xf32>
      %broadcast_in_dim3A_119 = arith.constant 12 : i32
      %broadcast_in_dim3A_120 = vector.broadcast %broadcast_in_dim3A_119 : i32 to vector<16xi32>
      %gather3A_121 = tpu.vector_load_idx %arg9[%add3A_46, %broadcast_in_dim3A_120] : memref<256x64xf32, #tpu.memory_space<vmem>>[vector<16xi32>, vector<16xi32>], vector<16xf32>,
      %gather3A_122 = tpu.vector_load_idx %arg10[%add3A_46, %broadcast_in_dim3A_120] : memref<256x64xf32, #tpu.memory_space<vmem>>[vector<16xi32>, vector<16xi32>], vector<16xf32>,
      %mul3A_123 = arith.mulf %gather3A_121, %gather3A_122 : vector<16xf32>
      %add3A_124 = arith.addf %add3A_118, %mul3A_123 : vector<16xf32>
      %broadcast_in_dim3A_125 = arith.constant 13 : i32
      %broadcast_in_dim3A_126 = vector.broadcast %broadcast_in_dim3A_125 : i32 to vector<16xi32>
      %gather3A_127 = tpu.vector_load_idx %arg9[%add3A_46, %broadcast_in_dim3A_126] : memref<256x64xf32, #tpu.memory_space<vmem>>[vector<16xi32>, vector<16xi32>], vector<16xf32>,
      %gather3A_128 = tpu.vector_load_idx %arg10[%add3A_46, %broadcast_in_dim3A_126] : memref<256x64xf32, #tpu.memory_space<vmem>>[vector<16xi32>, vector<16xi32>], vector<16xf32>,
      %mul3A_129 = arith.mulf %gather3A_127, %gather3A_128 : vector<16xf32>
      %add3A_130 = arith.addf %add3A_124, %mul3A_129 : vector<16xf32>
      %broadcast_in_dim3A_131 = arith.constant 14 : i32
      %broadcast_in_dim3A_132 = vector.broadcast %broadcast_in_dim3A_131 : i32 to vector<16xi32>
      %gather3A_133 = tpu.vector_load_idx %arg9[%add3A_46, %broadcast_in_dim3A_132] : memref<256x64xf32, #tpu.memory_space<vmem>>[vector<16xi32>, vector<16xi32>], vector<16xf32>,
      %gather3A_134 = tpu.vector_load_idx %arg10[%add3A_46, %broadcast_in_dim3A_132] : memref<256x64xf32, #tpu.memory_space<vmem>>[vector<16xi32>, vector<16xi32>], vector<16xf32>,
      %mul3A_135 = arith.mulf %gather3A_133, %gather3A_134 : vector<16xf32>
      %add3A_136 = arith.addf %add3A_130, %mul3A_135 : vector<16xf32>
      %broadcast_in_dim3A_137 = arith.constant 15 : i32
      %broadcast_in_dim3A_138 = vector.broadcast %broadcast_in_dim3A_137 : i32 to vector<16xi32>
      %gather3A_139 = tpu.vector_load_idx %arg9[%add3A_46, %broadcast_in_dim3A_138] : memref<256x64xf32, #tpu.memory_space<vmem>>[vector<16xi32>, vector<16xi32>], vector<16xf32>,
      %gather3A_140 = tpu.vector_load_idx %arg10[%add3A_46, %broadcast_in_dim3A_138] : memref<256x64xf32, #tpu.memory_space<vmem>>[vector<16xi32>, vector<16xi32>], vector<16xf32>,
      %mul3A_141 = arith.mulf %gather3A_139, %gather3A_140 : vector<16xf32>
      %add3A_142 = arith.addf %add3A_136, %mul3A_141 : vector<16xf32>
      %broadcast_in_dim3A_143 = arith.constant 16 : i32
      %broadcast_in_dim3A_144 = vector.broadcast %broadcast_in_dim3A_143 : i32 to vector<16xi32>
      %gather3A_145 = tpu.vector_load_idx %arg9[%add3A_46, %broadcast_in_dim3A_144] : memref<256x64xf32, #tpu.memory_space<vmem>>[vector<16xi32>, vector<16xi32>], vector<16xf32>,
      %gather3A_146 = tpu.vector_load_idx %arg10[%add3A_46, %broadcast_in_dim3A_144] : memref<256x64xf32, #tpu.memory_space<vmem>>[vector<16xi32>, vector<16xi32>], vector<16xf32>,
      %mul3A_147 = arith.mulf %gather3A_145, %gather3A_146 : vector<16xf32>
      %add3A_148 = arith.addf %add3A_142, %mul3A_147 : vector<16xf32>
      %broadcast_in_dim3A_149 = arith.constant 17 : i32
      %broadcast_in_dim3A_150 = vector.broadcast %broadcast_in_dim3A_149 : i32 to vector<16xi32>
      %gather3A_151 = tpu.vector_load_idx %arg9[%add3A_46, %broadcast_in_dim3A_150] : memref<256x64xf32, #tpu.memory_space<vmem>>[vector<16xi32>, vector<16xi32>], vector<16xf32>,
      %gather3A_152 = tpu.vector_load_idx %arg10[%add3A_46, %broadcast_in_dim3A_150] : memref<256x64xf32, #tpu.memory_space<vmem>>[vector<16xi32>, vector<16xi32>], vector<16xf32>,
      %mul3A_153 = arith.mulf %gather3A_151, %gather3A_152 : vector<16xf32>
      %add3A_154 = arith.addf %add3A_148, %mul3A_153 : vector<16xf32>
      %broadcast_in_dim3A_155 = arith.constant 18 : i32
      %broadcast_in_dim3A_156 = vector.broadcast %broadcast_in_dim3A_155 : i32 to vector<16xi32>
      %gather3A_157 = tpu.vector_load_idx %arg9[%add3A_46, %broadcast_in_dim3A_156] : memref<256x64xf32, #tpu.memory_space<vmem>>[vector<16xi32>, vector<16xi32>], vector<16xf32>,
      %gather3A_158 = tpu.vector_load_idx %arg10[%add3A_46, %broadcast_in_dim3A_156] : memref<256x64xf32, #tpu.memory_space<vmem>>[vector<16xi32>, vector<16xi32>], vector<16xf32>,
      %mul3A_159 = arith.mulf %gather3A_157, %gather3A_158 : vector<16xf32>
      %add3A_160 = arith.addf %add3A_154, %mul3A_159 : vector<16xf32>
      %broadcast_in_dim3A_161 = arith.constant 19 : i32
      %broadcast_in_dim3A_162 = vector.broadcast %broadcast_in_dim3A_161 : i32 to vector<16xi32>
      %gather3A_163 = tpu.vector_load_idx %arg9[%add3A_46, %broadcast_in_dim3A_162] : memref<256x64xf32, #tpu.memory_space<vmem>>[vector<16xi32>, vector<16xi32>], vector<16xf32>,
      %gather3A_164 = tpu.vector_load_idx %arg10[%add3A_46, %broadcast_in_dim3A_162] : memref<256x64xf32, #tpu.memory_space<vmem>>[vector<16xi32>, vector<16xi32>], vector<16xf32>,
      %mul3A_165 = arith.mulf %gather3A_163, %gather3A_164 : vector<16xf32>
      %add3A_166 = arith.addf %add3A_160, %mul3A_165 : vector<16xf32>
      %broadcast_in_dim3A_167 = arith.constant 20 : i32
      %broadcast_in_dim3A_168 = vector.broadcast %broadcast_in_dim3A_167 : i32 to vector<16xi32>
      %gather3A_169 = tpu.vector_load_idx %arg9[%add3A_46, %broadcast_in_dim3A_168] : memref<256x64xf32, #tpu.memory_space<vmem>>[vector<16xi32>, vector<16xi32>], vector<16xf32>,
      %gather3A_170 = tpu.vector_load_idx %arg10[%add3A_46, %broadcast_in_dim3A_168] : memref<256x64xf32, #tpu.memory_space<vmem>>[vector<16xi32>, vector<16xi32>], vector<16xf32>,
      %mul3A_171 = arith.mulf %gather3A_169, %gather3A_170 : vector<16xf32>
      %add3A_172 = arith.addf %add3A_166, %mul3A_171 : vector<16xf32>
      %broadcast_in_dim3A_173 = arith.constant 21 : i32
      %broadcast_in_dim3A_174 = vector.broadcast %broadcast_in_dim3A_173 : i32 to vector<16xi32>
      %gather3A_175 = tpu.vector_load_idx %arg9[%add3A_46, %broadcast_in_dim3A_174] : memref<256x64xf32, #tpu.memory_space<vmem>>[vector<16xi32>, vector<16xi32>], vector<16xf32>,
      %gather3A_176 = tpu.vector_load_idx %arg10[%add3A_46, %broadcast_in_dim3A_174] : memref<256x64xf32, #tpu.memory_space<vmem>>[vector<16xi32>, vector<16xi32>], vector<16xf32>,
      %mul3A_177 = arith.mulf %gather3A_175, %gather3A_176 : vector<16xf32>
      %add3A_178 = arith.addf %add3A_172, %mul3A_177 : vector<16xf32>
      %broadcast_in_dim3A_179 = arith.constant 22 : i32
      %broadcast_in_dim3A_180 = vector.broadcast %broadcast_in_dim3A_179 : i32 to vector<16xi32>
      %gather3A_181 = tpu.vector_load_idx %arg9[%add3A_46, %broadcast_in_dim3A_180] : memref<256x64xf32, #tpu.memory_space<vmem>>[vector<16xi32>, vector<16xi32>], vector<16xf32>,
      %gather3A_182 = tpu.vector_load_idx %arg10[%add3A_46, %broadcast_in_dim3A_180] : memref<256x64xf32, #tpu.memory_space<vmem>>[vector<16xi32>, vector<16xi32>], vector<16xf32>,
      %mul3A_183 = arith.mulf %gather3A_181, %gather3A_182 : vector<16xf32>
      %add3A_184 = arith.addf %add3A_178, %mul3A_183 : vector<16xf32>
      %broadcast_in_dim3A_185 = arith.constant 23 : i32
      %broadcast_in_dim3A_186 = vector.broadcast %broadcast_in_dim3A_185 : i32 to vector<16xi32>
      %gather3A_187 = tpu.vector_load_idx %arg9[%add3A_46, %broadcast_in_dim3A_186] : memref<256x64xf32, #tpu.memory_space<vmem>>[vector<16xi32>, vector<16xi32>], vector<16xf32>,
      %gather3A_188 = tpu.vector_load_idx %arg10[%add3A_46, %broadcast_in_dim3A_186] : memref<256x64xf32, #tpu.memory_space<vmem>>[vector<16xi32>, vector<16xi32>], vector<16xf32>,
      %mul3A_189 = arith.mulf %gather3A_187, %gather3A_188 : vector<16xf32>
      %add3A_190 = arith.addf %add3A_184, %mul3A_189 : vector<16xf32>
      %broadcast_in_dim3A_191 = arith.constant 24 : i32
      %broadcast_in_dim3A_192 = vector.broadcast %broadcast_in_dim3A_191 : i32 to vector<16xi32>
      %gather3A_193 = tpu.vector_load_idx %arg9[%add3A_46, %broadcast_in_dim3A_192] : memref<256x64xf32, #tpu.memory_space<vmem>>[vector<16xi32>, vector<16xi32>], vector<16xf32>,
      %gather3A_194 = tpu.vector_load_idx %arg10[%add3A_46, %broadcast_in_dim3A_192] : memref<256x64xf32, #tpu.memory_space<vmem>>[vector<16xi32>, vector<16xi32>], vector<16xf32>,
      %mul3A_195 = arith.mulf %gather3A_193, %gather3A_194 : vector<16xf32>
      %add3A_196 = arith.addf %add3A_190, %mul3A_195 : vector<16xf32>
      %broadcast_in_dim3A_197 = arith.constant 25 : i32
      %broadcast_in_dim3A_198 = vector.broadcast %broadcast_in_dim3A_197 : i32 to vector<16xi32>
      %gather3A_199 = tpu.vector_load_idx %arg9[%add3A_46, %broadcast_in_dim3A_198] : memref<256x64xf32, #tpu.memory_space<vmem>>[vector<16xi32>, vector<16xi32>], vector<16xf32>,
      %gather3A_200 = tpu.vector_load_idx %arg10[%add3A_46, %broadcast_in_dim3A_198] : memref<256x64xf32, #tpu.memory_space<vmem>>[vector<16xi32>, vector<16xi32>], vector<16xf32>,
      %mul3A_201 = arith.mulf %gather3A_199, %gather3A_200 : vector<16xf32>
      %add3A_202 = arith.addf %add3A_196, %mul3A_201 : vector<16xf32>
      %broadcast_in_dim3A_203 = arith.constant 26 : i32
      %broadcast_in_dim3A_204 = vector.broadcast %broadcast_in_dim3A_203 : i32 to vector<16xi32>
      %gather3A_205 = tpu.vector_load_idx %arg9[%add3A_46, %broadcast_in_dim3A_204] : memref<256x64xf32, #tpu.memory_space<vmem>>[vector<16xi32>, vector<16xi32>], vector<16xf32>,
      %gather3A_206 = tpu.vector_load_idx %arg10[%add3A_46, %broadcast_in_dim3A_204] : memref<256x64xf32, #tpu.memory_space<vmem>>[vector<16xi32>, vector<16xi32>], vector<16xf32>,
      %mul3A_207 = arith.mulf %gather3A_205, %gather3A_206 : vector<16xf32>
      %add3A_208 = arith.addf %add3A_202, %mul3A_207 : vector<16xf32>
      %broadcast_in_dim3A_209 = arith.constant 27 : i32
      %broadcast_in_dim3A_210 = vector.broadcast %broadcast_in_dim3A_209 : i32 to vector<16xi32>
      %gather3A_211 = tpu.vector_load_idx %arg9[%add3A_46, %broadcast_in_dim3A_210] : memref<256x64xf32, #tpu.memory_space<vmem>>[vector<16xi32>, vector<16xi32>], vector<16xf32>,
      %gather3A_212 = tpu.vector_load_idx %arg10[%add3A_46, %broadcast_in_dim3A_210] : memref<256x64xf32, #tpu.memory_space<vmem>>[vector<16xi32>, vector<16xi32>], vector<16xf32>,
      %mul3A_213 = arith.mulf %gather3A_211, %gather3A_212 : vector<16xf32>
      %add3A_214 = arith.addf %add3A_208, %mul3A_213 : vector<16xf32>
      %broadcast_in_dim3A_215 = arith.constant 28 : i32
      %broadcast_in_dim3A_216 = vector.broadcast %broadcast_in_dim3A_215 : i32 to vector<16xi32>
      %gather3A_217 = tpu.vector_load_idx %arg9[%add3A_46, %broadcast_in_dim3A_216] : memref<256x64xf32, #tpu.memory_space<vmem>>[vector<16xi32>, vector<16xi32>], vector<16xf32>,
      %gather3A_218 = tpu.vector_load_idx %arg10[%add3A_46, %broadcast_in_dim3A_216] : memref<256x64xf32, #tpu.memory_space<vmem>>[vector<16xi32>, vector<16xi32>], vector<16xf32>,
      %mul3A_219 = arith.mulf %gather3A_217, %gather3A_218 : vector<16xf32>
      %add3A_220 = arith.addf %add3A_214, %mul3A_219 : vector<16xf32>
      %broadcast_in_dim3A_221 = arith.constant 29 : i32
      %broadcast_in_dim3A_222 = vector.broadcast %broadcast_in_dim3A_221 : i32 to vector<16xi32>
      %gather3A_223 = tpu.vector_load_idx %arg9[%add3A_46, %broadcast_in_dim3A_222] : memref<256x64xf32, #tpu.memory_space<vmem>>[vector<16xi32>, vector<16xi32>], vector<16xf32>,
      %gather3A_224 = tpu.vector_load_idx %arg10[%add3A_46, %broadcast_in_dim3A_222] : memref<256x64xf32, #tpu.memory_space<vmem>>[vector<16xi32>, vector<16xi32>], vector<16xf32>,
      %mul3A_225 = arith.mulf %gather3A_223, %gather3A_224 : vector<16xf32>
      %add3A_226 = arith.addf %add3A_220, %mul3A_225 : vector<16xf32>
      %broadcast_in_dim3A_227 = arith.constant 30 : i32
      %broadcast_in_dim3A_228 = vector.broadcast %broadcast_in_dim3A_227 : i32 to vector<16xi32>
      %gather3A_229 = tpu.vector_load_idx %arg9[%add3A_46, %broadcast_in_dim3A_228] : memref<256x64xf32, #tpu.memory_space<vmem>>[vector<16xi32>, vector<16xi32>], vector<16xf32>,
      %gather3A_230 = tpu.vector_load_idx %arg10[%add3A_46, %broadcast_in_dim3A_228] : memref<256x64xf32, #tpu.memory_space<vmem>>[vector<16xi32>, vector<16xi32>], vector<16xf32>,
      %mul3A_231 = arith.mulf %gather3A_229, %gather3A_230 : vector<16xf32>
      %add3A_232 = arith.addf %add3A_226, %mul3A_231 : vector<16xf32>
      %broadcast_in_dim3A_233 = arith.constant 31 : i32
      %broadcast_in_dim3A_234 = vector.broadcast %broadcast_in_dim3A_233 : i32 to vector<16xi32>
      %gather3A_235 = tpu.vector_load_idx %arg9[%add3A_46, %broadcast_in_dim3A_234] : memref<256x64xf32, #tpu.memory_space<vmem>>[vector<16xi32>, vector<16xi32>], vector<16xf32>,
      %gather3A_236 = tpu.vector_load_idx %arg10[%add3A_46, %broadcast_in_dim3A_234] : memref<256x64xf32, #tpu.memory_space<vmem>>[vector<16xi32>, vector<16xi32>], vector<16xf32>,
      %mul3A_237 = arith.mulf %gather3A_235, %gather3A_236 : vector<16xf32>
      %add3A_238 = arith.addf %add3A_232, %mul3A_237 : vector<16xf32>
      %broadcast_in_dim3A_239 = arith.constant 32 : i32
      %broadcast_in_dim3A_240 = vector.broadcast %broadcast_in_dim3A_239 : i32 to vector<16xi32>
      %gather3A_241 = tpu.vector_load_idx %arg9[%add3A_46, %broadcast_in_dim3A_240] : memref<256x64xf32, #tpu.memory_space<vmem>>[vector<16xi32>, vector<16xi32>], vector<16xf32>,
      %gather3A_242 = tpu.vector_load_idx %arg10[%add3A_46, %broadcast_in_dim3A_240] : memref<256x64xf32, #tpu.memory_space<vmem>>[vector<16xi32>, vector<16xi32>], vector<16xf32>,
      %mul3A_243 = arith.mulf %gather3A_241, %gather3A_242 : vector<16xf32>
      %add3A_244 = arith.addf %add3A_238, %mul3A_243 : vector<16xf32>
      %broadcast_in_dim3A_245 = arith.constant 33 : i32
      %broadcast_in_dim3A_246 = vector.broadcast %broadcast_in_dim3A_245 : i32 to vector<16xi32>
      %gather3A_247 = tpu.vector_load_idx %arg9[%add3A_46, %broadcast_in_dim3A_246] : memref<256x64xf32, #tpu.memory_space<vmem>>[vector<16xi32>, vector<16xi32>], vector<16xf32>,
      %gather3A_248 = tpu.vector_load_idx %arg10[%add3A_46, %broadcast_in_dim3A_246] : memref<256x64xf32, #tpu.memory_space<vmem>>[vector<16xi32>, vector<16xi32>], vector<16xf32>,
      %mul3A_249 = arith.mulf %gather3A_247, %gather3A_248 : vector<16xf32>
      %add3A_250 = arith.addf %add3A_244, %mul3A_249 : vector<16xf32>
      %broadcast_in_dim3A_251 = arith.constant 34 : i32
      %broadcast_in_dim3A_252 = vector.broadcast %broadcast_in_dim3A_251 : i32 to vector<16xi32>
      %gather3A_253 = tpu.vector_load_idx %arg9[%add3A_46, %broadcast_in_dim3A_252] : memref<256x64xf32, #tpu.memory_space<vmem>>[vector<16xi32>, vector<16xi32>], vector<16xf32>,
      %gather3A_254 = tpu.vector_load_idx %arg10[%add3A_46, %broadcast_in_dim3A_252] : memref<256x64xf32, #tpu.memory_space<vmem>>[vector<16xi32>, vector<16xi32>], vector<16xf32>,
      %mul3A_255 = arith.mulf %gather3A_253, %gather3A_254 : vector<16xf32>
      %add3A_256 = arith.addf %add3A_250, %mul3A_255 : vector<16xf32>
      %broadcast_in_dim3A_257 = arith.constant 35 : i32
      %broadcast_in_dim3A_258 = vector.broadcast %broadcast_in_dim3A_257 : i32 to vector<16xi32>
      %gather3A_259 = tpu.vector_load_idx %arg9[%add3A_46, %broadcast_in_dim3A_258] : memref<256x64xf32, #tpu.memory_space<vmem>>[vector<16xi32>, vector<16xi32>], vector<16xf32>,
      %gather3A_260 = tpu.vector_load_idx %arg10[%add3A_46, %broadcast_in_dim3A_258] : memref<256x64xf32, #tpu.memory_space<vmem>>[vector<16xi32>, vector<16xi32>], vector<16xf32>,
      %mul3A_261 = arith.mulf %gather3A_259, %gather3A_260 : vector<16xf32>
      %add3A_262 = arith.addf %add3A_256, %mul3A_261 : vector<16xf32>
      %broadcast_in_dim3A_263 = arith.constant 36 : i32
      %broadcast_in_dim3A_264 = vector.broadcast %broadcast_in_dim3A_263 : i32 to vector<16xi32>
      %gather3A_265 = tpu.vector_load_idx %arg9[%add3A_46, %broadcast_in_dim3A_264] : memref<256x64xf32, #tpu.memory_space<vmem>>[vector<16xi32>, vector<16xi32>], vector<16xf32>,
      %gather3A_266 = tpu.vector_load_idx %arg10[%add3A_46, %broadcast_in_dim3A_264] : memref<256x64xf32, #tpu.memory_space<vmem>>[vector<16xi32>, vector<16xi32>], vector<16xf32>,
      %mul3A_267 = arith.mulf %gather3A_265, %gather3A_266 : vector<16xf32>
      %add3A_268 = arith.addf %add3A_262, %mul3A_267 : vector<16xf32>
      %broadcast_in_dim3A_269 = arith.constant 37 : i32
      %broadcast_in_dim3A_270 = vector.broadcast %broadcast_in_dim3A_269 : i32 to vector<16xi32>
      %gather3A_271 = tpu.vector_load_idx %arg9[%add3A_46, %broadcast_in_dim3A_270] : memref<256x64xf32, #tpu.memory_space<vmem>>[vector<16xi32>, vector<16xi32>], vector<16xf32>,
      %gather3A_272 = tpu.vector_load_idx %arg10[%add3A_46, %broadcast_in_dim3A_270] : memref<256x64xf32, #tpu.memory_space<vmem>>[vector<16xi32>, vector<16xi32>], vector<16xf32>,
      %mul3A_273 = arith.mulf %gather3A_271, %gather3A_272 : vector<16xf32>
      %add3A_274 = arith.addf %add3A_268, %mul3A_273 : vector<16xf32>
      %broadcast_in_dim3A_275 = arith.constant 38 : i32
      %broadcast_in_dim3A_276 = vector.broadcast %broadcast_in_dim3A_275 : i32 to vector<16xi32>
      %gather3A_277 = tpu.vector_load_idx %arg9[%add3A_46, %broadcast_in_dim3A_276] : memref<256x64xf32, #tpu.memory_space<vmem>>[vector<16xi32>, vector<16xi32>], vector<16xf32>,
      %gather3A_278 = tpu.vector_load_idx %arg10[%add3A_46, %broadcast_in_dim3A_276] : memref<256x64xf32, #tpu.memory_space<vmem>>[vector<16xi32>, vector<16xi32>], vector<16xf32>,
      %mul3A_279 = arith.mulf %gather3A_277, %gather3A_278 : vector<16xf32>
      %add3A_280 = arith.addf %add3A_274, %mul3A_279 : vector<16xf32>
      %broadcast_in_dim3A_281 = arith.constant 39 : i32
      %broadcast_in_dim3A_282 = vector.broadcast %broadcast_in_dim3A_281 : i32 to vector<16xi32>
      %gather3A_283 = tpu.vector_load_idx %arg9[%add3A_46, %broadcast_in_dim3A_282] : memref<256x64xf32, #tpu.memory_space<vmem>>[vector<16xi32>, vector<16xi32>], vector<16xf32>,
      %gather3A_284 = tpu.vector_load_idx %arg10[%add3A_46, %broadcast_in_dim3A_282] : memref<256x64xf32, #tpu.memory_space<vmem>>[vector<16xi32>, vector<16xi32>], vector<16xf32>,
      %mul3A_285 = arith.mulf %gather3A_283, %gather3A_284 : vector<16xf32>
      %add3A_286 = arith.addf %add3A_280, %mul3A_285 : vector<16xf32>
      %broadcast_in_dim3A_287 = arith.constant 40 : i32
      %broadcast_in_dim3A_288 = vector.broadcast %broadcast_in_dim3A_287 : i32 to vector<16xi32>
      %gather3A_289 = tpu.vector_load_idx %arg9[%add3A_46, %broadcast_in_dim3A_288] : memref<256x64xf32, #tpu.memory_space<vmem>>[vector<16xi32>, vector<16xi32>], vector<16xf32>,
      %gather3A_290 = tpu.vector_load_idx %arg10[%add3A_46, %broadcast_in_dim3A_288] : memref<256x64xf32, #tpu.memory_space<vmem>>[vector<16xi32>, vector<16xi32>], vector<16xf32>,
      %mul3A_291 = arith.mulf %gather3A_289, %gather3A_290 : vector<16xf32>
      %add3A_292 = arith.addf %add3A_286, %mul3A_291 : vector<16xf32>
      %broadcast_in_dim3A_293 = arith.constant 41 : i32
      %broadcast_in_dim3A_294 = vector.broadcast %broadcast_in_dim3A_293 : i32 to vector<16xi32>
      %gather3A_295 = tpu.vector_load_idx %arg9[%add3A_46, %broadcast_in_dim3A_294] : memref<256x64xf32, #tpu.memory_space<vmem>>[vector<16xi32>, vector<16xi32>], vector<16xf32>,
      %gather3A_296 = tpu.vector_load_idx %arg10[%add3A_46, %broadcast_in_dim3A_294] : memref<256x64xf32, #tpu.memory_space<vmem>>[vector<16xi32>, vector<16xi32>], vector<16xf32>,
      %mul3A_297 = arith.mulf %gather3A_295, %gather3A_296 : vector<16xf32>
      %add3A_298 = arith.addf %add3A_292, %mul3A_297 : vector<16xf32>
      %broadcast_in_dim3A_299 = arith.constant 42 : i32
      %broadcast_in_dim3A_300 = vector.broadcast %broadcast_in_dim3A_299 : i32 to vector<16xi32>
      %gather3A_301 = tpu.vector_load_idx %arg9[%add3A_46, %broadcast_in_dim3A_300] : memref<256x64xf32, #tpu.memory_space<vmem>>[vector<16xi32>, vector<16xi32>], vector<16xf32>,
      %gather3A_302 = tpu.vector_load_idx %arg10[%add3A_46, %broadcast_in_dim3A_300] : memref<256x64xf32, #tpu.memory_space<vmem>>[vector<16xi32>, vector<16xi32>], vector<16xf32>,
      %mul3A_303 = arith.mulf %gather3A_301, %gather3A_302 : vector<16xf32>
      %add3A_304 = arith.addf %add3A_298, %mul3A_303 : vector<16xf32>
      %broadcast_in_dim3A_305 = arith.constant 43 : i32
      %broadcast_in_dim3A_306 = vector.broadcast %broadcast_in_dim3A_305 : i32 to vector<16xi32>
      %gather3A_307 = tpu.vector_load_idx %arg9[%add3A_46, %broadcast_in_dim3A_306] : memref<256x64xf32, #tpu.memory_space<vmem>>[vector<16xi32>, vector<16xi32>], vector<16xf32>,
      %gather3A_308 = tpu.vector_load_idx %arg10[%add3A_46, %broadcast_in_dim3A_306] : memref<256x64xf32, #tpu.memory_space<vmem>>[vector<16xi32>, vector<16xi32>], vector<16xf32>,
      %mul3A_309 = arith.mulf %gather3A_307, %gather3A_308 : vector<16xf32>
      %add3A_310 = arith.addf %add3A_304, %mul3A_309 : vector<16xf32>
      %broadcast_in_dim3A_311 = arith.constant 44 : i32
      %broadcast_in_dim3A_312 = vector.broadcast %broadcast_in_dim3A_311 : i32 to vector<16xi32>
      %gather3A_313 = tpu.vector_load_idx %arg9[%add3A_46, %broadcast_in_dim3A_312] : memref<256x64xf32, #tpu.memory_space<vmem>>[vector<16xi32>, vector<16xi32>], vector<16xf32>,
      %gather3A_314 = tpu.vector_load_idx %arg10[%add3A_46, %broadcast_in_dim3A_312] : memref<256x64xf32, #tpu.memory_space<vmem>>[vector<16xi32>, vector<16xi32>], vector<16xf32>,
      %mul3A_315 = arith.mulf %gather3A_313, %gather3A_314 : vector<16xf32>
      %add3A_316 = arith.addf %add3A_310, %mul3A_315 : vector<16xf32>
      %broadcast_in_dim3A_317 = arith.constant 45 : i32
      %broadcast_in_dim3A_318 = vector.broadcast %broadcast_in_dim3A_317 : i32 to vector<16xi32>
      %gather3A_319 = tpu.vector_load_idx %arg9[%add3A_46, %broadcast_in_dim3A_318] : memref<256x64xf32, #tpu.memory_space<vmem>>[vector<16xi32>, vector<16xi32>], vector<16xf32>,
      %gather3A_320 = tpu.vector_load_idx %arg10[%add3A_46, %broadcast_in_dim3A_318] : memref<256x64xf32, #tpu.memory_space<vmem>>[vector<16xi32>, vector<16xi32>], vector<16xf32>,
      %mul3A_321 = arith.mulf %gather3A_319, %gather3A_320 : vector<16xf32>
      %add3A_322 = arith.addf %add3A_316, %mul3A_321 : vector<16xf32>
      %broadcast_in_dim3A_323 = arith.constant 46 : i32
      %broadcast_in_dim3A_324 = vector.broadcast %broadcast_in_dim3A_323 : i32 to vector<16xi32>
      %gather3A_325 = tpu.vector_load_idx %arg9[%add3A_46, %broadcast_in_dim3A_324] : memref<256x64xf32, #tpu.memory_space<vmem>>[vector<16xi32>, vector<16xi32>], vector<16xf32>,
      %gather3A_326 = tpu.vector_load_idx %arg10[%add3A_46, %broadcast_in_dim3A_324] : memref<256x64xf32, #tpu.memory_space<vmem>>[vector<16xi32>, vector<16xi32>], vector<16xf32>,
      %mul3A_327 = arith.mulf %gather3A_325, %gather3A_326 : vector<16xf32>
      %add3A_328 = arith.addf %add3A_322, %mul3A_327 : vector<16xf32>
      %broadcast_in_dim3A_329 = arith.constant 47 : i32
      %broadcast_in_dim3A_330 = vector.broadcast %broadcast_in_dim3A_329 : i32 to vector<16xi32>
      %gather3A_331 = tpu.vector_load_idx %arg9[%add3A_46, %broadcast_in_dim3A_330] : memref<256x64xf32, #tpu.memory_space<vmem>>[vector<16xi32>, vector<16xi32>], vector<16xf32>,
      %gather3A_332 = tpu.vector_load_idx %arg10[%add3A_46, %broadcast_in_dim3A_330] : memref<256x64xf32, #tpu.memory_space<vmem>>[vector<16xi32>, vector<16xi32>], vector<16xf32>,
      %mul3A_333 = arith.mulf %gather3A_331, %gather3A_332 : vector<16xf32>
      %add3A_334 = arith.addf %add3A_328, %mul3A_333 : vector<16xf32>
      %broadcast_in_dim3A_335 = arith.constant 48 : i32
      %broadcast_in_dim3A_336 = vector.broadcast %broadcast_in_dim3A_335 : i32 to vector<16xi32>
      %gather3A_337 = tpu.vector_load_idx %arg9[%add3A_46, %broadcast_in_dim3A_336] : memref<256x64xf32, #tpu.memory_space<vmem>>[vector<16xi32>, vector<16xi32>], vector<16xf32>,
      %gather3A_338 = tpu.vector_load_idx %arg10[%add3A_46, %broadcast_in_dim3A_336] : memref<256x64xf32, #tpu.memory_space<vmem>>[vector<16xi32>, vector<16xi32>], vector<16xf32>,
      %mul3A_339 = arith.mulf %gather3A_337, %gather3A_338 : vector<16xf32>
      %add3A_340 = arith.addf %add3A_334, %mul3A_339 : vector<16xf32>
      %broadcast_in_dim3A_341 = arith.constant 49 : i32
      %broadcast_in_dim3A_342 = vector.broadcast %broadcast_in_dim3A_341 : i32 to vector<16xi32>
      %gather3A_343 = tpu.vector_load_idx %arg9[%add3A_46, %broadcast_in_dim3A_342] : memref<256x64xf32, #tpu.memory_space<vmem>>[vector<16xi32>, vector<16xi32>], vector<16xf32>,
      %gather3A_344 = tpu.vector_load_idx %arg10[%add3A_46, %broadcast_in_dim3A_342] : memref<256x64xf32, #tpu.memory_space<vmem>>[vector<16xi32>, vector<16xi32>], vector<16xf32>,
      %mul3A_345 = arith.mulf %gather3A_343, %gather3A_344 : vector<16xf32>
      %add3A_346 = arith.addf %add3A_340, %mul3A_345 : vector<16xf32>
      %broadcast_in_dim3A_347 = arith.constant 50 : i32
      %broadcast_in_dim3A_348 = vector.broadcast %broadcast_in_dim3A_347 : i32 to vector<16xi32>
      %gather3A_349 = tpu.vector_load_idx %arg9[%add3A_46, %broadcast_in_dim3A_348] : memref<256x64xf32, #tpu.memory_space<vmem>>[vector<16xi32>, vector<16xi32>], vector<16xf32>,
      %gather3A_350 = tpu.vector_load_idx %arg10[%add3A_46, %broadcast_in_dim3A_348] : memref<256x64xf32, #tpu.memory_space<vmem>>[vector<16xi32>, vector<16xi32>], vector<16xf32>,
      %mul3A_351 = arith.mulf %gather3A_349, %gather3A_350 : vector<16xf32>
      %add3A_352 = arith.addf %add3A_346, %mul3A_351 : vector<16xf32>
      %broadcast_in_dim3A_353 = arith.constant 51 : i32
      %broadcast_in_dim3A_354 = vector.broadcast %broadcast_in_dim3A_353 : i32 to vector<16xi32>
      %gather3A_355 = tpu.vector_load_idx %arg9[%add3A_46, %broadcast_in_dim3A_354] : memref<256x64xf32, #tpu.memory_space<vmem>>[vector<16xi32>, vector<16xi32>], vector<16xf32>,
      %gather3A_356 = tpu.vector_load_idx %arg10[%add3A_46, %broadcast_in_dim3A_354] : memref<256x64xf32, #tpu.memory_space<vmem>>[vector<16xi32>, vector<16xi32>], vector<16xf32>,
      %mul3A_357 = arith.mulf %gather3A_355, %gather3A_356 : vector<16xf32>
      %add3A_358 = arith.addf %add3A_352, %mul3A_357 : vector<16xf32>
      %broadcast_in_dim3A_359 = arith.constant 52 : i32
      %broadcast_in_dim3A_360 = vector.broadcast %broadcast_in_dim3A_359 : i32 to vector<16xi32>
      %gather3A_361 = tpu.vector_load_idx %arg9[%add3A_46, %broadcast_in_dim3A_360] : memref<256x64xf32, #tpu.memory_space<vmem>>[vector<16xi32>, vector<16xi32>], vector<16xf32>,
      %gather3A_362 = tpu.vector_load_idx %arg10[%add3A_46, %broadcast_in_dim3A_360] : memref<256x64xf32, #tpu.memory_space<vmem>>[vector<16xi32>, vector<16xi32>], vector<16xf32>,
      %mul3A_363 = arith.mulf %gather3A_361, %gather3A_362 : vector<16xf32>
      %add3A_364 = arith.addf %add3A_358, %mul3A_363 : vector<16xf32>
      %broadcast_in_dim3A_365 = arith.constant 53 : i32
      %broadcast_in_dim3A_366 = vector.broadcast %broadcast_in_dim3A_365 : i32 to vector<16xi32>
      %gather3A_367 = tpu.vector_load_idx %arg9[%add3A_46, %broadcast_in_dim3A_366] : memref<256x64xf32, #tpu.memory_space<vmem>>[vector<16xi32>, vector<16xi32>], vector<16xf32>,
      %gather3A_368 = tpu.vector_load_idx %arg10[%add3A_46, %broadcast_in_dim3A_366] : memref<256x64xf32, #tpu.memory_space<vmem>>[vector<16xi32>, vector<16xi32>], vector<16xf32>,
      %mul3A_369 = arith.mulf %gather3A_367, %gather3A_368 : vector<16xf32>
      %add3A_370 = arith.addf %add3A_364, %mul3A_369 : vector<16xf32>
      %broadcast_in_dim3A_371 = arith.constant 54 : i32
      %broadcast_in_dim3A_372 = vector.broadcast %broadcast_in_dim3A_371 : i32 to vector<16xi32>
      %gather3A_373 = tpu.vector_load_idx %arg9[%add3A_46, %broadcast_in_dim3A_372] : memref<256x64xf32, #tpu.memory_space<vmem>>[vector<16xi32>, vector<16xi32>], vector<16xf32>,
      %gather3A_374 = tpu.vector_load_idx %arg10[%add3A_46, %broadcast_in_dim3A_372] : memref<256x64xf32, #tpu.memory_space<vmem>>[vector<16xi32>, vector<16xi32>], vector<16xf32>,
      %mul3A_375 = arith.mulf %gather3A_373, %gather3A_374 : vector<16xf32>
      %add3A_376 = arith.addf %add3A_370, %mul3A_375 : vector<16xf32>
      %broadcast_in_dim3A_377 = arith.constant 55 : i32
      %broadcast_in_dim3A_378 = vector.broadcast %broadcast_in_dim3A_377 : i32 to vector<16xi32>
      %gather3A_379 = tpu.vector_load_idx %arg9[%add3A_46, %broadcast_in_dim3A_378] : memref<256x64xf32, #tpu.memory_space<vmem>>[vector<16xi32>, vector<16xi32>], vector<16xf32>,
      %gather3A_380 = tpu.vector_load_idx %arg10[%add3A_46, %broadcast_in_dim3A_378] : memref<256x64xf32, #tpu.memory_space<vmem>>[vector<16xi32>, vector<16xi32>], vector<16xf32>,
      %mul3A_381 = arith.mulf %gather3A_379, %gather3A_380 : vector<16xf32>
      %add3A_382 = arith.addf %add3A_376, %mul3A_381 : vector<16xf32>
      %broadcast_in_dim3A_383 = arith.constant 56 : i32
      %broadcast_in_dim3A_384 = vector.broadcast %broadcast_in_dim3A_383 : i32 to vector<16xi32>
      %gather3A_385 = tpu.vector_load_idx %arg9[%add3A_46, %broadcast_in_dim3A_384] : memref<256x64xf32, #tpu.memory_space<vmem>>[vector<16xi32>, vector<16xi32>], vector<16xf32>,
      %gather3A_386 = tpu.vector_load_idx %arg10[%add3A_46, %broadcast_in_dim3A_384] : memref<256x64xf32, #tpu.memory_space<vmem>>[vector<16xi32>, vector<16xi32>], vector<16xf32>,
      %mul3A_387 = arith.mulf %gather3A_385, %gather3A_386 : vector<16xf32>
      %add3A_388 = arith.addf %add3A_382, %mul3A_387 : vector<16xf32>
      %broadcast_in_dim3A_389 = arith.constant 57 : i32
      %broadcast_in_dim3A_390 = vector.broadcast %broadcast_in_dim3A_389 : i32 to vector<16xi32>
      %gather3A_391 = tpu.vector_load_idx %arg9[%add3A_46, %broadcast_in_dim3A_390] : memref<256x64xf32, #tpu.memory_space<vmem>>[vector<16xi32>, vector<16xi32>], vector<16xf32>,
      %gather3A_392 = tpu.vector_load_idx %arg10[%add3A_46, %broadcast_in_dim3A_390] : memref<256x64xf32, #tpu.memory_space<vmem>>[vector<16xi32>, vector<16xi32>], vector<16xf32>,
      %mul3A_393 = arith.mulf %gather3A_391, %gather3A_392 : vector<16xf32>
      %add3A_394 = arith.addf %add3A_388, %mul3A_393 : vector<16xf32>
      %broadcast_in_dim3A_395 = arith.constant 58 : i32
      %broadcast_in_dim3A_396 = vector.broadcast %broadcast_in_dim3A_395 : i32 to vector<16xi32>
      %gather3A_397 = tpu.vector_load_idx %arg9[%add3A_46, %broadcast_in_dim3A_396] : memref<256x64xf32, #tpu.memory_space<vmem>>[vector<16xi32>, vector<16xi32>], vector<16xf32>,
      %gather3A_398 = tpu.vector_load_idx %arg10[%add3A_46, %broadcast_in_dim3A_396] : memref<256x64xf32, #tpu.memory_space<vmem>>[vector<16xi32>, vector<16xi32>], vector<16xf32>,
      %mul3A_399 = arith.mulf %gather3A_397, %gather3A_398 : vector<16xf32>
      %add3A_400 = arith.addf %add3A_394, %mul3A_399 : vector<16xf32>
      %broadcast_in_dim3A_401 = arith.constant 59 : i32
      %broadcast_in_dim3A_402 = vector.broadcast %broadcast_in_dim3A_401 : i32 to vector<16xi32>
      %gather3A_403 = tpu.vector_load_idx %arg9[%add3A_46, %broadcast_in_dim3A_402] : memref<256x64xf32, #tpu.memory_space<vmem>>[vector<16xi32>, vector<16xi32>], vector<16xf32>,
      %gather3A_404 = tpu.vector_load_idx %arg10[%add3A_46, %broadcast_in_dim3A_402] : memref<256x64xf32, #tpu.memory_space<vmem>>[vector<16xi32>, vector<16xi32>], vector<16xf32>,
      %mul3A_405 = arith.mulf %gather3A_403, %gather3A_404 : vector<16xf32>
      %add3A_406 = arith.addf %add3A_400, %mul3A_405 : vector<16xf32>
      %broadcast_in_dim3A_407 = arith.constant 60 : i32
      %broadcast_in_dim3A_408 = vector.broadcast %broadcast_in_dim3A_407 : i32 to vector<16xi32>
      %gather3A_409 = tpu.vector_load_idx %arg9[%add3A_46, %broadcast_in_dim3A_408] : memref<256x64xf32, #tpu.memory_space<vmem>>[vector<16xi32>, vector<16xi32>], vector<16xf32>,
      %gather3A_410 = tpu.vector_load_idx %arg10[%add3A_46, %broadcast_in_dim3A_408] : memref<256x64xf32, #tpu.memory_space<vmem>>[vector<16xi32>, vector<16xi32>], vector<16xf32>,
      %mul3A_411 = arith.mulf %gather3A_409, %gather3A_410 : vector<16xf32>
      %add3A_412 = arith.addf %add3A_406, %mul3A_411 : vector<16xf32>
      %broadcast_in_dim3A_413 = arith.constant 61 : i32
      %broadcast_in_dim3A_414 = vector.broadcast %broadcast_in_dim3A_413 : i32 to vector<16xi32>
      %gather3A_415 = tpu.vector_load_idx %arg9[%add3A_46, %broadcast_in_dim3A_414] : memref<256x64xf32, #tpu.memory_space<vmem>>[vector<16xi32>, vector<16xi32>], vector<16xf32>,
      %gather3A_416 = tpu.vector_load_idx %arg10[%add3A_46, %broadcast_in_dim3A_414] : memref<256x64xf32, #tpu.memory_space<vmem>>[vector<16xi32>, vector<16xi32>], vector<16xf32>,
      %mul3A_417 = arith.mulf %gather3A_415, %gather3A_416 : vector<16xf32>
      %add3A_418 = arith.addf %add3A_412, %mul3A_417 : vector<16xf32>
      %broadcast_in_dim3A_419 = arith.constant 62 : i32
      %broadcast_in_dim3A_420 = vector.broadcast %broadcast_in_dim3A_419 : i32 to vector<16xi32>
      %gather3A_421 = tpu.vector_load_idx %arg9[%add3A_46, %broadcast_in_dim3A_420] : memref<256x64xf32, #tpu.memory_space<vmem>>[vector<16xi32>, vector<16xi32>], vector<16xf32>,
      %gather3A_422 = tpu.vector_load_idx %arg10[%add3A_46, %broadcast_in_dim3A_420] : memref<256x64xf32, #tpu.memory_space<vmem>>[vector<16xi32>, vector<16xi32>], vector<16xf32>,
      %mul3A_423 = arith.mulf %gather3A_421, %gather3A_422 : vector<16xf32>
      %add3A_424 = arith.addf %add3A_418, %mul3A_423 : vector<16xf32>
      %broadcast_in_dim3A_425 = arith.constant 63 : i32
      %broadcast_in_dim3A_426 = vector.broadcast %broadcast_in_dim3A_425 : i32 to vector<16xi32>
      %gather3A_427 = tpu.vector_load_idx %arg9[%add3A_46, %broadcast_in_dim3A_426] : memref<256x64xf32, #tpu.memory_space<vmem>>[vector<16xi32>, vector<16xi32>], vector<16xf32>,
      %gather3A_428 = tpu.vector_load_idx %arg10[%add3A_46, %broadcast_in_dim3A_426] : memref<256x64xf32, #tpu.memory_space<vmem>>[vector<16xi32>, vector<16xi32>], vector<16xf32>,
      %mul3A_429 = arith.mulf %gather3A_427, %gather3A_428 : vector<16xf32>
      %add3A_430 = arith.addf %add3A_424, %mul3A_429 : vector<16xf32>
      %swap3A = arith.index_cast %mul3A_44 : i32 to index
      %swap3A_431 = tpu.vector_load %arg11[%swap3A] {strides = array<i32>} : memref<256xf32, #tpu.memory_space<vmem>>, vector<16xf32>,
      tpu.vector_store %arg11[%swap3A], %add3A_430 {strides = array<i32>} : memref<256xf32, #tpu.memory_space<vmem>>, vector<16xf32>,
    }
    %scan3A_19 = arith.constant 16 : i32
    %add3A_20 = arith.constant 0 : i32
    %add3A_21 = arith.addi %mul3A_2, %add3A_20 : i32
    "tpu.region"() ({
      %run_scoped3A = tpu.sem_alloc : memref<!tpu.dma_semaphore, #tpu.memory_space<semaphore_mem>>
      %dma_start3A = tpu.memref_slice %arg6[%add3A_21] : memref<16384xf32, #tpu.memory_space<hbm>> -> memref<256xf32, #tpu.memory_space<hbm>>
      %dma_start3A_42 = tpu.memref_slice %arg6[%add3A_21] : memref<16384xf32, #tpu.memory_space<hbm>> -> memref<256xf32, #tpu.memory_space<hbm>>
      tpu.enqueue_dma source(%arg11 : memref<256xf32, #tpu.memory_space<vmem>>) target(%dma_start3A_42 : memref<256xf32, #tpu.memory_space<hbm>>) target_semaphore(%run_scoped3A : memref<!tpu.dma_semaphore, #tpu.memory_space<semaphore_mem>>)
      %dma_wait3A = tpu.memref_slice %arg6[%add3A_21] : memref<16384xf32, #tpu.memory_space<hbm>> -> memref<256xf32, #tpu.memory_space<hbm>>
      %dma_wait3A_43 = tpu.memref_slice %arg6[%add3A_21] : memref<16384xf32, #tpu.memory_space<hbm>> -> memref<256xf32, #tpu.memory_space<hbm>>
      tpu.wait_dma2 semaphore(%run_scoped3A : memref<!tpu.dma_semaphore, #tpu.memory_space<semaphore_mem>>) src(%arg11 : memref<256xf32, #tpu.memory_space<vmem>>) dst(%dma_wait3A_43 : memref<256xf32, #tpu.memory_space<hbm>>)
      tpu.yield
    }) : () -> ()
    %scan3A_22 = arith.constant 0 : i32
    %scan3A_23 = arith.constant 0 : i32
    %scan3A_24 = arith.constant 16 : i32
    %scan3A_25 = arith.addi %scan3A_23, %scan3A_24 : i32
    %scan3A_26 = arith.constant 1 : i32
    scf.for %scan3A_42 = %scan3A_23 to %scan3A_25 step %scan3A_26  : i32 {
      %mul3A_43 = arith.constant 16 : i32
      %mul3A_44 = arith.muli %scan3A_42, %mul3A_43 : i32
      %add3A_45 = arith.constant 256 : i32
      %add3A_46 = arith.addi %add3A_45, %mul3A_44 : i32
      %get3A = arith.index_cast %add3A_46 : i32 to index
      %get3A_47 = tpu.vector_load %arg7[%get3A] {strides = array<i32>} : memref<512xi32, #tpu.memory_space<vmem>>, vector<16xi32>,
      %mul3A_48 = arith.constant 16 : i32
      %mul3A_49 = arith.muli %scan3A_42, %mul3A_48 : i32
      %add3A_50 = arith.constant 256 : i32
      %add3A_51 = arith.addi %add3A_50, %mul3A_49 : i32
      %get3A_52 = arith.index_cast %add3A_51 : i32 to index
      %get3A_53 = tpu.vector_load %arg8[%get3A_52] {strides = array<i32>} : memref<512xi32, #tpu.memory_space<vmem>>, vector<16xi32>,
      %slice3A = vector.extract_strided_slice %get3A_47 {offsets = [0], sizes = [1], strides = [1]} : vector<16xi32> to vector<1xi32>
      %squeeze3A = vector.extract %slice3A[0] : i32 from vector<1xi32>
      %mul3A_54 = arith.constant 16 : i32
      %mul3A_55 = arith.muli %scan3A_42, %mul3A_54 : i32
      %add3A_56 = arith.constant 0 : i32
      %add3A_57 = arith.addi %mul3A_55, %add3A_56 : i32
      %dma_start3A = arith.constant 0 : i32
      %dma_start3A_58 = tpu.memref_slice %arg9[%add3A_57, %dma_start3A] : memref<256x64xf32, #tpu.memory_space<vmem>> -> memref<1x64xf32, #tpu.memory_space<vmem>>
      %dma_start3A_59 = tpu.memref_squeeze %dma_start3A_58 : memref<1x64xf32, #tpu.memory_space<vmem>> -> memref<64xf32, #tpu.memory_space<vmem>>
      %dma_start3A_60 = arith.constant 0 : i32
      %dma_start3A_61 = tpu.memref_slice %arg4[%squeeze3A, %dma_start3A_60] : memref<1000000x64xf32, #tpu.memory_space<hbm>> -> memref<1x64xf32, #tpu.memory_space<hbm>>
      %dma_start3A_62 = tpu.memref_squeeze %dma_start3A_61 : memref<1x64xf32, #tpu.memory_space<hbm>> -> memref<64xf32, #tpu.memory_space<hbm>>
      %dma_start3A_63 = arith.constant 0 : i32
      %dma_start3A_64 = tpu.memref_slice %arg9[%add3A_57, %dma_start3A_63] : memref<256x64xf32, #tpu.memory_space<vmem>> -> memref<1x64xf32, #tpu.memory_space<vmem>>
      %dma_start3A_65 = tpu.memref_squeeze %dma_start3A_64 : memref<1x64xf32, #tpu.memory_space<vmem>> -> memref<64xf32, #tpu.memory_space<vmem>>
      %dma_start3A_66 = arith.constant 0 : i32
      %dma_start3A_67 = tpu.memref_slice %arg4[%squeeze3A, %dma_start3A_66] : memref<1000000x64xf32, #tpu.memory_space<hbm>> -> memref<1x64xf32, #tpu.memory_space<hbm>>
      %dma_start3A_68 = tpu.memref_squeeze %dma_start3A_67 : memref<1x64xf32, #tpu.memory_space<hbm>> -> memref<64xf32, #tpu.memory_space<hbm>>
      tpu.enqueue_dma source(%dma_start3A_68 : memref<64xf32, #tpu.memory_space<hbm>>) target(%dma_start3A_65 : memref<64xf32, #tpu.memory_space<vmem>>) target_semaphore(%arg12 : memref<!tpu.dma_semaphore, #tpu.memory_space<semaphore_mem>>)
      %slice3A_69 = vector.extract_strided_slice %get3A_53 {offsets = [0], sizes = [1], strides = [1]} : vector<16xi32> to vector<1xi32>
      %squeeze3A_70 = vector.extract %slice3A_69[0] : i32 from vector<1xi32>
      %mul3A_71 = arith.constant 16 : i32
      %mul3A_72 = arith.muli %scan3A_42, %mul3A_71 : i32
      %add3A_73 = arith.constant 0 : i32
      %add3A_74 = arith.addi %mul3A_72, %add3A_73 : i32
      %dma_start3A_75 = arith.constant 0 : i32
      %dma_start3A_76 = tpu.memref_slice %arg10[%add3A_74, %dma_start3A_75] : memref<256x64xf32, #tpu.memory_space<vmem>> -> memref<1x64xf32, #tpu.memory_space<vmem>>
      %dma_start3A_77 = tpu.memref_squeeze %dma_start3A_76 : memref<1x64xf32, #tpu.memory_space<vmem>> -> memref<64xf32, #tpu.memory_space<vmem>>
      %dma_start3A_78 = arith.constant 0 : i32
      %dma_start3A_79 = tpu.memref_slice %arg5[%squeeze3A_70, %dma_start3A_78] : memref<1000000x64xf32, #tpu.memory_space<hbm>> -> memref<1x64xf32, #tpu.memory_space<hbm>>
      %dma_start3A_80 = tpu.memref_squeeze %dma_start3A_79 : memref<1x64xf32, #tpu.memory_space<hbm>> -> memref<64xf32, #tpu.memory_space<hbm>>
      %dma_start3A_81 = arith.constant 0 : i32
      %dma_start3A_82 = tpu.memref_slice %arg10[%add3A_74, %dma_start3A_81] : memref<256x64xf32, #tpu.memory_space<vmem>> -> memref<1x64xf32, #tpu.memory_space<vmem>>
      %dma_start3A_83 = tpu.memref_squeeze %dma_start3A_82 : memref<1x64xf32, #tpu.memory_space<vmem>> -> memref<64xf32, #tpu.memory_space<vmem>>
      %dma_start3A_84 = arith.constant 0 : i32
      %dma_start3A_85 = tpu.memref_slice %arg5[%squeeze3A_70, %dma_start3A_84] : memref<1000000x64xf32, #tpu.memory_space<hbm>> -> memref<1x64xf32, #tpu.memory_space<hbm>>
      %dma_start3A_86 = tpu.memref_squeeze %dma_start3A_85 : memref<1x64xf32, #tpu.memory_space<hbm>> -> memref<64xf32, #tpu.memory_space<hbm>>
      tpu.enqueue_dma source(%dma_start3A_86 : memref<64xf32, #tpu.memory_space<hbm>>) target(%dma_start3A_83 : memref<64xf32, #tpu.memory_space<vmem>>) target_semaphore(%arg12 : memref<!tpu.dma_semaphore, #tpu.memory_space<semaphore_mem>>)
      %slice3A_87 = vector.extract_strided_slice %get3A_47 {offsets = [1], sizes = [1], strides = [1]} : vector<16xi32> to vector<1xi32>
      %squeeze3A_88 = vector.extract %slice3A_87[0] : i32 from vector<1xi32>
      %mul3A_89 = arith.constant 16 : i32
      %mul3A_90 = arith.muli %scan3A_42, %mul3A_89 : i32
      %add3A_91 = arith.constant 1 : i32
      %add3A_92 = arith.addi %mul3A_90, %add3A_91 : i32
      %dma_start3A_93 = arith.constant 0 : i32
      %dma_start3A_94 = tpu.memref_slice %arg9[%add3A_92, %dma_start3A_93] : memref<256x64xf32, #tpu.memory_space<vmem>> -> memref<1x64xf32, #tpu.memory_space<vmem>>
      %dma_start3A_95 = tpu.memref_squeeze %dma_start3A_94 : memref<1x64xf32, #tpu.memory_space<vmem>> -> memref<64xf32, #tpu.memory_space<vmem>>
      %dma_start3A_96 = arith.constant 0 : i32
      %dma_start3A_97 = tpu.memref_slice %arg4[%squeeze3A_88, %dma_start3A_96] : memref<1000000x64xf32, #tpu.memory_space<hbm>> -> memref<1x64xf32, #tpu.memory_space<hbm>>
      %dma_start3A_98 = tpu.memref_squeeze %dma_start3A_97 : memref<1x64xf32, #tpu.memory_space<hbm>> -> memref<64xf32, #tpu.memory_space<hbm>>
      %dma_start3A_99 = arith.constant 0 : i32
      %dma_start3A_100 = tpu.memref_slice %arg9[%add3A_92, %dma_start3A_99] : memref<256x64xf32, #tpu.memory_space<vmem>> -> memref<1x64xf32, #tpu.memory_space<vmem>>
      %dma_start3A_101 = tpu.memref_squeeze %dma_start3A_100 : memref<1x64xf32, #tpu.memory_space<vmem>> -> memref<64xf32, #tpu.memory_space<vmem>>
      %dma_start3A_102 = arith.constant 0 : i32
      %dma_start3A_103 = tpu.memref_slice %arg4[%squeeze3A_88, %dma_start3A_102] : memref<1000000x64xf32, #tpu.memory_space<hbm>> -> memref<1x64xf32, #tpu.memory_space<hbm>>
      %dma_start3A_104 = tpu.memref_squeeze %dma_start3A_103 : memref<1x64xf32, #tpu.memory_space<hbm>> -> memref<64xf32, #tpu.memory_space<hbm>>
      tpu.enqueue_dma source(%dma_start3A_104 : memref<64xf32, #tpu.memory_space<hbm>>) target(%dma_start3A_101 : memref<64xf32, #tpu.memory_space<vmem>>) target_semaphore(%arg12 : memref<!tpu.dma_semaphore, #tpu.memory_space<semaphore_mem>>)
      %slice3A_105 = vector.extract_strided_slice %get3A_53 {offsets = [1], sizes = [1], strides = [1]} : vector<16xi32> to vector<1xi32>
      %squeeze3A_106 = vector.extract %slice3A_105[0] : i32 from vector<1xi32>
      %mul3A_107 = arith.constant 16 : i32
      %mul3A_108 = arith.muli %scan3A_42, %mul3A_107 : i32
      %add3A_109 = arith.constant 1 : i32
      %add3A_110 = arith.addi %mul3A_108, %add3A_109 : i32
      %dma_start3A_111 = arith.constant 0 : i32
      %dma_start3A_112 = tpu.memref_slice %arg10[%add3A_110, %dma_start3A_111] : memref<256x64xf32, #tpu.memory_space<vmem>> -> memref<1x64xf32, #tpu.memory_space<vmem>>
      %dma_start3A_113 = tpu.memref_squeeze %dma_start3A_112 : memref<1x64xf32, #tpu.memory_space<vmem>> -> memref<64xf32, #tpu.memory_space<vmem>>
      %dma_start3A_114 = arith.constant 0 : i32
      %dma_start3A_115 = tpu.memref_slice %arg5[%squeeze3A_106, %dma_start3A_114] : memref<1000000x64xf32, #tpu.memory_space<hbm>> -> memref<1x64xf32, #tpu.memory_space<hbm>>
      %dma_start3A_116 = tpu.memref_squeeze %dma_start3A_115 : memref<1x64xf32, #tpu.memory_space<hbm>> -> memref<64xf32, #tpu.memory_space<hbm>>
      %dma_start3A_117 = arith.constant 0 : i32
      %dma_start3A_118 = tpu.memref_slice %arg10[%add3A_110, %dma_start3A_117] : memref<256x64xf32, #tpu.memory_space<vmem>> -> memref<1x64xf32, #tpu.memory_space<vmem>>
      %dma_start3A_119 = tpu.memref_squeeze %dma_start3A_118 : memref<1x64xf32, #tpu.memory_space<vmem>> -> memref<64xf32, #tpu.memory_space<vmem>>
      %dma_start3A_120 = arith.constant 0 : i32
      %dma_start3A_121 = tpu.memref_slice %arg5[%squeeze3A_106, %dma_start3A_120] : memref<1000000x64xf32, #tpu.memory_space<hbm>> -> memref<1x64xf32, #tpu.memory_space<hbm>>
      %dma_start3A_122 = tpu.memref_squeeze %dma_start3A_121 : memref<1x64xf32, #tpu.memory_space<hbm>> -> memref<64xf32, #tpu.memory_space<hbm>>
      tpu.enqueue_dma source(%dma_start3A_122 : memref<64xf32, #tpu.memory_space<hbm>>) target(%dma_start3A_119 : memref<64xf32, #tpu.memory_space<vmem>>) target_semaphore(%arg12 : memref<!tpu.dma_semaphore, #tpu.memory_space<semaphore_mem>>)
      %slice3A_123 = vector.extract_strided_slice %get3A_47 {offsets = [2], sizes = [1], strides = [1]} : vector<16xi32> to vector<1xi32>
      %squeeze3A_124 = vector.extract %slice3A_123[0] : i32 from vector<1xi32>
      %mul3A_125 = arith.constant 16 : i32
      %mul3A_126 = arith.muli %scan3A_42, %mul3A_125 : i32
      %add3A_127 = arith.constant 2 : i32
      %add3A_128 = arith.addi %mul3A_126, %add3A_127 : i32
      %dma_start3A_129 = arith.constant 0 : i32
      %dma_start3A_130 = tpu.memref_slice %arg9[%add3A_128, %dma_start3A_129] : memref<256x64xf32, #tpu.memory_space<vmem>> -> memref<1x64xf32, #tpu.memory_space<vmem>>
      %dma_start3A_131 = tpu.memref_squeeze %dma_start3A_130 : memref<1x64xf32, #tpu.memory_space<vmem>> -> memref<64xf32, #tpu.memory_space<vmem>>
      %dma_start3A_132 = arith.constant 0 : i32
      %dma_start3A_133 = tpu.memref_slice %arg4[%squeeze3A_124, %dma_start3A_132] : memref<1000000x64xf32, #tpu.memory_space<hbm>> -> memref<1x64xf32, #tpu.memory_space<hbm>>
      %dma_start3A_134 = tpu.memref_squeeze %dma_start3A_133 : memref<1x64xf32, #tpu.memory_space<hbm>> -> memref<64xf32, #tpu.memory_space<hbm>>
      %dma_start3A_135 = arith.constant 0 : i32
      %dma_start3A_136 = tpu.memref_slice %arg9[%add3A_128, %dma_start3A_135] : memref<256x64xf32, #tpu.memory_space<vmem>> -> memref<1x64xf32, #tpu.memory_space<vmem>>
      %dma_start3A_137 = tpu.memref_squeeze %dma_start3A_136 : memref<1x64xf32, #tpu.memory_space<vmem>> -> memref<64xf32, #tpu.memory_space<vmem>>
      %dma_start3A_138 = arith.constant 0 : i32
      %dma_start3A_139 = tpu.memref_slice %arg4[%squeeze3A_124, %dma_start3A_138] : memref<1000000x64xf32, #tpu.memory_space<hbm>> -> memref<1x64xf32, #tpu.memory_space<hbm>>
      %dma_start3A_140 = tpu.memref_squeeze %dma_start3A_139 : memref<1x64xf32, #tpu.memory_space<hbm>> -> memref<64xf32, #tpu.memory_space<hbm>>
      tpu.enqueue_dma source(%dma_start3A_140 : memref<64xf32, #tpu.memory_space<hbm>>) target(%dma_start3A_137 : memref<64xf32, #tpu.memory_space<vmem>>) target_semaphore(%arg12 : memref<!tpu.dma_semaphore, #tpu.memory_space<semaphore_mem>>)
      %slice3A_141 = vector.extract_strided_slice %get3A_53 {offsets = [2], sizes = [1], strides = [1]} : vector<16xi32> to vector<1xi32>
      %squeeze3A_142 = vector.extract %slice3A_141[0] : i32 from vector<1xi32>
      %mul3A_143 = arith.constant 16 : i32
      %mul3A_144 = arith.muli %scan3A_42, %mul3A_143 : i32
      %add3A_145 = arith.constant 2 : i32
      %add3A_146 = arith.addi %mul3A_144, %add3A_145 : i32
      %dma_start3A_147 = arith.constant 0 : i32
      %dma_start3A_148 = tpu.memref_slice %arg10[%add3A_146, %dma_start3A_147] : memref<256x64xf32, #tpu.memory_space<vmem>> -> memref<1x64xf32, #tpu.memory_space<vmem>>
      %dma_start3A_149 = tpu.memref_squeeze %dma_start3A_148 : memref<1x64xf32, #tpu.memory_space<vmem>> -> memref<64xf32, #tpu.memory_space<vmem>>
      %dma_start3A_150 = arith.constant 0 : i32
      %dma_start3A_151 = tpu.memref_slice %arg5[%squeeze3A_142, %dma_start3A_150] : memref<1000000x64xf32, #tpu.memory_space<hbm>> -> memref<1x64xf32, #tpu.memory_space<hbm>>
      %dma_start3A_152 = tpu.memref_squeeze %dma_start3A_151 : memref<1x64xf32, #tpu.memory_space<hbm>> -> memref<64xf32, #tpu.memory_space<hbm>>
      %dma_start3A_153 = arith.constant 0 : i32
      %dma_start3A_154 = tpu.memref_slice %arg10[%add3A_146, %dma_start3A_153] : memref<256x64xf32, #tpu.memory_space<vmem>> -> memref<1x64xf32, #tpu.memory_space<vmem>>
      %dma_start3A_155 = tpu.memref_squeeze %dma_start3A_154 : memref<1x64xf32, #tpu.memory_space<vmem>> -> memref<64xf32, #tpu.memory_space<vmem>>
      %dma_start3A_156 = arith.constant 0 : i32
      %dma_start3A_157 = tpu.memref_slice %arg5[%squeeze3A_142, %dma_start3A_156] : memref<1000000x64xf32, #tpu.memory_space<hbm>> -> memref<1x64xf32, #tpu.memory_space<hbm>>
      %dma_start3A_158 = tpu.memref_squeeze %dma_start3A_157 : memref<1x64xf32, #tpu.memory_space<hbm>> -> memref<64xf32, #tpu.memory_space<hbm>>
      tpu.enqueue_dma source(%dma_start3A_158 : memref<64xf32, #tpu.memory_space<hbm>>) target(%dma_start3A_155 : memref<64xf32, #tpu.memory_space<vmem>>) target_semaphore(%arg12 : memref<!tpu.dma_semaphore, #tpu.memory_space<semaphore_mem>>)
      %slice3A_159 = vector.extract_strided_slice %get3A_47 {offsets = [3], sizes = [1], strides = [1]} : vector<16xi32> to vector<1xi32>
      %squeeze3A_160 = vector.extract %slice3A_159[0] : i32 from vector<1xi32>
      %mul3A_161 = arith.constant 16 : i32
      %mul3A_162 = arith.muli %scan3A_42, %mul3A_161 : i32
      %add3A_163 = arith.constant 3 : i32
      %add3A_164 = arith.addi %mul3A_162, %add3A_163 : i32
      %dma_start3A_165 = arith.constant 0 : i32
      %dma_start3A_166 = tpu.memref_slice %arg9[%add3A_164, %dma_start3A_165] : memref<256x64xf32, #tpu.memory_space<vmem>> -> memref<1x64xf32, #tpu.memory_space<vmem>>
      %dma_start3A_167 = tpu.memref_squeeze %dma_start3A_166 : memref<1x64xf32, #tpu.memory_space<vmem>> -> memref<64xf32, #tpu.memory_space<vmem>>
      %dma_start3A_168 = arith.constant 0 : i32
      %dma_start3A_169 = tpu.memref_slice %arg4[%squeeze3A_160, %dma_start3A_168] : memref<1000000x64xf32, #tpu.memory_space<hbm>> -> memref<1x64xf32, #tpu.memory_space<hbm>>
      %dma_start3A_170 = tpu.memref_squeeze %dma_start3A_169 : memref<1x64xf32, #tpu.memory_space<hbm>> -> memref<64xf32, #tpu.memory_space<hbm>>
      %dma_start3A_171 = arith.constant 0 : i32
      %dma_start3A_172 = tpu.memref_slice %arg9[%add3A_164, %dma_start3A_171] : memref<256x64xf32, #tpu.memory_space<vmem>> -> memref<1x64xf32, #tpu.memory_space<vmem>>
      %dma_start3A_173 = tpu.memref_squeeze %dma_start3A_172 : memref<1x64xf32, #tpu.memory_space<vmem>> -> memref<64xf32, #tpu.memory_space<vmem>>
      %dma_start3A_174 = arith.constant 0 : i32
      %dma_start3A_175 = tpu.memref_slice %arg4[%squeeze3A_160, %dma_start3A_174] : memref<1000000x64xf32, #tpu.memory_space<hbm>> -> memref<1x64xf32, #tpu.memory_space<hbm>>
      %dma_start3A_176 = tpu.memref_squeeze %dma_start3A_175 : memref<1x64xf32, #tpu.memory_space<hbm>> -> memref<64xf32, #tpu.memory_space<hbm>>
      tpu.enqueue_dma source(%dma_start3A_176 : memref<64xf32, #tpu.memory_space<hbm>>) target(%dma_start3A_173 : memref<64xf32, #tpu.memory_space<vmem>>) target_semaphore(%arg12 : memref<!tpu.dma_semaphore, #tpu.memory_space<semaphore_mem>>)
      %slice3A_177 = vector.extract_strided_slice %get3A_53 {offsets = [3], sizes = [1], strides = [1]} : vector<16xi32> to vector<1xi32>
      %squeeze3A_178 = vector.extract %slice3A_177[0] : i32 from vector<1xi32>
      %mul3A_179 = arith.constant 16 : i32
      %mul3A_180 = arith.muli %scan3A_42, %mul3A_179 : i32
      %add3A_181 = arith.constant 3 : i32
      %add3A_182 = arith.addi %mul3A_180, %add3A_181 : i32
      %dma_start3A_183 = arith.constant 0 : i32
      %dma_start3A_184 = tpu.memref_slice %arg10[%add3A_182, %dma_start3A_183] : memref<256x64xf32, #tpu.memory_space<vmem>> -> memref<1x64xf32, #tpu.memory_space<vmem>>
      %dma_start3A_185 = tpu.memref_squeeze %dma_start3A_184 : memref<1x64xf32, #tpu.memory_space<vmem>> -> memref<64xf32, #tpu.memory_space<vmem>>
      %dma_start3A_186 = arith.constant 0 : i32
      %dma_start3A_187 = tpu.memref_slice %arg5[%squeeze3A_178, %dma_start3A_186] : memref<1000000x64xf32, #tpu.memory_space<hbm>> -> memref<1x64xf32, #tpu.memory_space<hbm>>
      %dma_start3A_188 = tpu.memref_squeeze %dma_start3A_187 : memref<1x64xf32, #tpu.memory_space<hbm>> -> memref<64xf32, #tpu.memory_space<hbm>>
      %dma_start3A_189 = arith.constant 0 : i32
      %dma_start3A_190 = tpu.memref_slice %arg10[%add3A_182, %dma_start3A_189] : memref<256x64xf32, #tpu.memory_space<vmem>> -> memref<1x64xf32, #tpu.memory_space<vmem>>
      %dma_start3A_191 = tpu.memref_squeeze %dma_start3A_190 : memref<1x64xf32, #tpu.memory_space<vmem>> -> memref<64xf32, #tpu.memory_space<vmem>>
      %dma_start3A_192 = arith.constant 0 : i32
      %dma_start3A_193 = tpu.memref_slice %arg5[%squeeze3A_178, %dma_start3A_192] : memref<1000000x64xf32, #tpu.memory_space<hbm>> -> memref<1x64xf32, #tpu.memory_space<hbm>>
      %dma_start3A_194 = tpu.memref_squeeze %dma_start3A_193 : memref<1x64xf32, #tpu.memory_space<hbm>> -> memref<64xf32, #tpu.memory_space<hbm>>
      tpu.enqueue_dma source(%dma_start3A_194 : memref<64xf32, #tpu.memory_space<hbm>>) target(%dma_start3A_191 : memref<64xf32, #tpu.memory_space<vmem>>) target_semaphore(%arg12 : memref<!tpu.dma_semaphore, #tpu.memory_space<semaphore_mem>>)
      %slice3A_195 = vector.extract_strided_slice %get3A_47 {offsets = [4], sizes = [1], strides = [1]} : vector<16xi32> to vector<1xi32>
      %squeeze3A_196 = vector.extract %slice3A_195[0] : i32 from vector<1xi32>
      %mul3A_197 = arith.constant 16 : i32
      %mul3A_198 = arith.muli %scan3A_42, %mul3A_197 : i32
      %add3A_199 = arith.constant 4 : i32
      %add3A_200 = arith.addi %mul3A_198, %add3A_199 : i32
      %dma_start3A_201 = arith.constant 0 : i32
      %dma_start3A_202 = tpu.memref_slice %arg9[%add3A_200, %dma_start3A_201] : memref<256x64xf32, #tpu.memory_space<vmem>> -> memref<1x64xf32, #tpu.memory_space<vmem>>
      %dma_start3A_203 = tpu.memref_squeeze %dma_start3A_202 : memref<1x64xf32, #tpu.memory_space<vmem>> -> memref<64xf32, #tpu.memory_space<vmem>>
      %dma_start3A_204 = arith.constant 0 : i32
      %dma_start3A_205 = tpu.memref_slice %arg4[%squeeze3A_196, %dma_start3A_204] : memref<1000000x64xf32, #tpu.memory_space<hbm>> -> memref<1x64xf32, #tpu.memory_space<hbm>>
      %dma_start3A_206 = tpu.memref_squeeze %dma_start3A_205 : memref<1x64xf32, #tpu.memory_space<hbm>> -> memref<64xf32, #tpu.memory_space<hbm>>
      %dma_start3A_207 = arith.constant 0 : i32
      %dma_start3A_208 = tpu.memref_slice %arg9[%add3A_200, %dma_start3A_207] : memref<256x64xf32, #tpu.memory_space<vmem>> -> memref<1x64xf32, #tpu.memory_space<vmem>>
      %dma_start3A_209 = tpu.memref_squeeze %dma_start3A_208 : memref<1x64xf32, #tpu.memory_space<vmem>> -> memref<64xf32, #tpu.memory_space<vmem>>
      %dma_start3A_210 = arith.constant 0 : i32
      %dma_start3A_211 = tpu.memref_slice %arg4[%squeeze3A_196, %dma_start3A_210] : memref<1000000x64xf32, #tpu.memory_space<hbm>> -> memref<1x64xf32, #tpu.memory_space<hbm>>
      %dma_start3A_212 = tpu.memref_squeeze %dma_start3A_211 : memref<1x64xf32, #tpu.memory_space<hbm>> -> memref<64xf32, #tpu.memory_space<hbm>>
      tpu.enqueue_dma source(%dma_start3A_212 : memref<64xf32, #tpu.memory_space<hbm>>) target(%dma_start3A_209 : memref<64xf32, #tpu.memory_space<vmem>>) target_semaphore(%arg12 : memref<!tpu.dma_semaphore, #tpu.memory_space<semaphore_mem>>)
      %slice3A_213 = vector.extract_strided_slice %get3A_53 {offsets = [4], sizes = [1], strides = [1]} : vector<16xi32> to vector<1xi32>
      %squeeze3A_214 = vector.extract %slice3A_213[0] : i32 from vector<1xi32>
      %mul3A_215 = arith.constant 16 : i32
      %mul3A_216 = arith.muli %scan3A_42, %mul3A_215 : i32
      %add3A_217 = arith.constant 4 : i32
      %add3A_218 = arith.addi %mul3A_216, %add3A_217 : i32
      %dma_start3A_219 = arith.constant 0 : i32
      %dma_start3A_220 = tpu.memref_slice %arg10[%add3A_218, %dma_start3A_219] : memref<256x64xf32, #tpu.memory_space<vmem>> -> memref<1x64xf32, #tpu.memory_space<vmem>>
      %dma_start3A_221 = tpu.memref_squeeze %dma_start3A_220 : memref<1x64xf32, #tpu.memory_space<vmem>> -> memref<64xf32, #tpu.memory_space<vmem>>
      %dma_start3A_222 = arith.constant 0 : i32
      %dma_start3A_223 = tpu.memref_slice %arg5[%squeeze3A_214, %dma_start3A_222] : memref<1000000x64xf32, #tpu.memory_space<hbm>> -> memref<1x64xf32, #tpu.memory_space<hbm>>
      %dma_start3A_224 = tpu.memref_squeeze %dma_start3A_223 : memref<1x64xf32, #tpu.memory_space<hbm>> -> memref<64xf32, #tpu.memory_space<hbm>>
      %dma_start3A_225 = arith.constant 0 : i32
      %dma_start3A_226 = tpu.memref_slice %arg10[%add3A_218, %dma_start3A_225] : memref<256x64xf32, #tpu.memory_space<vmem>> -> memref<1x64xf32, #tpu.memory_space<vmem>>
      %dma_start3A_227 = tpu.memref_squeeze %dma_start3A_226 : memref<1x64xf32, #tpu.memory_space<vmem>> -> memref<64xf32, #tpu.memory_space<vmem>>
      %dma_start3A_228 = arith.constant 0 : i32
      %dma_start3A_229 = tpu.memref_slice %arg5[%squeeze3A_214, %dma_start3A_228] : memref<1000000x64xf32, #tpu.memory_space<hbm>> -> memref<1x64xf32, #tpu.memory_space<hbm>>
      %dma_start3A_230 = tpu.memref_squeeze %dma_start3A_229 : memref<1x64xf32, #tpu.memory_space<hbm>> -> memref<64xf32, #tpu.memory_space<hbm>>
      tpu.enqueue_dma source(%dma_start3A_230 : memref<64xf32, #tpu.memory_space<hbm>>) target(%dma_start3A_227 : memref<64xf32, #tpu.memory_space<vmem>>) target_semaphore(%arg12 : memref<!tpu.dma_semaphore, #tpu.memory_space<semaphore_mem>>)
      %slice3A_231 = vector.extract_strided_slice %get3A_47 {offsets = [5], sizes = [1], strides = [1]} : vector<16xi32> to vector<1xi32>
      %squeeze3A_232 = vector.extract %slice3A_231[0] : i32 from vector<1xi32>
      %mul3A_233 = arith.constant 16 : i32
      %mul3A_234 = arith.muli %scan3A_42, %mul3A_233 : i32
      %add3A_235 = arith.constant 5 : i32
      %add3A_236 = arith.addi %mul3A_234, %add3A_235 : i32
      %dma_start3A_237 = arith.constant 0 : i32
      %dma_start3A_238 = tpu.memref_slice %arg9[%add3A_236, %dma_start3A_237] : memref<256x64xf32, #tpu.memory_space<vmem>> -> memref<1x64xf32, #tpu.memory_space<vmem>>
      %dma_start3A_239 = tpu.memref_squeeze %dma_start3A_238 : memref<1x64xf32, #tpu.memory_space<vmem>> -> memref<64xf32, #tpu.memory_space<vmem>>
      %dma_start3A_240 = arith.constant 0 : i32
      %dma_start3A_241 = tpu.memref_slice %arg4[%squeeze3A_232, %dma_start3A_240] : memref<1000000x64xf32, #tpu.memory_space<hbm>> -> memref<1x64xf32, #tpu.memory_space<hbm>>
      %dma_start3A_242 = tpu.memref_squeeze %dma_start3A_241 : memref<1x64xf32, #tpu.memory_space<hbm>> -> memref<64xf32, #tpu.memory_space<hbm>>
      %dma_start3A_243 = arith.constant 0 : i32
      %dma_start3A_244 = tpu.memref_slice %arg9[%add3A_236, %dma_start3A_243] : memref<256x64xf32, #tpu.memory_space<vmem>> -> memref<1x64xf32, #tpu.memory_space<vmem>>
      %dma_start3A_245 = tpu.memref_squeeze %dma_start3A_244 : memref<1x64xf32, #tpu.memory_space<vmem>> -> memref<64xf32, #tpu.memory_space<vmem>>
      %dma_start3A_246 = arith.constant 0 : i32
      %dma_start3A_247 = tpu.memref_slice %arg4[%squeeze3A_232, %dma_start3A_246] : memref<1000000x64xf32, #tpu.memory_space<hbm>> -> memref<1x64xf32, #tpu.memory_space<hbm>>
      %dma_start3A_248 = tpu.memref_squeeze %dma_start3A_247 : memref<1x64xf32, #tpu.memory_space<hbm>> -> memref<64xf32, #tpu.memory_space<hbm>>
      tpu.enqueue_dma source(%dma_start3A_248 : memref<64xf32, #tpu.memory_space<hbm>>) target(%dma_start3A_245 : memref<64xf32, #tpu.memory_space<vmem>>) target_semaphore(%arg12 : memref<!tpu.dma_semaphore, #tpu.memory_space<semaphore_mem>>)
      %slice3A_249 = vector.extract_strided_slice %get3A_53 {offsets = [5], sizes = [1], strides = [1]} : vector<16xi32> to vector<1xi32>
      %squeeze3A_250 = vector.extract %slice3A_249[0] : i32 from vector<1xi32>
      %mul3A_251 = arith.constant 16 : i32
      %mul3A_252 = arith.muli %scan3A_42, %mul3A_251 : i32
      %add3A_253 = arith.constant 5 : i32
      %add3A_254 = arith.addi %mul3A_252, %add3A_253 : i32
      %dma_start3A_255 = arith.constant 0 : i32
      %dma_start3A_256 = tpu.memref_slice %arg10[%add3A_254, %dma_start3A_255] : memref<256x64xf32, #tpu.memory_space<vmem>> -> memref<1x64xf32, #tpu.memory_space<vmem>>
      %dma_start3A_257 = tpu.memref_squeeze %dma_start3A_256 : memref<1x64xf32, #tpu.memory_space<vmem>> -> memref<64xf32, #tpu.memory_space<vmem>>
      %dma_start3A_258 = arith.constant 0 : i32
      %dma_start3A_259 = tpu.memref_slice %arg5[%squeeze3A_250, %dma_start3A_258] : memref<1000000x64xf32, #tpu.memory_space<hbm>> -> memref<1x64xf32, #tpu.memory_space<hbm>>
      %dma_start3A_260 = tpu.memref_squeeze %dma_start3A_259 : memref<1x64xf32, #tpu.memory_space<hbm>> -> memref<64xf32, #tpu.memory_space<hbm>>
      %dma_start3A_261 = arith.constant 0 : i32
      %dma_start3A_262 = tpu.memref_slice %arg10[%add3A_254, %dma_start3A_261] : memref<256x64xf32, #tpu.memory_space<vmem>> -> memref<1x64xf32, #tpu.memory_space<vmem>>
      %dma_start3A_263 = tpu.memref_squeeze %dma_start3A_262 : memref<1x64xf32, #tpu.memory_space<vmem>> -> memref<64xf32, #tpu.memory_space<vmem>>
      %dma_start3A_264 = arith.constant 0 : i32
      %dma_start3A_265 = tpu.memref_slice %arg5[%squeeze3A_250, %dma_start3A_264] : memref<1000000x64xf32, #tpu.memory_space<hbm>> -> memref<1x64xf32, #tpu.memory_space<hbm>>
      %dma_start3A_266 = tpu.memref_squeeze %dma_start3A_265 : memref<1x64xf32, #tpu.memory_space<hbm>> -> memref<64xf32, #tpu.memory_space<hbm>>
      tpu.enqueue_dma source(%dma_start3A_266 : memref<64xf32, #tpu.memory_space<hbm>>) target(%dma_start3A_263 : memref<64xf32, #tpu.memory_space<vmem>>) target_semaphore(%arg12 : memref<!tpu.dma_semaphore, #tpu.memory_space<semaphore_mem>>)
      %slice3A_267 = vector.extract_strided_slice %get3A_47 {offsets = [6], sizes = [1], strides = [1]} : vector<16xi32> to vector<1xi32>
      %squeeze3A_268 = vector.extract %slice3A_267[0] : i32 from vector<1xi32>
      %mul3A_269 = arith.constant 16 : i32
      %mul3A_270 = arith.muli %scan3A_42, %mul3A_269 : i32
      %add3A_271 = arith.constant 6 : i32
      %add3A_272 = arith.addi %mul3A_270, %add3A_271 : i32
      %dma_start3A_273 = arith.constant 0 : i32
      %dma_start3A_274 = tpu.memref_slice %arg9[%add3A_272, %dma_start3A_273] : memref<256x64xf32, #tpu.memory_space<vmem>> -> memref<1x64xf32, #tpu.memory_space<vmem>>
      %dma_start3A_275 = tpu.memref_squeeze %dma_start3A_274 : memref<1x64xf32, #tpu.memory_space<vmem>> -> memref<64xf32, #tpu.memory_space<vmem>>
      %dma_start3A_276 = arith.constant 0 : i32
      %dma_start3A_277 = tpu.memref_slice %arg4[%squeeze3A_268, %dma_start3A_276] : memref<1000000x64xf32, #tpu.memory_space<hbm>> -> memref<1x64xf32, #tpu.memory_space<hbm>>
      %dma_start3A_278 = tpu.memref_squeeze %dma_start3A_277 : memref<1x64xf32, #tpu.memory_space<hbm>> -> memref<64xf32, #tpu.memory_space<hbm>>
      %dma_start3A_279 = arith.constant 0 : i32
      %dma_start3A_280 = tpu.memref_slice %arg9[%add3A_272, %dma_start3A_279] : memref<256x64xf32, #tpu.memory_space<vmem>> -> memref<1x64xf32, #tpu.memory_space<vmem>>
      %dma_start3A_281 = tpu.memref_squeeze %dma_start3A_280 : memref<1x64xf32, #tpu.memory_space<vmem>> -> memref<64xf32, #tpu.memory_space<vmem>>
      %dma_start3A_282 = arith.constant 0 : i32
      %dma_start3A_283 = tpu.memref_slice %arg4[%squeeze3A_268, %dma_start3A_282] : memref<1000000x64xf32, #tpu.memory_space<hbm>> -> memref<1x64xf32, #tpu.memory_space<hbm>>
      %dma_start3A_284 = tpu.memref_squeeze %dma_start3A_283 : memref<1x64xf32, #tpu.memory_space<hbm>> -> memref<64xf32, #tpu.memory_space<hbm>>
      tpu.enqueue_dma source(%dma_start3A_284 : memref<64xf32, #tpu.memory_space<hbm>>) target(%dma_start3A_281 : memref<64xf32, #tpu.memory_space<vmem>>) target_semaphore(%arg12 : memref<!tpu.dma_semaphore, #tpu.memory_space<semaphore_mem>>)
      %slice3A_285 = vector.extract_strided_slice %get3A_53 {offsets = [6], sizes = [1], strides = [1]} : vector<16xi32> to vector<1xi32>
      %squeeze3A_286 = vector.extract %slice3A_285[0] : i32 from vector<1xi32>
      %mul3A_287 = arith.constant 16 : i32
      %mul3A_288 = arith.muli %scan3A_42, %mul3A_287 : i32
      %add3A_289 = arith.constant 6 : i32
      %add3A_290 = arith.addi %mul3A_288, %add3A_289 : i32
      %dma_start3A_291 = arith.constant 0 : i32
      %dma_start3A_292 = tpu.memref_slice %arg10[%add3A_290, %dma_start3A_291] : memref<256x64xf32, #tpu.memory_space<vmem>> -> memref<1x64xf32, #tpu.memory_space<vmem>>
      %dma_start3A_293 = tpu.memref_squeeze %dma_start3A_292 : memref<1x64xf32, #tpu.memory_space<vmem>> -> memref<64xf32, #tpu.memory_space<vmem>>
      %dma_start3A_294 = arith.constant 0 : i32
      %dma_start3A_295 = tpu.memref_slice %arg5[%squeeze3A_286, %dma_start3A_294] : memref<1000000x64xf32, #tpu.memory_space<hbm>> -> memref<1x64xf32, #tpu.memory_space<hbm>>
      %dma_start3A_296 = tpu.memref_squeeze %dma_start3A_295 : memref<1x64xf32, #tpu.memory_space<hbm>> -> memref<64xf32, #tpu.memory_space<hbm>>
      %dma_start3A_297 = arith.constant 0 : i32
      %dma_start3A_298 = tpu.memref_slice %arg10[%add3A_290, %dma_start3A_297] : memref<256x64xf32, #tpu.memory_space<vmem>> -> memref<1x64xf32, #tpu.memory_space<vmem>>
      %dma_start3A_299 = tpu.memref_squeeze %dma_start3A_298 : memref<1x64xf32, #tpu.memory_space<vmem>> -> memref<64xf32, #tpu.memory_space<vmem>>
      %dma_start3A_300 = arith.constant 0 : i32
      %dma_start3A_301 = tpu.memref_slice %arg5[%squeeze3A_286, %dma_start3A_300] : memref<1000000x64xf32, #tpu.memory_space<hbm>> -> memref<1x64xf32, #tpu.memory_space<hbm>>
      %dma_start3A_302 = tpu.memref_squeeze %dma_start3A_301 : memref<1x64xf32, #tpu.memory_space<hbm>> -> memref<64xf32, #tpu.memory_space<hbm>>
      tpu.enqueue_dma source(%dma_start3A_302 : memref<64xf32, #tpu.memory_space<hbm>>) target(%dma_start3A_299 : memref<64xf32, #tpu.memory_space<vmem>>) target_semaphore(%arg12 : memref<!tpu.dma_semaphore, #tpu.memory_space<semaphore_mem>>)
      %slice3A_303 = vector.extract_strided_slice %get3A_47 {offsets = [7], sizes = [1], strides = [1]} : vector<16xi32> to vector<1xi32>
      %squeeze3A_304 = vector.extract %slice3A_303[0] : i32 from vector<1xi32>
      %mul3A_305 = arith.constant 16 : i32
      %mul3A_306 = arith.muli %scan3A_42, %mul3A_305 : i32
      %add3A_307 = arith.constant 7 : i32
      %add3A_308 = arith.addi %mul3A_306, %add3A_307 : i32
      %dma_start3A_309 = arith.constant 0 : i32
      %dma_start3A_310 = tpu.memref_slice %arg9[%add3A_308, %dma_start3A_309] : memref<256x64xf32, #tpu.memory_space<vmem>> -> memref<1x64xf32, #tpu.memory_space<vmem>>
      %dma_start3A_311 = tpu.memref_squeeze %dma_start3A_310 : memref<1x64xf32, #tpu.memory_space<vmem>> -> memref<64xf32, #tpu.memory_space<vmem>>
      %dma_start3A_312 = arith.constant 0 : i32
      %dma_start3A_313 = tpu.memref_slice %arg4[%squeeze3A_304, %dma_start3A_312] : memref<1000000x64xf32, #tpu.memory_space<hbm>> -> memref<1x64xf32, #tpu.memory_space<hbm>>
      %dma_start3A_314 = tpu.memref_squeeze %dma_start3A_313 : memref<1x64xf32, #tpu.memory_space<hbm>> -> memref<64xf32, #tpu.memory_space<hbm>>
      %dma_start3A_315 = arith.constant 0 : i32
      %dma_start3A_316 = tpu.memref_slice %arg9[%add3A_308, %dma_start3A_315] : memref<256x64xf32, #tpu.memory_space<vmem>> -> memref<1x64xf32, #tpu.memory_space<vmem>>
      %dma_start3A_317 = tpu.memref_squeeze %dma_start3A_316 : memref<1x64xf32, #tpu.memory_space<vmem>> -> memref<64xf32, #tpu.memory_space<vmem>>
      %dma_start3A_318 = arith.constant 0 : i32
      %dma_start3A_319 = tpu.memref_slice %arg4[%squeeze3A_304, %dma_start3A_318] : memref<1000000x64xf32, #tpu.memory_space<hbm>> -> memref<1x64xf32, #tpu.memory_space<hbm>>
      %dma_start3A_320 = tpu.memref_squeeze %dma_start3A_319 : memref<1x64xf32, #tpu.memory_space<hbm>> -> memref<64xf32, #tpu.memory_space<hbm>>
      tpu.enqueue_dma source(%dma_start3A_320 : memref<64xf32, #tpu.memory_space<hbm>>) target(%dma_start3A_317 : memref<64xf32, #tpu.memory_space<vmem>>) target_semaphore(%arg12 : memref<!tpu.dma_semaphore, #tpu.memory_space<semaphore_mem>>)
      %slice3A_321 = vector.extract_strided_slice %get3A_53 {offsets = [7], sizes = [1], strides = [1]} : vector<16xi32> to vector<1xi32>
      %squeeze3A_322 = vector.extract %slice3A_321[0] : i32 from vector<1xi32>
      %mul3A_323 = arith.constant 16 : i32
      %mul3A_324 = arith.muli %scan3A_42, %mul3A_323 : i32
      %add3A_325 = arith.constant 7 : i32
      %add3A_326 = arith.addi %mul3A_324, %add3A_325 : i32
      %dma_start3A_327 = arith.constant 0 : i32
      %dma_start3A_328 = tpu.memref_slice %arg10[%add3A_326, %dma_start3A_327] : memref<256x64xf32, #tpu.memory_space<vmem>> -> memref<1x64xf32, #tpu.memory_space<vmem>>
      %dma_start3A_329 = tpu.memref_squeeze %dma_start3A_328 : memref<1x64xf32, #tpu.memory_space<vmem>> -> memref<64xf32, #tpu.memory_space<vmem>>
      %dma_start3A_330 = arith.constant 0 : i32
      %dma_start3A_331 = tpu.memref_slice %arg5[%squeeze3A_322, %dma_start3A_330] : memref<1000000x64xf32, #tpu.memory_space<hbm>> -> memref<1x64xf32, #tpu.memory_space<hbm>>
      %dma_start3A_332 = tpu.memref_squeeze %dma_start3A_331 : memref<1x64xf32, #tpu.memory_space<hbm>> -> memref<64xf32, #tpu.memory_space<hbm>>
      %dma_start3A_333 = arith.constant 0 : i32
      %dma_start3A_334 = tpu.memref_slice %arg10[%add3A_326, %dma_start3A_333] : memref<256x64xf32, #tpu.memory_space<vmem>> -> memref<1x64xf32, #tpu.memory_space<vmem>>
      %dma_start3A_335 = tpu.memref_squeeze %dma_start3A_334 : memref<1x64xf32, #tpu.memory_space<vmem>> -> memref<64xf32, #tpu.memory_space<vmem>>
      %dma_start3A_336 = arith.constant 0 : i32
      %dma_start3A_337 = tpu.memref_slice %arg5[%squeeze3A_322, %dma_start3A_336] : memref<1000000x64xf32, #tpu.memory_space<hbm>> -> memref<1x64xf32, #tpu.memory_space<hbm>>
      %dma_start3A_338 = tpu.memref_squeeze %dma_start3A_337 : memref<1x64xf32, #tpu.memory_space<hbm>> -> memref<64xf32, #tpu.memory_space<hbm>>
      tpu.enqueue_dma source(%dma_start3A_338 : memref<64xf32, #tpu.memory_space<hbm>>) target(%dma_start3A_335 : memref<64xf32, #tpu.memory_space<vmem>>) target_semaphore(%arg12 : memref<!tpu.dma_semaphore, #tpu.memory_space<semaphore_mem>>)
      %slice3A_339 = vector.extract_strided_slice %get3A_47 {offsets = [8], sizes = [1], strides = [1]} : vector<16xi32> to vector<1xi32>
      %squeeze3A_340 = vector.extract %slice3A_339[0] : i32 from vector<1xi32>
      %mul3A_341 = arith.constant 16 : i32
      %mul3A_342 = arith.muli %scan3A_42, %mul3A_341 : i32
      %add3A_343 = arith.constant 8 : i32
      %add3A_344 = arith.addi %mul3A_342, %add3A_343 : i32
      %dma_start3A_345 = arith.constant 0 : i32
      %dma_start3A_346 = tpu.memref_slice %arg9[%add3A_344, %dma_start3A_345] : memref<256x64xf32, #tpu.memory_space<vmem>> -> memref<1x64xf32, #tpu.memory_space<vmem>>
      %dma_start3A_347 = tpu.memref_squeeze %dma_start3A_346 : memref<1x64xf32, #tpu.memory_space<vmem>> -> memref<64xf32, #tpu.memory_space<vmem>>
      %dma_start3A_348 = arith.constant 0 : i32
      %dma_start3A_349 = tpu.memref_slice %arg4[%squeeze3A_340, %dma_start3A_348] : memref<1000000x64xf32, #tpu.memory_space<hbm>> -> memref<1x64xf32, #tpu.memory_space<hbm>>
      %dma_start3A_350 = tpu.memref_squeeze %dma_start3A_349 : memref<1x64xf32, #tpu.memory_space<hbm>> -> memref<64xf32, #tpu.memory_space<hbm>>
      %dma_start3A_351 = arith.constant 0 : i32
      %dma_start3A_352 = tpu.memref_slice %arg9[%add3A_344, %dma_start3A_351] : memref<256x64xf32, #tpu.memory_space<vmem>> -> memref<1x64xf32, #tpu.memory_space<vmem>>
      %dma_start3A_353 = tpu.memref_squeeze %dma_start3A_352 : memref<1x64xf32, #tpu.memory_space<vmem>> -> memref<64xf32, #tpu.memory_space<vmem>>
      %dma_start3A_354 = arith.constant 0 : i32
      %dma_start3A_355 = tpu.memref_slice %arg4[%squeeze3A_340, %dma_start3A_354] : memref<1000000x64xf32, #tpu.memory_space<hbm>> -> memref<1x64xf32, #tpu.memory_space<hbm>>
      %dma_start3A_356 = tpu.memref_squeeze %dma_start3A_355 : memref<1x64xf32, #tpu.memory_space<hbm>> -> memref<64xf32, #tpu.memory_space<hbm>>
      tpu.enqueue_dma source(%dma_start3A_356 : memref<64xf32, #tpu.memory_space<hbm>>) target(%dma_start3A_353 : memref<64xf32, #tpu.memory_space<vmem>>) target_semaphore(%arg12 : memref<!tpu.dma_semaphore, #tpu.memory_space<semaphore_mem>>)
      %slice3A_357 = vector.extract_strided_slice %get3A_53 {offsets = [8], sizes = [1], strides = [1]} : vector<16xi32> to vector<1xi32>
      %squeeze3A_358 = vector.extract %slice3A_357[0] : i32 from vector<1xi32>
      %mul3A_359 = arith.constant 16 : i32
      %mul3A_360 = arith.muli %scan3A_42, %mul3A_359 : i32
      %add3A_361 = arith.constant 8 : i32
      %add3A_362 = arith.addi %mul3A_360, %add3A_361 : i32
      %dma_start3A_363 = arith.constant 0 : i32
      %dma_start3A_364 = tpu.memref_slice %arg10[%add3A_362, %dma_start3A_363] : memref<256x64xf32, #tpu.memory_space<vmem>> -> memref<1x64xf32, #tpu.memory_space<vmem>>
      %dma_start3A_365 = tpu.memref_squeeze %dma_start3A_364 : memref<1x64xf32, #tpu.memory_space<vmem>> -> memref<64xf32, #tpu.memory_space<vmem>>
      %dma_start3A_366 = arith.constant 0 : i32
      %dma_start3A_367 = tpu.memref_slice %arg5[%squeeze3A_358, %dma_start3A_366] : memref<1000000x64xf32, #tpu.memory_space<hbm>> -> memref<1x64xf32, #tpu.memory_space<hbm>>
      %dma_start3A_368 = tpu.memref_squeeze %dma_start3A_367 : memref<1x64xf32, #tpu.memory_space<hbm>> -> memref<64xf32, #tpu.memory_space<hbm>>
      %dma_start3A_369 = arith.constant 0 : i32
      %dma_start3A_370 = tpu.memref_slice %arg10[%add3A_362, %dma_start3A_369] : memref<256x64xf32, #tpu.memory_space<vmem>> -> memref<1x64xf32, #tpu.memory_space<vmem>>
      %dma_start3A_371 = tpu.memref_squeeze %dma_start3A_370 : memref<1x64xf32, #tpu.memory_space<vmem>> -> memref<64xf32, #tpu.memory_space<vmem>>
      %dma_start3A_372 = arith.constant 0 : i32
      %dma_start3A_373 = tpu.memref_slice %arg5[%squeeze3A_358, %dma_start3A_372] : memref<1000000x64xf32, #tpu.memory_space<hbm>> -> memref<1x64xf32, #tpu.memory_space<hbm>>
      %dma_start3A_374 = tpu.memref_squeeze %dma_start3A_373 : memref<1x64xf32, #tpu.memory_space<hbm>> -> memref<64xf32, #tpu.memory_space<hbm>>
      tpu.enqueue_dma source(%dma_start3A_374 : memref<64xf32, #tpu.memory_space<hbm>>) target(%dma_start3A_371 : memref<64xf32, #tpu.memory_space<vmem>>) target_semaphore(%arg12 : memref<!tpu.dma_semaphore, #tpu.memory_space<semaphore_mem>>)
      %slice3A_375 = vector.extract_strided_slice %get3A_47 {offsets = [9], sizes = [1], strides = [1]} : vector<16xi32> to vector<1xi32>
      %squeeze3A_376 = vector.extract %slice3A_375[0] : i32 from vector<1xi32>
      %mul3A_377 = arith.constant 16 : i32
      %mul3A_378 = arith.muli %scan3A_42, %mul3A_377 : i32
      %add3A_379 = arith.constant 9 : i32
      %add3A_380 = arith.addi %mul3A_378, %add3A_379 : i32
      %dma_start3A_381 = arith.constant 0 : i32
      %dma_start3A_382 = tpu.memref_slice %arg9[%add3A_380, %dma_start3A_381] : memref<256x64xf32, #tpu.memory_space<vmem>> -> memref<1x64xf32, #tpu.memory_space<vmem>>
      %dma_start3A_383 = tpu.memref_squeeze %dma_start3A_382 : memref<1x64xf32, #tpu.memory_space<vmem>> -> memref<64xf32, #tpu.memory_space<vmem>>
      %dma_start3A_384 = arith.constant 0 : i32
      %dma_start3A_385 = tpu.memref_slice %arg4[%squeeze3A_376, %dma_start3A_384] : memref<1000000x64xf32, #tpu.memory_space<hbm>> -> memref<1x64xf32, #tpu.memory_space<hbm>>
      %dma_start3A_386 = tpu.memref_squeeze %dma_start3A_385 : memref<1x64xf32, #tpu.memory_space<hbm>> -> memref<64xf32, #tpu.memory_space<hbm>>
      %dma_start3A_387 = arith.constant 0 : i32
      %dma_start3A_388 = tpu.memref_slice %arg9[%add3A_380, %dma_start3A_387] : memref<256x64xf32, #tpu.memory_space<vmem>> -> memref<1x64xf32, #tpu.memory_space<vmem>>
      %dma_start3A_389 = tpu.memref_squeeze %dma_start3A_388 : memref<1x64xf32, #tpu.memory_space<vmem>> -> memref<64xf32, #tpu.memory_space<vmem>>
      %dma_start3A_390 = arith.constant 0 : i32
      %dma_start3A_391 = tpu.memref_slice %arg4[%squeeze3A_376, %dma_start3A_390] : memref<1000000x64xf32, #tpu.memory_space<hbm>> -> memref<1x64xf32, #tpu.memory_space<hbm>>
      %dma_start3A_392 = tpu.memref_squeeze %dma_start3A_391 : memref<1x64xf32, #tpu.memory_space<hbm>> -> memref<64xf32, #tpu.memory_space<hbm>>
      tpu.enqueue_dma source(%dma_start3A_392 : memref<64xf32, #tpu.memory_space<hbm>>) target(%dma_start3A_389 : memref<64xf32, #tpu.memory_space<vmem>>) target_semaphore(%arg12 : memref<!tpu.dma_semaphore, #tpu.memory_space<semaphore_mem>>)
      %slice3A_393 = vector.extract_strided_slice %get3A_53 {offsets = [9], sizes = [1], strides = [1]} : vector<16xi32> to vector<1xi32>
      %squeeze3A_394 = vector.extract %slice3A_393[0] : i32 from vector<1xi32>
      %mul3A_395 = arith.constant 16 : i32
      %mul3A_396 = arith.muli %scan3A_42, %mul3A_395 : i32
      %add3A_397 = arith.constant 9 : i32
      %add3A_398 = arith.addi %mul3A_396, %add3A_397 : i32
      %dma_start3A_399 = arith.constant 0 : i32
      %dma_start3A_400 = tpu.memref_slice %arg10[%add3A_398, %dma_start3A_399] : memref<256x64xf32, #tpu.memory_space<vmem>> -> memref<1x64xf32, #tpu.memory_space<vmem>>
      %dma_start3A_401 = tpu.memref_squeeze %dma_start3A_400 : memref<1x64xf32, #tpu.memory_space<vmem>> -> memref<64xf32, #tpu.memory_space<vmem>>
      %dma_start3A_402 = arith.constant 0 : i32
      %dma_start3A_403 = tpu.memref_slice %arg5[%squeeze3A_394, %dma_start3A_402] : memref<1000000x64xf32, #tpu.memory_space<hbm>> -> memref<1x64xf32, #tpu.memory_space<hbm>>
      %dma_start3A_404 = tpu.memref_squeeze %dma_start3A_403 : memref<1x64xf32, #tpu.memory_space<hbm>> -> memref<64xf32, #tpu.memory_space<hbm>>
      %dma_start3A_405 = arith.constant 0 : i32
      %dma_start3A_406 = tpu.memref_slice %arg10[%add3A_398, %dma_start3A_405] : memref<256x64xf32, #tpu.memory_space<vmem>> -> memref<1x64xf32, #tpu.memory_space<vmem>>
      %dma_start3A_407 = tpu.memref_squeeze %dma_start3A_406 : memref<1x64xf32, #tpu.memory_space<vmem>> -> memref<64xf32, #tpu.memory_space<vmem>>
      %dma_start3A_408 = arith.constant 0 : i32
      %dma_start3A_409 = tpu.memref_slice %arg5[%squeeze3A_394, %dma_start3A_408] : memref<1000000x64xf32, #tpu.memory_space<hbm>> -> memref<1x64xf32, #tpu.memory_space<hbm>>
      %dma_start3A_410 = tpu.memref_squeeze %dma_start3A_409 : memref<1x64xf32, #tpu.memory_space<hbm>> -> memref<64xf32, #tpu.memory_space<hbm>>
      tpu.enqueue_dma source(%dma_start3A_410 : memref<64xf32, #tpu.memory_space<hbm>>) target(%dma_start3A_407 : memref<64xf32, #tpu.memory_space<vmem>>) target_semaphore(%arg12 : memref<!tpu.dma_semaphore, #tpu.memory_space<semaphore_mem>>)
      %slice3A_411 = vector.extract_strided_slice %get3A_47 {offsets = [10], sizes = [1], strides = [1]} : vector<16xi32> to vector<1xi32>
      %squeeze3A_412 = vector.extract %slice3A_411[0] : i32 from vector<1xi32>
      %mul3A_413 = arith.constant 16 : i32
      %mul3A_414 = arith.muli %scan3A_42, %mul3A_413 : i32
      %add3A_415 = arith.constant 10 : i32
      %add3A_416 = arith.addi %mul3A_414, %add3A_415 : i32
      %dma_start3A_417 = arith.constant 0 : i32
      %dma_start3A_418 = tpu.memref_slice %arg9[%add3A_416, %dma_start3A_417] : memref<256x64xf32, #tpu.memory_space<vmem>> -> memref<1x64xf32, #tpu.memory_space<vmem>>
      %dma_start3A_419 = tpu.memref_squeeze %dma_start3A_418 : memref<1x64xf32, #tpu.memory_space<vmem>> -> memref<64xf32, #tpu.memory_space<vmem>>
      %dma_start3A_420 = arith.constant 0 : i32
      %dma_start3A_421 = tpu.memref_slice %arg4[%squeeze3A_412, %dma_start3A_420] : memref<1000000x64xf32, #tpu.memory_space<hbm>> -> memref<1x64xf32, #tpu.memory_space<hbm>>
      %dma_start3A_422 = tpu.memref_squeeze %dma_start3A_421 : memref<1x64xf32, #tpu.memory_space<hbm>> -> memref<64xf32, #tpu.memory_space<hbm>>
      %dma_start3A_423 = arith.constant 0 : i32
      %dma_start3A_424 = tpu.memref_slice %arg9[%add3A_416, %dma_start3A_423] : memref<256x64xf32, #tpu.memory_space<vmem>> -> memref<1x64xf32, #tpu.memory_space<vmem>>
      %dma_start3A_425 = tpu.memref_squeeze %dma_start3A_424 : memref<1x64xf32, #tpu.memory_space<vmem>> -> memref<64xf32, #tpu.memory_space<vmem>>
      %dma_start3A_426 = arith.constant 0 : i32
      %dma_start3A_427 = tpu.memref_slice %arg4[%squeeze3A_412, %dma_start3A_426] : memref<1000000x64xf32, #tpu.memory_space<hbm>> -> memref<1x64xf32, #tpu.memory_space<hbm>>
      %dma_start3A_428 = tpu.memref_squeeze %dma_start3A_427 : memref<1x64xf32, #tpu.memory_space<hbm>> -> memref<64xf32, #tpu.memory_space<hbm>>
      tpu.enqueue_dma source(%dma_start3A_428 : memref<64xf32, #tpu.memory_space<hbm>>) target(%dma_start3A_425 : memref<64xf32, #tpu.memory_space<vmem>>) target_semaphore(%arg12 : memref<!tpu.dma_semaphore, #tpu.memory_space<semaphore_mem>>)
      %slice3A_429 = vector.extract_strided_slice %get3A_53 {offsets = [10], sizes = [1], strides = [1]} : vector<16xi32> to vector<1xi32>
      %squeeze3A_430 = vector.extract %slice3A_429[0] : i32 from vector<1xi32>
      %mul3A_431 = arith.constant 16 : i32
      %mul3A_432 = arith.muli %scan3A_42, %mul3A_431 : i32
      %add3A_433 = arith.constant 10 : i32
      %add3A_434 = arith.addi %mul3A_432, %add3A_433 : i32
      %dma_start3A_435 = arith.constant 0 : i32
      %dma_start3A_436 = tpu.memref_slice %arg10[%add3A_434, %dma_start3A_435] : memref<256x64xf32, #tpu.memory_space<vmem>> -> memref<1x64xf32, #tpu.memory_space<vmem>>
      %dma_start3A_437 = tpu.memref_squeeze %dma_start3A_436 : memref<1x64xf32, #tpu.memory_space<vmem>> -> memref<64xf32, #tpu.memory_space<vmem>>
      %dma_start3A_438 = arith.constant 0 : i32
      %dma_start3A_439 = tpu.memref_slice %arg5[%squeeze3A_430, %dma_start3A_438] : memref<1000000x64xf32, #tpu.memory_space<hbm>> -> memref<1x64xf32, #tpu.memory_space<hbm>>
      %dma_start3A_440 = tpu.memref_squeeze %dma_start3A_439 : memref<1x64xf32, #tpu.memory_space<hbm>> -> memref<64xf32, #tpu.memory_space<hbm>>
      %dma_start3A_441 = arith.constant 0 : i32
      %dma_start3A_442 = tpu.memref_slice %arg10[%add3A_434, %dma_start3A_441] : memref<256x64xf32, #tpu.memory_space<vmem>> -> memref<1x64xf32, #tpu.memory_space<vmem>>
      %dma_start3A_443 = tpu.memref_squeeze %dma_start3A_442 : memref<1x64xf32, #tpu.memory_space<vmem>> -> memref<64xf32, #tpu.memory_space<vmem>>
      %dma_start3A_444 = arith.constant 0 : i32
      %dma_start3A_445 = tpu.memref_slice %arg5[%squeeze3A_430, %dma_start3A_444] : memref<1000000x64xf32, #tpu.memory_space<hbm>> -> memref<1x64xf32, #tpu.memory_space<hbm>>
      %dma_start3A_446 = tpu.memref_squeeze %dma_start3A_445 : memref<1x64xf32, #tpu.memory_space<hbm>> -> memref<64xf32, #tpu.memory_space<hbm>>
      tpu.enqueue_dma source(%dma_start3A_446 : memref<64xf32, #tpu.memory_space<hbm>>) target(%dma_start3A_443 : memref<64xf32, #tpu.memory_space<vmem>>) target_semaphore(%arg12 : memref<!tpu.dma_semaphore, #tpu.memory_space<semaphore_mem>>)
      %slice3A_447 = vector.extract_strided_slice %get3A_47 {offsets = [11], sizes = [1], strides = [1]} : vector<16xi32> to vector<1xi32>
      %squeeze3A_448 = vector.extract %slice3A_447[0] : i32 from vector<1xi32>
      %mul3A_449 = arith.constant 16 : i32
      %mul3A_450 = arith.muli %scan3A_42, %mul3A_449 : i32
      %add3A_451 = arith.constant 11 : i32
      %add3A_452 = arith.addi %mul3A_450, %add3A_451 : i32
      %dma_start3A_453 = arith.constant 0 : i32
      %dma_start3A_454 = tpu.memref_slice %arg9[%add3A_452, %dma_start3A_453] : memref<256x64xf32, #tpu.memory_space<vmem>> -> memref<1x64xf32, #tpu.memory_space<vmem>>
      %dma_start3A_455 = tpu.memref_squeeze %dma_start3A_454 : memref<1x64xf32, #tpu.memory_space<vmem>> -> memref<64xf32, #tpu.memory_space<vmem>>
      %dma_start3A_456 = arith.constant 0 : i32
      %dma_start3A_457 = tpu.memref_slice %arg4[%squeeze3A_448, %dma_start3A_456] : memref<1000000x64xf32, #tpu.memory_space<hbm>> -> memref<1x64xf32, #tpu.memory_space<hbm>>
      %dma_start3A_458 = tpu.memref_squeeze %dma_start3A_457 : memref<1x64xf32, #tpu.memory_space<hbm>> -> memref<64xf32, #tpu.memory_space<hbm>>
      %dma_start3A_459 = arith.constant 0 : i32
      %dma_start3A_460 = tpu.memref_slice %arg9[%add3A_452, %dma_start3A_459] : memref<256x64xf32, #tpu.memory_space<vmem>> -> memref<1x64xf32, #tpu.memory_space<vmem>>
      %dma_start3A_461 = tpu.memref_squeeze %dma_start3A_460 : memref<1x64xf32, #tpu.memory_space<vmem>> -> memref<64xf32, #tpu.memory_space<vmem>>
      %dma_start3A_462 = arith.constant 0 : i32
      %dma_start3A_463 = tpu.memref_slice %arg4[%squeeze3A_448, %dma_start3A_462] : memref<1000000x64xf32, #tpu.memory_space<hbm>> -> memref<1x64xf32, #tpu.memory_space<hbm>>
      %dma_start3A_464 = tpu.memref_squeeze %dma_start3A_463 : memref<1x64xf32, #tpu.memory_space<hbm>> -> memref<64xf32, #tpu.memory_space<hbm>>
      tpu.enqueue_dma source(%dma_start3A_464 : memref<64xf32, #tpu.memory_space<hbm>>) target(%dma_start3A_461 : memref<64xf32, #tpu.memory_space<vmem>>) target_semaphore(%arg12 : memref<!tpu.dma_semaphore, #tpu.memory_space<semaphore_mem>>)
      %slice3A_465 = vector.extract_strided_slice %get3A_53 {offsets = [11], sizes = [1], strides = [1]} : vector<16xi32> to vector<1xi32>
      %squeeze3A_466 = vector.extract %slice3A_465[0] : i32 from vector<1xi32>
      %mul3A_467 = arith.constant 16 : i32
      %mul3A_468 = arith.muli %scan3A_42, %mul3A_467 : i32
      %add3A_469 = arith.constant 11 : i32
      %add3A_470 = arith.addi %mul3A_468, %add3A_469 : i32
      %dma_start3A_471 = arith.constant 0 : i32
      %dma_start3A_472 = tpu.memref_slice %arg10[%add3A_470, %dma_start3A_471] : memref<256x64xf32, #tpu.memory_space<vmem>> -> memref<1x64xf32, #tpu.memory_space<vmem>>
      %dma_start3A_473 = tpu.memref_squeeze %dma_start3A_472 : memref<1x64xf32, #tpu.memory_space<vmem>> -> memref<64xf32, #tpu.memory_space<vmem>>
      %dma_start3A_474 = arith.constant 0 : i32
      %dma_start3A_475 = tpu.memref_slice %arg5[%squeeze3A_466, %dma_start3A_474] : memref<1000000x64xf32, #tpu.memory_space<hbm>> -> memref<1x64xf32, #tpu.memory_space<hbm>>
      %dma_start3A_476 = tpu.memref_squeeze %dma_start3A_475 : memref<1x64xf32, #tpu.memory_space<hbm>> -> memref<64xf32, #tpu.memory_space<hbm>>
      %dma_start3A_477 = arith.constant 0 : i32
      %dma_start3A_478 = tpu.memref_slice %arg10[%add3A_470, %dma_start3A_477] : memref<256x64xf32, #tpu.memory_space<vmem>> -> memref<1x64xf32, #tpu.memory_space<vmem>>
      %dma_start3A_479 = tpu.memref_squeeze %dma_start3A_478 : memref<1x64xf32, #tpu.memory_space<vmem>> -> memref<64xf32, #tpu.memory_space<vmem>>
      %dma_start3A_480 = arith.constant 0 : i32
      %dma_start3A_481 = tpu.memref_slice %arg5[%squeeze3A_466, %dma_start3A_480] : memref<1000000x64xf32, #tpu.memory_space<hbm>> -> memref<1x64xf32, #tpu.memory_space<hbm>>
      %dma_start3A_482 = tpu.memref_squeeze %dma_start3A_481 : memref<1x64xf32, #tpu.memory_space<hbm>> -> memref<64xf32, #tpu.memory_space<hbm>>
      tpu.enqueue_dma source(%dma_start3A_482 : memref<64xf32, #tpu.memory_space<hbm>>) target(%dma_start3A_479 : memref<64xf32, #tpu.memory_space<vmem>>) target_semaphore(%arg12 : memref<!tpu.dma_semaphore, #tpu.memory_space<semaphore_mem>>)
      %slice3A_483 = vector.extract_strided_slice %get3A_47 {offsets = [12], sizes = [1], strides = [1]} : vector<16xi32> to vector<1xi32>
      %squeeze3A_484 = vector.extract %slice3A_483[0] : i32 from vector<1xi32>
      %mul3A_485 = arith.constant 16 : i32
      %mul3A_486 = arith.muli %scan3A_42, %mul3A_485 : i32
      %add3A_487 = arith.constant 12 : i32
      %add3A_488 = arith.addi %mul3A_486, %add3A_487 : i32
      %dma_start3A_489 = arith.constant 0 : i32
      %dma_start3A_490 = tpu.memref_slice %arg9[%add3A_488, %dma_start3A_489] : memref<256x64xf32, #tpu.memory_space<vmem>> -> memref<1x64xf32, #tpu.memory_space<vmem>>
      %dma_start3A_491 = tpu.memref_squeeze %dma_start3A_490 : memref<1x64xf32, #tpu.memory_space<vmem>> -> memref<64xf32, #tpu.memory_space<vmem>>
      %dma_start3A_492 = arith.constant 0 : i32
      %dma_start3A_493 = tpu.memref_slice %arg4[%squeeze3A_484, %dma_start3A_492] : memref<1000000x64xf32, #tpu.memory_space<hbm>> -> memref<1x64xf32, #tpu.memory_space<hbm>>
      %dma_start3A_494 = tpu.memref_squeeze %dma_start3A_493 : memref<1x64xf32, #tpu.memory_space<hbm>> -> memref<64xf32, #tpu.memory_space<hbm>>
      %dma_start3A_495 = arith.constant 0 : i32
      %dma_start3A_496 = tpu.memref_slice %arg9[%add3A_488, %dma_start3A_495] : memref<256x64xf32, #tpu.memory_space<vmem>> -> memref<1x64xf32, #tpu.memory_space<vmem>>
      %dma_start3A_497 = tpu.memref_squeeze %dma_start3A_496 : memref<1x64xf32, #tpu.memory_space<vmem>> -> memref<64xf32, #tpu.memory_space<vmem>>
      %dma_start3A_498 = arith.constant 0 : i32
      %dma_start3A_499 = tpu.memref_slice %arg4[%squeeze3A_484, %dma_start3A_498] : memref<1000000x64xf32, #tpu.memory_space<hbm>> -> memref<1x64xf32, #tpu.memory_space<hbm>>
      %dma_start3A_500 = tpu.memref_squeeze %dma_start3A_499 : memref<1x64xf32, #tpu.memory_space<hbm>> -> memref<64xf32, #tpu.memory_space<hbm>>
      tpu.enqueue_dma source(%dma_start3A_500 : memref<64xf32, #tpu.memory_space<hbm>>) target(%dma_start3A_497 : memref<64xf32, #tpu.memory_space<vmem>>) target_semaphore(%arg12 : memref<!tpu.dma_semaphore, #tpu.memory_space<semaphore_mem>>)
      %slice3A_501 = vector.extract_strided_slice %get3A_53 {offsets = [12], sizes = [1], strides = [1]} : vector<16xi32> to vector<1xi32>
      %squeeze3A_502 = vector.extract %slice3A_501[0] : i32 from vector<1xi32>
      %mul3A_503 = arith.constant 16 : i32
      %mul3A_504 = arith.muli %scan3A_42, %mul3A_503 : i32
      %add3A_505 = arith.constant 12 : i32
      %add3A_506 = arith.addi %mul3A_504, %add3A_505 : i32
      %dma_start3A_507 = arith.constant 0 : i32
      %dma_start3A_508 = tpu.memref_slice %arg10[%add3A_506, %dma_start3A_507] : memref<256x64xf32, #tpu.memory_space<vmem>> -> memref<1x64xf32, #tpu.memory_space<vmem>>
      %dma_start3A_509 = tpu.memref_squeeze %dma_start3A_508 : memref<1x64xf32, #tpu.memory_space<vmem>> -> memref<64xf32, #tpu.memory_space<vmem>>
      %dma_start3A_510 = arith.constant 0 : i32
      %dma_start3A_511 = tpu.memref_slice %arg5[%squeeze3A_502, %dma_start3A_510] : memref<1000000x64xf32, #tpu.memory_space<hbm>> -> memref<1x64xf32, #tpu.memory_space<hbm>>
      %dma_start3A_512 = tpu.memref_squeeze %dma_start3A_511 : memref<1x64xf32, #tpu.memory_space<hbm>> -> memref<64xf32, #tpu.memory_space<hbm>>
      %dma_start3A_513 = arith.constant 0 : i32
      %dma_start3A_514 = tpu.memref_slice %arg10[%add3A_506, %dma_start3A_513] : memref<256x64xf32, #tpu.memory_space<vmem>> -> memref<1x64xf32, #tpu.memory_space<vmem>>
      %dma_start3A_515 = tpu.memref_squeeze %dma_start3A_514 : memref<1x64xf32, #tpu.memory_space<vmem>> -> memref<64xf32, #tpu.memory_space<vmem>>
      %dma_start3A_516 = arith.constant 0 : i32
      %dma_start3A_517 = tpu.memref_slice %arg5[%squeeze3A_502, %dma_start3A_516] : memref<1000000x64xf32, #tpu.memory_space<hbm>> -> memref<1x64xf32, #tpu.memory_space<hbm>>
      %dma_start3A_518 = tpu.memref_squeeze %dma_start3A_517 : memref<1x64xf32, #tpu.memory_space<hbm>> -> memref<64xf32, #tpu.memory_space<hbm>>
      tpu.enqueue_dma source(%dma_start3A_518 : memref<64xf32, #tpu.memory_space<hbm>>) target(%dma_start3A_515 : memref<64xf32, #tpu.memory_space<vmem>>) target_semaphore(%arg12 : memref<!tpu.dma_semaphore, #tpu.memory_space<semaphore_mem>>)
      %slice3A_519 = vector.extract_strided_slice %get3A_47 {offsets = [13], sizes = [1], strides = [1]} : vector<16xi32> to vector<1xi32>
      %squeeze3A_520 = vector.extract %slice3A_519[0] : i32 from vector<1xi32>
      %mul3A_521 = arith.constant 16 : i32
      %mul3A_522 = arith.muli %scan3A_42, %mul3A_521 : i32
      %add3A_523 = arith.constant 13 : i32
      %add3A_524 = arith.addi %mul3A_522, %add3A_523 : i32
      %dma_start3A_525 = arith.constant 0 : i32
      %dma_start3A_526 = tpu.memref_slice %arg9[%add3A_524, %dma_start3A_525] : memref<256x64xf32, #tpu.memory_space<vmem>> -> memref<1x64xf32, #tpu.memory_space<vmem>>
      %dma_start3A_527 = tpu.memref_squeeze %dma_start3A_526 : memref<1x64xf32, #tpu.memory_space<vmem>> -> memref<64xf32, #tpu.memory_space<vmem>>
      %dma_start3A_528 = arith.constant 0 : i32
      %dma_start3A_529 = tpu.memref_slice %arg4[%squeeze3A_520, %dma_start3A_528] : memref<1000000x64xf32, #tpu.memory_space<hbm>> -> memref<1x64xf32, #tpu.memory_space<hbm>>
      %dma_start3A_530 = tpu.memref_squeeze %dma_start3A_529 : memref<1x64xf32, #tpu.memory_space<hbm>> -> memref<64xf32, #tpu.memory_space<hbm>>
      %dma_start3A_531 = arith.constant 0 : i32
      %dma_start3A_532 = tpu.memref_slice %arg9[%add3A_524, %dma_start3A_531] : memref<256x64xf32, #tpu.memory_space<vmem>> -> memref<1x64xf32, #tpu.memory_space<vmem>>
      %dma_start3A_533 = tpu.memref_squeeze %dma_start3A_532 : memref<1x64xf32, #tpu.memory_space<vmem>> -> memref<64xf32, #tpu.memory_space<vmem>>
      %dma_start3A_534 = arith.constant 0 : i32
      %dma_start3A_535 = tpu.memref_slice %arg4[%squeeze3A_520, %dma_start3A_534] : memref<1000000x64xf32, #tpu.memory_space<hbm>> -> memref<1x64xf32, #tpu.memory_space<hbm>>
      %dma_start3A_536 = tpu.memref_squeeze %dma_start3A_535 : memref<1x64xf32, #tpu.memory_space<hbm>> -> memref<64xf32, #tpu.memory_space<hbm>>
      tpu.enqueue_dma source(%dma_start3A_536 : memref<64xf32, #tpu.memory_space<hbm>>) target(%dma_start3A_533 : memref<64xf32, #tpu.memory_space<vmem>>) target_semaphore(%arg12 : memref<!tpu.dma_semaphore, #tpu.memory_space<semaphore_mem>>)
      %slice3A_537 = vector.extract_strided_slice %get3A_53 {offsets = [13], sizes = [1], strides = [1]} : vector<16xi32> to vector<1xi32>
      %squeeze3A_538 = vector.extract %slice3A_537[0] : i32 from vector<1xi32>
      %mul3A_539 = arith.constant 16 : i32
      %mul3A_540 = arith.muli %scan3A_42, %mul3A_539 : i32
      %add3A_541 = arith.constant 13 : i32
      %add3A_542 = arith.addi %mul3A_540, %add3A_541 : i32
      %dma_start3A_543 = arith.constant 0 : i32
      %dma_start3A_544 = tpu.memref_slice %arg10[%add3A_542, %dma_start3A_543] : memref<256x64xf32, #tpu.memory_space<vmem>> -> memref<1x64xf32, #tpu.memory_space<vmem>>
      %dma_start3A_545 = tpu.memref_squeeze %dma_start3A_544 : memref<1x64xf32, #tpu.memory_space<vmem>> -> memref<64xf32, #tpu.memory_space<vmem>>
      %dma_start3A_546 = arith.constant 0 : i32
      %dma_start3A_547 = tpu.memref_slice %arg5[%squeeze3A_538, %dma_start3A_546] : memref<1000000x64xf32, #tpu.memory_space<hbm>> -> memref<1x64xf32, #tpu.memory_space<hbm>>
      %dma_start3A_548 = tpu.memref_squeeze %dma_start3A_547 : memref<1x64xf32, #tpu.memory_space<hbm>> -> memref<64xf32, #tpu.memory_space<hbm>>
      %dma_start3A_549 = arith.constant 0 : i32
      %dma_start3A_550 = tpu.memref_slice %arg10[%add3A_542, %dma_start3A_549] : memref<256x64xf32, #tpu.memory_space<vmem>> -> memref<1x64xf32, #tpu.memory_space<vmem>>
      %dma_start3A_551 = tpu.memref_squeeze %dma_start3A_550 : memref<1x64xf32, #tpu.memory_space<vmem>> -> memref<64xf32, #tpu.memory_space<vmem>>
      %dma_start3A_552 = arith.constant 0 : i32
      %dma_start3A_553 = tpu.memref_slice %arg5[%squeeze3A_538, %dma_start3A_552] : memref<1000000x64xf32, #tpu.memory_space<hbm>> -> memref<1x64xf32, #tpu.memory_space<hbm>>
      %dma_start3A_554 = tpu.memref_squeeze %dma_start3A_553 : memref<1x64xf32, #tpu.memory_space<hbm>> -> memref<64xf32, #tpu.memory_space<hbm>>
      tpu.enqueue_dma source(%dma_start3A_554 : memref<64xf32, #tpu.memory_space<hbm>>) target(%dma_start3A_551 : memref<64xf32, #tpu.memory_space<vmem>>) target_semaphore(%arg12 : memref<!tpu.dma_semaphore, #tpu.memory_space<semaphore_mem>>)
      %slice3A_555 = vector.extract_strided_slice %get3A_47 {offsets = [14], sizes = [1], strides = [1]} : vector<16xi32> to vector<1xi32>
      %squeeze3A_556 = vector.extract %slice3A_555[0] : i32 from vector<1xi32>
      %mul3A_557 = arith.constant 16 : i32
      %mul3A_558 = arith.muli %scan3A_42, %mul3A_557 : i32
      %add3A_559 = arith.constant 14 : i32
      %add3A_560 = arith.addi %mul3A_558, %add3A_559 : i32
      %dma_start3A_561 = arith.constant 0 : i32
      %dma_start3A_562 = tpu.memref_slice %arg9[%add3A_560, %dma_start3A_561] : memref<256x64xf32, #tpu.memory_space<vmem>> -> memref<1x64xf32, #tpu.memory_space<vmem>>
      %dma_start3A_563 = tpu.memref_squeeze %dma_start3A_562 : memref<1x64xf32, #tpu.memory_space<vmem>> -> memref<64xf32, #tpu.memory_space<vmem>>
      %dma_start3A_564 = arith.constant 0 : i32
      %dma_start3A_565 = tpu.memref_slice %arg4[%squeeze3A_556, %dma_start3A_564] : memref<1000000x64xf32, #tpu.memory_space<hbm>> -> memref<1x64xf32, #tpu.memory_space<hbm>>
      %dma_start3A_566 = tpu.memref_squeeze %dma_start3A_565 : memref<1x64xf32, #tpu.memory_space<hbm>> -> memref<64xf32, #tpu.memory_space<hbm>>
      %dma_start3A_567 = arith.constant 0 : i32
      %dma_start3A_568 = tpu.memref_slice %arg9[%add3A_560, %dma_start3A_567] : memref<256x64xf32, #tpu.memory_space<vmem>> -> memref<1x64xf32, #tpu.memory_space<vmem>>
      %dma_start3A_569 = tpu.memref_squeeze %dma_start3A_568 : memref<1x64xf32, #tpu.memory_space<vmem>> -> memref<64xf32, #tpu.memory_space<vmem>>
      %dma_start3A_570 = arith.constant 0 : i32
      %dma_start3A_571 = tpu.memref_slice %arg4[%squeeze3A_556, %dma_start3A_570] : memref<1000000x64xf32, #tpu.memory_space<hbm>> -> memref<1x64xf32, #tpu.memory_space<hbm>>
      %dma_start3A_572 = tpu.memref_squeeze %dma_start3A_571 : memref<1x64xf32, #tpu.memory_space<hbm>> -> memref<64xf32, #tpu.memory_space<hbm>>
      tpu.enqueue_dma source(%dma_start3A_572 : memref<64xf32, #tpu.memory_space<hbm>>) target(%dma_start3A_569 : memref<64xf32, #tpu.memory_space<vmem>>) target_semaphore(%arg12 : memref<!tpu.dma_semaphore, #tpu.memory_space<semaphore_mem>>)
      %slice3A_573 = vector.extract_strided_slice %get3A_53 {offsets = [14], sizes = [1], strides = [1]} : vector<16xi32> to vector<1xi32>
      %squeeze3A_574 = vector.extract %slice3A_573[0] : i32 from vector<1xi32>
      %mul3A_575 = arith.constant 16 : i32
      %mul3A_576 = arith.muli %scan3A_42, %mul3A_575 : i32
      %add3A_577 = arith.constant 14 : i32
      %add3A_578 = arith.addi %mul3A_576, %add3A_577 : i32
      %dma_start3A_579 = arith.constant 0 : i32
      %dma_start3A_580 = tpu.memref_slice %arg10[%add3A_578, %dma_start3A_579] : memref<256x64xf32, #tpu.memory_space<vmem>> -> memref<1x64xf32, #tpu.memory_space<vmem>>
      %dma_start3A_581 = tpu.memref_squeeze %dma_start3A_580 : memref<1x64xf32, #tpu.memory_space<vmem>> -> memref<64xf32, #tpu.memory_space<vmem>>
      %dma_start3A_582 = arith.constant 0 : i32
      %dma_start3A_583 = tpu.memref_slice %arg5[%squeeze3A_574, %dma_start3A_582] : memref<1000000x64xf32, #tpu.memory_space<hbm>> -> memref<1x64xf32, #tpu.memory_space<hbm>>
      %dma_start3A_584 = tpu.memref_squeeze %dma_start3A_583 : memref<1x64xf32, #tpu.memory_space<hbm>> -> memref<64xf32, #tpu.memory_space<hbm>>
      %dma_start3A_585 = arith.constant 0 : i32
      %dma_start3A_586 = tpu.memref_slice %arg10[%add3A_578, %dma_start3A_585] : memref<256x64xf32, #tpu.memory_space<vmem>> -> memref<1x64xf32, #tpu.memory_space<vmem>>
      %dma_start3A_587 = tpu.memref_squeeze %dma_start3A_586 : memref<1x64xf32, #tpu.memory_space<vmem>> -> memref<64xf32, #tpu.memory_space<vmem>>
      %dma_start3A_588 = arith.constant 0 : i32
      %dma_start3A_589 = tpu.memref_slice %arg5[%squeeze3A_574, %dma_start3A_588] : memref<1000000x64xf32, #tpu.memory_space<hbm>> -> memref<1x64xf32, #tpu.memory_space<hbm>>
      %dma_start3A_590 = tpu.memref_squeeze %dma_start3A_589 : memref<1x64xf32, #tpu.memory_space<hbm>> -> memref<64xf32, #tpu.memory_space<hbm>>
      tpu.enqueue_dma source(%dma_start3A_590 : memref<64xf32, #tpu.memory_space<hbm>>) target(%dma_start3A_587 : memref<64xf32, #tpu.memory_space<vmem>>) target_semaphore(%arg12 : memref<!tpu.dma_semaphore, #tpu.memory_space<semaphore_mem>>)
      %slice3A_591 = vector.extract_strided_slice %get3A_47 {offsets = [15], sizes = [1], strides = [1]} : vector<16xi32> to vector<1xi32>
      %squeeze3A_592 = vector.extract %slice3A_591[0] : i32 from vector<1xi32>
      %mul3A_593 = arith.constant 16 : i32
      %mul3A_594 = arith.muli %scan3A_42, %mul3A_593 : i32
      %add3A_595 = arith.constant 15 : i32
      %add3A_596 = arith.addi %mul3A_594, %add3A_595 : i32
      %dma_start3A_597 = arith.constant 0 : i32
      %dma_start3A_598 = tpu.memref_slice %arg9[%add3A_596, %dma_start3A_597] : memref<256x64xf32, #tpu.memory_space<vmem>> -> memref<1x64xf32, #tpu.memory_space<vmem>>
      %dma_start3A_599 = tpu.memref_squeeze %dma_start3A_598 : memref<1x64xf32, #tpu.memory_space<vmem>> -> memref<64xf32, #tpu.memory_space<vmem>>
      %dma_start3A_600 = arith.constant 0 : i32
      %dma_start3A_601 = tpu.memref_slice %arg4[%squeeze3A_592, %dma_start3A_600] : memref<1000000x64xf32, #tpu.memory_space<hbm>> -> memref<1x64xf32, #tpu.memory_space<hbm>>
      %dma_start3A_602 = tpu.memref_squeeze %dma_start3A_601 : memref<1x64xf32, #tpu.memory_space<hbm>> -> memref<64xf32, #tpu.memory_space<hbm>>
      %dma_start3A_603 = arith.constant 0 : i32
      %dma_start3A_604 = tpu.memref_slice %arg9[%add3A_596, %dma_start3A_603] : memref<256x64xf32, #tpu.memory_space<vmem>> -> memref<1x64xf32, #tpu.memory_space<vmem>>
      %dma_start3A_605 = tpu.memref_squeeze %dma_start3A_604 : memref<1x64xf32, #tpu.memory_space<vmem>> -> memref<64xf32, #tpu.memory_space<vmem>>
      %dma_start3A_606 = arith.constant 0 : i32
      %dma_start3A_607 = tpu.memref_slice %arg4[%squeeze3A_592, %dma_start3A_606] : memref<1000000x64xf32, #tpu.memory_space<hbm>> -> memref<1x64xf32, #tpu.memory_space<hbm>>
      %dma_start3A_608 = tpu.memref_squeeze %dma_start3A_607 : memref<1x64xf32, #tpu.memory_space<hbm>> -> memref<64xf32, #tpu.memory_space<hbm>>
      tpu.enqueue_dma source(%dma_start3A_608 : memref<64xf32, #tpu.memory_space<hbm>>) target(%dma_start3A_605 : memref<64xf32, #tpu.memory_space<vmem>>) target_semaphore(%arg12 : memref<!tpu.dma_semaphore, #tpu.memory_space<semaphore_mem>>)
      %slice3A_609 = vector.extract_strided_slice %get3A_53 {offsets = [15], sizes = [1], strides = [1]} : vector<16xi32> to vector<1xi32>
      %squeeze3A_610 = vector.extract %slice3A_609[0] : i32 from vector<1xi32>
      %mul3A_611 = arith.constant 16 : i32
      %mul3A_612 = arith.muli %scan3A_42, %mul3A_611 : i32
      %add3A_613 = arith.constant 15 : i32
      %add3A_614 = arith.addi %mul3A_612, %add3A_613 : i32
      %dma_start3A_615 = arith.constant 0 : i32
      %dma_start3A_616 = tpu.memref_slice %arg10[%add3A_614, %dma_start3A_615] : memref<256x64xf32, #tpu.memory_space<vmem>> -> memref<1x64xf32, #tpu.memory_space<vmem>>
      %dma_start3A_617 = tpu.memref_squeeze %dma_start3A_616 : memref<1x64xf32, #tpu.memory_space<vmem>> -> memref<64xf32, #tpu.memory_space<vmem>>
      %dma_start3A_618 = arith.constant 0 : i32
      %dma_start3A_619 = tpu.memref_slice %arg5[%squeeze3A_610, %dma_start3A_618] : memref<1000000x64xf32, #tpu.memory_space<hbm>> -> memref<1x64xf32, #tpu.memory_space<hbm>>
      %dma_start3A_620 = tpu.memref_squeeze %dma_start3A_619 : memref<1x64xf32, #tpu.memory_space<hbm>> -> memref<64xf32, #tpu.memory_space<hbm>>
      %dma_start3A_621 = arith.constant 0 : i32
      %dma_start3A_622 = tpu.memref_slice %arg10[%add3A_614, %dma_start3A_621] : memref<256x64xf32, #tpu.memory_space<vmem>> -> memref<1x64xf32, #tpu.memory_space<vmem>>
      %dma_start3A_623 = tpu.memref_squeeze %dma_start3A_622 : memref<1x64xf32, #tpu.memory_space<vmem>> -> memref<64xf32, #tpu.memory_space<vmem>>
      %dma_start3A_624 = arith.constant 0 : i32
      %dma_start3A_625 = tpu.memref_slice %arg5[%squeeze3A_610, %dma_start3A_624] : memref<1000000x64xf32, #tpu.memory_space<hbm>> -> memref<1x64xf32, #tpu.memory_space<hbm>>
      %dma_start3A_626 = tpu.memref_squeeze %dma_start3A_625 : memref<1x64xf32, #tpu.memory_space<hbm>> -> memref<64xf32, #tpu.memory_space<hbm>>
      tpu.enqueue_dma source(%dma_start3A_626 : memref<64xf32, #tpu.memory_space<hbm>>) target(%dma_start3A_623 : memref<64xf32, #tpu.memory_space<vmem>>) target_semaphore(%arg12 : memref<!tpu.dma_semaphore, #tpu.memory_space<semaphore_mem>>)
    }
    %scan3A_27 = arith.constant 16 : i32
    %scan3A_28 = arith.constant 0 : i32
    %scan3A_29 = arith.constant 0 : i32
    %scan3A_30 = arith.constant 256 : i32
    %scan3A_31 = arith.addi %scan3A_29, %scan3A_30 : i32
    %scan3A_32 = arith.constant 1 : i32
    scf.for %scan3A_42 = %scan3A_29 to %scan3A_31 step %scan3A_32  : i32 {
      %dma_wait3A = arith.constant 0 : i32
      %dma_wait3A_43 = arith.constant 0 : i32
      %dma_wait3A_44 = arith.constant 0 : i32
      %dma_wait3A_45 = tpu.memref_slice %arg9[%dma_wait3A_43, %dma_wait3A_44] : memref<256x64xf32, #tpu.memory_space<vmem>> -> memref<1x64xf32, #tpu.memory_space<vmem>>
      %dma_wait3A_46 = tpu.memref_squeeze %dma_wait3A_45 : memref<1x64xf32, #tpu.memory_space<vmem>> -> memref<64xf32, #tpu.memory_space<vmem>>
      %dma_wait3A_47 = arith.constant 0 : i32
      %dma_wait3A_48 = tpu.memref_slice %arg4[%dma_wait3A, %dma_wait3A_47] : memref<1000000x64xf32, #tpu.memory_space<hbm>> -> memref<1x64xf32, #tpu.memory_space<hbm>>
      %dma_wait3A_49 = tpu.memref_squeeze %dma_wait3A_48 : memref<1x64xf32, #tpu.memory_space<hbm>> -> memref<64xf32, #tpu.memory_space<hbm>>
      %dma_wait3A_50 = arith.constant 0 : i32
      %dma_wait3A_51 = tpu.memref_slice %arg9[%dma_wait3A_43, %dma_wait3A_50] : memref<256x64xf32, #tpu.memory_space<vmem>> -> memref<1x64xf32, #tpu.memory_space<vmem>>
      %dma_wait3A_52 = tpu.memref_squeeze %dma_wait3A_51 : memref<1x64xf32, #tpu.memory_space<vmem>> -> memref<64xf32, #tpu.memory_space<vmem>>
      %dma_wait3A_53 = arith.constant 0 : i32
      %dma_wait3A_54 = tpu.memref_slice %arg4[%dma_wait3A, %dma_wait3A_53] : memref<1000000x64xf32, #tpu.memory_space<hbm>> -> memref<1x64xf32, #tpu.memory_space<hbm>>
      %dma_wait3A_55 = tpu.memref_squeeze %dma_wait3A_54 : memref<1x64xf32, #tpu.memory_space<hbm>> -> memref<64xf32, #tpu.memory_space<hbm>>
      tpu.wait_dma2 semaphore(%arg12 : memref<!tpu.dma_semaphore, #tpu.memory_space<semaphore_mem>>) src(%dma_wait3A_55 : memref<64xf32, #tpu.memory_space<hbm>>) dst(%dma_wait3A_52 : memref<64xf32, #tpu.memory_space<vmem>>)
      %dma_wait3A_56 = arith.constant 0 : i32
      %dma_wait3A_57 = arith.constant 0 : i32
      %dma_wait3A_58 = arith.constant 0 : i32
      %dma_wait3A_59 = tpu.memref_slice %arg10[%dma_wait3A_57, %dma_wait3A_58] : memref<256x64xf32, #tpu.memory_space<vmem>> -> memref<1x64xf32, #tpu.memory_space<vmem>>
      %dma_wait3A_60 = tpu.memref_squeeze %dma_wait3A_59 : memref<1x64xf32, #tpu.memory_space<vmem>> -> memref<64xf32, #tpu.memory_space<vmem>>
      %dma_wait3A_61 = arith.constant 0 : i32
      %dma_wait3A_62 = tpu.memref_slice %arg5[%dma_wait3A_56, %dma_wait3A_61] : memref<1000000x64xf32, #tpu.memory_space<hbm>> -> memref<1x64xf32, #tpu.memory_space<hbm>>
      %dma_wait3A_63 = tpu.memref_squeeze %dma_wait3A_62 : memref<1x64xf32, #tpu.memory_space<hbm>> -> memref<64xf32, #tpu.memory_space<hbm>>
      %dma_wait3A_64 = arith.constant 0 : i32
      %dma_wait3A_65 = tpu.memref_slice %arg10[%dma_wait3A_57, %dma_wait3A_64] : memref<256x64xf32, #tpu.memory_space<vmem>> -> memref<1x64xf32, #tpu.memory_space<vmem>>
      %dma_wait3A_66 = tpu.memref_squeeze %dma_wait3A_65 : memref<1x64xf32, #tpu.memory_space<vmem>> -> memref<64xf32, #tpu.memory_space<vmem>>
      %dma_wait3A_67 = arith.constant 0 : i32
      %dma_wait3A_68 = tpu.memref_slice %arg5[%dma_wait3A_56, %dma_wait3A_67] : memref<1000000x64xf32, #tpu.memory_space<hbm>> -> memref<1x64xf32, #tpu.memory_space<hbm>>
      %dma_wait3A_69 = tpu.memref_squeeze %dma_wait3A_68 : memref<1x64xf32, #tpu.memory_space<hbm>> -> memref<64xf32, #tpu.memory_space<hbm>>
      tpu.wait_dma2 semaphore(%arg12 : memref<!tpu.dma_semaphore, #tpu.memory_space<semaphore_mem>>) src(%dma_wait3A_69 : memref<64xf32, #tpu.memory_space<hbm>>) dst(%dma_wait3A_66 : memref<64xf32, #tpu.memory_space<vmem>>)
    }
    %scan3A_33 = arith.constant 256 : i32
    %scan3A_34 = arith.constant 0 : i32
    %scan3A_35 = arith.constant 0 : i32
    %scan3A_36 = arith.constant 16 : i32
    %scan3A_37 = arith.addi %scan3A_35, %scan3A_36 : i32
    %scan3A_38 = arith.constant 1 : i32
    scf.for %scan3A_42 = %scan3A_35 to %scan3A_37 step %scan3A_38  : i32 {
      %mul3A_43 = arith.constant 16 : i32
      %mul3A_44 = arith.muli %scan3A_42, %mul3A_43 : i32
      %add3A_45 = vector.broadcast %mul3A_44 : i32 to vector<16xi32>
      %add3A_46 = arith.addi %iota3A, %add3A_45 : vector<16xi32>
      %broadcast_in_dim3A = arith.constant 0.000000e+00 : f32
      %broadcast_in_dim3A_47 = vector.broadcast %broadcast_in_dim3A : f32 to vector<16xf32>
      %broadcast_in_dim3A_48 = arith.constant 0 : i32
      %broadcast_in_dim3A_49 = vector.broadcast %broadcast_in_dim3A_48 : i32 to vector<16xi32>
      %gather3A = tpu.vector_load_idx %arg9[%add3A_46, %broadcast_in_dim3A_49] : memref<256x64xf32, #tpu.memory_space<vmem>>[vector<16xi32>, vector<16xi32>], vector<16xf32>,
      %gather3A_50 = tpu.vector_load_idx %arg10[%add3A_46, %broadcast_in_dim3A_49] : memref<256x64xf32, #tpu.memory_space<vmem>>[vector<16xi32>, vector<16xi32>], vector<16xf32>,
      %mul3A_51 = arith.mulf %gather3A, %gather3A_50 : vector<16xf32>
      %add3A_52 = arith.addf %broadcast_in_dim3A_47, %mul3A_51 : vector<16xf32>
      %broadcast_in_dim3A_53 = arith.constant 1 : i32
      %broadcast_in_dim3A_54 = vector.broadcast %broadcast_in_dim3A_53 : i32 to vector<16xi32>
      %gather3A_55 = tpu.vector_load_idx %arg9[%add3A_46, %broadcast_in_dim3A_54] : memref<256x64xf32, #tpu.memory_space<vmem>>[vector<16xi32>, vector<16xi32>], vector<16xf32>,
      %gather3A_56 = tpu.vector_load_idx %arg10[%add3A_46, %broadcast_in_dim3A_54] : memref<256x64xf32, #tpu.memory_space<vmem>>[vector<16xi32>, vector<16xi32>], vector<16xf32>,
      %mul3A_57 = arith.mulf %gather3A_55, %gather3A_56 : vector<16xf32>
      %add3A_58 = arith.addf %add3A_52, %mul3A_57 : vector<16xf32>
      %broadcast_in_dim3A_59 = arith.constant 2 : i32
      %broadcast_in_dim3A_60 = vector.broadcast %broadcast_in_dim3A_59 : i32 to vector<16xi32>
      %gather3A_61 = tpu.vector_load_idx %arg9[%add3A_46, %broadcast_in_dim3A_60] : memref<256x64xf32, #tpu.memory_space<vmem>>[vector<16xi32>, vector<16xi32>], vector<16xf32>,
      %gather3A_62 = tpu.vector_load_idx %arg10[%add3A_46, %broadcast_in_dim3A_60] : memref<256x64xf32, #tpu.memory_space<vmem>>[vector<16xi32>, vector<16xi32>], vector<16xf32>,
      %mul3A_63 = arith.mulf %gather3A_61, %gather3A_62 : vector<16xf32>
      %add3A_64 = arith.addf %add3A_58, %mul3A_63 : vector<16xf32>
      %broadcast_in_dim3A_65 = arith.constant 3 : i32
      %broadcast_in_dim3A_66 = vector.broadcast %broadcast_in_dim3A_65 : i32 to vector<16xi32>
      %gather3A_67 = tpu.vector_load_idx %arg9[%add3A_46, %broadcast_in_dim3A_66] : memref<256x64xf32, #tpu.memory_space<vmem>>[vector<16xi32>, vector<16xi32>], vector<16xf32>,
      %gather3A_68 = tpu.vector_load_idx %arg10[%add3A_46, %broadcast_in_dim3A_66] : memref<256x64xf32, #tpu.memory_space<vmem>>[vector<16xi32>, vector<16xi32>], vector<16xf32>,
      %mul3A_69 = arith.mulf %gather3A_67, %gather3A_68 : vector<16xf32>
      %add3A_70 = arith.addf %add3A_64, %mul3A_69 : vector<16xf32>
      %broadcast_in_dim3A_71 = arith.constant 4 : i32
      %broadcast_in_dim3A_72 = vector.broadcast %broadcast_in_dim3A_71 : i32 to vector<16xi32>
      %gather3A_73 = tpu.vector_load_idx %arg9[%add3A_46, %broadcast_in_dim3A_72] : memref<256x64xf32, #tpu.memory_space<vmem>>[vector<16xi32>, vector<16xi32>], vector<16xf32>,
      %gather3A_74 = tpu.vector_load_idx %arg10[%add3A_46, %broadcast_in_dim3A_72] : memref<256x64xf32, #tpu.memory_space<vmem>>[vector<16xi32>, vector<16xi32>], vector<16xf32>,
      %mul3A_75 = arith.mulf %gather3A_73, %gather3A_74 : vector<16xf32>
      %add3A_76 = arith.addf %add3A_70, %mul3A_75 : vector<16xf32>
      %broadcast_in_dim3A_77 = arith.constant 5 : i32
      %broadcast_in_dim3A_78 = vector.broadcast %broadcast_in_dim3A_77 : i32 to vector<16xi32>
      %gather3A_79 = tpu.vector_load_idx %arg9[%add3A_46, %broadcast_in_dim3A_78] : memref<256x64xf32, #tpu.memory_space<vmem>>[vector<16xi32>, vector<16xi32>], vector<16xf32>,
      %gather3A_80 = tpu.vector_load_idx %arg10[%add3A_46, %broadcast_in_dim3A_78] : memref<256x64xf32, #tpu.memory_space<vmem>>[vector<16xi32>, vector<16xi32>], vector<16xf32>,
      %mul3A_81 = arith.mulf %gather3A_79, %gather3A_80 : vector<16xf32>
      %add3A_82 = arith.addf %add3A_76, %mul3A_81 : vector<16xf32>
      %broadcast_in_dim3A_83 = arith.constant 6 : i32
      %broadcast_in_dim3A_84 = vector.broadcast %broadcast_in_dim3A_83 : i32 to vector<16xi32>
      %gather3A_85 = tpu.vector_load_idx %arg9[%add3A_46, %broadcast_in_dim3A_84] : memref<256x64xf32, #tpu.memory_space<vmem>>[vector<16xi32>, vector<16xi32>], vector<16xf32>,
      %gather3A_86 = tpu.vector_load_idx %arg10[%add3A_46, %broadcast_in_dim3A_84] : memref<256x64xf32, #tpu.memory_space<vmem>>[vector<16xi32>, vector<16xi32>], vector<16xf32>,
      %mul3A_87 = arith.mulf %gather3A_85, %gather3A_86 : vector<16xf32>
      %add3A_88 = arith.addf %add3A_82, %mul3A_87 : vector<16xf32>
      %broadcast_in_dim3A_89 = arith.constant 7 : i32
      %broadcast_in_dim3A_90 = vector.broadcast %broadcast_in_dim3A_89 : i32 to vector<16xi32>
      %gather3A_91 = tpu.vector_load_idx %arg9[%add3A_46, %broadcast_in_dim3A_90] : memref<256x64xf32, #tpu.memory_space<vmem>>[vector<16xi32>, vector<16xi32>], vector<16xf32>,
      %gather3A_92 = tpu.vector_load_idx %arg10[%add3A_46, %broadcast_in_dim3A_90] : memref<256x64xf32, #tpu.memory_space<vmem>>[vector<16xi32>, vector<16xi32>], vector<16xf32>,
      %mul3A_93 = arith.mulf %gather3A_91, %gather3A_92 : vector<16xf32>
      %add3A_94 = arith.addf %add3A_88, %mul3A_93 : vector<16xf32>
      %broadcast_in_dim3A_95 = arith.constant 8 : i32
      %broadcast_in_dim3A_96 = vector.broadcast %broadcast_in_dim3A_95 : i32 to vector<16xi32>
      %gather3A_97 = tpu.vector_load_idx %arg9[%add3A_46, %broadcast_in_dim3A_96] : memref<256x64xf32, #tpu.memory_space<vmem>>[vector<16xi32>, vector<16xi32>], vector<16xf32>,
      %gather3A_98 = tpu.vector_load_idx %arg10[%add3A_46, %broadcast_in_dim3A_96] : memref<256x64xf32, #tpu.memory_space<vmem>>[vector<16xi32>, vector<16xi32>], vector<16xf32>,
      %mul3A_99 = arith.mulf %gather3A_97, %gather3A_98 : vector<16xf32>
      %add3A_100 = arith.addf %add3A_94, %mul3A_99 : vector<16xf32>
      %broadcast_in_dim3A_101 = arith.constant 9 : i32
      %broadcast_in_dim3A_102 = vector.broadcast %broadcast_in_dim3A_101 : i32 to vector<16xi32>
      %gather3A_103 = tpu.vector_load_idx %arg9[%add3A_46, %broadcast_in_dim3A_102] : memref<256x64xf32, #tpu.memory_space<vmem>>[vector<16xi32>, vector<16xi32>], vector<16xf32>,
      %gather3A_104 = tpu.vector_load_idx %arg10[%add3A_46, %broadcast_in_dim3A_102] : memref<256x64xf32, #tpu.memory_space<vmem>>[vector<16xi32>, vector<16xi32>], vector<16xf32>,
      %mul3A_105 = arith.mulf %gather3A_103, %gather3A_104 : vector<16xf32>
      %add3A_106 = arith.addf %add3A_100, %mul3A_105 : vector<16xf32>
      %broadcast_in_dim3A_107 = arith.constant 10 : i32
      %broadcast_in_dim3A_108 = vector.broadcast %broadcast_in_dim3A_107 : i32 to vector<16xi32>
      %gather3A_109 = tpu.vector_load_idx %arg9[%add3A_46, %broadcast_in_dim3A_108] : memref<256x64xf32, #tpu.memory_space<vmem>>[vector<16xi32>, vector<16xi32>], vector<16xf32>,
      %gather3A_110 = tpu.vector_load_idx %arg10[%add3A_46, %broadcast_in_dim3A_108] : memref<256x64xf32, #tpu.memory_space<vmem>>[vector<16xi32>, vector<16xi32>], vector<16xf32>,
      %mul3A_111 = arith.mulf %gather3A_109, %gather3A_110 : vector<16xf32>
      %add3A_112 = arith.addf %add3A_106, %mul3A_111 : vector<16xf32>
      %broadcast_in_dim3A_113 = arith.constant 11 : i32
      %broadcast_in_dim3A_114 = vector.broadcast %broadcast_in_dim3A_113 : i32 to vector<16xi32>
      %gather3A_115 = tpu.vector_load_idx %arg9[%add3A_46, %broadcast_in_dim3A_114] : memref<256x64xf32, #tpu.memory_space<vmem>>[vector<16xi32>, vector<16xi32>], vector<16xf32>,
      %gather3A_116 = tpu.vector_load_idx %arg10[%add3A_46, %broadcast_in_dim3A_114] : memref<256x64xf32, #tpu.memory_space<vmem>>[vector<16xi32>, vector<16xi32>], vector<16xf32>,
      %mul3A_117 = arith.mulf %gather3A_115, %gather3A_116 : vector<16xf32>
      %add3A_118 = arith.addf %add3A_112, %mul3A_117 : vector<16xf32>
      %broadcast_in_dim3A_119 = arith.constant 12 : i32
      %broadcast_in_dim3A_120 = vector.broadcast %broadcast_in_dim3A_119 : i32 to vector<16xi32>
      %gather3A_121 = tpu.vector_load_idx %arg9[%add3A_46, %broadcast_in_dim3A_120] : memref<256x64xf32, #tpu.memory_space<vmem>>[vector<16xi32>, vector<16xi32>], vector<16xf32>,
      %gather3A_122 = tpu.vector_load_idx %arg10[%add3A_46, %broadcast_in_dim3A_120] : memref<256x64xf32, #tpu.memory_space<vmem>>[vector<16xi32>, vector<16xi32>], vector<16xf32>,
      %mul3A_123 = arith.mulf %gather3A_121, %gather3A_122 : vector<16xf32>
      %add3A_124 = arith.addf %add3A_118, %mul3A_123 : vector<16xf32>
      %broadcast_in_dim3A_125 = arith.constant 13 : i32
      %broadcast_in_dim3A_126 = vector.broadcast %broadcast_in_dim3A_125 : i32 to vector<16xi32>
      %gather3A_127 = tpu.vector_load_idx %arg9[%add3A_46, %broadcast_in_dim3A_126] : memref<256x64xf32, #tpu.memory_space<vmem>>[vector<16xi32>, vector<16xi32>], vector<16xf32>,
      %gather3A_128 = tpu.vector_load_idx %arg10[%add3A_46, %broadcast_in_dim3A_126] : memref<256x64xf32, #tpu.memory_space<vmem>>[vector<16xi32>, vector<16xi32>], vector<16xf32>,
      %mul3A_129 = arith.mulf %gather3A_127, %gather3A_128 : vector<16xf32>
      %add3A_130 = arith.addf %add3A_124, %mul3A_129 : vector<16xf32>
      %broadcast_in_dim3A_131 = arith.constant 14 : i32
      %broadcast_in_dim3A_132 = vector.broadcast %broadcast_in_dim3A_131 : i32 to vector<16xi32>
      %gather3A_133 = tpu.vector_load_idx %arg9[%add3A_46, %broadcast_in_dim3A_132] : memref<256x64xf32, #tpu.memory_space<vmem>>[vector<16xi32>, vector<16xi32>], vector<16xf32>,
      %gather3A_134 = tpu.vector_load_idx %arg10[%add3A_46, %broadcast_in_dim3A_132] : memref<256x64xf32, #tpu.memory_space<vmem>>[vector<16xi32>, vector<16xi32>], vector<16xf32>,
      %mul3A_135 = arith.mulf %gather3A_133, %gather3A_134 : vector<16xf32>
      %add3A_136 = arith.addf %add3A_130, %mul3A_135 : vector<16xf32>
      %broadcast_in_dim3A_137 = arith.constant 15 : i32
      %broadcast_in_dim3A_138 = vector.broadcast %broadcast_in_dim3A_137 : i32 to vector<16xi32>
      %gather3A_139 = tpu.vector_load_idx %arg9[%add3A_46, %broadcast_in_dim3A_138] : memref<256x64xf32, #tpu.memory_space<vmem>>[vector<16xi32>, vector<16xi32>], vector<16xf32>,
      %gather3A_140 = tpu.vector_load_idx %arg10[%add3A_46, %broadcast_in_dim3A_138] : memref<256x64xf32, #tpu.memory_space<vmem>>[vector<16xi32>, vector<16xi32>], vector<16xf32>,
      %mul3A_141 = arith.mulf %gather3A_139, %gather3A_140 : vector<16xf32>
      %add3A_142 = arith.addf %add3A_136, %mul3A_141 : vector<16xf32>
      %broadcast_in_dim3A_143 = arith.constant 16 : i32
      %broadcast_in_dim3A_144 = vector.broadcast %broadcast_in_dim3A_143 : i32 to vector<16xi32>
      %gather3A_145 = tpu.vector_load_idx %arg9[%add3A_46, %broadcast_in_dim3A_144] : memref<256x64xf32, #tpu.memory_space<vmem>>[vector<16xi32>, vector<16xi32>], vector<16xf32>,
      %gather3A_146 = tpu.vector_load_idx %arg10[%add3A_46, %broadcast_in_dim3A_144] : memref<256x64xf32, #tpu.memory_space<vmem>>[vector<16xi32>, vector<16xi32>], vector<16xf32>,
      %mul3A_147 = arith.mulf %gather3A_145, %gather3A_146 : vector<16xf32>
      %add3A_148 = arith.addf %add3A_142, %mul3A_147 : vector<16xf32>
      %broadcast_in_dim3A_149 = arith.constant 17 : i32
      %broadcast_in_dim3A_150 = vector.broadcast %broadcast_in_dim3A_149 : i32 to vector<16xi32>
      %gather3A_151 = tpu.vector_load_idx %arg9[%add3A_46, %broadcast_in_dim3A_150] : memref<256x64xf32, #tpu.memory_space<vmem>>[vector<16xi32>, vector<16xi32>], vector<16xf32>,
      %gather3A_152 = tpu.vector_load_idx %arg10[%add3A_46, %broadcast_in_dim3A_150] : memref<256x64xf32, #tpu.memory_space<vmem>>[vector<16xi32>, vector<16xi32>], vector<16xf32>,
      %mul3A_153 = arith.mulf %gather3A_151, %gather3A_152 : vector<16xf32>
      %add3A_154 = arith.addf %add3A_148, %mul3A_153 : vector<16xf32>
      %broadcast_in_dim3A_155 = arith.constant 18 : i32
      %broadcast_in_dim3A_156 = vector.broadcast %broadcast_in_dim3A_155 : i32 to vector<16xi32>
      %gather3A_157 = tpu.vector_load_idx %arg9[%add3A_46, %broadcast_in_dim3A_156] : memref<256x64xf32, #tpu.memory_space<vmem>>[vector<16xi32>, vector<16xi32>], vector<16xf32>,
      %gather3A_158 = tpu.vector_load_idx %arg10[%add3A_46, %broadcast_in_dim3A_156] : memref<256x64xf32, #tpu.memory_space<vmem>>[vector<16xi32>, vector<16xi32>], vector<16xf32>,
      %mul3A_159 = arith.mulf %gather3A_157, %gather3A_158 : vector<16xf32>
      %add3A_160 = arith.addf %add3A_154, %mul3A_159 : vector<16xf32>
      %broadcast_in_dim3A_161 = arith.constant 19 : i32
      %broadcast_in_dim3A_162 = vector.broadcast %broadcast_in_dim3A_161 : i32 to vector<16xi32>
      %gather3A_163 = tpu.vector_load_idx %arg9[%add3A_46, %broadcast_in_dim3A_162] : memref<256x64xf32, #tpu.memory_space<vmem>>[vector<16xi32>, vector<16xi32>], vector<16xf32>,
      %gather3A_164 = tpu.vector_load_idx %arg10[%add3A_46, %broadcast_in_dim3A_162] : memref<256x64xf32, #tpu.memory_space<vmem>>[vector<16xi32>, vector<16xi32>], vector<16xf32>,
      %mul3A_165 = arith.mulf %gather3A_163, %gather3A_164 : vector<16xf32>
      %add3A_166 = arith.addf %add3A_160, %mul3A_165 : vector<16xf32>
      %broadcast_in_dim3A_167 = arith.constant 20 : i32
      %broadcast_in_dim3A_168 = vector.broadcast %broadcast_in_dim3A_167 : i32 to vector<16xi32>
      %gather3A_169 = tpu.vector_load_idx %arg9[%add3A_46, %broadcast_in_dim3A_168] : memref<256x64xf32, #tpu.memory_space<vmem>>[vector<16xi32>, vector<16xi32>], vector<16xf32>,
      %gather3A_170 = tpu.vector_load_idx %arg10[%add3A_46, %broadcast_in_dim3A_168] : memref<256x64xf32, #tpu.memory_space<vmem>>[vector<16xi32>, vector<16xi32>], vector<16xf32>,
      %mul3A_171 = arith.mulf %gather3A_169, %gather3A_170 : vector<16xf32>
      %add3A_172 = arith.addf %add3A_166, %mul3A_171 : vector<16xf32>
      %broadcast_in_dim3A_173 = arith.constant 21 : i32
      %broadcast_in_dim3A_174 = vector.broadcast %broadcast_in_dim3A_173 : i32 to vector<16xi32>
      %gather3A_175 = tpu.vector_load_idx %arg9[%add3A_46, %broadcast_in_dim3A_174] : memref<256x64xf32, #tpu.memory_space<vmem>>[vector<16xi32>, vector<16xi32>], vector<16xf32>,
      %gather3A_176 = tpu.vector_load_idx %arg10[%add3A_46, %broadcast_in_dim3A_174] : memref<256x64xf32, #tpu.memory_space<vmem>>[vector<16xi32>, vector<16xi32>], vector<16xf32>,
      %mul3A_177 = arith.mulf %gather3A_175, %gather3A_176 : vector<16xf32>
      %add3A_178 = arith.addf %add3A_172, %mul3A_177 : vector<16xf32>
      %broadcast_in_dim3A_179 = arith.constant 22 : i32
      %broadcast_in_dim3A_180 = vector.broadcast %broadcast_in_dim3A_179 : i32 to vector<16xi32>
      %gather3A_181 = tpu.vector_load_idx %arg9[%add3A_46, %broadcast_in_dim3A_180] : memref<256x64xf32, #tpu.memory_space<vmem>>[vector<16xi32>, vector<16xi32>], vector<16xf32>,
      %gather3A_182 = tpu.vector_load_idx %arg10[%add3A_46, %broadcast_in_dim3A_180] : memref<256x64xf32, #tpu.memory_space<vmem>>[vector<16xi32>, vector<16xi32>], vector<16xf32>,
      %mul3A_183 = arith.mulf %gather3A_181, %gather3A_182 : vector<16xf32>
      %add3A_184 = arith.addf %add3A_178, %mul3A_183 : vector<16xf32>
      %broadcast_in_dim3A_185 = arith.constant 23 : i32
      %broadcast_in_dim3A_186 = vector.broadcast %broadcast_in_dim3A_185 : i32 to vector<16xi32>
      %gather3A_187 = tpu.vector_load_idx %arg9[%add3A_46, %broadcast_in_dim3A_186] : memref<256x64xf32, #tpu.memory_space<vmem>>[vector<16xi32>, vector<16xi32>], vector<16xf32>,
      %gather3A_188 = tpu.vector_load_idx %arg10[%add3A_46, %broadcast_in_dim3A_186] : memref<256x64xf32, #tpu.memory_space<vmem>>[vector<16xi32>, vector<16xi32>], vector<16xf32>,
      %mul3A_189 = arith.mulf %gather3A_187, %gather3A_188 : vector<16xf32>
      %add3A_190 = arith.addf %add3A_184, %mul3A_189 : vector<16xf32>
      %broadcast_in_dim3A_191 = arith.constant 24 : i32
      %broadcast_in_dim3A_192 = vector.broadcast %broadcast_in_dim3A_191 : i32 to vector<16xi32>
      %gather3A_193 = tpu.vector_load_idx %arg9[%add3A_46, %broadcast_in_dim3A_192] : memref<256x64xf32, #tpu.memory_space<vmem>>[vector<16xi32>, vector<16xi32>], vector<16xf32>,
      %gather3A_194 = tpu.vector_load_idx %arg10[%add3A_46, %broadcast_in_dim3A_192] : memref<256x64xf32, #tpu.memory_space<vmem>>[vector<16xi32>, vector<16xi32>], vector<16xf32>,
      %mul3A_195 = arith.mulf %gather3A_193, %gather3A_194 : vector<16xf32>
      %add3A_196 = arith.addf %add3A_190, %mul3A_195 : vector<16xf32>
      %broadcast_in_dim3A_197 = arith.constant 25 : i32
      %broadcast_in_dim3A_198 = vector.broadcast %broadcast_in_dim3A_197 : i32 to vector<16xi32>
      %gather3A_199 = tpu.vector_load_idx %arg9[%add3A_46, %broadcast_in_dim3A_198] : memref<256x64xf32, #tpu.memory_space<vmem>>[vector<16xi32>, vector<16xi32>], vector<16xf32>,
      %gather3A_200 = tpu.vector_load_idx %arg10[%add3A_46, %broadcast_in_dim3A_198] : memref<256x64xf32, #tpu.memory_space<vmem>>[vector<16xi32>, vector<16xi32>], vector<16xf32>,
      %mul3A_201 = arith.mulf %gather3A_199, %gather3A_200 : vector<16xf32>
      %add3A_202 = arith.addf %add3A_196, %mul3A_201 : vector<16xf32>
      %broadcast_in_dim3A_203 = arith.constant 26 : i32
      %broadcast_in_dim3A_204 = vector.broadcast %broadcast_in_dim3A_203 : i32 to vector<16xi32>
      %gather3A_205 = tpu.vector_load_idx %arg9[%add3A_46, %broadcast_in_dim3A_204] : memref<256x64xf32, #tpu.memory_space<vmem>>[vector<16xi32>, vector<16xi32>], vector<16xf32>,
      %gather3A_206 = tpu.vector_load_idx %arg10[%add3A_46, %broadcast_in_dim3A_204] : memref<256x64xf32, #tpu.memory_space<vmem>>[vector<16xi32>, vector<16xi32>], vector<16xf32>,
      %mul3A_207 = arith.mulf %gather3A_205, %gather3A_206 : vector<16xf32>
      %add3A_208 = arith.addf %add3A_202, %mul3A_207 : vector<16xf32>
      %broadcast_in_dim3A_209 = arith.constant 27 : i32
      %broadcast_in_dim3A_210 = vector.broadcast %broadcast_in_dim3A_209 : i32 to vector<16xi32>
      %gather3A_211 = tpu.vector_load_idx %arg9[%add3A_46, %broadcast_in_dim3A_210] : memref<256x64xf32, #tpu.memory_space<vmem>>[vector<16xi32>, vector<16xi32>], vector<16xf32>,
      %gather3A_212 = tpu.vector_load_idx %arg10[%add3A_46, %broadcast_in_dim3A_210] : memref<256x64xf32, #tpu.memory_space<vmem>>[vector<16xi32>, vector<16xi32>], vector<16xf32>,
      %mul3A_213 = arith.mulf %gather3A_211, %gather3A_212 : vector<16xf32>
      %add3A_214 = arith.addf %add3A_208, %mul3A_213 : vector<16xf32>
      %broadcast_in_dim3A_215 = arith.constant 28 : i32
      %broadcast_in_dim3A_216 = vector.broadcast %broadcast_in_dim3A_215 : i32 to vector<16xi32>
      %gather3A_217 = tpu.vector_load_idx %arg9[%add3A_46, %broadcast_in_dim3A_216] : memref<256x64xf32, #tpu.memory_space<vmem>>[vector<16xi32>, vector<16xi32>], vector<16xf32>,
      %gather3A_218 = tpu.vector_load_idx %arg10[%add3A_46, %broadcast_in_dim3A_216] : memref<256x64xf32, #tpu.memory_space<vmem>>[vector<16xi32>, vector<16xi32>], vector<16xf32>,
      %mul3A_219 = arith.mulf %gather3A_217, %gather3A_218 : vector<16xf32>
      %add3A_220 = arith.addf %add3A_214, %mul3A_219 : vector<16xf32>
      %broadcast_in_dim3A_221 = arith.constant 29 : i32
      %broadcast_in_dim3A_222 = vector.broadcast %broadcast_in_dim3A_221 : i32 to vector<16xi32>
      %gather3A_223 = tpu.vector_load_idx %arg9[%add3A_46, %broadcast_in_dim3A_222] : memref<256x64xf32, #tpu.memory_space<vmem>>[vector<16xi32>, vector<16xi32>], vector<16xf32>,
      %gather3A_224 = tpu.vector_load_idx %arg10[%add3A_46, %broadcast_in_dim3A_222] : memref<256x64xf32, #tpu.memory_space<vmem>>[vector<16xi32>, vector<16xi32>], vector<16xf32>,
      %mul3A_225 = arith.mulf %gather3A_223, %gather3A_224 : vector<16xf32>
      %add3A_226 = arith.addf %add3A_220, %mul3A_225 : vector<16xf32>
      %broadcast_in_dim3A_227 = arith.constant 30 : i32
      %broadcast_in_dim3A_228 = vector.broadcast %broadcast_in_dim3A_227 : i32 to vector<16xi32>
      %gather3A_229 = tpu.vector_load_idx %arg9[%add3A_46, %broadcast_in_dim3A_228] : memref<256x64xf32, #tpu.memory_space<vmem>>[vector<16xi32>, vector<16xi32>], vector<16xf32>,
      %gather3A_230 = tpu.vector_load_idx %arg10[%add3A_46, %broadcast_in_dim3A_228] : memref<256x64xf32, #tpu.memory_space<vmem>>[vector<16xi32>, vector<16xi32>], vector<16xf32>,
      %mul3A_231 = arith.mulf %gather3A_229, %gather3A_230 : vector<16xf32>
      %add3A_232 = arith.addf %add3A_226, %mul3A_231 : vector<16xf32>
      %broadcast_in_dim3A_233 = arith.constant 31 : i32
      %broadcast_in_dim3A_234 = vector.broadcast %broadcast_in_dim3A_233 : i32 to vector<16xi32>
      %gather3A_235 = tpu.vector_load_idx %arg9[%add3A_46, %broadcast_in_dim3A_234] : memref<256x64xf32, #tpu.memory_space<vmem>>[vector<16xi32>, vector<16xi32>], vector<16xf32>,
      %gather3A_236 = tpu.vector_load_idx %arg10[%add3A_46, %broadcast_in_dim3A_234] : memref<256x64xf32, #tpu.memory_space<vmem>>[vector<16xi32>, vector<16xi32>], vector<16xf32>,
      %mul3A_237 = arith.mulf %gather3A_235, %gather3A_236 : vector<16xf32>
      %add3A_238 = arith.addf %add3A_232, %mul3A_237 : vector<16xf32>
      %broadcast_in_dim3A_239 = arith.constant 32 : i32
      %broadcast_in_dim3A_240 = vector.broadcast %broadcast_in_dim3A_239 : i32 to vector<16xi32>
      %gather3A_241 = tpu.vector_load_idx %arg9[%add3A_46, %broadcast_in_dim3A_240] : memref<256x64xf32, #tpu.memory_space<vmem>>[vector<16xi32>, vector<16xi32>], vector<16xf32>,
      %gather3A_242 = tpu.vector_load_idx %arg10[%add3A_46, %broadcast_in_dim3A_240] : memref<256x64xf32, #tpu.memory_space<vmem>>[vector<16xi32>, vector<16xi32>], vector<16xf32>,
      %mul3A_243 = arith.mulf %gather3A_241, %gather3A_242 : vector<16xf32>
      %add3A_244 = arith.addf %add3A_238, %mul3A_243 : vector<16xf32>
      %broadcast_in_dim3A_245 = arith.constant 33 : i32
      %broadcast_in_dim3A_246 = vector.broadcast %broadcast_in_dim3A_245 : i32 to vector<16xi32>
      %gather3A_247 = tpu.vector_load_idx %arg9[%add3A_46, %broadcast_in_dim3A_246] : memref<256x64xf32, #tpu.memory_space<vmem>>[vector<16xi32>, vector<16xi32>], vector<16xf32>,
      %gather3A_248 = tpu.vector_load_idx %arg10[%add3A_46, %broadcast_in_dim3A_246] : memref<256x64xf32, #tpu.memory_space<vmem>>[vector<16xi32>, vector<16xi32>], vector<16xf32>,
      %mul3A_249 = arith.mulf %gather3A_247, %gather3A_248 : vector<16xf32>
      %add3A_250 = arith.addf %add3A_244, %mul3A_249 : vector<16xf32>
      %broadcast_in_dim3A_251 = arith.constant 34 : i32
      %broadcast_in_dim3A_252 = vector.broadcast %broadcast_in_dim3A_251 : i32 to vector<16xi32>
      %gather3A_253 = tpu.vector_load_idx %arg9[%add3A_46, %broadcast_in_dim3A_252] : memref<256x64xf32, #tpu.memory_space<vmem>>[vector<16xi32>, vector<16xi32>], vector<16xf32>,
      %gather3A_254 = tpu.vector_load_idx %arg10[%add3A_46, %broadcast_in_dim3A_252] : memref<256x64xf32, #tpu.memory_space<vmem>>[vector<16xi32>, vector<16xi32>], vector<16xf32>,
      %mul3A_255 = arith.mulf %gather3A_253, %gather3A_254 : vector<16xf32>
      %add3A_256 = arith.addf %add3A_250, %mul3A_255 : vector<16xf32>
      %broadcast_in_dim3A_257 = arith.constant 35 : i32
      %broadcast_in_dim3A_258 = vector.broadcast %broadcast_in_dim3A_257 : i32 to vector<16xi32>
      %gather3A_259 = tpu.vector_load_idx %arg9[%add3A_46, %broadcast_in_dim3A_258] : memref<256x64xf32, #tpu.memory_space<vmem>>[vector<16xi32>, vector<16xi32>], vector<16xf32>,
      %gather3A_260 = tpu.vector_load_idx %arg10[%add3A_46, %broadcast_in_dim3A_258] : memref<256x64xf32, #tpu.memory_space<vmem>>[vector<16xi32>, vector<16xi32>], vector<16xf32>,
      %mul3A_261 = arith.mulf %gather3A_259, %gather3A_260 : vector<16xf32>
      %add3A_262 = arith.addf %add3A_256, %mul3A_261 : vector<16xf32>
      %broadcast_in_dim3A_263 = arith.constant 36 : i32
      %broadcast_in_dim3A_264 = vector.broadcast %broadcast_in_dim3A_263 : i32 to vector<16xi32>
      %gather3A_265 = tpu.vector_load_idx %arg9[%add3A_46, %broadcast_in_dim3A_264] : memref<256x64xf32, #tpu.memory_space<vmem>>[vector<16xi32>, vector<16xi32>], vector<16xf32>,
      %gather3A_266 = tpu.vector_load_idx %arg10[%add3A_46, %broadcast_in_dim3A_264] : memref<256x64xf32, #tpu.memory_space<vmem>>[vector<16xi32>, vector<16xi32>], vector<16xf32>,
      %mul3A_267 = arith.mulf %gather3A_265, %gather3A_266 : vector<16xf32>
      %add3A_268 = arith.addf %add3A_262, %mul3A_267 : vector<16xf32>
      %broadcast_in_dim3A_269 = arith.constant 37 : i32
      %broadcast_in_dim3A_270 = vector.broadcast %broadcast_in_dim3A_269 : i32 to vector<16xi32>
      %gather3A_271 = tpu.vector_load_idx %arg9[%add3A_46, %broadcast_in_dim3A_270] : memref<256x64xf32, #tpu.memory_space<vmem>>[vector<16xi32>, vector<16xi32>], vector<16xf32>,
      %gather3A_272 = tpu.vector_load_idx %arg10[%add3A_46, %broadcast_in_dim3A_270] : memref<256x64xf32, #tpu.memory_space<vmem>>[vector<16xi32>, vector<16xi32>], vector<16xf32>,
      %mul3A_273 = arith.mulf %gather3A_271, %gather3A_272 : vector<16xf32>
      %add3A_274 = arith.addf %add3A_268, %mul3A_273 : vector<16xf32>
      %broadcast_in_dim3A_275 = arith.constant 38 : i32
      %broadcast_in_dim3A_276 = vector.broadcast %broadcast_in_dim3A_275 : i32 to vector<16xi32>
      %gather3A_277 = tpu.vector_load_idx %arg9[%add3A_46, %broadcast_in_dim3A_276] : memref<256x64xf32, #tpu.memory_space<vmem>>[vector<16xi32>, vector<16xi32>], vector<16xf32>,
      %gather3A_278 = tpu.vector_load_idx %arg10[%add3A_46, %broadcast_in_dim3A_276] : memref<256x64xf32, #tpu.memory_space<vmem>>[vector<16xi32>, vector<16xi32>], vector<16xf32>,
      %mul3A_279 = arith.mulf %gather3A_277, %gather3A_278 : vector<16xf32>
      %add3A_280 = arith.addf %add3A_274, %mul3A_279 : vector<16xf32>
      %broadcast_in_dim3A_281 = arith.constant 39 : i32
      %broadcast_in_dim3A_282 = vector.broadcast %broadcast_in_dim3A_281 : i32 to vector<16xi32>
      %gather3A_283 = tpu.vector_load_idx %arg9[%add3A_46, %broadcast_in_dim3A_282] : memref<256x64xf32, #tpu.memory_space<vmem>>[vector<16xi32>, vector<16xi32>], vector<16xf32>,
      %gather3A_284 = tpu.vector_load_idx %arg10[%add3A_46, %broadcast_in_dim3A_282] : memref<256x64xf32, #tpu.memory_space<vmem>>[vector<16xi32>, vector<16xi32>], vector<16xf32>,
      %mul3A_285 = arith.mulf %gather3A_283, %gather3A_284 : vector<16xf32>
      %add3A_286 = arith.addf %add3A_280, %mul3A_285 : vector<16xf32>
      %broadcast_in_dim3A_287 = arith.constant 40 : i32
      %broadcast_in_dim3A_288 = vector.broadcast %broadcast_in_dim3A_287 : i32 to vector<16xi32>
      %gather3A_289 = tpu.vector_load_idx %arg9[%add3A_46, %broadcast_in_dim3A_288] : memref<256x64xf32, #tpu.memory_space<vmem>>[vector<16xi32>, vector<16xi32>], vector<16xf32>,
      %gather3A_290 = tpu.vector_load_idx %arg10[%add3A_46, %broadcast_in_dim3A_288] : memref<256x64xf32, #tpu.memory_space<vmem>>[vector<16xi32>, vector<16xi32>], vector<16xf32>,
      %mul3A_291 = arith.mulf %gather3A_289, %gather3A_290 : vector<16xf32>
      %add3A_292 = arith.addf %add3A_286, %mul3A_291 : vector<16xf32>
      %broadcast_in_dim3A_293 = arith.constant 41 : i32
      %broadcast_in_dim3A_294 = vector.broadcast %broadcast_in_dim3A_293 : i32 to vector<16xi32>
      %gather3A_295 = tpu.vector_load_idx %arg9[%add3A_46, %broadcast_in_dim3A_294] : memref<256x64xf32, #tpu.memory_space<vmem>>[vector<16xi32>, vector<16xi32>], vector<16xf32>,
      %gather3A_296 = tpu.vector_load_idx %arg10[%add3A_46, %broadcast_in_dim3A_294] : memref<256x64xf32, #tpu.memory_space<vmem>>[vector<16xi32>, vector<16xi32>], vector<16xf32>,
      %mul3A_297 = arith.mulf %gather3A_295, %gather3A_296 : vector<16xf32>
      %add3A_298 = arith.addf %add3A_292, %mul3A_297 : vector<16xf32>
      %broadcast_in_dim3A_299 = arith.constant 42 : i32
      %broadcast_in_dim3A_300 = vector.broadcast %broadcast_in_dim3A_299 : i32 to vector<16xi32>
      %gather3A_301 = tpu.vector_load_idx %arg9[%add3A_46, %broadcast_in_dim3A_300] : memref<256x64xf32, #tpu.memory_space<vmem>>[vector<16xi32>, vector<16xi32>], vector<16xf32>,
      %gather3A_302 = tpu.vector_load_idx %arg10[%add3A_46, %broadcast_in_dim3A_300] : memref<256x64xf32, #tpu.memory_space<vmem>>[vector<16xi32>, vector<16xi32>], vector<16xf32>,
      %mul3A_303 = arith.mulf %gather3A_301, %gather3A_302 : vector<16xf32>
      %add3A_304 = arith.addf %add3A_298, %mul3A_303 : vector<16xf32>
      %broadcast_in_dim3A_305 = arith.constant 43 : i32
      %broadcast_in_dim3A_306 = vector.broadcast %broadcast_in_dim3A_305 : i32 to vector<16xi32>
      %gather3A_307 = tpu.vector_load_idx %arg9[%add3A_46, %broadcast_in_dim3A_306] : memref<256x64xf32, #tpu.memory_space<vmem>>[vector<16xi32>, vector<16xi32>], vector<16xf32>,
      %gather3A_308 = tpu.vector_load_idx %arg10[%add3A_46, %broadcast_in_dim3A_306] : memref<256x64xf32, #tpu.memory_space<vmem>>[vector<16xi32>, vector<16xi32>], vector<16xf32>,
      %mul3A_309 = arith.mulf %gather3A_307, %gather3A_308 : vector<16xf32>
      %add3A_310 = arith.addf %add3A_304, %mul3A_309 : vector<16xf32>
      %broadcast_in_dim3A_311 = arith.constant 44 : i32
      %broadcast_in_dim3A_312 = vector.broadcast %broadcast_in_dim3A_311 : i32 to vector<16xi32>
      %gather3A_313 = tpu.vector_load_idx %arg9[%add3A_46, %broadcast_in_dim3A_312] : memref<256x64xf32, #tpu.memory_space<vmem>>[vector<16xi32>, vector<16xi32>], vector<16xf32>,
      %gather3A_314 = tpu.vector_load_idx %arg10[%add3A_46, %broadcast_in_dim3A_312] : memref<256x64xf32, #tpu.memory_space<vmem>>[vector<16xi32>, vector<16xi32>], vector<16xf32>,
      %mul3A_315 = arith.mulf %gather3A_313, %gather3A_314 : vector<16xf32>
      %add3A_316 = arith.addf %add3A_310, %mul3A_315 : vector<16xf32>
      %broadcast_in_dim3A_317 = arith.constant 45 : i32
      %broadcast_in_dim3A_318 = vector.broadcast %broadcast_in_dim3A_317 : i32 to vector<16xi32>
      %gather3A_319 = tpu.vector_load_idx %arg9[%add3A_46, %broadcast_in_dim3A_318] : memref<256x64xf32, #tpu.memory_space<vmem>>[vector<16xi32>, vector<16xi32>], vector<16xf32>,
      %gather3A_320 = tpu.vector_load_idx %arg10[%add3A_46, %broadcast_in_dim3A_318] : memref<256x64xf32, #tpu.memory_space<vmem>>[vector<16xi32>, vector<16xi32>], vector<16xf32>,
      %mul3A_321 = arith.mulf %gather3A_319, %gather3A_320 : vector<16xf32>
      %add3A_322 = arith.addf %add3A_316, %mul3A_321 : vector<16xf32>
      %broadcast_in_dim3A_323 = arith.constant 46 : i32
      %broadcast_in_dim3A_324 = vector.broadcast %broadcast_in_dim3A_323 : i32 to vector<16xi32>
      %gather3A_325 = tpu.vector_load_idx %arg9[%add3A_46, %broadcast_in_dim3A_324] : memref<256x64xf32, #tpu.memory_space<vmem>>[vector<16xi32>, vector<16xi32>], vector<16xf32>,
      %gather3A_326 = tpu.vector_load_idx %arg10[%add3A_46, %broadcast_in_dim3A_324] : memref<256x64xf32, #tpu.memory_space<vmem>>[vector<16xi32>, vector<16xi32>], vector<16xf32>,
      %mul3A_327 = arith.mulf %gather3A_325, %gather3A_326 : vector<16xf32>
      %add3A_328 = arith.addf %add3A_322, %mul3A_327 : vector<16xf32>
      %broadcast_in_dim3A_329 = arith.constant 47 : i32
      %broadcast_in_dim3A_330 = vector.broadcast %broadcast_in_dim3A_329 : i32 to vector<16xi32>
      %gather3A_331 = tpu.vector_load_idx %arg9[%add3A_46, %broadcast_in_dim3A_330] : memref<256x64xf32, #tpu.memory_space<vmem>>[vector<16xi32>, vector<16xi32>], vector<16xf32>,
      %gather3A_332 = tpu.vector_load_idx %arg10[%add3A_46, %broadcast_in_dim3A_330] : memref<256x64xf32, #tpu.memory_space<vmem>>[vector<16xi32>, vector<16xi32>], vector<16xf32>,
      %mul3A_333 = arith.mulf %gather3A_331, %gather3A_332 : vector<16xf32>
      %add3A_334 = arith.addf %add3A_328, %mul3A_333 : vector<16xf32>
      %broadcast_in_dim3A_335 = arith.constant 48 : i32
      %broadcast_in_dim3A_336 = vector.broadcast %broadcast_in_dim3A_335 : i32 to vector<16xi32>
      %gather3A_337 = tpu.vector_load_idx %arg9[%add3A_46, %broadcast_in_dim3A_336] : memref<256x64xf32, #tpu.memory_space<vmem>>[vector<16xi32>, vector<16xi32>], vector<16xf32>,
      %gather3A_338 = tpu.vector_load_idx %arg10[%add3A_46, %broadcast_in_dim3A_336] : memref<256x64xf32, #tpu.memory_space<vmem>>[vector<16xi32>, vector<16xi32>], vector<16xf32>,
      %mul3A_339 = arith.mulf %gather3A_337, %gather3A_338 : vector<16xf32>
      %add3A_340 = arith.addf %add3A_334, %mul3A_339 : vector<16xf32>
      %broadcast_in_dim3A_341 = arith.constant 49 : i32
      %broadcast_in_dim3A_342 = vector.broadcast %broadcast_in_dim3A_341 : i32 to vector<16xi32>
      %gather3A_343 = tpu.vector_load_idx %arg9[%add3A_46, %broadcast_in_dim3A_342] : memref<256x64xf32, #tpu.memory_space<vmem>>[vector<16xi32>, vector<16xi32>], vector<16xf32>,
      %gather3A_344 = tpu.vector_load_idx %arg10[%add3A_46, %broadcast_in_dim3A_342] : memref<256x64xf32, #tpu.memory_space<vmem>>[vector<16xi32>, vector<16xi32>], vector<16xf32>,
      %mul3A_345 = arith.mulf %gather3A_343, %gather3A_344 : vector<16xf32>
      %add3A_346 = arith.addf %add3A_340, %mul3A_345 : vector<16xf32>
      %broadcast_in_dim3A_347 = arith.constant 50 : i32
      %broadcast_in_dim3A_348 = vector.broadcast %broadcast_in_dim3A_347 : i32 to vector<16xi32>
      %gather3A_349 = tpu.vector_load_idx %arg9[%add3A_46, %broadcast_in_dim3A_348] : memref<256x64xf32, #tpu.memory_space<vmem>>[vector<16xi32>, vector<16xi32>], vector<16xf32>,
      %gather3A_350 = tpu.vector_load_idx %arg10[%add3A_46, %broadcast_in_dim3A_348] : memref<256x64xf32, #tpu.memory_space<vmem>>[vector<16xi32>, vector<16xi32>], vector<16xf32>,
      %mul3A_351 = arith.mulf %gather3A_349, %gather3A_350 : vector<16xf32>
      %add3A_352 = arith.addf %add3A_346, %mul3A_351 : vector<16xf32>
      %broadcast_in_dim3A_353 = arith.constant 51 : i32
      %broadcast_in_dim3A_354 = vector.broadcast %broadcast_in_dim3A_353 : i32 to vector<16xi32>
      %gather3A_355 = tpu.vector_load_idx %arg9[%add3A_46, %broadcast_in_dim3A_354] : memref<256x64xf32, #tpu.memory_space<vmem>>[vector<16xi32>, vector<16xi32>], vector<16xf32>,
      %gather3A_356 = tpu.vector_load_idx %arg10[%add3A_46, %broadcast_in_dim3A_354] : memref<256x64xf32, #tpu.memory_space<vmem>>[vector<16xi32>, vector<16xi32>], vector<16xf32>,
      %mul3A_357 = arith.mulf %gather3A_355, %gather3A_356 : vector<16xf32>
      %add3A_358 = arith.addf %add3A_352, %mul3A_357 : vector<16xf32>
      %broadcast_in_dim3A_359 = arith.constant 52 : i32
      %broadcast_in_dim3A_360 = vector.broadcast %broadcast_in_dim3A_359 : i32 to vector<16xi32>
      %gather3A_361 = tpu.vector_load_idx %arg9[%add3A_46, %broadcast_in_dim3A_360] : memref<256x64xf32, #tpu.memory_space<vmem>>[vector<16xi32>, vector<16xi32>], vector<16xf32>,
      %gather3A_362 = tpu.vector_load_idx %arg10[%add3A_46, %broadcast_in_dim3A_360] : memref<256x64xf32, #tpu.memory_space<vmem>>[vector<16xi32>, vector<16xi32>], vector<16xf32>,
      %mul3A_363 = arith.mulf %gather3A_361, %gather3A_362 : vector<16xf32>
      %add3A_364 = arith.addf %add3A_358, %mul3A_363 : vector<16xf32>
      %broadcast_in_dim3A_365 = arith.constant 53 : i32
      %broadcast_in_dim3A_366 = vector.broadcast %broadcast_in_dim3A_365 : i32 to vector<16xi32>
      %gather3A_367 = tpu.vector_load_idx %arg9[%add3A_46, %broadcast_in_dim3A_366] : memref<256x64xf32, #tpu.memory_space<vmem>>[vector<16xi32>, vector<16xi32>], vector<16xf32>,
      %gather3A_368 = tpu.vector_load_idx %arg10[%add3A_46, %broadcast_in_dim3A_366] : memref<256x64xf32, #tpu.memory_space<vmem>>[vector<16xi32>, vector<16xi32>], vector<16xf32>,
      %mul3A_369 = arith.mulf %gather3A_367, %gather3A_368 : vector<16xf32>
      %add3A_370 = arith.addf %add3A_364, %mul3A_369 : vector<16xf32>
      %broadcast_in_dim3A_371 = arith.constant 54 : i32
      %broadcast_in_dim3A_372 = vector.broadcast %broadcast_in_dim3A_371 : i32 to vector<16xi32>
      %gather3A_373 = tpu.vector_load_idx %arg9[%add3A_46, %broadcast_in_dim3A_372] : memref<256x64xf32, #tpu.memory_space<vmem>>[vector<16xi32>, vector<16xi32>], vector<16xf32>,
      %gather3A_374 = tpu.vector_load_idx %arg10[%add3A_46, %broadcast_in_dim3A_372] : memref<256x64xf32, #tpu.memory_space<vmem>>[vector<16xi32>, vector<16xi32>], vector<16xf32>,
      %mul3A_375 = arith.mulf %gather3A_373, %gather3A_374 : vector<16xf32>
      %add3A_376 = arith.addf %add3A_370, %mul3A_375 : vector<16xf32>
      %broadcast_in_dim3A_377 = arith.constant 55 : i32
      %broadcast_in_dim3A_378 = vector.broadcast %broadcast_in_dim3A_377 : i32 to vector<16xi32>
      %gather3A_379 = tpu.vector_load_idx %arg9[%add3A_46, %broadcast_in_dim3A_378] : memref<256x64xf32, #tpu.memory_space<vmem>>[vector<16xi32>, vector<16xi32>], vector<16xf32>,
      %gather3A_380 = tpu.vector_load_idx %arg10[%add3A_46, %broadcast_in_dim3A_378] : memref<256x64xf32, #tpu.memory_space<vmem>>[vector<16xi32>, vector<16xi32>], vector<16xf32>,
      %mul3A_381 = arith.mulf %gather3A_379, %gather3A_380 : vector<16xf32>
      %add3A_382 = arith.addf %add3A_376, %mul3A_381 : vector<16xf32>
      %broadcast_in_dim3A_383 = arith.constant 56 : i32
      %broadcast_in_dim3A_384 = vector.broadcast %broadcast_in_dim3A_383 : i32 to vector<16xi32>
      %gather3A_385 = tpu.vector_load_idx %arg9[%add3A_46, %broadcast_in_dim3A_384] : memref<256x64xf32, #tpu.memory_space<vmem>>[vector<16xi32>, vector<16xi32>], vector<16xf32>,
      %gather3A_386 = tpu.vector_load_idx %arg10[%add3A_46, %broadcast_in_dim3A_384] : memref<256x64xf32, #tpu.memory_space<vmem>>[vector<16xi32>, vector<16xi32>], vector<16xf32>,
      %mul3A_387 = arith.mulf %gather3A_385, %gather3A_386 : vector<16xf32>
      %add3A_388 = arith.addf %add3A_382, %mul3A_387 : vector<16xf32>
      %broadcast_in_dim3A_389 = arith.constant 57 : i32
      %broadcast_in_dim3A_390 = vector.broadcast %broadcast_in_dim3A_389 : i32 to vector<16xi32>
      %gather3A_391 = tpu.vector_load_idx %arg9[%add3A_46, %broadcast_in_dim3A_390] : memref<256x64xf32, #tpu.memory_space<vmem>>[vector<16xi32>, vector<16xi32>], vector<16xf32>,
      %gather3A_392 = tpu.vector_load_idx %arg10[%add3A_46, %broadcast_in_dim3A_390] : memref<256x64xf32, #tpu.memory_space<vmem>>[vector<16xi32>, vector<16xi32>], vector<16xf32>,
      %mul3A_393 = arith.mulf %gather3A_391, %gather3A_392 : vector<16xf32>
      %add3A_394 = arith.addf %add3A_388, %mul3A_393 : vector<16xf32>
      %broadcast_in_dim3A_395 = arith.constant 58 : i32
      %broadcast_in_dim3A_396 = vector.broadcast %broadcast_in_dim3A_395 : i32 to vector<16xi32>
      %gather3A_397 = tpu.vector_load_idx %arg9[%add3A_46, %broadcast_in_dim3A_396] : memref<256x64xf32, #tpu.memory_space<vmem>>[vector<16xi32>, vector<16xi32>], vector<16xf32>,
      %gather3A_398 = tpu.vector_load_idx %arg10[%add3A_46, %broadcast_in_dim3A_396] : memref<256x64xf32, #tpu.memory_space<vmem>>[vector<16xi32>, vector<16xi32>], vector<16xf32>,
      %mul3A_399 = arith.mulf %gather3A_397, %gather3A_398 : vector<16xf32>
      %add3A_400 = arith.addf %add3A_394, %mul3A_399 : vector<16xf32>
      %broadcast_in_dim3A_401 = arith.constant 59 : i32
      %broadcast_in_dim3A_402 = vector.broadcast %broadcast_in_dim3A_401 : i32 to vector<16xi32>
      %gather3A_403 = tpu.vector_load_idx %arg9[%add3A_46, %broadcast_in_dim3A_402] : memref<256x64xf32, #tpu.memory_space<vmem>>[vector<16xi32>, vector<16xi32>], vector<16xf32>,
      %gather3A_404 = tpu.vector_load_idx %arg10[%add3A_46, %broadcast_in_dim3A_402] : memref<256x64xf32, #tpu.memory_space<vmem>>[vector<16xi32>, vector<16xi32>], vector<16xf32>,
      %mul3A_405 = arith.mulf %gather3A_403, %gather3A_404 : vector<16xf32>
      %add3A_406 = arith.addf %add3A_400, %mul3A_405 : vector<16xf32>
      %broadcast_in_dim3A_407 = arith.constant 60 : i32
      %broadcast_in_dim3A_408 = vector.broadcast %broadcast_in_dim3A_407 : i32 to vector<16xi32>
      %gather3A_409 = tpu.vector_load_idx %arg9[%add3A_46, %broadcast_in_dim3A_408] : memref<256x64xf32, #tpu.memory_space<vmem>>[vector<16xi32>, vector<16xi32>], vector<16xf32>,
      %gather3A_410 = tpu.vector_load_idx %arg10[%add3A_46, %broadcast_in_dim3A_408] : memref<256x64xf32, #tpu.memory_space<vmem>>[vector<16xi32>, vector<16xi32>], vector<16xf32>,
      %mul3A_411 = arith.mulf %gather3A_409, %gather3A_410 : vector<16xf32>
      %add3A_412 = arith.addf %add3A_406, %mul3A_411 : vector<16xf32>
      %broadcast_in_dim3A_413 = arith.constant 61 : i32
      %broadcast_in_dim3A_414 = vector.broadcast %broadcast_in_dim3A_413 : i32 to vector<16xi32>
      %gather3A_415 = tpu.vector_load_idx %arg9[%add3A_46, %broadcast_in_dim3A_414] : memref<256x64xf32, #tpu.memory_space<vmem>>[vector<16xi32>, vector<16xi32>], vector<16xf32>,
      %gather3A_416 = tpu.vector_load_idx %arg10[%add3A_46, %broadcast_in_dim3A_414] : memref<256x64xf32, #tpu.memory_space<vmem>>[vector<16xi32>, vector<16xi32>], vector<16xf32>,
      %mul3A_417 = arith.mulf %gather3A_415, %gather3A_416 : vector<16xf32>
      %add3A_418 = arith.addf %add3A_412, %mul3A_417 : vector<16xf32>
      %broadcast_in_dim3A_419 = arith.constant 62 : i32
      %broadcast_in_dim3A_420 = vector.broadcast %broadcast_in_dim3A_419 : i32 to vector<16xi32>
      %gather3A_421 = tpu.vector_load_idx %arg9[%add3A_46, %broadcast_in_dim3A_420] : memref<256x64xf32, #tpu.memory_space<vmem>>[vector<16xi32>, vector<16xi32>], vector<16xf32>,
      %gather3A_422 = tpu.vector_load_idx %arg10[%add3A_46, %broadcast_in_dim3A_420] : memref<256x64xf32, #tpu.memory_space<vmem>>[vector<16xi32>, vector<16xi32>], vector<16xf32>,
      %mul3A_423 = arith.mulf %gather3A_421, %gather3A_422 : vector<16xf32>
      %add3A_424 = arith.addf %add3A_418, %mul3A_423 : vector<16xf32>
      %broadcast_in_dim3A_425 = arith.constant 63 : i32
      %broadcast_in_dim3A_426 = vector.broadcast %broadcast_in_dim3A_425 : i32 to vector<16xi32>
      %gather3A_427 = tpu.vector_load_idx %arg9[%add3A_46, %broadcast_in_dim3A_426] : memref<256x64xf32, #tpu.memory_space<vmem>>[vector<16xi32>, vector<16xi32>], vector<16xf32>,
      %gather3A_428 = tpu.vector_load_idx %arg10[%add3A_46, %broadcast_in_dim3A_426] : memref<256x64xf32, #tpu.memory_space<vmem>>[vector<16xi32>, vector<16xi32>], vector<16xf32>,
      %mul3A_429 = arith.mulf %gather3A_427, %gather3A_428 : vector<16xf32>
      %add3A_430 = arith.addf %add3A_424, %mul3A_429 : vector<16xf32>
      %swap3A = arith.index_cast %mul3A_44 : i32 to index
      %swap3A_431 = tpu.vector_load %arg11[%swap3A] {strides = array<i32>} : memref<256xf32, #tpu.memory_space<vmem>>, vector<16xf32>,
      tpu.vector_store %arg11[%swap3A], %add3A_430 {strides = array<i32>} : memref<256xf32, #tpu.memory_space<vmem>>, vector<16xf32>,
    }
    %scan3A_39 = arith.constant 16 : i32
    %add3A_40 = arith.constant 256 : i32
    %add3A_41 = arith.addi %mul3A_2, %add3A_40 : i32
    "tpu.region"() ({
      %run_scoped3A = tpu.sem_alloc : memref<!tpu.dma_semaphore, #tpu.memory_space<semaphore_mem>>
      %dma_start3A = tpu.memref_slice %arg6[%add3A_41] : memref<16384xf32, #tpu.memory_space<hbm>> -> memref<256xf32, #tpu.memory_space<hbm>>
      %dma_start3A_42 = tpu.memref_slice %arg6[%add3A_41] : memref<16384xf32, #tpu.memory_space<hbm>> -> memref<256xf32, #tpu.memory_space<hbm>>
      tpu.enqueue_dma source(%arg11 : memref<256xf32, #tpu.memory_space<vmem>>) target(%dma_start3A_42 : memref<256xf32, #tpu.memory_space<hbm>>) target_semaphore(%run_scoped3A : memref<!tpu.dma_semaphore, #tpu.memory_space<semaphore_mem>>)
      %dma_wait3A = tpu.memref_slice %arg6[%add3A_41] : memref<16384xf32, #tpu.memory_space<hbm>> -> memref<256xf32, #tpu.memory_space<hbm>>
      %dma_wait3A_43 = tpu.memref_slice %arg6[%add3A_41] : memref<16384xf32, #tpu.memory_space<hbm>> -> memref<256xf32, #tpu.memory_space<hbm>>
      tpu.wait_dma2 semaphore(%run_scoped3A : memref<!tpu.dma_semaphore, #tpu.memory_space<semaphore_mem>>) src(%arg11 : memref<256xf32, #tpu.memory_space<vmem>>) dst(%dma_wait3A_43 : memref<256xf32, #tpu.memory_space<hbm>>)
      tpu.yield
    }) : () -> ()
    return
  }
}

</mosaic_0001>

<sc_bundles>
// kernel: kernel.3.cloned.1.call-start
scs
__scs_entry_jumppad:
0x0: {  	(pc) =	sbr.rel $0x88, $3  }
0x1: {  	(tag) =	ssettag $0x0;
	lr =	simm.s32 $0x1  }
0x2: {  	[smem:$0x3F9D] =	sst lr;
	_ =	strace $0xD0000000  }
0x3: {  	_ = 	snop  }
0x4: {  	_ = 	snop  }
0x5: {  	_ = 	snop  }
0x6: {  	_ = 	snop  }
0x7: {  	_ = 	snop  }
__scs_overlays_trampoline_lowered:
0x8: {  	[smem:$0x3FAC] =	sst s0  }
0x9: {  	[smem:$0x3FAD] =	sst s1  }
0xa: {  	[smem:$0x3FAE] =	sst s2  }
0xb: {  	[smem:$0x3FAF] =	sst s3  }
0xc: {  	[smem:$0x3FB0] =	sst s4  }
0xd: {  	[smem:$0x3FB1] =	sst s5  }
0xe: {  	[smem:$0x3FB2] =	sst s6  }
0xf: {  	[smem:$0x3FB3] =	sst s7  }
0x10: {  	[smem:$0x3FB4] =	sst s8  }
0x11: {  	[smem:$0x3FB5] =	sst s9;
	s0 =	simm.s32 @!p0 $0x0  }
0x12: {  	s1 =	sld [smem:$0x3F9B];
	s0 =	simm.s32 @p0 $0x1  }
0x13: {  	[smem:$0x3FB6] =	sst s0;
	s0 =	simm.s32 @!p1 $0x0  }
0x14: {  	s2 =	sld [smem:$0x3F9A];
	s0 =	simm.s32 @p1 $0x1  }
0x15: {  	[smem:$0x3FB7] =	sst s0;
	s0 =	simm.s32 @!p2 $0x0  }
0x16: {  	s3 =	sld [smem:$0x3FDB];
	s0 =	simm.s32 @p2 $0x1  }
0x17: {  	s4 =	simm.s32 $0x1BF5;
	[smem:$0x3FB9] =	sst s0  }
0x18: {  	s0 =	sld [smem:$0x3F9C];
	_ =	swait.ge [sflag:s4], $0x0  }
0x19: {  	s7 =	sld [smem:$0x3F9D]  }
0x1a: {  	s8 =	sadd.s32 $0xFFFFE003, lr  }
0x1b: {  	s9 =	sadd.s32 $0xFFFFFEF7, lr;
	s5 =	simm.s32 $0xFFFFFFFF;
	p2 =	slt.u32 s8, $0xFFFFF086  }
0x1c: {  	p1 =	slt.u32 s9, $0xF7A;
	s5 =	simm.s32 @!p2 $0x0  }
0x1d: {  	s5 =	simm.s32 @p1 $0x1;
	p0 =	seq.s32 s7, s2  }
0x1e: {  	s7 =	smul.u32 @!p0 $0xF7A, s2;
	p2 =	seq.s32 @!p0 s5, $0x0  }
0x1f: {  	s9 =	smul.u32 $0xF7A, s1;
	s8 =	simm.s32 @!p0 $0x1BF5;
	p2 =	por !p2, p0  }
0x20: {  	[sflag:s8] =	ssyncset.s32 @!p0 $0xFFFFF086;
	s6 =	sadd.s32 @!p0 s3, s7;
	s7 =	simm.s32 @!p0 $0x108  }
0x21: {  	s3 =	sadd.s32 s3, s9;
	s6 =	sadd.s32 @!p0 $0x88, s6;
	s7 =	simm.s32 @p2 $0x1082  }
0x22: {  	[simem:s7], [sflag:s8] =	dma.local @!p0 [hbm:s6], $0xF7A  }
0x23: {  	s9 =	sor.u32 $0xD0000000, s2;
	s6 =	simm.s32 $0x108;
	_ =	swait.ge @!p0 [sflag:s8], $0x0  }
0x24: {  	s3 =	sadd.s32 $0x88, s3;
	s6 =	simm.s32 @!p1 $0x1082;
	[sflag:s4] =	ssyncset.s32 $0xFFFFF086  }
0x25: {  	[simem:s6], [sflag:s4] =	dma.local [hbm:s3], $0xF7A  }
0x26: {  	[smem:$0x3F9D] =	sst s1;
	(tag) =	ssettag s2;
	_ =	strace s9  }
0x27: {  	s1 =	sld [smem:$0x3FAD]  }
0x28: {  	s2 =	sld [smem:$0x3FAE]  }
0x29: {  	s4 =	sld [smem:$0x3FB0]  }
0x2a: {  	p0 =	seq.s32 s5, $0x0;
	s5 =	sld [smem:$0x3FB1]  }
0x2b: {  	s6 =	sld [smem:$0x3FB2]  }
0x2c: {  	s7 =	sld [smem:$0x3FB3]  }
0x2d: {  	s3 =	simm.s32 $0x108;
	s8 =	sld [smem:$0x3FB4]  }
0x2e: {  	s3 =	simm.s32 @!p0 $0x1082;
	s9 =	sld [smem:$0x3FB5]  }
0x2f: {  	lr =	sadd.s32 s0, s3;
	s0 =	sld [smem:$0x3FAC]  }
0x30: {  	s3 =	sld [smem:$0x3FAF]  }
0x31: {  	[smem:$0x3FB8] =	sst s10  }
0x32: {  	s10 =	sld [smem:$0x3FB6];
	_ =	sdelay $0x3  }
0x33: {  	p0 =	seq.s32 s10, $0x1;
	s10 =	sld [smem:$0x3FB8];
	_ =	sdelay $0x3  }
0x34: {  	[smem:$0x3FB8] =	sst s10  }
0x35: {  	s10 =	sld [smem:$0x3FB7];
	_ =	sdelay $0x3  }
0x36: {  	p1 =	seq.s32 s10, $0x1;
	s10 =	sld [smem:$0x3FB8];
	_ =	sdelay $0x3  }
0x37: {  	[smem:$0x3FB8] =	sst s10  }
0x38: {  	s10 =	sld [smem:$0x3FB9]  }
0x39: {  	_ = 	snop;
	(pc) =	sbr.ind lr, $3  }
0x3a: {  	_ = 	snop  }
0x3b: {  	_ = 	snop  }
0x3c: {  	p2 =	seq.s32 s10, $0x1;
	s10 =	sld [smem:$0x3FB8]  }
0x3d: {  	_ =	shalt  }
0x3e: {  	_ =	shalt  }
0x3f: {  	_ =	shalt  }
0x40: {  	_ =	shalt  }
0x41: {  	_ =	shalt  }
0x42: {  	_ =	shalt  }
0x43: {  	_ =	shalt  }
0x44: {  	_ =	shalt  }
0x45: {  	_ =	shalt  }
0x46: {  	_ =	shalt  }
0x47: {  	_ =	shalt  }
0x48: {  	_ =	shalt  }
0x49: {  	_ =	shalt  }
0x4a: {  	_ =	shalt  }
0x4b: {  	_ =	shalt  }
0x4c: {  	_ =	shalt  }
0x4d: {  	_ =	shalt  }
0x4e: {  	_ =	shalt  }
0x4f: {  	_ =	shalt  }
0x50: {  	_ =	shalt  }
0x51: {  	_ =	shalt  }
0x52: {  	_ =	shalt  }
0x53: {  	_ =	shalt  }
0x54: {  	_ =	shalt  }
0x55: {  	_ =	shalt  }
0x56: {  	_ =	shalt  }
0x57: {  	_ =	shalt  }
0x58: {  	_ =	shalt  }
0x59: {  	_ =	shalt  }
0x5a: {  	_ =	shalt  }
0x5b: {  	_ =	shalt  }
0x5c: {  	_ =	shalt  }
0x5d: {  	_ =	shalt  }
0x5e: {  	_ =	shalt  }
0x5f: {  	_ =	shalt  }
0x60: {  	_ =	shalt  }
0x61: {  	_ =	shalt  }
0x62: {  	_ =	shalt  }
0x63: {  	_ =	shalt  }
0x64: {  	_ =	shalt  }
0x65: {  	_ =	shalt  }
0x66: {  	_ =	shalt  }
0x67: {  	_ =	shalt  }
0x68: {  	_ =	shalt  }
0x69: {  	_ =	shalt  }
0x6a: {  	_ =	shalt  }
0x6b: {  	_ =	shalt  }
0x6c: {  	_ =	shalt  }
0x6d: {  	_ =	shalt  }
0x6e: {  	_ =	shalt  }
0x6f: {  	_ =	shalt  }
0x70: {  	_ =	shalt  }
0x71: {  	_ =	shalt  }
0x72: {  	_ =	shalt  }
0x73: {  	_ =	shalt  }
0x74: {  	_ =	shalt  }
0x75: {  	_ =	shalt  }
0x76: {  	_ =	shalt  }
0x77: {  	_ =	shalt  }
0x78: {  	_ =	shalt  }
0x79: {  	_ =	shalt  }
0x7a: {  	_ =	shalt  }
0x7b: {  	_ =	shalt  }
0x7c: {  	_ =	shalt  }
0x7d: {  	_ =	shalt  }
0x7e: {  	_ =	shalt  }
0x7f: {  	_ =	shalt  }
0x80: {  	_ =	shalt  }
0x81: {  	_ =	shalt  }
0x82: {  	_ =	shalt  }
0x83: {  	_ =	shalt  }
0x84: {  	_ =	shalt  }
0x85: {  	_ =	shalt  }
0x86: {  	_ =	shalt  }
0x87: {  	_ =	shalt  }
.Lfunc_end0:
.L_simem_size_0:
called_computation_lowered:
.L_overlay_start_0:
0x88: {  	s2 =	sld [smem:$0x3FD9]  }
0x89: {  	s3 =	sld [smem:$0x3FFE];
	_ =	sdelay $0x1  }
0x8a: {  	s1 =	srdreg.scid  }
0x8b: {  	s0 =	sand.u32 $0x1, s1  }
0x8c: {  	s17 =	sshll.u32 s0, $0xA;
	s2 =	sadd.s32 s3, s2  }
0x8d: {  	s2 =	sadd.s32 s2, s17  }
0x8e: {  	[smem:$0x3FC4] =	sst s2  }
0x8f: {  	_ = 	snop  }
0x90: {  	s2 =	sld [smem:$0x3FC9]  }
0x91: {  	s18 =	sld [smem:$0x3FC8]  }
0x92: {  	s4 =	sld [smem:$0x3FD0];
	(tm) =	ssettm $0x1  }
0x93: {  	s5 =	sld [smem:$0x3FFB];
	_ =	sdelay $0x3  }
0x94: {  	_ =	strace s5  }
0x95: {  	s5 =	sld [smem:$0x3FFC];
	_ =	sdelay $0x3  }
0x96: {  	_ =	strace s5  }
0x97: {  	s5 =	sld [smem:$0x3FFD];
	_ =	sdelay $0x3  }
0x98: {  	_ =	strace s5  }
0x99: {  	_ =	strace $0x8FFFFFFF  }
0x9a: {  	s19 =	sld [smem:$0x3FDB];
	_ =	sdelay $0x1  }
0x9b: {  	s6 =	simm.s32 $_scs_section_size  }
0x9c: {  	s7 =	simm.s32 $_size__tile_overlayer_lowered;
	s8 =	simm.s32 $_tile_overlayer_lowered  }
0x9d: {  	s22 =	simm.s32 $0x1BFF;
	s21 =	sshll.u32 s8, $0x1;
	s5 =	sadd.s32 s6, s19  }
0x9e: {  	s9 =	simm.s32 $0x0;
	s20 =	sshll.u32 s7, $0x1;
	s7 =	sadd.s32 s21, s5  }
0x9f: {  	[timem:s9], [sflag:s22] =	dma.local [hbm:s7], s20  }
0xa0: {  	_ =	swait.ge [sflag:s22], s20  }
0xa1: {  	s6 =	ssub.s32 $0x0, s20;
	[sflag:s22] =	ssyncset.done $0x0  }
0xa2: {  	[sflag:s22] =	ssyncadd.s32 s6;
	_ =	sdelay $0x1  }
0xa3: {  	s23 =	simm.s32 $0x1B8B  }
0xa4: {  	_ =	swait.ge [sflag:s23], $0x1  }
0xa5: {  	[sflag:s23] =	ssyncset.done $0x0  }
0xa6: {  	s25 =	simm.s32 $0x1B8E;
	s24 =	sld [smem:$0x3FFE];
	[sflag:s23] =	ssyncadd.s32 $0xFFFFFFFF  }
0xa7: {  	s26 =	simm.s32 $execute0_lowered;
	[smem:$0x3FD2] =	sst s25  }
0xa8: {  	s7 =	sshll.u32 s26, $0x1;
	_ =	strace $0x80000046;
	[dreg:$0x1] =	wrdreg $0xFFFFFFFF  }
0xa9: {  	s28 =	simm.s32 $_size_execute0_lowered;
	s5 =	sadd.s32 s5, s7;
	[dreg:$0x0] =	wrdreg $0x0  }
0xaa: {  	s7 =	sshll.u32 s28, $0x1;
	[dreg:$0x2] =	wrdreg s5  }
0xab: {  	[dreg:$0x3] =	wrdreg s7  }
0xac: {  	[dreg:$0x4] =	wrdreg $0xC0  }
0xad: {  	_ =	task [dreg:s9], $0x5FFFF  }
0xae: {  	[dreg:$0x1] =	wrdreg $0xFFFFFFFF  }
0xaf: {  	[dreg:$0x0] =	wrdreg $0x60  }
0xb0: {  	[dreg:$0x2] =	wrdreg s2  }
0xb1: {  	[dreg:$0x3] =	wrdreg s18  }
0xb2: {  	[dreg:$0x4] =	wrdreg s24  }
0xb3: {  	[dreg:$0x5] =	wrdreg s4  }
0xb4: {  	[dreg:$0x6] =	wrdreg $0x9  }
0xb5: {  	_ =	task.clear_ibuf [dreg:s9], $0x7FFFF;
	_ =	strace $0x90000046  }
0xb6: {  	s29 =	simm.s32 $0x9;
	_ =	strace $0x80000048  }
0xb7: {  	_ =	swait.ge [sflag:s29], $0x1  }
0xb8: {  	[sflag:s29] =	ssyncadd.s32 $0xFFFFFFFF  }
0xb9: {  	_ =	strace $0x90000048  }
0xba: {  	_ =	sfence  }
0xbb: {  	s30 =	sld [smem:$0x0];
	_ =	sdelay $0x2  }
0xbc: {  	s31 =	sshll.u32 s1, $0xD;
	s1 =	sshrl.u32 s1, $0x2  }
0xbd: {  	s3 =	sand.u32 $0x4000, s31;
	s1 =	sadd.s32 s1, s30  }
0xbe: {  	s0 =	sor.u32 s3, s0;
	s1 =	sshll.u32 s1, $0x11  }
0xbf: {  	s0 =	sor.u32 s1, s0  }
0xc0: {  	s0 =	sadd.s32 $0x8F2B, s0  }
0xc1: {  	[sflag:s0] =	ssyncadd.remote.s32 $0x1  }
0xc2: {  	_ =	sfence.sel $0xFFFF  }
0xc3: {  	[dreg:$0x0] =	wrdreg $0xFFFFFFFF;
	(pc) =	sbr.abs _section_cstart, $3  }
0xc4: {  	[dreg:$0x1] =	wrdreg $0xFFFFFFFF  }
0xc5: {  	_ =	task.clear_ibuf [dreg:s9], $0x2FFFF;
	_ =	strace $0x9FFFFFFF  }
0xc6: {  	(tm) =	ssettm $0x7FFFFFFF  }
0xc7: {  	_ =	shalt  }
tec
execute0_lowered:
.L_overlay_start_1:
0x0: {  	(tag) =	ssettag $0x1  }
0x1: {  	s0 =	rddreg [dreg:$0x0]  }
0x2: {  	s1 =	rddreg [dreg:$0x1]  }
0x3: {  	s2 =	rddreg [dreg:$0x2]  }
0x4: {  	s3 =	rddreg [dreg:$0x3];
	s10 =	simm.s32 $0x0;
	s4 =	srdreg.scid  }
0x5: {  	s6 =	stileid.u32;
	[smem:$0x7FF] =	sst s10  }
0x6: {  	s11 =	sadd.s32 $0x400, s2;
	s4 =	sand.u32 $0x1, s4;
	s6 =	sshll.u32 s6, $0x7  }
0x7: {  	s14 =	sadd.s32 $0xF42800, s2;
	s5 =	ssub.s32 $0x2, s4;
	s4 =	sshll.u32 s4, $0x6  }
0x8: {  	_ =	strace $0x80000047;
	[dreg:$0x5] =	wrdreg s11;
	s4 =	sor.u32 s4, s6  }
0x9: {  	[dreg:$0x6] =	wrdreg s14;
	s0 =	sadd.s32 s0, s4  }
0xa: {  	s12 =	simm.s32 $0x400;
	s1 =	sadd.s32 s1, s4;
	[dreg:$0x19] =	wrdreg s0  }
0xb: {  	s29 =	sshrl.u32 s5, $0x1;
	s30 =	sadd.s32 s3, s4;
	[dreg:$0x1b] =	wrdreg s1  }
0xc: {  	v0 =	vlaneseq.u32;
	s2 =	ssub.s32 s5, s29;
	[dreg:$0x1a] =	wrdreg s30;
	s0 =	sadd.s32 $0x20, s30  }
0xd: {  	s13 =	simm.s32 $0x8400;
	v0 =	vmul.u32 $0x80, v0;
	s31 =	smax.u32 s2, $0x1;
	[dreg:$0x1c] =	wrdreg s0  }
0xe: {  	s2 =	simm.s32 $0x2;
	s1 =	simm.s32 $0x0;
	[dreg:$0x1d] =	wrdreg s31  }
.LBB2_1:
0xf: {  	[dreg:$0x1e] =	wrdreg s1  }
0x10: {  	s0 =	rddreg [dreg:$0x19]  }
0x11: {  	[tilespmem:s10], [sflag:$0x2] =	stream.linear.gather [hbm4b:s0+s10], $0x200, $0x38;
	[tilespmem:$0x10500] =	vst v63  }
0x12: {  	_ =	swait.ge [sflag:s2], $0x200  }
0x13: {  	[sflag:s2] =	ssyncset.done $0x0  }
0x14: {  	s6 =	simm.s32 $0x200;
	s7 =	rddreg [dreg:$0x1b];
	[sflag:s2] =	ssyncadd.s32 $0xFFFFFE00  }
0x15: {  	[tilespmem:s6], [sflag:$0x2] =	stream.linear.gather [hbm4b:s7+s10], $0x200, $0x38;
	[tilespmem:$0x10500] =	vst v63  }
0x16: {  	_ =	swait.ge [sflag:s2], $0x200  }
0x17: {  	[sflag:s2] =	ssyncset.done $0x0  }
0x18: {  	[sflag:s2] =	ssyncadd.s32 $0xFFFFFE00  }
0x19: {  	v1 =	vld [tilespmem:s10+$0x0];
	_ =	sdelay $0x1  }
0x1a: {  	v3 =	vld [tilespmem:s6+$0x0];
	_ =	sdelay $0x2  }
0x1b: {  	v2 =	vshll.u32 v1, $0x4  }
0x1c: {  	(v2sf) =	vpush v2, $0x0  }
0x1d: {  	v1 =	vshll.u32 v3, $0x4  }
0x1e: {  	(v2sf) =	vpush v1, $0x0  }
0x1f: {  	(v2sf) =	vpush v2, $0x1;
	_ =	sdelay $0x1  }
0x20: {  	(v2sf) =	vpush v1, $0x1;
	_ =	sdelay $0x1  }
0x21: {  	(v2sf) =	vpush v2, $0x2;
	_ =	sdelay $0x1  }
0x22: {  	(v2sf) =	vpush v1, $0x2;
	_ =	sdelay $0x1  }
0x23: {  	(v2sf) =	vpush v2, $0x3  }
0x24: {  	s17 =	simm.s32 $0x2000  }
0x25: {  	s16 =	simm.s32 $0x0;
	s3 =	simm.s32 $0x8400;
	s1 =	simm.s32 $0x680  }
0x26: {  	s4 =	simm.s32 $0x400;
	s15 =	simm.s32 $0x480;
	s20 =	simm.s32 $0x8480  }
0x27: {  	s22 =	simm.s32 $0x500;
	s25 =	simm.s32 $0x8500;
	s5 =	spop (v2sf);
	(v2sf) =	vpush v1, $0x3  }
0x28: {  	s31 =	simm.s32 $0x8600;
	s0 =	simm.s32 $0x8900;
	s7 =	simm.s32 $0x580  }
0x29: {  	s2 =	simm.s32 $0x880;
	s5 =	sand.u32 $0x1FFFFFF0, s5;
	s8 =	spop (v2sf)  }
0x2a: {  	(v2sf) =	vpush v2, $0x4;
	s5 =	sadd.s32 s11, s5;
	s8 =	sand.u32 $0x1FFFFFF0, s8;
	s9 =	spop (v2sf)  }
0x2b: {  	(v2sf) =	vpush v1, $0x4;
	[tilespmem:s4], [sflag:$0x1] =	stream.linear.gather [hbm4b:s5+s10], $0x80, $0x38;
	[tilespmem:$0x10500] =	vst v63  }
0x2c: {  	s5 =	sadd.s32 s14, s8;
	s8 =	sand.u32 $0x1FFFFFF0, s9;
	s9 =	spop (v2sf)  }
0x2d: {  	(v2sf) =	vpush v2, $0x5;
	[tilespmem:s3], [sflag:$0x1] =	stream.linear.gather [hbm4b:s5+s10], $0x80, $0x38;
	[tilespmem:$0x10500] =	vst v63  }
0x2e: {  	s18 =	sadd.s32 s11, s8;
	s19 =	sand.u32 $0x1FFFFFF0, s9;
	s21 =	spop (v2sf)  }
0x2f: {  	[tilespmem:s15], [sflag:$0x1] =	stream.linear.gather [hbm4b:s18+s10], $0x80, $0x38;
	[tilespmem:$0x10500] =	vst v63  }
0x30: {  	(v2sf) =	vpush v1, $0x5;
	s8 =	sadd.s32 s14, s19;
	s5 =	sand.u32 $0x1FFFFFF0, s21;
	s23 =	spop (v2sf)  }
0x31: {  	[tilespmem:s20], [sflag:$0x1] =	stream.linear.gather [hbm4b:s8+s10], $0x80, $0x38;
	[tilespmem:$0x10500] =	vst v63  }
0x32: {  	(v2sf) =	vpush v2, $0x6;
	s5 =	sadd.s32 s11, s5;
	s24 =	spop (v2sf);
	s8 =	sand.u32 $0x1FFFFFF0, s23  }
0x33: {  	[tilespmem:s22], [sflag:$0x1] =	stream.linear.gather [hbm4b:s5+s10], $0x80, $0x38;
	[tilespmem:$0x10500] =	vst v63  }
0x34: {  	s6 =	simm.s32 $0x600;
	(v2sf) =	vpush v1, $0x6;
	s28 =	sand.u32 $0x1FFFFFF0, s24;
	s26 =	sadd.s32 s14, s8  }
0x35: {  	[tilespmem:s25], [sflag:$0x1] =	stream.linear.gather [hbm4b:s26+s10], $0x80, $0x38;
	[tilespmem:$0x10500] =	vst v63  }
0x36: {  	s4 =	simm.s32 $0x8580;
	s30 =	sadd.s32 s11, s28;
	s29 =	spop (v2sf)  }
0x37: {  	[tilespmem:s7], [sflag:$0x1] =	stream.linear.gather [hbm4b:s30+s10], $0x80, $0x38;
	[tilespmem:$0x10500] =	vst v63  }
0x38: {  	s9 =	simm.s32 $0x8A00;
	s21 =	simm.s32 $0x8680;
	(v2sf) =	vpush v2, $0x7;
	s3 =	sand.u32 $0x1FFFFFF0, s29  }
0x39: {  	s23 =	simm.s32 $0x700;
	s15 =	spop (v2sf);
	s3 =	sadd.s32 s14, s3  }
0x3a: {  	(v2sf) =	vpush v1, $0x7;
	s7 =	sand.u32 $0x1FFFFFF0, s15;
	s18 =	spop (v2sf);
	s15 =	simm.s32 $0xA80  }
0x3b: {  	(v2sf) =	vpush v2, $0x8;
	[tilespmem:s4], [sflag:$0x1] =	stream.linear.gather [hbm4b:s3+s10], $0x80, $0x38;
	[tilespmem:$0x10500] =	vst v63  }
0x3c: {  	s19 =	sadd.s32 s11, s7;
	s20 =	sand.u32 $0x1FFFFFF0, s18;
	s22 =	spop (v2sf)  }
0x3d: {  	(v2sf) =	vpush v1, $0x8;
	s7 =	simm.s32 $0x8A80;
	s4 =	sadd.s32 s14, s20;
	s24 =	sand.u32 $0x1FFFFFF0, s22  }
0x3e: {  	(v2sf) =	vpush v2, $0x9;
	[tilespmem:s6], [sflag:$0x1] =	stream.linear.gather [hbm4b:s19+s10], $0x80, $0x38;
	[tilespmem:$0x10500] =	vst v63  }
0x3f: {  	s25 =	spop (v2sf);
	s22 =	simm.s32 $0x8780;
	s5 =	sadd.s32 s11, s24  }
0x40: {  	(v2sf) =	vpush v1, $0x9;
	[tilespmem:s31], [sflag:$0x1] =	stream.linear.gather [hbm4b:s4+s10], $0x80, $0x38;
	[tilespmem:$0x10500] =	vst v63  }
0x41: {  	s6 =	sand.u32 $0x1FFFFFF0, s25;
	s26 =	spop (v2sf);
	s19 =	simm.s32 $0x780;
	(v2sf) =	vpush v2, $0xA  }
0x42: {  	[tilespmem:s1], [sflag:$0x1] =	stream.linear.gather [hbm4b:s5+s10], $0x80, $0x38;
	[tilespmem:$0x10500] =	vst v63  }
0x43: {  	s28 =	sadd.s32 s14, s6;
	s29 =	sand.u32 $0x1FFFFFF0, s26;
	s30 =	spop (v2sf);
	(v2sf) =	vpush v1, $0xA  }
0x44: {  	[tilespmem:s21], [sflag:$0x1] =	stream.linear.gather [hbm4b:s28+s10], $0x80, $0x38;
	[tilespmem:$0x10500] =	vst v63  }
0x45: {  	s24 =	simm.s32 $0x800;
	s31 =	sadd.s32 s11, s29;
	s3 =	sand.u32 $0x1FFFFFF0, s30  }
0x46: {  	[tilespmem:s23], [sflag:$0x1] =	stream.linear.gather [hbm4b:s31+s10], $0x80, $0x38;
	[tilespmem:$0x10500] =	vst v63  }
0x47: {  	s6 =	simm.s32 $0x8700;
	s3 =	sadd.s32 s14, s3;
	s8 =	spop (v2sf)  }
0x48: {  	[tilespmem:s6], [sflag:$0x1] =	stream.linear.gather [hbm4b:s3+s10], $0x80, $0x38;
	[tilespmem:$0x10500] =	vst v63  }
0x49: {  	s1 =	simm.s32 $0x8980;
	(v2sf) =	vpush v2, $0xB;
	s5 =	sand.u32 $0x1FFFFFF0, s8;
	s18 =	spop (v2sf)  }
0x4a: {  	s28 =	simm.s32 $0x8800;
	s20 =	sadd.s32 s11, s5;
	s23 =	spop (v2sf)  }
0x4b: {  	(v2sf) =	vpush v1, $0xB;
	[tilespmem:s19], [sflag:$0x1] =	stream.linear.gather [hbm4b:s20+s10], $0x80, $0x38;
	[tilespmem:$0x10500] =	vst v63  }
0x4c: {  	s31 =	simm.s32 $0x8880;
	s21 =	sand.u32 $0x1FFFFFF0, s18;
	s25 =	spop (v2sf)  }
0x4d: {  	s5 =	sadd.s32 s14, s21;
	s4 =	sand.u32 $0x1FFFFFF0, s23;
	s26 =	spop (v2sf)  }
0x4e: {  	[tilespmem:s22], [sflag:$0x1] =	stream.linear.gather [hbm4b:s5+s10], $0x80, $0x38;
	[tilespmem:$0x10500] =	vst v63  }
0x4f: {  	s8 =	simm.s32 $0x900;
	(v2sf) =	vpush v2, $0xC;
	s4 =	sadd.s32 s11, s4;
	s6 =	spop (v2sf)  }
0x50: {  	s5 =	sand.u32 $0x1FFFFFF0, s25;
	s30 =	sand.u32 $0x1FFFFFF0, s26;
	s18 =	spop (v2sf)  }
0x51: {  	(v2sf) =	vpush v1, $0xC;
	[tilespmem:s24], [sflag:$0x1] =	stream.linear.gather [hbm4b:s4+s10], $0x80, $0x38;
	[tilespmem:$0x10500] =	vst v63  }
0x52: {  	s26 =	simm.s32 $0x980;
	s29 =	sadd.s32 s14, s5;
	s19 =	spop (v2sf)  }
0x53: {  	[tilespmem:s28], [sflag:$0x1] =	stream.linear.gather [hbm4b:s29+s10], $0x80, $0x38;
	[tilespmem:$0x10500] =	vst v63  }
0x54: {  	s5 =	sadd.s32 s11, s30;
	s4 =	sand.u32 $0x1FFFFFF0, s6;
	s21 =	sand.u32 $0x1FFFFFF0, s19  }
0x55: {  	[tilespmem:s2], [sflag:$0x1] =	stream.linear.gather [hbm4b:s5+s10], $0x80, $0x38;
	[tilespmem:$0x10500] =	vst v63  }
0x56: {  	s4 =	sadd.s32 s14, s4;
	s23 =	sadd.s32 s14, s21;
	s5 =	sand.u32 $0x1FFFFFF0, s18  }
0x57: {  	[tilespmem:s31], [sflag:$0x1] =	stream.linear.gather [hbm4b:s4+s10], $0x80, $0x38;
	[tilespmem:$0x10500] =	vst v63  }
0x58: {  	s21 =	simm.s32 $0x10;
	s20 =	sadd.s32 s11, s5;
	s22 =	spop (v2sf)  }
0x59: {  	[tilespmem:s8], [sflag:$0x1] =	stream.linear.gather [hbm4b:s20+s10], $0x80, $0x38;
	[tilespmem:$0x10500] =	vst v63  }
0x5a: {  	s24 =	sand.u32 $0x1FFFFFF0, s22;
	s25 =	spop (v2sf);
	s22 =	simm.s32 $0x210  }
0x5b: {  	(v2sf) =	vpush v2, $0xD;
	[tilespmem:s0], [sflag:$0x1] =	stream.linear.gather [hbm4b:s23+s10], $0x80, $0x38;
	[tilespmem:$0x10500] =	vst v63  }
0x5c: {  	(v2sf) =	vpush v1, $0xD;
	s28 =	sadd.s32 s11, s24;
	s29 =	sand.u32 $0x1FFFFFF0, s25;
	s25 =	simm.s32 $0xA00  }
0x5d: {  	(v2sf) =	vpush v2, $0xE;
	[tilespmem:s26], [sflag:$0x1] =	stream.linear.gather [hbm4b:s28+s10], $0x80, $0x38;
	[tilespmem:$0x10500] =	vst v63  }
0x5e: {  	s24 =	simm.s32 $0xB00;
	s30 =	sadd.s32 s14, s29;
	(v2sf) =	vpush v1, $0xE;
	s31 =	spop (v2sf)  }
0x5f: {  	(v2sf) =	vpush v2, $0xF;
	[tilespmem:s1], [sflag:$0x1] =	stream.linear.gather [hbm4b:s30+s10], $0x80, $0x38;
	[tilespmem:$0x10500] =	vst v63  }
0x60: {  	s23 =	simm.s32 $0x8B00;
	s0 =	sand.u32 $0x1FFFFFF0, s31;
	(v2sf) =	vpush v1, $0xF;
	s1 =	spop (v2sf)  }
.LBB2_2:
0x61: {  	_ =	sdelay $0x4  }
0x62: {  	s0 =	sadd.s32 s11, s0;
	s1 =	sand.u32 $0x1FFFFFF0, s1  }
0x63: {  	[tilespmem:s25], [sflag:$0x1] =	stream.linear.gather [hbm4b:s0+s10], $0x80, $0x38;
	[tilespmem:$0x10500] =	vst v63  }
0x64: {  	s18 =	sadd.s32 s14, s1  }
0x65: {  	[tilespmem:s9], [sflag:$0x1] =	stream.linear.gather [hbm4b:s18+s10], $0x80, $0x38;
	[tilespmem:$0x10500] =	vst v63  }
0x66: {  	s2 =	spop (v2sf)  }
0x67: {  	s19 =	sand.u32 $0x1FFFFFF0, s2;
	s20 =	spop (v2sf)  }
0x68: {  	s25 =	sadd.s32 s11, s19;
	s26 =	sand.u32 $0x1FFFFFF0, s20;
	s28 =	spop (v2sf)  }
0x69: {  	[tilespmem:s15], [sflag:$0x1] =	stream.linear.gather [hbm4b:s25+s10], $0x80, $0x38;
	[tilespmem:$0x10500] =	vst v63  }
0x6a: {  	s29 =	sadd.s32 s14, s26;
	s30 =	sand.u32 $0x1FFFFFF0, s28;
	s31 =	spop (v2sf)  }
0x6b: {  	[tilespmem:s7], [sflag:$0x1] =	stream.linear.gather [hbm4b:s29+s10], $0x80, $0x38;
	[tilespmem:$0x10500] =	vst v63  }
0x6c: {  	s3 =	sadd.s32 s11, s30;
	s4 =	sand.u32 $0x1FFFFFF0, s31;
	s5 =	spop (v2sf)  }
0x6d: {  	[tilespmem:s24], [sflag:$0x1] =	stream.linear.gather [hbm4b:s3+s10], $0x80, $0x38;
	[tilespmem:$0x10500] =	vst v63  }
0x6e: {  	s6 =	sadd.s32 s14, s4;
	s7 =	sand.u32 $0x1FFFFFF0, s5;
	s8 =	spop (v2sf)  }
0x6f: {  	[tilespmem:s23], [sflag:$0x1] =	stream.linear.gather [hbm4b:s6+s10], $0x80, $0x38;
	[tilespmem:$0x10500] =	vst v63  }
0x70: {  	s9 =	sadd.s32 $0xB80, s16;
	s1 =	sadd.s32 s11, s7;
	s2 =	sand.u32 $0x1FFFFFF0, s8  }
0x71: {  	[tilespmem:s9], [sflag:$0x1] =	stream.linear.gather [hbm4b:s1+s10], $0x80, $0x38;
	[tilespmem:$0x10500] =	vst v63  }
0x72: {  	s15 =	sadd.s32 $0x8B80, s16;
	s16 =	sadd.s32 s14, s2  }
0x73: {  	[tilespmem:s15], [sflag:$0x1] =	stream.linear.gather [hbm4b:s16+s10], $0x80, $0x38;
	[tilespmem:$0x10500] =	vst v63  }
0x74: {  	v1 =	vld [tilespmem:s21+$0x0];
	_ =	sdelay $0x1  }
0x75: {  	v3 =	vld [tilespmem:s22+$0x0];
	_ =	sdelay $0x2  }
0x76: {  	v2 =	vshll.u32 v1, $0x4  }
0x77: {  	(v2sf) =	vpush v2, $0x0  }
0x78: {  	s18 =	smov.u32 s17;
	v1 =	vshll.u32 v3, $0x4  }
0x79: {  	p0 =	sne.s32 s17, $0x1E000;
	s16 =	sshra.s32 s18, $0x2;
	(v2sf) =	vpush v1, $0x0  }
0x7a: {  	s17 =	sadd.s32 $0x2000, s17;
	s2 =	simm.s32 $0x0;
	s18 =	sadd.s32 $0x8400, s16  }
0x7b: {  	s14 =	sadd.s32 $0x680, s16;
	s0 =	sadd.s32 $0x880, s16;
	s29 =	sadd.s32 $0x400, s16  }
0x7c: {  	s5 =	sadd.s32 $0x600, s16;
	s19 =	sadd.s32 $0x8900, s16;
	s3 =	sadd.s32 $0x580, s16;
	(v2sf) =	vpush v2, $0x1  }
0x7d: {  	s1 =	sadd.s32 $0x8580, s16;
	s20 =	sadd.s32 $0x8A00, s16;
	s11 =	sadd.s32 $0x8600, s16  }
0x7e: {  	s15 =	sadd.s32 $0xA80, s16;
	s28 =	sadd.s32 $0x8480, s16;
	[dreg:$0xb] =	wrdreg s0;
	(v2sf) =	vpush v1, $0x1  }
0x7f: {  	s4 =	sadd.s32 $0x8500, s16;
	s10 =	sadd.s32 $0x8680, s16;
	[dreg:$0x7] =	wrdreg s19;
	(v2sf) =	vpush v2, $0x2  }
0x80: {  	s6 =	sadd.s32 $0x700, s16;
	s23 =	sadd.s32 $0x8980, s16;
	[dreg:$0x14] =	wrdreg s20  }
0x81: {  	s24 =	sadd.s32 $0x8A80, s16;
	s9 =	sadd.s32 $0x8700, s16;
	[dreg:$0x9] =	wrdreg s23  }
0x82: {  	s25 =	sadd.s32 $0x8880, s16;
	s26 =	sadd.s32 $0x900, s16;
	[dreg:$0x16] =	wrdreg s24  }
0x83: {  	s8 =	sadd.s32 $0x780, s16;
	s30 =	sadd.s32 $0x8800, s16;
	[dreg:$0xf] =	wrdreg s25;
	(v2sf) =	vpush v1, $0x2  }
0x84: {  	s7 =	sadd.s32 $0x8780, s16;
	s21 =	sadd.s32 $0x10, s21;
	[dreg:$0xd] =	wrdreg s26  }
0x85: {  	s22 =	sadd.s32 $0x10, s22;
	s0 =	sadd.s32 $0x500, s16;
	[dreg:$0x11] =	wrdreg s30;
	(v2sf) =	vpush v2, $0x3  }
0x86: {  	s25 =	sadd.s32 $0xA00, s16;
	s30 =	sadd.s32 $0x480, s16;
	s26 =	spop (v2sf)  }
0x87: {  	s19 =	sadd.s32 $0x800, s16;
	s20 =	rddreg [dreg:$0x5];
	s31 =	sand.u32 $0x1FFFFFF0, s26  }
0x88: {  	[dreg:$0x17] =	wrdreg s19;
	(v2sf) =	vpush v1, $0x3;
	s19 =	spop (v2sf);
	s31 =	sadd.s32 s20, s31  }
0x89: {  	[tilespmem:s29], [sflag:$0x1] =	stream.linear.gather [hbm4b:s31+s2], $0x80, $0x38;
	[tilespmem:$0x10500] =	vst v63  }
0x8a: {  	s24 =	sadd.s32 $0xB00, s16;
	(v2sf) =	vpush v2, $0x4;
	s19 =	sand.u32 $0x1FFFFFF0, s19;
	s31 =	rddreg [dreg:$0x6]  }
0x8b: {  	s20 =	spop (v2sf);
	s29 =	rddreg [dreg:$0x6];
	s19 =	sadd.s32 s31, s19  }
0x8c: {  	[tilespmem:s18], [sflag:$0x1] =	stream.linear.gather [hbm4b:s19+s2], $0x80, $0x38;
	[tilespmem:$0x10500] =	vst v63  }
0x8d: {  	(v2sf) =	vpush v1, $0x4;
	s20 =	sand.u32 $0x1FFFFFF0, s20;
	s31 =	spop (v2sf);
	s19 =	rddreg [dreg:$0x5]  }
0x8e: {  	(v2sf) =	vpush v2, $0x5;
	s18 =	sadd.s32 s19, s20;
	s20 =	sand.u32 $0x1FFFFFF0, s31;
	s31 =	spop (v2sf)  }
0x8f: {  	[tilespmem:s30], [sflag:$0x1] =	stream.linear.gather [hbm4b:s18+s2], $0x80, $0x38;
	[tilespmem:$0x10500] =	vst v63  }
0x90: {  	(v2sf) =	vpush v1, $0x5;
	s18 =	sadd.s32 s29, s20;
	s30 =	sand.u32 $0x1FFFFFF0, s31;
	s29 =	rddreg [dreg:$0x5]  }
0x91: {  	[tilespmem:s28], [sflag:$0x1] =	stream.linear.gather [hbm4b:s18+s2], $0x80, $0x38;
	[tilespmem:$0x10500] =	vst v63  }
0x92: {  	s23 =	sadd.s32 $0x8B00, s16;
	(v2sf) =	vpush v2, $0x6;
	s31 =	spop (v2sf);
	s18 =	sadd.s32 s29, s30  }
0x93: {  	[tilespmem:s0], [sflag:$0x1] =	stream.linear.gather [hbm4b:s18+s2], $0x80, $0x38;
	[tilespmem:$0x10500] =	vst v63  }
0x94: {  	s30 =	sand.u32 $0x1FFFFFF0, s31;
	s31 =	spop (v2sf);
	s18 =	rddreg [dreg:$0x6]  }
0x95: {  	(v2sf) =	vpush v1, $0x6;
	s29 =	rddreg [dreg:$0x5];
	s20 =	sand.u32 $0x1FFFFFF0, s31;
	s0 =	sadd.s32 s18, s30  }
0x96: {  	[tilespmem:s4], [sflag:$0x1] =	stream.linear.gather [hbm4b:s0+s2], $0x80, $0x38;
	[tilespmem:$0x10500] =	vst v63  }
0x97: {  	s26 =	sadd.s32 $0x980, s16;
	(v2sf) =	vpush v2, $0x7;
	s28 =	spop (v2sf);
	s0 =	sadd.s32 s29, s20  }
0x98: {  	(v2sf) =	vpush v1, $0x7;
	[tilespmem:s3], [sflag:$0x1] =	stream.linear.gather [hbm4b:s0+s2], $0x80, $0x38;
	[tilespmem:$0x10500] =	vst v63  }
0x99: {  	s31 =	spop (v2sf);
	(v2sf) =	vpush v2, $0x8;
	s30 =	sand.u32 $0x1FFFFFF0, s28;
	s3 =	rddreg [dreg:$0x6]  }
0x9a: {  	s19 =	rddreg [dreg:$0x5];
	s4 =	sand.u32 $0x1FFFFFF0, s31;
	s0 =	sadd.s32 s3, s30  }
0x9b: {  	[tilespmem:s1], [sflag:$0x1] =	stream.linear.gather [hbm4b:s0+s2], $0x80, $0x38;
	[tilespmem:$0x10500] =	vst v63  }
0x9c: {  	s29 =	rddreg [dreg:$0x6];
	s18 =	spop (v2sf);
	s0 =	sadd.s32 s19, s4  }
0x9d: {  	s20 =	sand.u32 $0x1FFFFFF0, s18;
	s28 =	spop (v2sf);
	s19 =	rddreg [dreg:$0x6]  }
0x9e: {  	[tilespmem:s5], [sflag:$0x1] =	stream.linear.gather [hbm4b:s0+s2], $0x80, $0x38;
	[tilespmem:$0x10500] =	vst v63  }
0x9f: {  	(v2sf) =	vpush v1, $0x8;
	s30 =	sand.u32 $0x1FFFFFF0, s28;
	s0 =	sadd.s32 s29, s20;
	s31 =	spop (v2sf)  }
0xa0: {  	(v2sf) =	vpush v2, $0x9;
	[tilespmem:s11], [sflag:$0x1] =	stream.linear.gather [hbm4b:s0+s2], $0x80, $0x38;
	[tilespmem:$0x10500] =	vst v63  }
0xa1: {  	s5 =	sand.u32 $0x1FFFFFF0, s31;
	s11 =	rddreg [dreg:$0x5];
	s18 =	spop (v2sf)  }
0xa2: {  	s0 =	sadd.s32 s19, s5;
	s4 =	sadd.s32 s11, s30;
	s20 =	sand.u32 $0x1FFFFFF0, s18  }
0xa3: {  	[tilespmem:s14], [sflag:$0x1] =	stream.linear.gather [hbm4b:s4+s2], $0x80, $0x38;
	[tilespmem:$0x10500] =	vst v63  }
0xa4: {  	(v2sf) =	vpush v1, $0x9;
	s28 =	spop (v2sf);
	s18 =	rddreg [dreg:$0x6];
	s29 =	sadd.s32 s11, s20  }
0xa5: {  	[tilespmem:s10], [sflag:$0x1] =	stream.linear.gather [hbm4b:s0+s2], $0x80, $0x38;
	[tilespmem:$0x10500] =	vst v63  }
0xa6: {  	(v2sf) =	vpush v2, $0xA;
	s30 =	sand.u32 $0x1FFFFFF0, s28;
	s31 =	spop (v2sf);
	s10 =	simm.s32 $0x0  }
0xa7: {  	s2 =	rddreg [dreg:$0x6];
	s3 =	sand.u32 $0x1FFFFFF0, s31;
	s4 =	spop (v2sf)  }
0xa8: {  	(v2sf) =	vpush v1, $0xA;
	s31 =	rddreg [dreg:$0x17];
	s0 =	sadd.s32 s2, s30;
	s14 =	spop (v2sf)  }
0xa9: {  	[tilespmem:s6], [sflag:$0x1] =	stream.linear.gather [hbm4b:s29+s10], $0x80, $0x38;
	[tilespmem:$0x10500] =	vst v63  }
0xaa: {  	(v2sf) =	vpush v2, $0xB;
	s5 =	sadd.s32 s11, s3;
	s19 =	sand.u32 $0x1FFFFFF0, s14;
	s14 =	rddreg [dreg:$0x6]  }
0xab: {  	[tilespmem:s9], [sflag:$0x1] =	stream.linear.gather [hbm4b:s0+s10], $0x80, $0x38;
	[tilespmem:$0x10500] =	vst v63  }
0xac: {  	s6 =	sand.u32 $0x1FFFFFF0, s4;
	s28 =	sadd.s32 s11, s19;
	s9 =	rddreg [dreg:$0x14]  }
0xad: {  	[tilespmem:s8], [sflag:$0x1] =	stream.linear.gather [hbm4b:s5+s10], $0x80, $0x38;
	[tilespmem:$0x10500] =	vst v63  }
0xae: {  	(v2sf) =	vpush v1, $0xB;
	s0 =	sadd.s32 s18, s6;
	s6 =	rddreg [dreg:$0x11];
	s20 =	spop (v2sf)  }
0xaf: {  	(v2sf) =	vpush v2, $0xC;
	s29 =	sand.u32 $0x1FFFFFF0, s20;
	s30 =	spop (v2sf);
	s20 =	rddreg [dreg:$0xb]  }
0xb0: {  	[tilespmem:s7], [sflag:$0x1] =	stream.linear.gather [hbm4b:s0+s10], $0x80, $0x38;
	[tilespmem:$0x10500] =	vst v63  }
0xb1: {  	(v2sf) =	vpush v1, $0xC;
	s7 =	rddreg [dreg:$0x16];
	s2 =	sadd.s32 s14, s29;
	s4 =	sand.u32 $0x1FFFFFF0, s30  }
0xb2: {  	[tilespmem:s31], [sflag:$0x1] =	stream.linear.gather [hbm4b:s28+s10], $0x80, $0x38;
	[tilespmem:$0x10500] =	vst v63  }
0xb3: {  	s5 =	spop (v2sf);
	s8 =	sadd.s32 s11, s4;
	s31 =	rddreg [dreg:$0xf]  }
0xb4: {  	[tilespmem:s6], [sflag:$0x1] =	stream.linear.gather [hbm4b:s2+s10], $0x80, $0x38;
	[tilespmem:$0x10500] =	vst v63  }
0xb5: {  	s18 =	sand.u32 $0x1FFFFFF0, s5;
	s5 =	rddreg [dreg:$0xd];
	s19 =	spop (v2sf)  }
0xb6: {  	[tilespmem:s20], [sflag:$0x1] =	stream.linear.gather [hbm4b:s8+s10], $0x80, $0x38;
	[tilespmem:$0x10500] =	vst v63  }
0xb7: {  	s28 =	sadd.s32 s14, s18;
	s29 =	sand.u32 $0x1FFFFFF0, s19;
	s30 =	spop (v2sf)  }
0xb8: {  	[tilespmem:s31], [sflag:$0x1] =	stream.linear.gather [hbm4b:s28+s10], $0x80, $0x38;
	[tilespmem:$0x10500] =	vst v63  }
0xb9: {  	s1 =	sadd.s32 s11, s29;
	s2 =	sand.u32 $0x1FFFFFF0, s30;
	s4 =	spop (v2sf)  }
0xba: {  	[tilespmem:s5], [sflag:$0x1] =	stream.linear.gather [hbm4b:s1+s10], $0x80, $0x38;
	[tilespmem:$0x10500] =	vst v63  }
0xbb: {  	s19 =	rddreg [dreg:$0x7];
	s6 =	sadd.s32 s14, s2;
	s8 =	sand.u32 $0x1FFFFFF0, s4  }
0xbc: {  	(v2sf) =	vpush v2, $0xD;
	[tilespmem:s19], [sflag:$0x1] =	stream.linear.gather [hbm4b:s6+s10], $0x80, $0x38;
	[tilespmem:$0x10500] =	vst v63  }
.Ltmp0:
0xbd: {  	(v2sf) =	vpush v1, $0xD;
	s18 =	spop (v2sf);
	s20 =	sadd.s32 s11, s8;
	(pc) =	sbr.rel @p0 .LBB2_2-.Ltmp0, $4  }
0xbe: {  	(v2sf) =	vpush v2, $0xE;
	s28 =	sand.u32 $0x1FFFFFF0, s18;
	s29 =	spop (v2sf);
	s31 =	rddreg [dreg:$0x9]  }
0xbf: {  	(v2sf) =	vpush v1, $0xE;
	[tilespmem:s26], [sflag:$0x1] =	stream.linear.gather [hbm4b:s20+s10], $0x80, $0x38;
	[tilespmem:$0x10500] =	vst v63  }
0xc0: {  	(v2sf) =	vpush v2, $0xF;
	s30 =	sadd.s32 s14, s28;
	s0 =	sand.u32 $0x1FFFFFF0, s29;
	s1 =	spop (v2sf)  }
0xc1: {  	(v2sf) =	vpush v1, $0xF;
	[tilespmem:s31], [sflag:$0x1] =	stream.linear.gather [hbm4b:s30+s10], $0x80, $0x38;
	[tilespmem:$0x10500] =	vst v63  }
0xc2: {  	_ =	sdelay $0x4  }
0xc3: {  	s0 =	sadd.s32 s11, s0;
	s1 =	sand.u32 $0x1FFFFFF0, s1  }
0xc4: {  	[tilespmem:s25], [sflag:$0x1] =	stream.linear.gather [hbm4b:s0+s10], $0x80, $0x38;
	[tilespmem:$0x10500] =	vst v63  }
0xc5: {  	s3 =	sadd.s32 s14, s1  }
0xc6: {  	[tilespmem:s9], [sflag:$0x1] =	stream.linear.gather [hbm4b:s3+s10], $0x80, $0x38;
	[tilespmem:$0x10500] =	vst v63  }
0xc7: {  	s2 =	spop (v2sf)  }
0xc8: {  	s4 =	sand.u32 $0x1FFFFFF0, s2;
	s5 =	spop (v2sf)  }
0xc9: {  	s6 =	sadd.s32 s11, s4;
	s8 =	sand.u32 $0x1FFFFFF0, s5;
	s9 =	spop (v2sf)  }
0xca: {  	[tilespmem:s15], [sflag:$0x1] =	stream.linear.gather [hbm4b:s6+s10], $0x80, $0x38;
	[tilespmem:$0x10500] =	vst v63  }
0xcb: {  	s17 =	sadd.s32 s14, s8;
	s18 =	sand.u32 $0x1FFFFFF0, s9;
	s19 =	spop (v2sf)  }
0xcc: {  	[tilespmem:s7], [sflag:$0x1] =	stream.linear.gather [hbm4b:s17+s10], $0x80, $0x38;
	[tilespmem:$0x10500] =	vst v63  }
0xcd: {  	s20 =	sadd.s32 s11, s18;
	s21 =	sand.u32 $0x1FFFFFF0, s19;
	s22 =	spop (v2sf)  }
0xce: {  	[tilespmem:s24], [sflag:$0x1] =	stream.linear.gather [hbm4b:s20+s10], $0x80, $0x38;
	[tilespmem:$0x10500] =	vst v63  }
0xcf: {  	s25 =	sadd.s32 s14, s21;
	s26 =	sand.u32 $0x1FFFFFF0, s22;
	s28 =	spop (v2sf)  }
0xd0: {  	[tilespmem:s23], [sflag:$0x1] =	stream.linear.gather [hbm4b:s25+s10], $0x80, $0x38;
	[tilespmem:$0x10500] =	vst v63  }
0xd1: {  	s29 =	sadd.s32 $0xB80, s16;
	s1 =	sadd.s32 s11, s26;
	s2 =	sand.u32 $0x1FFFFFF0, s28  }
0xd2: {  	[tilespmem:s29], [sflag:$0x1] =	stream.linear.gather [hbm4b:s1+s10], $0x80, $0x38;
	[tilespmem:$0x10500] =	vst v63  }
0xd3: {  	s30 =	sadd.s32 $0x8B80, s16;
	s31 =	sadd.s32 s14, s2;
	s1 =	simm.s32 $0x1  }
0xd4: {  	[tilespmem:s30], [sflag:$0x1] =	stream.linear.gather [hbm4b:s31+s10], $0x80, $0x38;
	[tilespmem:$0x10500] =	vst v63  }
0xd5: {  	_ =	swait.ge [sflag:s1], $0x80  }
0xd6: {  	[sflag:s1] =	ssyncset.done $0x0  }
0xd7: {  	[sflag:s1] =	ssyncadd.s32 $0xFFFFFF80  }
0xd8: {  	_ =	swait.ge [sflag:s1], $0x80  }
0xd9: {  	s0 =	simm.s32 $0xFF;
	[sflag:s1] =	ssyncset.done $0x0  }
.LBB2_4:
0xda: {  	p0 =	sne.s32 s0, $0x1;
	s0 =	sadd.s32 $0xFFFFFFFF, s0;
	[sflag:s1] =	ssyncadd.s32 $0xFFFFFF80  }
.Ltmp1:
0xdb: {  	_ =	swait.ge [sflag:s1], $0x80;
	(pc) =	sbr.rel @p0 .LBB2_4-.Ltmp1, $4  }
0xdc: {  	[sflag:s1] =	ssyncset.done $0x0  }
0xdd: {  	[sflag:s1] =	ssyncadd.s32 $0xFFFFFF80  }
0xde: {  	_ =	swait.ge [sflag:s1], $0x80  }
0xdf: {  	[sflag:s1] =	ssyncset.done $0x0  }
0xe0: {  	s0 =	simm.s32 $0x0  }
0xe1: {  	v1 =	vmov s0  }
0xe2: {  	v1 =	vshll.u32 v1, $0x7  }
0xe3: {  	v1 =	vor.u32 v0, v1;
	_ =	sdelay $0x1  }
0xe4: {  	v2 =	vor.u32 $0x1, v1;
	_ =	sdelay $0x1  }
0xe5: {  	[sflag:s1] =	ssyncadd.s32 $0xFFFFFF80;
	v3 =	vor.u32 $0x2, v1  }
0xe6: {  	v4 =	vld.idx.msk [tilespmem:v1+s13+$0x0], $0xffff  }
0xe7: {  	v6 =	vor.u32 $0x3, v1;
	v5 =	vld.idx.msk [tilespmem:v1+s12+$0x0], $0xffff  }
0xe8: {  	v7 =	vld.idx.msk [tilespmem:v2+s12+$0x0], $0xffff  }
0xe9: {  	v8 =	vor.u32 $0x4, v1;
	v2 =	vld.idx.msk [tilespmem:v2+s13+$0x0], $0xffff  }
0xea: {  	v9 =	vld.idx.msk [tilespmem:v3+s12+$0x0], $0xffff  }
0xeb: {  	v10 =	vor.u32 $0x5, v1;
	v3 =	vld.idx.msk [tilespmem:v3+s13+$0x0], $0xffff  }
0xec: {  	v11 =	vld.idx.msk [tilespmem:v6+s12+$0x0], $0xffff;
	v4 =	vmul.f32 v4, v5  }
0xed: {  	v5 =	vld.idx.msk [tilespmem:v6+s13+$0x0], $0xffff;
	v6 =	vor.u32 $0x6, v1  }
0xee: {  	v12 =	vld.idx.msk [tilespmem:v8+s12+$0x0], $0xffff;
	v2 =	vmul.f32 v2, v7;
	v4 =	vadd.f32 $0.0e+00, v4  }
0xef: {  	v61 =	vor.u32 $0x7, v1;
	v7 =	vld.idx.msk [tilespmem:v8+s13+$0x0], $0xffff  }
0xf0: {  	v13 =	vld.idx.msk [tilespmem:v10+s12+$0x0], $0xffff;
	v3 =	vmul.f32 v3, v9;
	v2 =	vadd.f32 v2, v4  }
0xf1: {  	v62 =	vor.u32 $0x8, v1;
	v4 =	vld.idx.msk [tilespmem:v10+s13+$0x0], $0xffff  }
0xf2: {  	v63 =	vld.idx.msk [tilespmem:v6+s12+$0x0], $0xffff;
	v2 =	vadd.f32 v3, v2;
	v3 =	vmul.f32 v5, v11  }
0xf3: {  	v5 =	vld.idx.msk [tilespmem:v6+s13+$0x0], $0xffff;
	v6 =	vor.u32 $0x9, v1  }
0xf4: {  	v16 =	vld.idx.msk [tilespmem:v61+s12+$0x0], $0xffff;
	v2 =	vadd.f32 v3, v2;
	v3 =	vmul.f32 v7, v12  }
0xf5: {  	v17 =	vor.u32 $0xA, v1;
	v7 =	vld.idx.msk [tilespmem:v61+s13+$0x0], $0xffff  }
0xf6: {  	v18 =	vld.idx.msk [tilespmem:v62+s12+$0x0], $0xffff;
	v2 =	vadd.f32 v3, v2;
	v3 =	vmul.f32 v4, v13  }
0xf7: {  	v19 =	vor.u32 $0xB, v1;
	v4 =	vld.idx.msk [tilespmem:v62+s13+$0x0], $0xffff  }
0xf8: {  	v20 =	vld.idx.msk [tilespmem:v6+s12+$0x0], $0xffff;
	v2 =	vadd.f32 v3, v2;
	v3 =	vmul.f32 v5, v63  }
0xf9: {  	v5 =	vld.idx.msk [tilespmem:v6+s13+$0x0], $0xffff;
	v6 =	vor.u32 $0xC, v1  }
0xfa: {  	v21 =	vld.idx.msk [tilespmem:v17+s12+$0x0], $0xffff;
	v2 =	vadd.f32 v3, v2;
	v3 =	vmul.f32 v7, v16  }
0xfb: {  	v22 =	vor.u32 $0xD, v1;
	v7 =	vld.idx.msk [tilespmem:v17+s13+$0x0], $0xffff  }
0xfc: {  	v23 =	vld.idx.msk [tilespmem:v19+s12+$0x0], $0xffff;
	v2 =	vadd.f32 v3, v2;
	v3 =	vmul.f32 v4, v18  }
0xfd: {  	v24 =	vor.u32 $0xE, v1;
	v4 =	vld.idx.msk [tilespmem:v19+s13+$0x0], $0xffff  }
0xfe: {  	v25 =	vld.idx.msk [tilespmem:v6+s12+$0x0], $0xffff;
	v2 =	vadd.f32 v3, v2;
	v3 =	vmul.f32 v5, v20  }
0xff: {  	v5 =	vld.idx.msk [tilespmem:v6+s13+$0x0], $0xffff;
	v6 =	vor.u32 $0xF, v1  }
0x100: {  	v26 =	vld.idx.msk [tilespmem:v22+s12+$0x0], $0xffff;
	v2 =	vadd.f32 v3, v2;
	v3 =	vmul.f32 v7, v21  }
0x101: {  	v27 =	vor.u32 $0x10, v1;
	v7 =	vld.idx.msk [tilespmem:v22+s13+$0x0], $0xffff  }
0x102: {  	v28 =	vld.idx.msk [tilespmem:v24+s12+$0x0], $0xffff;
	v2 =	vadd.f32 v3, v2;
	v3 =	vmul.f32 v4, v23  }
0x103: {  	v29 =	vor.u32 $0x11, v1;
	v4 =	vld.idx.msk [tilespmem:v24+s13+$0x0], $0xffff  }
0x104: {  	v30 =	vld.idx.msk [tilespmem:v6+s12+$0x0], $0xffff;
	v2 =	vadd.f32 v3, v2;
	v3 =	vmul.f32 v5, v25  }
0x105: {  	v5 =	vld.idx.msk [tilespmem:v6+s13+$0x0], $0xffff;
	v6 =	vor.u32 $0x12, v1  }
0x106: {  	v31 =	vld.idx.msk [tilespmem:v27+s12+$0x0], $0xffff;
	v2 =	vadd.f32 v3, v2;
	v3 =	vmul.f32 v7, v26  }
0x107: {  	v32 =	vor.u32 $0x13, v1;
	v7 =	vld.idx.msk [tilespmem:v27+s13+$0x0], $0xffff  }
0x108: {  	v33 =	vld.idx.msk [tilespmem:v29+s12+$0x0], $0xffff;
	v2 =	vadd.f32 v3, v2;
	v3 =	vmul.f32 v4, v28  }
0x109: {  	v34 =	vor.u32 $0x14, v1;
	v4 =	vld.idx.msk [tilespmem:v29+s13+$0x0], $0xffff  }
0x10a: {  	v35 =	vld.idx.msk [tilespmem:v6+s12+$0x0], $0xffff;
	v2 =	vadd.f32 v3, v2;
	v3 =	vmul.f32 v5, v30  }
0x10b: {  	v5 =	vld.idx.msk [tilespmem:v6+s13+$0x0], $0xffff;
	v6 =	vor.u32 $0x15, v1  }
0x10c: {  	v36 =	vld.idx.msk [tilespmem:v32+s12+$0x0], $0xffff;
	v2 =	vadd.f32 v3, v2;
	v3 =	vmul.f32 v7, v31  }
0x10d: {  	v37 =	vor.u32 $0x16, v1;
	v7 =	vld.idx.msk [tilespmem:v32+s13+$0x0], $0xffff  }
0x10e: {  	v38 =	vld.idx.msk [tilespmem:v34+s12+$0x0], $0xffff;
	v2 =	vadd.f32 v3, v2;
	v3 =	vmul.f32 v4, v33  }
0x10f: {  	v39 =	vor.u32 $0x17, v1;
	v4 =	vld.idx.msk [tilespmem:v34+s13+$0x0], $0xffff  }
0x110: {  	v40 =	vld.idx.msk [tilespmem:v6+s12+$0x0], $0xffff;
	v2 =	vadd.f32 v3, v2;
	v3 =	vmul.f32 v5, v35  }
0x111: {  	v5 =	vld.idx.msk [tilespmem:v6+s13+$0x0], $0xffff;
	v6 =	vor.u32 $0x18, v1  }
0x112: {  	v41 =	vld.idx.msk [tilespmem:v37+s12+$0x0], $0xffff;
	v2 =	vadd.f32 v3, v2;
	v3 =	vmul.f32 v7, v36  }
0x113: {  	v42 =	vor.u32 $0x19, v1;
	v7 =	vld.idx.msk [tilespmem:v37+s13+$0x0], $0xffff  }
0x114: {  	v43 =	vld.idx.msk [tilespmem:v39+s12+$0x0], $0xffff;
	v2 =	vadd.f32 v3, v2;
	v3 =	vmul.f32 v4, v38  }
0x115: {  	v44 =	vor.u32 $0x1A, v1;
	v4 =	vld.idx.msk [tilespmem:v39+s13+$0x0], $0xffff  }
0x116: {  	v45 =	vld.idx.msk [tilespmem:v6+s12+$0x0], $0xffff;
	v2 =	vadd.f32 v3, v2;
	v3 =	vmul.f32 v5, v40  }
0x117: {  	v5 =	vld.idx.msk [tilespmem:v6+s13+$0x0], $0xffff;
	v6 =	vor.u32 $0x1B, v1  }
0x118: {  	v46 =	vld.idx.msk [tilespmem:v42+s12+$0x0], $0xffff;
	v2 =	vadd.f32 v3, v2;
	v3 =	vmul.f32 v7, v41  }
0x119: {  	v47 =	vor.u32 $0x1C, v1;
	v7 =	vld.idx.msk [tilespmem:v42+s13+$0x0], $0xffff  }
0x11a: {  	v48 =	vld.idx.msk [tilespmem:v44+s12+$0x0], $0xffff;
	v2 =	vadd.f32 v3, v2;
	v3 =	vmul.f32 v4, v43  }
0x11b: {  	v49 =	vor.u32 $0x1D, v1;
	v4 =	vld.idx.msk [tilespmem:v44+s13+$0x0], $0xffff  }
0x11c: {  	v50 =	vld.idx.msk [tilespmem:v6+s12+$0x0], $0xffff;
	v2 =	vadd.f32 v3, v2;
	v3 =	vmul.f32 v5, v45  }
0x11d: {  	v5 =	vld.idx.msk [tilespmem:v6+s13+$0x0], $0xffff;
	v6 =	vor.u32 $0x1E, v1  }
0x11e: {  	v51 =	vld.idx.msk [tilespmem:v47+s12+$0x0], $0xffff;
	v2 =	vadd.f32 v3, v2;
	v3 =	vmul.f32 v7, v46  }
0x11f: {  	v52 =	vor.u32 $0x1F, v1;
	v7 =	vld.idx.msk [tilespmem:v47+s13+$0x0], $0xffff  }
0x120: {  	v53 =	vld.idx.msk [tilespmem:v49+s12+$0x0], $0xffff;
	v2 =	vadd.f32 v3, v2;
	v3 =	vmul.f32 v4, v48  }
0x121: {  	v54 =	vor.u32 $0x20, v1;
	v4 =	vld.idx.msk [tilespmem:v49+s13+$0x0], $0xffff  }
0x122: {  	v55 =	vld.idx.msk [tilespmem:v6+s12+$0x0], $0xffff;
	v2 =	vadd.f32 v3, v2;
	v3 =	vmul.f32 v5, v50  }
0x123: {  	v5 =	vld.idx.msk [tilespmem:v6+s13+$0x0], $0xffff;
	v6 =	vor.u32 $0x21, v1  }
0x124: {  	v56 =	vld.idx.msk [tilespmem:v52+s12+$0x0], $0xffff;
	v2 =	vadd.f32 v3, v2;
	v3 =	vmul.f32 v7, v51  }
0x125: {  	v57 =	vor.u32 $0x22, v1;
	v7 =	vld.idx.msk [tilespmem:v52+s13+$0x0], $0xffff  }
0x126: {  	v58 =	vld.idx.msk [tilespmem:v54+s12+$0x0], $0xffff;
	v2 =	vadd.f32 v3, v2;
	v3 =	vmul.f32 v4, v53  }
0x127: {  	v59 =	vor.u32 $0x23, v1;
	v4 =	vld.idx.msk [tilespmem:v54+s13+$0x0], $0xffff  }
0x128: {  	v60 =	vld.idx.msk [tilespmem:v6+s12+$0x0], $0xffff;
	v2 =	vadd.f32 v3, v2;
	v3 =	vmul.f32 v5, v55  }
0x129: {  	v5 =	vld.idx.msk [tilespmem:v6+s13+$0x0], $0xffff;
	v6 =	vor.u32 $0x24, v1  }
0x12a: {  	v61 =	vld.idx.msk [tilespmem:v57+s12+$0x0], $0xffff;
	v2 =	vadd.f32 v3, v2;
	v3 =	vmul.f32 v7, v56  }
0x12b: {  	v62 =	vor.u32 $0x25, v1;
	v7 =	vld.idx.msk [tilespmem:v57+s13+$0x0], $0xffff  }
0x12c: {  	v63 =	vld.idx.msk [tilespmem:v59+s12+$0x0], $0xffff;
	v2 =	vadd.f32 v3, v2;
	v3 =	vmul.f32 v4, v58  }
0x12d: {  	v16 =	vor.u32 $0x26, v1;
	v4 =	vld.idx.msk [tilespmem:v59+s13+$0x0], $0xffff  }
0x12e: {  	v17 =	vld.idx.msk [tilespmem:v6+s12+$0x0], $0xffff;
	v2 =	vadd.f32 v3, v2;
	v3 =	vmul.f32 v5, v60  }
0x12f: {  	v5 =	vld.idx.msk [tilespmem:v6+s13+$0x0], $0xffff;
	v6 =	vor.u32 $0x27, v1  }
0x130: {  	v18 =	vld.idx.msk [tilespmem:v62+s12+$0x0], $0xffff;
	v2 =	vadd.f32 v3, v2;
	v3 =	vmul.f32 v7, v61  }
0x131: {  	v19 =	vor.u32 $0x28, v1;
	v7 =	vld.idx.msk [tilespmem:v62+s13+$0x0], $0xffff  }
0x132: {  	v20 =	vld.idx.msk [tilespmem:v16+s12+$0x0], $0xffff;
	v2 =	vadd.f32 v3, v2;
	v3 =	vmul.f32 v4, v63  }
0x133: {  	v21 =	vor.u32 $0x29, v1;
	v4 =	vld.idx.msk [tilespmem:v16+s13+$0x0], $0xffff  }
0x134: {  	v22 =	vld.idx.msk [tilespmem:v6+s12+$0x0], $0xffff;
	v2 =	vadd.f32 v3, v2;
	v3 =	vmul.f32 v5, v17  }
0x135: {  	v5 =	vld.idx.msk [tilespmem:v6+s13+$0x0], $0xffff;
	v6 =	vor.u32 $0x2A, v1  }
0x136: {  	v23 =	vld.idx.msk [tilespmem:v19+s12+$0x0], $0xffff;
	v2 =	vadd.f32 v3, v2;
	v3 =	vmul.f32 v7, v18  }
0x137: {  	v24 =	vor.u32 $0x2B, v1;
	v7 =	vld.idx.msk [tilespmem:v19+s13+$0x0], $0xffff  }
0x138: {  	v25 =	vld.idx.msk [tilespmem:v21+s12+$0x0], $0xffff;
	v2 =	vadd.f32 v3, v2;
	v3 =	vmul.f32 v4, v20  }
0x139: {  	v26 =	vor.u32 $0x2C, v1;
	v4 =	vld.idx.msk [tilespmem:v21+s13+$0x0], $0xffff  }
0x13a: {  	v27 =	vld.idx.msk [tilespmem:v6+s12+$0x0], $0xffff;
	v2 =	vadd.f32 v3, v2;
	v3 =	vmul.f32 v5, v22  }
0x13b: {  	v5 =	vld.idx.msk [tilespmem:v6+s13+$0x0], $0xffff;
	v6 =	vor.u32 $0x2D, v1  }
0x13c: {  	v28 =	vld.idx.msk [tilespmem:v24+s12+$0x0], $0xffff;
	v2 =	vadd.f32 v3, v2;
	v3 =	vmul.f32 v7, v23  }
0x13d: {  	v29 =	vor.u32 $0x2E, v1;
	v7 =	vld.idx.msk [tilespmem:v24+s13+$0x0], $0xffff  }
0x13e: {  	v30 =	vld.idx.msk [tilespmem:v26+s12+$0x0], $0xffff;
	v2 =	vadd.f32 v3, v2;
	v3 =	vmul.f32 v4, v25  }
0x13f: {  	v31 =	vor.u32 $0x2F, v1;
	v4 =	vld.idx.msk [tilespmem:v26+s13+$0x0], $0xffff  }
0x140: {  	v32 =	vld.idx.msk [tilespmem:v6+s12+$0x0], $0xffff;
	v2 =	vadd.f32 v3, v2;
	v3 =	vmul.f32 v5, v27  }
0x141: {  	v5 =	vld.idx.msk [tilespmem:v6+s13+$0x0], $0xffff;
	v6 =	vor.u32 $0x30, v1  }
0x142: {  	v33 =	vld.idx.msk [tilespmem:v29+s12+$0x0], $0xffff;
	v2 =	vadd.f32 v3, v2;
	v3 =	vmul.f32 v7, v28  }
0x143: {  	v34 =	vor.u32 $0x31, v1;
	v7 =	vld.idx.msk [tilespmem:v29+s13+$0x0], $0xffff  }
0x144: {  	v35 =	vld.idx.msk [tilespmem:v31+s12+$0x0], $0xffff;
	v2 =	vadd.f32 v3, v2;
	v3 =	vmul.f32 v4, v30  }
0x145: {  	v36 =	vor.u32 $0x32, v1;
	v4 =	vld.idx.msk [tilespmem:v31+s13+$0x0], $0xffff  }
0x146: {  	v37 =	vld.idx.msk [tilespmem:v6+s12+$0x0], $0xffff;
	v2 =	vadd.f32 v3, v2;
	v3 =	vmul.f32 v5, v32  }
0x147: {  	v5 =	vld.idx.msk [tilespmem:v6+s13+$0x0], $0xffff;
	v6 =	vor.u32 $0x33, v1  }
0x148: {  	v38 =	vld.idx.msk [tilespmem:v34+s12+$0x0], $0xffff;
	v2 =	vadd.f32 v3, v2;
	v3 =	vmul.f32 v7, v33  }
0x149: {  	v39 =	vor.u32 $0x34, v1;
	v7 =	vld.idx.msk [tilespmem:v34+s13+$0x0], $0xffff  }
0x14a: {  	v40 =	vld.idx.msk [tilespmem:v36+s12+$0x0], $0xffff;
	v2 =	vadd.f32 v3, v2;
	v3 =	vmul.f32 v4, v35  }
0x14b: {  	v41 =	vor.u32 $0x35, v1;
	v4 =	vld.idx.msk [tilespmem:v36+s13+$0x0], $0xffff  }
0x14c: {  	v42 =	vld.idx.msk [tilespmem:v6+s12+$0x0], $0xffff;
	v2 =	vadd.f32 v3, v2;
	v3 =	vmul.f32 v5, v37  }
0x14d: {  	v5 =	vld.idx.msk [tilespmem:v6+s13+$0x0], $0xffff;
	v6 =	vor.u32 $0x36, v1  }
0x14e: {  	v43 =	vld.idx.msk [tilespmem:v39+s12+$0x0], $0xffff;
	v2 =	vadd.f32 v3, v2;
	v3 =	vmul.f32 v7, v38  }
0x14f: {  	v44 =	vor.u32 $0x37, v1;
	v7 =	vld.idx.msk [tilespmem:v39+s13+$0x0], $0xffff  }
0x150: {  	v45 =	vld.idx.msk [tilespmem:v41+s12+$0x0], $0xffff;
	v2 =	vadd.f32 v3, v2;
	v3 =	vmul.f32 v4, v40  }
0x151: {  	v46 =	vor.u32 $0x38, v1;
	v4 =	vld.idx.msk [tilespmem:v41+s13+$0x0], $0xffff  }
0x152: {  	v47 =	vld.idx.msk [tilespmem:v6+s12+$0x0], $0xffff;
	v2 =	vadd.f32 v3, v2;
	v3 =	vmul.f32 v5, v42  }
0x153: {  	v5 =	vld.idx.msk [tilespmem:v6+s13+$0x0], $0xffff;
	v6 =	vor.u32 $0x39, v1  }
0x154: {  	v48 =	vld.idx.msk [tilespmem:v44+s12+$0x0], $0xffff;
	v2 =	vadd.f32 v3, v2;
	v3 =	vmul.f32 v7, v43  }
0x155: {  	v49 =	vor.u32 $0x3A, v1;
	v7 =	vld.idx.msk [tilespmem:v44+s13+$0x0], $0xffff  }
0x156: {  	v50 =	vld.idx.msk [tilespmem:v46+s12+$0x0], $0xffff;
	v2 =	vadd.f32 v3, v2;
	v3 =	vmul.f32 v4, v45  }
0x157: {  	v51 =	vor.u32 $0x3B, v1;
	v4 =	vld.idx.msk [tilespmem:v46+s13+$0x0], $0xffff  }
0x158: {  	v52 =	vld.idx.msk [tilespmem:v6+s12+$0x0], $0xffff;
	v2 =	vadd.f32 v3, v2;
	v3 =	vmul.f32 v5, v47  }
0x159: {  	v5 =	vld.idx.msk [tilespmem:v6+s13+$0x0], $0xffff;
	v6 =	vor.u32 $0x3C, v1  }
0x15a: {  	v53 =	vld.idx.msk [tilespmem:v49+s12+$0x0], $0xffff;
	v2 =	vadd.f32 v3, v2;
	v3 =	vmul.f32 v7, v48  }
0x15b: {  	v54 =	vor.u32 $0x3D, v1;
	v7 =	vld.idx.msk [tilespmem:v49+s13+$0x0], $0xffff  }
0x15c: {  	v55 =	vld.idx.msk [tilespmem:v51+s12+$0x0], $0xffff;
	v2 =	vadd.f32 v3, v2;
	v3 =	vmul.f32 v4, v50  }
0x15d: {  	v56 =	vor.u32 $0x3E, v1;
	v4 =	vld.idx.msk [tilespmem:v51+s13+$0x0], $0xffff  }
0x15e: {  	v57 =	vld.idx.msk [tilespmem:v6+s12+$0x0], $0xffff;
	v2 =	vadd.f32 v3, v2;
	v3 =	vmul.f32 v5, v52  }
0x15f: {  	v1 =	vor.u32 $0x3F, v1;
	v5 =	vld.idx.msk [tilespmem:v6+s13+$0x0], $0xffff  }
0x160: {  	v6 =	vld.idx.msk [tilespmem:v54+s12+$0x0], $0xffff;
	v2 =	vadd.f32 v3, v2;
	v3 =	vmul.f32 v7, v53  }
0x161: {  	v7 =	vld.idx.msk [tilespmem:v54+s13+$0x0], $0xffff  }
0x162: {  	v58 =	vld.idx.msk [tilespmem:v56+s12+$0x0], $0xffff;
	v2 =	vadd.f32 v3, v2;
	v3 =	vmul.f32 v4, v55  }
0x163: {  	v4 =	vld.idx.msk [tilespmem:v56+s13+$0x0], $0xffff  }
0x164: {  	v59 =	vld.idx.msk [tilespmem:v1+s12+$0x0], $0xffff;
	v2 =	vadd.f32 v3, v2;
	v3 =	vmul.f32 v5, v57  }
0x165: {  	v5 =	vld.idx.msk [tilespmem:v1+s13+$0x0], $0xffff  }
0x166: {  	v1 =	vadd.f32 v3, v2;
	v2 =	vmul.f32 v7, v6  }
0x167: {  	s30 =	simm.s32 $0x10  }
0x168: {  	v3 =	vmov s30;
	v4 =	vmul.f32 v4, v58;
	v2 =	vadd.f32 v2, v1  }
0x169: {  	v1 =	vshll.u32 v3, $0x7  }
0x16a: {  	v1 =	vor.u32 v0, v1;
	v3 =	vmul.f32 v5, v59;
	v2 =	vadd.f32 v4, v2;
	_ =	sdelay $0x1  }
0x16b: {  	v4 =	vor.u32 $0x1, v1;
	v2 =	vadd.f32 v3, v2  }
0x16c: {  	s16 =	simm.s32 $0x10400  }
0x16d: {  	v3 =	vor.u32 $0x2, v1;
	[tilespmem:s16+$0x0] =	vst v2  }
0x16e: {  	v2 =	vld.idx.msk [tilespmem:v1+s13+$0x0], $0xffff  }
0x16f: {  	v6 =	vor.u32 $0x3, v1;
	v5 =	vld.idx.msk [tilespmem:v1+s12+$0x0], $0xffff  }
0x170: {  	v7 =	vld.idx.msk [tilespmem:v4+s12+$0x0], $0xffff  }
0x171: {  	v60 =	vor.u32 $0x4, v1;
	v4 =	vld.idx.msk [tilespmem:v4+s13+$0x0], $0xffff  }
0x172: {  	v61 =	vld.idx.msk [tilespmem:v3+s12+$0x0], $0xffff  }
0x173: {  	v62 =	vor.u32 $0x5, v1;
	v3 =	vld.idx.msk [tilespmem:v3+s13+$0x0], $0xffff  }
0x174: {  	v63 =	vld.idx.msk [tilespmem:v6+s12+$0x0], $0xffff;
	v2 =	vmul.f32 v2, v5  }
0x175: {  	v5 =	vld.idx.msk [tilespmem:v6+s13+$0x0], $0xffff;
	v6 =	vor.u32 $0x6, v1  }
0x176: {  	v16 =	vld.idx.msk [tilespmem:v60+s12+$0x0], $0xffff;
	v4 =	vmul.f32 v4, v7;
	v2 =	vadd.f32 $0.0e+00, v2  }
0x177: {  	v17 =	vor.u32 $0x7, v1;
	v7 =	vld.idx.msk [tilespmem:v60+s13+$0x0], $0xffff  }
0x178: {  	v18 =	vld.idx.msk [tilespmem:v62+s12+$0x0], $0xffff;
	v3 =	vmul.f32 v3, v61;
	v2 =	vadd.f32 v4, v2  }
0x179: {  	v19 =	vor.u32 $0x8, v1;
	v4 =	vld.idx.msk [tilespmem:v62+s13+$0x0], $0xffff  }
0x17a: {  	v20 =	vld.idx.msk [tilespmem:v6+s12+$0x0], $0xffff;
	v2 =	vadd.f32 v3, v2;
	v3 =	vmul.f32 v5, v63  }
0x17b: {  	v5 =	vld.idx.msk [tilespmem:v6+s13+$0x0], $0xffff;
	v6 =	vor.u32 $0x9, v1  }
0x17c: {  	v21 =	vld.idx.msk [tilespmem:v17+s12+$0x0], $0xffff;
	v2 =	vadd.f32 v3, v2;
	v3 =	vmul.f32 v7, v16  }
0x17d: {  	v22 =	vor.u32 $0xA, v1;
	v7 =	vld.idx.msk [tilespmem:v17+s13+$0x0], $0xffff  }
0x17e: {  	v23 =	vld.idx.msk [tilespmem:v19+s12+$0x0], $0xffff;
	v2 =	vadd.f32 v3, v2;
	v3 =	vmul.f32 v4, v18  }
0x17f: {  	v24 =	vor.u32 $0xB, v1;
	v4 =	vld.idx.msk [tilespmem:v19+s13+$0x0], $0xffff  }
0x180: {  	v25 =	vld.idx.msk [tilespmem:v6+s12+$0x0], $0xffff;
	v2 =	vadd.f32 v3, v2;
	v3 =	vmul.f32 v5, v20  }
0x181: {  	v5 =	vld.idx.msk [tilespmem:v6+s13+$0x0], $0xffff;
	v6 =	vor.u32 $0xC, v1  }
0x182: {  	v26 =	vld.idx.msk [tilespmem:v22+s12+$0x0], $0xffff;
	v2 =	vadd.f32 v3, v2;
	v3 =	vmul.f32 v7, v21  }
0x183: {  	v27 =	vor.u32 $0xD, v1;
	v7 =	vld.idx.msk [tilespmem:v22+s13+$0x0], $0xffff  }
0x184: {  	v28 =	vld.idx.msk [tilespmem:v24+s12+$0x0], $0xffff;
	v2 =	vadd.f32 v3, v2;
	v3 =	vmul.f32 v4, v23  }
0x185: {  	v29 =	vor.u32 $0xE, v1;
	v4 =	vld.idx.msk [tilespmem:v24+s13+$0x0], $0xffff  }
0x186: {  	v30 =	vld.idx.msk [tilespmem:v6+s12+$0x0], $0xffff;
	v2 =	vadd.f32 v3, v2;
	v3 =	vmul.f32 v5, v25  }
0x187: {  	v5 =	vld.idx.msk [tilespmem:v6+s13+$0x0], $0xffff;
	v6 =	vor.u32 $0xF, v1  }
0x188: {  	v31 =	vld.idx.msk [tilespmem:v27+s12+$0x0], $0xffff;
	v2 =	vadd.f32 v3, v2;
	v3 =	vmul.f32 v7, v26  }
0x189: {  	v32 =	vor.u32 $0x10, v1;
	v7 =	vld.idx.msk [tilespmem:v27+s13+$0x0], $0xffff  }
0x18a: {  	v33 =	vld.idx.msk [tilespmem:v29+s12+$0x0], $0xffff;
	v2 =	vadd.f32 v3, v2;
	v3 =	vmul.f32 v4, v28  }
0x18b: {  	v34 =	vor.u32 $0x11, v1;
	v4 =	vld.idx.msk [tilespmem:v29+s13+$0x0], $0xffff  }
0x18c: {  	v35 =	vld.idx.msk [tilespmem:v6+s12+$0x0], $0xffff;
	v2 =	vadd.f32 v3, v2;
	v3 =	vmul.f32 v5, v30  }
0x18d: {  	v5 =	vld.idx.msk [tilespmem:v6+s13+$0x0], $0xffff;
	v6 =	vor.u32 $0x12, v1  }
0x18e: {  	v36 =	vld.idx.msk [tilespmem:v32+s12+$0x0], $0xffff;
	v2 =	vadd.f32 v3, v2;
	v3 =	vmul.f32 v7, v31  }
0x18f: {  	v37 =	vor.u32 $0x13, v1;
	v7 =	vld.idx.msk [tilespmem:v32+s13+$0x0], $0xffff  }
0x190: {  	v38 =	vld.idx.msk [tilespmem:v34+s12+$0x0], $0xffff;
	v2 =	vadd.f32 v3, v2;
	v3 =	vmul.f32 v4, v33  }
0x191: {  	v39 =	vor.u32 $0x14, v1;
	v4 =	vld.idx.msk [tilespmem:v34+s13+$0x0], $0xffff  }
0x192: {  	v40 =	vld.idx.msk [tilespmem:v6+s12+$0x0], $0xffff;
	v2 =	vadd.f32 v3, v2;
	v3 =	vmul.f32 v5, v35  }
0x193: {  	v5 =	vld.idx.msk [tilespmem:v6+s13+$0x0], $0xffff;
	v6 =	vor.u32 $0x15, v1  }
0x194: {  	v41 =	vld.idx.msk [tilespmem:v37+s12+$0x0], $0xffff;
	v2 =	vadd.f32 v3, v2;
	v3 =	vmul.f32 v7, v36  }
0x195: {  	v42 =	vor.u32 $0x16, v1;
	v7 =	vld.idx.msk [tilespmem:v37+s13+$0x0], $0xffff  }
0x196: {  	v43 =	vld.idx.msk [tilespmem:v39+s12+$0x0], $0xffff;
	v2 =	vadd.f32 v3, v2;
	v3 =	vmul.f32 v4, v38  }
0x197: {  	v44 =	vor.u32 $0x17, v1;
	v4 =	vld.idx.msk [tilespmem:v39+s13+$0x0], $0xffff  }
0x198: {  	v45 =	vld.idx.msk [tilespmem:v6+s12+$0x0], $0xffff;
	v2 =	vadd.f32 v3, v2;
	v3 =	vmul.f32 v5, v40  }
0x199: {  	v5 =	vld.idx.msk [tilespmem:v6+s13+$0x0], $0xffff;
	v6 =	vor.u32 $0x18, v1  }
0x19a: {  	v46 =	vld.idx.msk [tilespmem:v42+s12+$0x0], $0xffff;
	v2 =	vadd.f32 v3, v2;
	v3 =	vmul.f32 v7, v41  }
0x19b: {  	v47 =	vor.u32 $0x19, v1;
	v7 =	vld.idx.msk [tilespmem:v42+s13+$0x0], $0xffff  }
0x19c: {  	v48 =	vld.idx.msk [tilespmem:v44+s12+$0x0], $0xffff;
	v2 =	vadd.f32 v3, v2;
	v3 =	vmul.f32 v4, v43  }
0x19d: {  	v49 =	vor.u32 $0x1A, v1;
	v4 =	vld.idx.msk [tilespmem:v44+s13+$0x0], $0xffff  }
0x19e: {  	v50 =	vld.idx.msk [tilespmem:v6+s12+$0x0], $0xffff;
	v2 =	vadd.f32 v3, v2;
	v3 =	vmul.f32 v5, v45  }
0x19f: {  	v5 =	vld.idx.msk [tilespmem:v6+s13+$0x0], $0xffff;
	v6 =	vor.u32 $0x1B, v1  }
0x1a0: {  	v51 =	vld.idx.msk [tilespmem:v47+s12+$0x0], $0xffff;
	v2 =	vadd.f32 v3, v2;
	v3 =	vmul.f32 v7, v46  }
0x1a1: {  	v52 =	vor.u32 $0x1C, v1;
	v7 =	vld.idx.msk [tilespmem:v47+s13+$0x0], $0xffff  }
0x1a2: {  	v53 =	vld.idx.msk [tilespmem:v49+s12+$0x0], $0xffff;
	v2 =	vadd.f32 v3, v2;
	v3 =	vmul.f32 v4, v48  }
0x1a3: {  	v54 =	vor.u32 $0x1D, v1;
	v4 =	vld.idx.msk [tilespmem:v49+s13+$0x0], $0xffff  }
0x1a4: {  	v55 =	vld.idx.msk [tilespmem:v6+s12+$0x0], $0xffff;
	v2 =	vadd.f32 v3, v2;
	v3 =	vmul.f32 v5, v50  }
0x1a5: {  	v5 =	vld.idx.msk [tilespmem:v6+s13+$0x0], $0xffff;
	v6 =	vor.u32 $0x1E, v1  }
0x1a6: {  	v56 =	vld.idx.msk [tilespmem:v52+s12+$0x0], $0xffff;
	v2 =	vadd.f32 v3, v2;
	v3 =	vmul.f32 v7, v51  }
0x1a7: {  	v57 =	vor.u32 $0x1F, v1;
	v7 =	vld.idx.msk [tilespmem:v52+s13+$0x0], $0xffff  }
0x1a8: {  	v58 =	vld.idx.msk [tilespmem:v54+s12+$0x0], $0xffff;
	v2 =	vadd.f32 v3, v2;
	v3 =	vmul.f32 v4, v53  }
0x1a9: {  	v59 =	vor.u32 $0x20, v1;
	v4 =	vld.idx.msk [tilespmem:v54+s13+$0x0], $0xffff  }
0x1aa: {  	v60 =	vld.idx.msk [tilespmem:v6+s12+$0x0], $0xffff;
	v2 =	vadd.f32 v3, v2;
	v3 =	vmul.f32 v5, v55  }
0x1ab: {  	v5 =	vld.idx.msk [tilespmem:v6+s13+$0x0], $0xffff;
	v6 =	vor.u32 $0x21, v1  }
0x1ac: {  	v61 =	vld.idx.msk [tilespmem:v57+s12+$0x0], $0xffff;
	v2 =	vadd.f32 v3, v2;
	v3 =	vmul.f32 v7, v56  }
0x1ad: {  	v62 =	vor.u32 $0x22, v1;
	v7 =	vld.idx.msk [tilespmem:v57+s13+$0x0], $0xffff  }
0x1ae: {  	v63 =	vld.idx.msk [tilespmem:v59+s12+$0x0], $0xffff;
	v2 =	vadd.f32 v3, v2;
	v3 =	vmul.f32 v4, v58  }
0x1af: {  	v16 =	vor.u32 $0x23, v1;
	v4 =	vld.idx.msk [tilespmem:v59+s13+$0x0], $0xffff  }
0x1b0: {  	v17 =	vld.idx.msk [tilespmem:v6+s12+$0x0], $0xffff;
	v2 =	vadd.f32 v3, v2;
	v3 =	vmul.f32 v5, v60  }
0x1b1: {  	v5 =	vld.idx.msk [tilespmem:v6+s13+$0x0], $0xffff;
	v6 =	vor.u32 $0x24, v1  }
0x1b2: {  	v18 =	vld.idx.msk [tilespmem:v62+s12+$0x0], $0xffff;
	v2 =	vadd.f32 v3, v2;
	v3 =	vmul.f32 v7, v61  }
0x1b3: {  	v19 =	vor.u32 $0x25, v1;
	v7 =	vld.idx.msk [tilespmem:v62+s13+$0x0], $0xffff  }
0x1b4: {  	v20 =	vld.idx.msk [tilespmem:v16+s12+$0x0], $0xffff;
	v2 =	vadd.f32 v3, v2;
	v3 =	vmul.f32 v4, v63  }
0x1b5: {  	v21 =	vor.u32 $0x26, v1;
	v4 =	vld.idx.msk [tilespmem:v16+s13+$0x0], $0xffff  }
0x1b6: {  	v22 =	vld.idx.msk [tilespmem:v6+s12+$0x0], $0xffff;
	v2 =	vadd.f32 v3, v2;
	v3 =	vmul.f32 v5, v17  }
0x1b7: {  	v5 =	vld.idx.msk [tilespmem:v6+s13+$0x0], $0xffff;
	v6 =	vor.u32 $0x27, v1  }
0x1b8: {  	v23 =	vld.idx.msk [tilespmem:v19+s12+$0x0], $0xffff;
	v2 =	vadd.f32 v3, v2;
	v3 =	vmul.f32 v7, v18  }
0x1b9: {  	v24 =	vor.u32 $0x28, v1;
	v7 =	vld.idx.msk [tilespmem:v19+s13+$0x0], $0xffff  }
0x1ba: {  	v25 =	vld.idx.msk [tilespmem:v21+s12+$0x0], $0xffff;
	v2 =	vadd.f32 v3, v2;
	v3 =	vmul.f32 v4, v20  }
0x1bb: {  	v26 =	vor.u32 $0x29, v1;
	v4 =	vld.idx.msk [tilespmem:v21+s13+$0x0], $0xffff  }
0x1bc: {  	v27 =	vld.idx.msk [tilespmem:v6+s12+$0x0], $0xffff;
	v2 =	vadd.f32 v3, v2;
	v3 =	vmul.f32 v5, v22  }
0x1bd: {  	v5 =	vld.idx.msk [tilespmem:v6+s13+$0x0], $0xffff;
	v6 =	vor.u32 $0x2A, v1  }
0x1be: {  	v28 =	vld.idx.msk [tilespmem:v24+s12+$0x0], $0xffff;
	v2 =	vadd.f32 v3, v2;
	v3 =	vmul.f32 v7, v23  }
0x1bf: {  	v29 =	vor.u32 $0x2B, v1;
	v7 =	vld.idx.msk [tilespmem:v24+s13+$0x0], $0xffff  }
0x1c0: {  	v30 =	vld.idx.msk [tilespmem:v26+s12+$0x0], $0xffff;
	v2 =	vadd.f32 v3, v2;
	v3 =	vmul.f32 v4, v25  }
0x1c1: {  	v31 =	vor.u32 $0x2C, v1;
	v4 =	vld.idx.msk [tilespmem:v26+s13+$0x0], $0xffff  }
0x1c2: {  	v32 =	vld.idx.msk [tilespmem:v6+s12+$0x0], $0xffff;
	v2 =	vadd.f32 v3, v2;
	v3 =	vmul.f32 v5, v27  }
0x1c3: {  	v5 =	vld.idx.msk [tilespmem:v6+s13+$0x0], $0xffff;
	v6 =	vor.u32 $0x2D, v1  }
0x1c4: {  	v33 =	vld.idx.msk [tilespmem:v29+s12+$0x0], $0xffff;
	v2 =	vadd.f32 v3, v2;
	v3 =	vmul.f32 v7, v28  }
0x1c5: {  	v34 =	vor.u32 $0x2E, v1;
	v7 =	vld.idx.msk [tilespmem:v29+s13+$0x0], $0xffff  }
0x1c6: {  	v35 =	vld.idx.msk [tilespmem:v31+s12+$0x0], $0xffff;
	v2 =	vadd.f32 v3, v2;
	v3 =	vmul.f32 v4, v30  }
0x1c7: {  	v36 =	vor.u32 $0x2F, v1;
	v4 =	vld.idx.msk [tilespmem:v31+s13+$0x0], $0xffff  }
0x1c8: {  	v37 =	vld.idx.msk [tilespmem:v6+s12+$0x0], $0xffff;
	v2 =	vadd.f32 v3, v2;
	v3 =	vmul.f32 v5, v32  }
0x1c9: {  	v5 =	vld.idx.msk [tilespmem:v6+s13+$0x0], $0xffff;
	v6 =	vor.u32 $0x30, v1  }
0x1ca: {  	v38 =	vld.idx.msk [tilespmem:v34+s12+$0x0], $0xffff;
	v2 =	vadd.f32 v3, v2;
	v3 =	vmul.f32 v7, v33  }
0x1cb: {  	v39 =	vor.u32 $0x31, v1;
	v7 =	vld.idx.msk [tilespmem:v34+s13+$0x0], $0xffff  }
0x1cc: {  	v40 =	vld.idx.msk [tilespmem:v36+s12+$0x0], $0xffff;
	v2 =	vadd.f32 v3, v2;
	v3 =	vmul.f32 v4, v35  }
0x1cd: {  	v41 =	vor.u32 $0x32, v1;
	v4 =	vld.idx.msk [tilespmem:v36+s13+$0x0], $0xffff  }
0x1ce: {  	v42 =	vld.idx.msk [tilespmem:v6+s12+$0x0], $0xffff;
	v2 =	vadd.f32 v3, v2;
	v3 =	vmul.f32 v5, v37  }
0x1cf: {  	v5 =	vld.idx.msk [tilespmem:v6+s13+$0x0], $0xffff;
	v6 =	vor.u32 $0x33, v1  }
0x1d0: {  	v43 =	vld.idx.msk [tilespmem:v39+s12+$0x0], $0xffff;
	v2 =	vadd.f32 v3, v2;
	v3 =	vmul.f32 v7, v38  }
0x1d1: {  	v44 =	vor.u32 $0x34, v1;
	v7 =	vld.idx.msk [tilespmem:v39+s13+$0x0], $0xffff  }
0x1d2: {  	v45 =	vld.idx.msk [tilespmem:v41+s12+$0x0], $0xffff;
	v2 =	vadd.f32 v3, v2;
	v3 =	vmul.f32 v4, v40  }
0x1d3: {  	v46 =	vor.u32 $0x35, v1;
	v4 =	vld.idx.msk [tilespmem:v41+s13+$0x0], $0xffff  }
0x1d4: {  	v47 =	vld.idx.msk [tilespmem:v6+s12+$0x0], $0xffff;
	v2 =	vadd.f32 v3, v2;
	v3 =	vmul.f32 v5, v42  }
0x1d5: {  	v5 =	vld.idx.msk [tilespmem:v6+s13+$0x0], $0xffff;
	v6 =	vor.u32 $0x36, v1  }
0x1d6: {  	v48 =	vld.idx.msk [tilespmem:v44+s12+$0x0], $0xffff;
	v2 =	vadd.f32 v3, v2;
	v3 =	vmul.f32 v7, v43  }
0x1d7: {  	v49 =	vor.u32 $0x37, v1;
	v7 =	vld.idx.msk [tilespmem:v44+s13+$0x0], $0xffff  }
0x1d8: {  	v50 =	vld.idx.msk [tilespmem:v46+s12+$0x0], $0xffff;
	v2 =	vadd.f32 v3, v2;
	v3 =	vmul.f32 v4, v45  }
0x1d9: {  	v51 =	vor.u32 $0x38, v1;
	v4 =	vld.idx.msk [tilespmem:v46+s13+$0x0], $0xffff  }
0x1da: {  	v52 =	vld.idx.msk [tilespmem:v6+s12+$0x0], $0xffff;
	v2 =	vadd.f32 v3, v2;
	v3 =	vmul.f32 v5, v47  }
0x1db: {  	v5 =	vld.idx.msk [tilespmem:v6+s13+$0x0], $0xffff;
	v6 =	vor.u32 $0x39, v1  }
0x1dc: {  	v53 =	vld.idx.msk [tilespmem:v49+s12+$0x0], $0xffff;
	v2 =	vadd.f32 v3, v2;
	v3 =	vmul.f32 v7, v48  }
0x1dd: {  	v54 =	vor.u32 $0x3A, v1;
	v7 =	vld.idx.msk [tilespmem:v49+s13+$0x0], $0xffff  }
0x1de: {  	v55 =	vld.idx.msk [tilespmem:v51+s12+$0x0], $0xffff;
	v2 =	vadd.f32 v3, v2;
	v3 =	vmul.f32 v4, v50  }
0x1df: {  	v56 =	vor.u32 $0x3B, v1;
	v4 =	vld.idx.msk [tilespmem:v51+s13+$0x0], $0xffff  }
0x1e0: {  	v57 =	vld.idx.msk [tilespmem:v6+s12+$0x0], $0xffff;
	v2 =	vadd.f32 v3, v2;
	v3 =	vmul.f32 v5, v52  }
0x1e1: {  	v5 =	vld.idx.msk [tilespmem:v6+s13+$0x0], $0xffff;
	v6 =	vor.u32 $0x3C, v1  }
0x1e2: {  	v58 =	vld.idx.msk [tilespmem:v54+s12+$0x0], $0xffff;
	v2 =	vadd.f32 v3, v2;
	v3 =	vmul.f32 v7, v53  }
0x1e3: {  	v7 =	vld.idx.msk [tilespmem:v54+s13+$0x0], $0xffff  }
0x1e4: {  	v60 =	vld.idx.msk [tilespmem:v56+s12+$0x0], $0xffff;
	v2 =	vadd.f32 v3, v2;
	v3 =	vmul.f32 v4, v55  }
0x1e5: {  	v59 =	vor.u32 $0x3D, v1;
	v4 =	vld.idx.msk [tilespmem:v56+s13+$0x0], $0xffff  }
0x1e6: {  	v62 =	vld.idx.msk [tilespmem:v6+s12+$0x0], $0xffff;
	v2 =	vadd.f32 v3, v2;
	v3 =	vmul.f32 v5, v57  }
0x1e7: {  	v61 =	vor.u32 $0x3E, v1;
	v5 =	vld.idx.msk [tilespmem:v6+s13+$0x0], $0xffff  }
0x1e8: {  	v2 =	vadd.f32 v3, v2;
	v3 =	vmul.f32 v7, v58  }
0x1e9: {  	v1 =	vor.u32 $0x3F, v1  }
0x1ea: {  	v6 =	vld.idx.msk [tilespmem:v59+s12+$0x0], $0xffff;
	v2 =	vadd.f32 v3, v2;
	v3 =	vmul.f32 v4, v60  }
0x1eb: {  	v7 =	vld.idx.msk [tilespmem:v59+s13+$0x0], $0xffff  }
0x1ec: {  	v63 =	vld.idx.msk [tilespmem:v61+s12+$0x0], $0xffff;
	v2 =	vadd.f32 v3, v2;
	v3 =	vmul.f32 v5, v62  }
0x1ed: {  	v9 =	vld.idx.msk [tilespmem:v61+s13+$0x0], $0xffff  }
0x1ee: {  	v4 =	vadd.f32 v3, v2;
	v2 =	vld.idx.msk [tilespmem:v1+s12+$0x0], $0xffff  }
0x1ef: {  	v3 =	vld.idx.msk [tilespmem:v1+s13+$0x0], $0xffff  }
0x1f0: {  	v5 =	vmul.f32 v7, v6  }
0x1f1: {  	s31 =	simm.s32 $0x20  }
0x1f2: {  	v6 =	vmov s31;
	v4 =	vadd.f32 v5, v4;
	v5 =	vmul.f32 v9, v63  }
0x1f3: {  	s17 =	simm.s32 $0x30;
	s2 =	simm.s32 $0x2;
	v1 =	vshll.u32 v6, $0x7  }
.LBB2_6:
0x1f4: {  	p0 =	sne.s32 s17, $0xF0;
	v1 =	vor.u32 v0, v1;
	v4 =	vadd.f32 v5, v4;
	v2 =	vmul.f32 v3, v2;
	_ =	sdelay $0x1  }
0x1f5: {  	v3 =	vor.u32 $0x1, v1;
	v2 =	vadd.f32 v2, v4  }
0x1f6: {  	s16 =	sadd.s32 $0x10, s16  }
0x1f7: {  	v4 =	vor.u32 $0x2, v1;
	[tilespmem:s16+$0x0] =	vst v2  }
0x1f8: {  	v2 =	vld.idx.msk [tilespmem:v1+s13+$0x0], $0xffff  }
0x1f9: {  	v6 =	vor.u32 $0x3, v1;
	v5 =	vld.idx.msk [tilespmem:v1+s12+$0x0], $0xffff  }
0x1fa: {  	v7 =	vld.idx.msk [tilespmem:v3+s12+$0x0], $0xffff  }
0x1fb: {  	v8 =	vor.u32 $0x4, v1;
	v3 =	vld.idx.msk [tilespmem:v3+s13+$0x0], $0xffff  }
0x1fc: {  	v9 =	vld.idx.msk [tilespmem:v4+s12+$0x0], $0xffff  }
0x1fd: {  	v10 =	vor.u32 $0x5, v1;
	v4 =	vld.idx.msk [tilespmem:v4+s13+$0x0], $0xffff  }
0x1fe: {  	v11 =	vld.idx.msk [tilespmem:v6+s12+$0x0], $0xffff  }
0x1ff: {  	v2 =	vmul.f32 v2, v5;
	v5 =	vld.idx.msk [tilespmem:v6+s13+$0x0], $0xffff;
	v6 =	vor.u32 $0x6, v1  }
0x200: {  	v12 =	vld.idx.msk [tilespmem:v8+s12+$0x0], $0xffff  }
0x201: {  	v2 =	vadd.f32 $0.0e+00, v2;
	v3 =	vmul.f32 v3, v7;
	v7 =	vld.idx.msk [tilespmem:v8+s13+$0x0], $0xffff;
	v8 =	vor.u32 $0x7, v1  }
0x202: {  	v13 =	vld.idx.msk [tilespmem:v10+s12+$0x0], $0xffff  }
0x203: {  	v2 =	vadd.f32 v3, v2;
	v3 =	vmul.f32 v4, v9;
	v9 =	vor.u32 $0x8, v1;
	v4 =	vld.idx.msk [tilespmem:v10+s13+$0x0], $0xffff  }
0x204: {  	v10 =	vld.idx.msk [tilespmem:v6+s12+$0x0], $0xffff  }
0x205: {  	v2 =	vadd.f32 v3, v2;
	v3 =	vmul.f32 v5, v11;
	v5 =	vld.idx.msk [tilespmem:v6+s13+$0x0], $0xffff;
	v6 =	vor.u32 $0x9, v1  }
0x206: {  	v11 =	vld.idx.msk [tilespmem:v8+s12+$0x0], $0xffff  }
0x207: {  	v2 =	vadd.f32 v3, v2;
	v3 =	vmul.f32 v7, v12;
	v7 =	vld.idx.msk [tilespmem:v8+s13+$0x0], $0xffff;
	v8 =	vor.u32 $0xA, v1  }
0x208: {  	v12 =	vld.idx.msk [tilespmem:v9+s12+$0x0], $0xffff  }
0x209: {  	v2 =	vadd.f32 v3, v2;
	v3 =	vmul.f32 v4, v13;
	v4 =	vld.idx.msk [tilespmem:v9+s13+$0x0], $0xffff;
	v9 =	vor.u32 $0xB, v1  }
0x20a: {  	v13 =	vld.idx.msk [tilespmem:v6+s12+$0x0], $0xffff  }
0x20b: {  	v2 =	vadd.f32 v3, v2;
	v3 =	vmul.f32 v5, v10;
	v5 =	vld.idx.msk [tilespmem:v6+s13+$0x0], $0xffff;
	v6 =	vor.u32 $0xC, v1  }
0x20c: {  	v10 =	vld.idx.msk [tilespmem:v8+s12+$0x0], $0xffff  }
0x20d: {  	v2 =	vadd.f32 v3, v2;
	v3 =	vmul.f32 v7, v11;
	v7 =	vld.idx.msk [tilespmem:v8+s13+$0x0], $0xffff;
	v8 =	vor.u32 $0xD, v1  }
0x20e: {  	v11 =	vld.idx.msk [tilespmem:v9+s12+$0x0], $0xffff  }
0x20f: {  	v2 =	vadd.f32 v3, v2;
	v3 =	vmul.f32 v4, v12;
	v4 =	vld.idx.msk [tilespmem:v9+s13+$0x0], $0xffff;
	v9 =	vor.u32 $0xE, v1  }
0x210: {  	v12 =	vld.idx.msk [tilespmem:v6+s12+$0x0], $0xffff  }
0x211: {  	v2 =	vadd.f32 v3, v2;
	v3 =	vmul.f32 v5, v13;
	v5 =	vld.idx.msk [tilespmem:v6+s13+$0x0], $0xffff;
	v6 =	vor.u32 $0xF, v1  }
0x212: {  	v13 =	vld.idx.msk [tilespmem:v8+s12+$0x0], $0xffff  }
0x213: {  	v2 =	vadd.f32 v3, v2;
	v3 =	vmul.f32 v7, v10;
	v7 =	vld.idx.msk [tilespmem:v8+s13+$0x0], $0xffff;
	v8 =	vor.u32 $0x10, v1  }
0x214: {  	v10 =	vld.idx.msk [tilespmem:v9+s12+$0x0], $0xffff  }
0x215: {  	v2 =	vadd.f32 v3, v2;
	v3 =	vmul.f32 v4, v11;
	v4 =	vld.idx.msk [tilespmem:v9+s13+$0x0], $0xffff;
	v9 =	vor.u32 $0x11, v1  }
0x216: {  	v11 =	vld.idx.msk [tilespmem:v6+s12+$0x0], $0xffff  }
0x217: {  	v2 =	vadd.f32 v3, v2;
	v3 =	vmul.f32 v5, v12;
	v5 =	vld.idx.msk [tilespmem:v6+s13+$0x0], $0xffff;
	v6 =	vor.u32 $0x12, v1  }
0x218: {  	v12 =	vld.idx.msk [tilespmem:v8+s12+$0x0], $0xffff  }
0x219: {  	v2 =	vadd.f32 v3, v2;
	v3 =	vmul.f32 v7, v13;
	v7 =	vld.idx.msk [tilespmem:v8+s13+$0x0], $0xffff;
	v8 =	vor.u32 $0x13, v1  }
0x21a: {  	v13 =	vld.idx.msk [tilespmem:v9+s12+$0x0], $0xffff  }
0x21b: {  	v2 =	vadd.f32 v3, v2;
	v3 =	vmul.f32 v4, v10;
	v4 =	vld.idx.msk [tilespmem:v9+s13+$0x0], $0xffff;
	v9 =	vor.u32 $0x14, v1  }
0x21c: {  	v10 =	vld.idx.msk [tilespmem:v6+s12+$0x0], $0xffff  }
0x21d: {  	v2 =	vadd.f32 v3, v2;
	v3 =	vmul.f32 v5, v11;
	v5 =	vld.idx.msk [tilespmem:v6+s13+$0x0], $0xffff;
	v6 =	vor.u32 $0x15, v1  }
0x21e: {  	v11 =	vld.idx.msk [tilespmem:v8+s12+$0x0], $0xffff  }
0x21f: {  	v2 =	vadd.f32 v3, v2;
	v3 =	vmul.f32 v7, v12;
	v7 =	vld.idx.msk [tilespmem:v8+s13+$0x0], $0xffff;
	v8 =	vor.u32 $0x16, v1  }
0x220: {  	v12 =	vld.idx.msk [tilespmem:v9+s12+$0x0], $0xffff  }
0x221: {  	v2 =	vadd.f32 v3, v2;
	v3 =	vmul.f32 v4, v13;
	v4 =	vld.idx.msk [tilespmem:v9+s13+$0x0], $0xffff;
	v9 =	vor.u32 $0x17, v1  }
0x222: {  	v13 =	vld.idx.msk [tilespmem:v6+s12+$0x0], $0xffff  }
0x223: {  	v2 =	vadd.f32 v3, v2;
	v3 =	vmul.f32 v5, v10;
	v5 =	vld.idx.msk [tilespmem:v6+s13+$0x0], $0xffff;
	v6 =	vor.u32 $0x18, v1  }
0x224: {  	v10 =	vld.idx.msk [tilespmem:v8+s12+$0x0], $0xffff  }
0x225: {  	v2 =	vadd.f32 v3, v2;
	v3 =	vmul.f32 v7, v11;
	v7 =	vld.idx.msk [tilespmem:v8+s13+$0x0], $0xffff;
	v8 =	vor.u32 $0x19, v1  }
0x226: {  	v11 =	vld.idx.msk [tilespmem:v9+s12+$0x0], $0xffff  }
0x227: {  	v2 =	vadd.f32 v3, v2;
	v3 =	vmul.f32 v4, v12;
	v4 =	vld.idx.msk [tilespmem:v9+s13+$0x0], $0xffff;
	v9 =	vor.u32 $0x1A, v1  }
0x228: {  	v12 =	vld.idx.msk [tilespmem:v6+s12+$0x0], $0xffff  }
0x229: {  	v2 =	vadd.f32 v3, v2;
	v3 =	vmul.f32 v5, v13;
	v5 =	vld.idx.msk [tilespmem:v6+s13+$0x0], $0xffff;
	v6 =	vor.u32 $0x1B, v1  }
0x22a: {  	v13 =	vld.idx.msk [tilespmem:v8+s12+$0x0], $0xffff  }
0x22b: {  	v2 =	vadd.f32 v3, v2;
	v3 =	vmul.f32 v7, v10;
	v7 =	vld.idx.msk [tilespmem:v8+s13+$0x0], $0xffff;
	v8 =	vor.u32 $0x1C, v1  }
0x22c: {  	v10 =	vld.idx.msk [tilespmem:v9+s12+$0x0], $0xffff  }
0x22d: {  	v2 =	vadd.f32 v3, v2;
	v3 =	vmul.f32 v4, v11;
	v4 =	vld.idx.msk [tilespmem:v9+s13+$0x0], $0xffff;
	v9 =	vor.u32 $0x1D, v1  }
0x22e: {  	v11 =	vld.idx.msk [tilespmem:v6+s12+$0x0], $0xffff  }
0x22f: {  	v2 =	vadd.f32 v3, v2;
	v3 =	vmul.f32 v5, v12;
	v5 =	vld.idx.msk [tilespmem:v6+s13+$0x0], $0xffff;
	v6 =	vor.u32 $0x1E, v1  }
0x230: {  	v12 =	vld.idx.msk [tilespmem:v8+s12+$0x0], $0xffff  }
0x231: {  	v2 =	vadd.f32 v3, v2;
	v3 =	vmul.f32 v7, v13;
	v7 =	vld.idx.msk [tilespmem:v8+s13+$0x0], $0xffff;
	v8 =	vor.u32 $0x1F, v1  }
0x232: {  	v13 =	vld.idx.msk [tilespmem:v9+s12+$0x0], $0xffff  }
0x233: {  	v2 =	vadd.f32 v3, v2;
	v3 =	vmul.f32 v4, v10;
	v4 =	vld.idx.msk [tilespmem:v9+s13+$0x0], $0xffff;
	v9 =	vor.u32 $0x20, v1  }
0x234: {  	v10 =	vld.idx.msk [tilespmem:v6+s12+$0x0], $0xffff  }
0x235: {  	v2 =	vadd.f32 v3, v2;
	v3 =	vmul.f32 v5, v11;
	v5 =	vld.idx.msk [tilespmem:v6+s13+$0x0], $0xffff;
	v6 =	vor.u32 $0x21, v1  }
0x236: {  	v11 =	vld.idx.msk [tilespmem:v8+s12+$0x0], $0xffff  }
0x237: {  	v2 =	vadd.f32 v3, v2;
	v3 =	vmul.f32 v7, v12;
	v7 =	vld.idx.msk [tilespmem:v8+s13+$0x0], $0xffff;
	v8 =	vor.u32 $0x22, v1  }
0x238: {  	v12 =	vld.idx.msk [tilespmem:v9+s12+$0x0], $0xffff  }
0x239: {  	v2 =	vadd.f32 v3, v2;
	v3 =	vmul.f32 v4, v13;
	v4 =	vld.idx.msk [tilespmem:v9+s13+$0x0], $0xffff;
	v9 =	vor.u32 $0x23, v1  }
0x23a: {  	v13 =	vld.idx.msk [tilespmem:v6+s12+$0x0], $0xffff  }
0x23b: {  	v2 =	vadd.f32 v3, v2;
	v3 =	vmul.f32 v5, v10;
	v5 =	vld.idx.msk [tilespmem:v6+s13+$0x0], $0xffff;
	v6 =	vor.u32 $0x24, v1  }
0x23c: {  	v10 =	vld.idx.msk [tilespmem:v8+s12+$0x0], $0xffff  }
0x23d: {  	v2 =	vadd.f32 v3, v2;
	v3 =	vmul.f32 v7, v11;
	v7 =	vld.idx.msk [tilespmem:v8+s13+$0x0], $0xffff;
	v8 =	vor.u32 $0x25, v1  }
0x23e: {  	v11 =	vld.idx.msk [tilespmem:v9+s12+$0x0], $0xffff  }
0x23f: {  	v2 =	vadd.f32 v3, v2;
	v3 =	vmul.f32 v4, v12;
	v4 =	vld.idx.msk [tilespmem:v9+s13+$0x0], $0xffff;
	v9 =	vor.u32 $0x26, v1  }
0x240: {  	v12 =	vld.idx.msk [tilespmem:v6+s12+$0x0], $0xffff  }
0x241: {  	v2 =	vadd.f32 v3, v2;
	v3 =	vmul.f32 v5, v13;
	v5 =	vld.idx.msk [tilespmem:v6+s13+$0x0], $0xffff;
	v6 =	vor.u32 $0x27, v1  }
0x242: {  	v13 =	vld.idx.msk [tilespmem:v8+s12+$0x0], $0xffff  }
0x243: {  	v2 =	vadd.f32 v3, v2;
	v3 =	vmul.f32 v7, v10;
	v7 =	vld.idx.msk [tilespmem:v8+s13+$0x0], $0xffff;
	v8 =	vor.u32 $0x28, v1  }
0x244: {  	v10 =	vld.idx.msk [tilespmem:v9+s12+$0x0], $0xffff  }
0x245: {  	v2 =	vadd.f32 v3, v2;
	v3 =	vmul.f32 v4, v11;
	v4 =	vld.idx.msk [tilespmem:v9+s13+$0x0], $0xffff;
	v9 =	vor.u32 $0x29, v1  }
0x246: {  	v11 =	vld.idx.msk [tilespmem:v6+s12+$0x0], $0xffff  }
0x247: {  	v2 =	vadd.f32 v3, v2;
	v3 =	vmul.f32 v5, v12;
	v5 =	vld.idx.msk [tilespmem:v6+s13+$0x0], $0xffff;
	v6 =	vor.u32 $0x2A, v1  }
0x248: {  	v12 =	vld.idx.msk [tilespmem:v8+s12+$0x0], $0xffff  }
0x249: {  	v2 =	vadd.f32 v3, v2;
	v3 =	vmul.f32 v7, v13;
	v7 =	vld.idx.msk [tilespmem:v8+s13+$0x0], $0xffff;
	v8 =	vor.u32 $0x2B, v1  }
0x24a: {  	v13 =	vld.idx.msk [tilespmem:v9+s12+$0x0], $0xffff  }
0x24b: {  	v2 =	vadd.f32 v3, v2;
	v3 =	vmul.f32 v4, v10;
	v4 =	vld.idx.msk [tilespmem:v9+s13+$0x0], $0xffff;
	v9 =	vor.u32 $0x2C, v1  }
0x24c: {  	v10 =	vld.idx.msk [tilespmem:v6+s12+$0x0], $0xffff  }
0x24d: {  	v2 =	vadd.f32 v3, v2;
	v3 =	vmul.f32 v5, v11;
	v5 =	vld.idx.msk [tilespmem:v6+s13+$0x0], $0xffff;
	v6 =	vor.u32 $0x2D, v1  }
0x24e: {  	v11 =	vld.idx.msk [tilespmem:v8+s12+$0x0], $0xffff  }
0x24f: {  	v2 =	vadd.f32 v3, v2;
	v3 =	vmul.f32 v7, v12;
	v7 =	vld.idx.msk [tilespmem:v8+s13+$0x0], $0xffff;
	v8 =	vor.u32 $0x2E, v1  }
0x250: {  	v12 =	vld.idx.msk [tilespmem:v9+s12+$0x0], $0xffff  }
0x251: {  	v2 =	vadd.f32 v3, v2;
	v3 =	vmul.f32 v4, v13;
	v4 =	vld.idx.msk [tilespmem:v9+s13+$0x0], $0xffff;
	v9 =	vor.u32 $0x2F, v1  }
0x252: {  	v13 =	vld.idx.msk [tilespmem:v6+s12+$0x0], $0xffff  }
0x253: {  	v2 =	vadd.f32 v3, v2;
	v3 =	vmul.f32 v5, v10;
	v5 =	vld.idx.msk [tilespmem:v6+s13+$0x0], $0xffff;
	v6 =	vor.u32 $0x30, v1  }
0x254: {  	v10 =	vld.idx.msk [tilespmem:v8+s12+$0x0], $0xffff  }
0x255: {  	v2 =	vadd.f32 v3, v2;
	v3 =	vmul.f32 v7, v11;
	v7 =	vld.idx.msk [tilespmem:v8+s13+$0x0], $0xffff;
	v8 =	vor.u32 $0x31, v1  }
0x256: {  	v11 =	vld.idx.msk [tilespmem:v9+s12+$0x0], $0xffff  }
0x257: {  	v2 =	vadd.f32 v3, v2;
	v3 =	vmul.f32 v4, v12;
	v4 =	vld.idx.msk [tilespmem:v9+s13+$0x0], $0xffff;
	v9 =	vor.u32 $0x32, v1  }
0x258: {  	v12 =	vld.idx.msk [tilespmem:v6+s12+$0x0], $0xffff  }
0x259: {  	v2 =	vadd.f32 v3, v2;
	v3 =	vmul.f32 v5, v13;
	v5 =	vld.idx.msk [tilespmem:v6+s13+$0x0], $0xffff;
	v6 =	vor.u32 $0x33, v1  }
0x25a: {  	v13 =	vld.idx.msk [tilespmem:v8+s12+$0x0], $0xffff  }
0x25b: {  	v2 =	vadd.f32 v3, v2;
	v3 =	vmul.f32 v7, v10;
	v7 =	vld.idx.msk [tilespmem:v8+s13+$0x0], $0xffff;
	v8 =	vor.u32 $0x34, v1  }
0x25c: {  	v10 =	vld.idx.msk [tilespmem:v9+s12+$0x0], $0xffff  }
0x25d: {  	v2 =	vadd.f32 v3, v2;
	v3 =	vmul.f32 v4, v11;
	v4 =	vld.idx.msk [tilespmem:v9+s13+$0x0], $0xffff;
	v9 =	vor.u32 $0x35, v1  }
0x25e: {  	v11 =	vld.idx.msk [tilespmem:v6+s12+$0x0], $0xffff  }
0x25f: {  	v2 =	vadd.f32 v3, v2;
	v3 =	vmul.f32 v5, v12;
	v5 =	vld.idx.msk [tilespmem:v6+s13+$0x0], $0xffff;
	v6 =	vor.u32 $0x36, v1  }
0x260: {  	v12 =	vld.idx.msk [tilespmem:v8+s12+$0x0], $0xffff  }
0x261: {  	v2 =	vadd.f32 v3, v2;
	v3 =	vmul.f32 v7, v13;
	v7 =	vld.idx.msk [tilespmem:v8+s13+$0x0], $0xffff;
	v8 =	vor.u32 $0x37, v1  }
0x262: {  	v13 =	vld.idx.msk [tilespmem:v9+s12+$0x0], $0xffff  }
0x263: {  	v2 =	vadd.f32 v3, v2;
	v3 =	vmul.f32 v4, v10;
	v4 =	vld.idx.msk [tilespmem:v9+s13+$0x0], $0xffff;
	v9 =	vor.u32 $0x38, v1  }
0x264: {  	v10 =	vld.idx.msk [tilespmem:v6+s12+$0x0], $0xffff  }
0x265: {  	v2 =	vadd.f32 v3, v2;
	v3 =	vmul.f32 v5, v11;
	v5 =	vld.idx.msk [tilespmem:v6+s13+$0x0], $0xffff;
	v6 =	vor.u32 $0x39, v1  }
0x266: {  	v11 =	vld.idx.msk [tilespmem:v8+s12+$0x0], $0xffff  }
0x267: {  	v2 =	vadd.f32 v3, v2;
	v3 =	vmul.f32 v7, v12;
	v7 =	vld.idx.msk [tilespmem:v8+s13+$0x0], $0xffff;
	v8 =	vor.u32 $0x3A, v1  }
0x268: {  	v12 =	vld.idx.msk [tilespmem:v9+s12+$0x0], $0xffff  }
0x269: {  	v2 =	vadd.f32 v3, v2;
	v3 =	vmul.f32 v4, v13;
	v4 =	vld.idx.msk [tilespmem:v9+s13+$0x0], $0xffff;
	v9 =	vor.u32 $0x3B, v1  }
0x26a: {  	v13 =	vld.idx.msk [tilespmem:v6+s12+$0x0], $0xffff  }
0x26b: {  	v2 =	vadd.f32 v3, v2;
	v3 =	vmul.f32 v5, v10;
	v5 =	vld.idx.msk [tilespmem:v6+s13+$0x0], $0xffff;
	v6 =	vor.u32 $0x3C, v1  }
0x26c: {  	v10 =	vld.idx.msk [tilespmem:v8+s12+$0x0], $0xffff  }
0x26d: {  	v2 =	vadd.f32 v3, v2;
	v3 =	vmul.f32 v7, v11;
	v7 =	vld.idx.msk [tilespmem:v8+s13+$0x0], $0xffff;
	v8 =	vor.u32 $0x3D, v1  }
0x26e: {  	v11 =	vld.idx.msk [tilespmem:v9+s12+$0x0], $0xffff  }
0x26f: {  	v2 =	vadd.f32 v3, v2;
	v3 =	vmul.f32 v4, v12;
	v4 =	vld.idx.msk [tilespmem:v9+s13+$0x0], $0xffff;
	v9 =	vor.u32 $0x3E, v1  }
0x270: {  	v12 =	vld.idx.msk [tilespmem:v6+s12+$0x0], $0xffff  }
0x271: {  	v1 =	vor.u32 $0x3F, v1;
	v2 =	vadd.f32 v3, v2;
	v3 =	vmul.f32 v5, v13;
	v5 =	vld.idx.msk [tilespmem:v6+s13+$0x0], $0xffff  }
0x272: {  	v6 =	vld.idx.msk [tilespmem:v8+s12+$0x0], $0xffff  }
0x273: {  	v2 =	vadd.f32 v3, v2;
	v3 =	vmul.f32 v7, v10;
	v7 =	vld.idx.msk [tilespmem:v8+s13+$0x0], $0xffff  }
0x274: {  	v8 =	vld.idx.msk [tilespmem:v9+s12+$0x0], $0xffff  }
0x275: {  	v3 =	vadd.f32 v3, v2;
	v4 =	vmul.f32 v4, v11;
	v9 =	vld.idx.msk [tilespmem:v9+s13+$0x0], $0xffff  }
0x276: {  	v2 =	vld.idx.msk [tilespmem:v1+s12+$0x0], $0xffff  }
0x277: {  	v4 =	vadd.f32 v4, v3;
	v5 =	vmul.f32 v5, v12;
	v3 =	vld.idx.msk [tilespmem:v1+s13+$0x0], $0xffff  }
.Ltmp2:
0x278: {  	(pc) =	sbr.rel @p0 .LBB2_6-.Ltmp2, $3  }
0x279: {  	v1 =	vadd.f32 v5, v4;
	v4 =	vmul.f32 v7, v6;
	_ =	sdelay $0x1  }
0x27a: {  	v6 =	vmov s17;
	v4 =	vadd.f32 v4, v1;
	v5 =	vmul.f32 v9, v8  }
0x27b: {  	s17 =	sadd.s32 $0x10, s17;
	v1 =	vshll.u32 v6, $0x7  }
0x27c: {  	v1 =	vor.u32 v0, v1;
	v4 =	vadd.f32 v5, v4;
	v2 =	vmul.f32 v3, v2;
	_ =	sdelay $0x1  }
0x27d: {  	v3 =	vor.u32 $0x1, v1;
	v2 =	vadd.f32 v2, v4  }
0x27e: {  	s16 =	sadd.s32 $0x10, s16  }
0x27f: {  	v31 =	vor.u32 $0x2, v1;
	[tilespmem:s16+$0x0] =	vst v2  }
0x280: {  	v2 =	vld.idx.msk [tilespmem:v1+s13+$0x0], $0xffff  }
0x281: {  	v6 =	vor.u32 $0x3, v1;
	v32 =	vld.idx.msk [tilespmem:v1+s12+$0x0], $0xffff  }
0x282: {  	v7 =	vld.idx.msk [tilespmem:v3+s12+$0x0], $0xffff  }
0x283: {  	v8 =	vor.u32 $0x4, v1;
	v3 =	vld.idx.msk [tilespmem:v3+s13+$0x0], $0xffff  }
0x284: {  	v9 =	vld.idx.msk [tilespmem:v31+s12+$0x0], $0xffff  }
0x285: {  	v10 =	vor.u32 $0x5, v1;
	v4 =	vld.idx.msk [tilespmem:v31+s13+$0x0], $0xffff  }
0x286: {  	v11 =	vld.idx.msk [tilespmem:v6+s12+$0x0], $0xffff;
	v2 =	vmul.f32 v2, v32  }
0x287: {  	v34 =	vor.u32 $0x6, v1;
	v33 =	vld.idx.msk [tilespmem:v6+s13+$0x0], $0xffff  }
0x288: {  	v12 =	vld.idx.msk [tilespmem:v8+s12+$0x0], $0xffff;
	v3 =	vmul.f32 v3, v7;
	v2 =	vadd.f32 $0.0e+00, v2  }
0x289: {  	v36 =	vor.u32 $0x7, v1;
	v35 =	vld.idx.msk [tilespmem:v8+s13+$0x0], $0xffff  }
0x28a: {  	v13 =	vld.idx.msk [tilespmem:v10+s12+$0x0], $0xffff;
	v2 =	vadd.f32 v3, v2;
	v3 =	vmul.f32 v4, v9  }
0x28b: {  	v38 =	vor.u32 $0x8, v1;
	v37 =	vld.idx.msk [tilespmem:v10+s13+$0x0], $0xffff  }
0x28c: {  	v39 =	vld.idx.msk [tilespmem:v34+s12+$0x0], $0xffff;
	v2 =	vadd.f32 v3, v2;
	v3 =	vmul.f32 v33, v11  }
0x28d: {  	v41 =	vor.u32 $0x9, v1;
	v40 =	vld.idx.msk [tilespmem:v34+s13+$0x0], $0xffff  }
0x28e: {  	v42 =	vld.idx.msk [tilespmem:v36+s12+$0x0], $0xffff;
	v2 =	vadd.f32 v3, v2;
	v3 =	vmul.f32 v35, v12  }
0x28f: {  	v44 =	vor.u32 $0xA, v1;
	v43 =	vld.idx.msk [tilespmem:v36+s13+$0x0], $0xffff  }
0x290: {  	v45 =	vld.idx.msk [tilespmem:v38+s12+$0x0], $0xffff;
	v2 =	vadd.f32 v3, v2;
	v3 =	vmul.f32 v37, v13  }
0x291: {  	v47 =	vor.u32 $0xB, v1;
	v46 =	vld.idx.msk [tilespmem:v38+s13+$0x0], $0xffff  }
0x292: {  	v48 =	vld.idx.msk [tilespmem:v41+s12+$0x0], $0xffff;
	v2 =	vadd.f32 v3, v2;
	v3 =	vmul.f32 v40, v39  }
0x293: {  	v50 =	vor.u32 $0xC, v1;
	v49 =	vld.idx.msk [tilespmem:v41+s13+$0x0], $0xffff  }
0x294: {  	v51 =	vld.idx.msk [tilespmem:v44+s12+$0x0], $0xffff;
	v2 =	vadd.f32 v3, v2;
	v3 =	vmul.f32 v43, v42  }
0x295: {  	v53 =	vor.u32 $0xD, v1;
	v52 =	vld.idx.msk [tilespmem:v44+s13+$0x0], $0xffff  }
0x296: {  	v54 =	vld.idx.msk [tilespmem:v47+s12+$0x0], $0xffff;
	v2 =	vadd.f32 v3, v2;
	v3 =	vmul.f32 v46, v45  }
0x297: {  	v56 =	vor.u32 $0xE, v1;
	v55 =	vld.idx.msk [tilespmem:v47+s13+$0x0], $0xffff  }
0x298: {  	v57 =	vld.idx.msk [tilespmem:v50+s12+$0x0], $0xffff;
	v2 =	vadd.f32 v3, v2;
	v3 =	vmul.f32 v49, v48  }
0x299: {  	v59 =	vor.u32 $0xF, v1;
	v58 =	vld.idx.msk [tilespmem:v50+s13+$0x0], $0xffff  }
0x29a: {  	v60 =	vld.idx.msk [tilespmem:v53+s12+$0x0], $0xffff;
	v2 =	vadd.f32 v3, v2;
	v3 =	vmul.f32 v52, v51  }
0x29b: {  	v62 =	vor.u32 $0x10, v1;
	v61 =	vld.idx.msk [tilespmem:v53+s13+$0x0], $0xffff  }
0x29c: {  	v63 =	vld.idx.msk [tilespmem:v56+s12+$0x0], $0xffff;
	v2 =	vadd.f32 v3, v2;
	v3 =	vmul.f32 v55, v54  }
0x29d: {  	v17 =	vor.u32 $0x11, v1;
	v16 =	vld.idx.msk [tilespmem:v56+s13+$0x0], $0xffff  }
0x29e: {  	v18 =	vld.idx.msk [tilespmem:v59+s12+$0x0], $0xffff;
	v2 =	vadd.f32 v3, v2;
	v3 =	vmul.f32 v58, v57  }
0x29f: {  	v20 =	vor.u32 $0x12, v1;
	v19 =	vld.idx.msk [tilespmem:v59+s13+$0x0], $0xffff  }
0x2a0: {  	v21 =	vld.idx.msk [tilespmem:v62+s12+$0x0], $0xffff;
	v2 =	vadd.f32 v3, v2;
	v3 =	vmul.f32 v61, v60  }
0x2a1: {  	v23 =	vor.u32 $0x13, v1;
	v22 =	vld.idx.msk [tilespmem:v62+s13+$0x0], $0xffff  }
0x2a2: {  	v24 =	vld.idx.msk [tilespmem:v17+s12+$0x0], $0xffff;
	v2 =	vadd.f32 v3, v2;
	v3 =	vmul.f32 v16, v63  }
0x2a3: {  	v26 =	vor.u32 $0x14, v1;
	v25 =	vld.idx.msk [tilespmem:v17+s13+$0x0], $0xffff  }
0x2a4: {  	v27 =	vld.idx.msk [tilespmem:v20+s12+$0x0], $0xffff;
	v2 =	vadd.f32 v3, v2;
	v3 =	vmul.f32 v19, v18  }
0x2a5: {  	v29 =	vor.u32 $0x15, v1;
	v28 =	vld.idx.msk [tilespmem:v20+s13+$0x0], $0xffff  }
0x2a6: {  	v30 =	vld.idx.msk [tilespmem:v23+s12+$0x0], $0xffff;
	v2 =	vadd.f32 v3, v2;
	v3 =	vmul.f32 v22, v21  }
0x2a7: {  	v31 =	vld.idx.msk [tilespmem:v23+s13+$0x0], $0xffff;
	v32 =	vor.u32 $0x16, v1  }
0x2a8: {  	v34 =	vld.idx.msk [tilespmem:v26+s13+$0x0], $0xffff;
	v2 =	vadd.f32 v3, v2;
	v3 =	vmul.f32 v25, v24  }
0x2a9: {  	v33 =	vld.idx.msk [tilespmem:v26+s12+$0x0], $0xffff;
	v35 =	vor.u32 $0x17, v1  }
0x2aa: {  	v36 =	vld.idx.msk [tilespmem:v29+s12+$0x0], $0xffff;
	v2 =	vadd.f32 v3, v2;
	v3 =	vmul.f32 v28, v27  }
0x2ab: {  	v38 =	vor.u32 $0x18, v1;
	v37 =	vld.idx.msk [tilespmem:v29+s13+$0x0], $0xffff  }
0x2ac: {  	v39 =	vld.idx.msk [tilespmem:v32+s12+$0x0], $0xffff;
	v2 =	vadd.f32 v3, v2;
	v3 =	vmul.f32 v31, v30  }
0x2ad: {  	v41 =	vor.u32 $0x19, v1;
	v40 =	vld.idx.msk [tilespmem:v32+s13+$0x0], $0xffff  }
0x2ae: {  	v42 =	vld.idx.msk [tilespmem:v35+s12+$0x0], $0xffff;
	v2 =	vadd.f32 v3, v2;
	v3 =	vmul.f32 v34, v33  }
0x2af: {  	v44 =	vor.u32 $0x1A, v1;
	v43 =	vld.idx.msk [tilespmem:v35+s13+$0x0], $0xffff  }
0x2b0: {  	v45 =	vld.idx.msk [tilespmem:v38+s12+$0x0], $0xffff;
	v2 =	vadd.f32 v3, v2;
	v3 =	vmul.f32 v37, v36  }
0x2b1: {  	v47 =	vor.u32 $0x1B, v1;
	v46 =	vld.idx.msk [tilespmem:v38+s13+$0x0], $0xffff  }
0x2b2: {  	v48 =	vld.idx.msk [tilespmem:v41+s12+$0x0], $0xffff;
	v2 =	vadd.f32 v3, v2;
	v3 =	vmul.f32 v40, v39  }
0x2b3: {  	v50 =	vor.u32 $0x1C, v1;
	v49 =	vld.idx.msk [tilespmem:v41+s13+$0x0], $0xffff  }
0x2b4: {  	v51 =	vld.idx.msk [tilespmem:v44+s12+$0x0], $0xffff;
	v2 =	vadd.f32 v3, v2;
	v3 =	vmul.f32 v43, v42  }
0x2b5: {  	v53 =	vor.u32 $0x1D, v1;
	v52 =	vld.idx.msk [tilespmem:v44+s13+$0x0], $0xffff  }
0x2b6: {  	v54 =	vld.idx.msk [tilespmem:v47+s12+$0x0], $0xffff;
	v2 =	vadd.f32 v3, v2;
	v3 =	vmul.f32 v46, v45  }
0x2b7: {  	v56 =	vor.u32 $0x1E, v1;
	v55 =	vld.idx.msk [tilespmem:v47+s13+$0x0], $0xffff  }
0x2b8: {  	v57 =	vld.idx.msk [tilespmem:v50+s12+$0x0], $0xffff;
	v2 =	vadd.f32 v3, v2;
	v3 =	vmul.f32 v49, v48  }
0x2b9: {  	v59 =	vor.u32 $0x1F, v1;
	v58 =	vld.idx.msk [tilespmem:v50+s13+$0x0], $0xffff  }
0x2ba: {  	v60 =	vld.idx.msk [tilespmem:v53+s12+$0x0], $0xffff;
	v2 =	vadd.f32 v3, v2;
	v3 =	vmul.f32 v52, v51  }
0x2bb: {  	v62 =	vor.u32 $0x20, v1;
	v61 =	vld.idx.msk [tilespmem:v53+s13+$0x0], $0xffff  }
0x2bc: {  	v63 =	vld.idx.msk [tilespmem:v56+s12+$0x0], $0xffff;
	v2 =	vadd.f32 v3, v2;
	v3 =	vmul.f32 v55, v54  }
0x2bd: {  	v17 =	vor.u32 $0x21, v1;
	v16 =	vld.idx.msk [tilespmem:v56+s13+$0x0], $0xffff  }
0x2be: {  	v18 =	vld.idx.msk [tilespmem:v59+s12+$0x0], $0xffff;
	v2 =	vadd.f32 v3, v2;
	v3 =	vmul.f32 v58, v57  }
0x2bf: {  	v20 =	vor.u32 $0x22, v1;
	v19 =	vld.idx.msk [tilespmem:v59+s13+$0x0], $0xffff  }
0x2c0: {  	v21 =	vld.idx.msk [tilespmem:v62+s12+$0x0], $0xffff;
	v2 =	vadd.f32 v3, v2;
	v3 =	vmul.f32 v61, v60  }
0x2c1: {  	v23 =	vor.u32 $0x23, v1;
	v22 =	vld.idx.msk [tilespmem:v62+s13+$0x0], $0xffff  }
0x2c2: {  	v24 =	vld.idx.msk [tilespmem:v17+s12+$0x0], $0xffff;
	v2 =	vadd.f32 v3, v2;
	v3 =	vmul.f32 v16, v63  }
0x2c3: {  	v26 =	vor.u32 $0x24, v1;
	v25 =	vld.idx.msk [tilespmem:v17+s13+$0x0], $0xffff  }
0x2c4: {  	v27 =	vld.idx.msk [tilespmem:v20+s12+$0x0], $0xffff;
	v2 =	vadd.f32 v3, v2;
	v3 =	vmul.f32 v19, v18  }
0x2c5: {  	v29 =	vor.u32 $0x25, v1;
	v28 =	vld.idx.msk [tilespmem:v20+s13+$0x0], $0xffff  }
0x2c6: {  	v30 =	vld.idx.msk [tilespmem:v23+s12+$0x0], $0xffff;
	v2 =	vadd.f32 v3, v2;
	v3 =	vmul.f32 v22, v21  }
0x2c7: {  	v32 =	vor.u32 $0x26, v1;
	v31 =	vld.idx.msk [tilespmem:v23+s13+$0x0], $0xffff  }
0x2c8: {  	v33 =	vld.idx.msk [tilespmem:v26+s12+$0x0], $0xffff;
	v2 =	vadd.f32 v3, v2;
	v3 =	vmul.f32 v25, v24  }
0x2c9: {  	v35 =	vor.u32 $0x27, v1;
	v34 =	vld.idx.msk [tilespmem:v26+s13+$0x0], $0xffff  }
0x2ca: {  	v36 =	vld.idx.msk [tilespmem:v29+s12+$0x0], $0xffff;
	v2 =	vadd.f32 v3, v2;
	v3 =	vmul.f32 v28, v27  }
0x2cb: {  	v38 =	vor.u32 $0x28, v1;
	v37 =	vld.idx.msk [tilespmem:v29+s13+$0x0], $0xffff  }
0x2cc: {  	v39 =	vld.idx.msk [tilespmem:v32+s12+$0x0], $0xffff;
	v2 =	vadd.f32 v3, v2;
	v3 =	vmul.f32 v31, v30  }
0x2cd: {  	v41 =	vor.u32 $0x29, v1;
	v40 =	vld.idx.msk [tilespmem:v32+s13+$0x0], $0xffff  }
0x2ce: {  	v42 =	vld.idx.msk [tilespmem:v35+s12+$0x0], $0xffff;
	v2 =	vadd.f32 v3, v2;
	v3 =	vmul.f32 v34, v33  }
0x2cf: {  	v44 =	vor.u32 $0x2A, v1;
	v43 =	vld.idx.msk [tilespmem:v35+s13+$0x0], $0xffff  }
0x2d0: {  	v45 =	vld.idx.msk [tilespmem:v38+s12+$0x0], $0xffff;
	v2 =	vadd.f32 v3, v2;
	v3 =	vmul.f32 v37, v36  }
0x2d1: {  	v47 =	vor.u32 $0x2B, v1;
	v46 =	vld.idx.msk [tilespmem:v38+s13+$0x0], $0xffff  }
0x2d2: {  	v48 =	vld.idx.msk [tilespmem:v41+s12+$0x0], $0xffff;
	v2 =	vadd.f32 v3, v2;
	v3 =	vmul.f32 v40, v39  }
0x2d3: {  	v50 =	vor.u32 $0x2C, v1;
	v49 =	vld.idx.msk [tilespmem:v41+s13+$0x0], $0xffff  }
0x2d4: {  	v51 =	vld.idx.msk [tilespmem:v44+s12+$0x0], $0xffff;
	v2 =	vadd.f32 v3, v2;
	v3 =	vmul.f32 v43, v42  }
0x2d5: {  	v53 =	vor.u32 $0x2D, v1;
	v52 =	vld.idx.msk [tilespmem:v44+s13+$0x0], $0xffff  }
0x2d6: {  	v54 =	vld.idx.msk [tilespmem:v47+s12+$0x0], $0xffff;
	v2 =	vadd.f32 v3, v2;
	v3 =	vmul.f32 v46, v45  }
0x2d7: {  	v56 =	vor.u32 $0x2E, v1;
	v55 =	vld.idx.msk [tilespmem:v47+s13+$0x0], $0xffff  }
0x2d8: {  	v57 =	vld.idx.msk [tilespmem:v50+s12+$0x0], $0xffff;
	v2 =	vadd.f32 v3, v2;
	v3 =	vmul.f32 v49, v48  }
0x2d9: {  	v59 =	vor.u32 $0x2F, v1;
	v58 =	vld.idx.msk [tilespmem:v50+s13+$0x0], $0xffff  }
0x2da: {  	v60 =	vld.idx.msk [tilespmem:v53+s12+$0x0], $0xffff;
	v2 =	vadd.f32 v3, v2;
	v3 =	vmul.f32 v52, v51  }
0x2db: {  	v62 =	vor.u32 $0x30, v1;
	v61 =	vld.idx.msk [tilespmem:v53+s13+$0x0], $0xffff  }
0x2dc: {  	v63 =	vld.idx.msk [tilespmem:v56+s12+$0x0], $0xffff;
	v2 =	vadd.f32 v3, v2;
	v3 =	vmul.f32 v55, v54  }
0x2dd: {  	v17 =	vor.u32 $0x31, v1;
	v16 =	vld.idx.msk [tilespmem:v56+s13+$0x0], $0xffff  }
0x2de: {  	v18 =	vld.idx.msk [tilespmem:v59+s12+$0x0], $0xffff;
	v2 =	vadd.f32 v3, v2;
	v3 =	vmul.f32 v58, v57  }
0x2df: {  	v20 =	vor.u32 $0x32, v1;
	v19 =	vld.idx.msk [tilespmem:v59+s13+$0x0], $0xffff  }
0x2e0: {  	v21 =	vld.idx.msk [tilespmem:v62+s12+$0x0], $0xffff;
	v2 =	vadd.f32 v3, v2;
	v3 =	vmul.f32 v61, v60  }
0x2e1: {  	v23 =	vor.u32 $0x33, v1;
	v22 =	vld.idx.msk [tilespmem:v62+s13+$0x0], $0xffff  }
0x2e2: {  	v24 =	vld.idx.msk [tilespmem:v17+s12+$0x0], $0xffff;
	v2 =	vadd.f32 v3, v2;
	v3 =	vmul.f32 v16, v63  }
0x2e3: {  	v26 =	vor.u32 $0x34, v1;
	v25 =	vld.idx.msk [tilespmem:v17+s13+$0x0], $0xffff  }
0x2e4: {  	v27 =	vld.idx.msk [tilespmem:v20+s12+$0x0], $0xffff;
	v2 =	vadd.f32 v3, v2;
	v3 =	vmul.f32 v19, v18  }
0x2e5: {  	v29 =	vor.u32 $0x35, v1;
	v28 =	vld.idx.msk [tilespmem:v20+s13+$0x0], $0xffff  }
0x2e6: {  	v30 =	vld.idx.msk [tilespmem:v23+s12+$0x0], $0xffff;
	v2 =	vadd.f32 v3, v2;
	v3 =	vmul.f32 v22, v21  }
0x2e7: {  	v32 =	vor.u32 $0x36, v1;
	v31 =	vld.idx.msk [tilespmem:v23+s13+$0x0], $0xffff  }
0x2e8: {  	v33 =	vld.idx.msk [tilespmem:v26+s12+$0x0], $0xffff;
	v2 =	vadd.f32 v3, v2;
	v3 =	vmul.f32 v25, v24  }
0x2e9: {  	v35 =	vor.u32 $0x37, v1;
	v34 =	vld.idx.msk [tilespmem:v26+s13+$0x0], $0xffff  }
0x2ea: {  	v36 =	vld.idx.msk [tilespmem:v29+s12+$0x0], $0xffff;
	v2 =	vadd.f32 v3, v2;
	v3 =	vmul.f32 v28, v27  }
0x2eb: {  	v38 =	vor.u32 $0x38, v1;
	v37 =	vld.idx.msk [tilespmem:v29+s13+$0x0], $0xffff  }
0x2ec: {  	v39 =	vld.idx.msk [tilespmem:v32+s12+$0x0], $0xffff;
	v2 =	vadd.f32 v3, v2;
	v3 =	vmul.f32 v31, v30  }
0x2ed: {  	v41 =	vor.u32 $0x39, v1;
	v40 =	vld.idx.msk [tilespmem:v32+s13+$0x0], $0xffff  }
0x2ee: {  	v42 =	vld.idx.msk [tilespmem:v35+s12+$0x0], $0xffff;
	v2 =	vadd.f32 v3, v2;
	v3 =	vmul.f32 v34, v33  }
0x2ef: {  	v44 =	vor.u32 $0x3A, v1;
	v43 =	vld.idx.msk [tilespmem:v35+s13+$0x0], $0xffff  }
0x2f0: {  	v45 =	vld.idx.msk [tilespmem:v38+s12+$0x0], $0xffff;
	v2 =	vadd.f32 v3, v2;
	v3 =	vmul.f32 v37, v36  }
0x2f1: {  	v47 =	vor.u32 $0x3B, v1;
	v46 =	vld.idx.msk [tilespmem:v38+s13+$0x0], $0xffff  }
0x2f2: {  	v48 =	vld.idx.msk [tilespmem:v41+s12+$0x0], $0xffff;
	v2 =	vadd.f32 v3, v2;
	v3 =	vmul.f32 v40, v39  }
0x2f3: {  	v50 =	vor.u32 $0x3C, v1;
	v49 =	vld.idx.msk [tilespmem:v41+s13+$0x0], $0xffff  }
0x2f4: {  	v51 =	vld.idx.msk [tilespmem:v44+s12+$0x0], $0xffff;
	v2 =	vadd.f32 v3, v2;
	v3 =	vmul.f32 v43, v42  }
0x2f5: {  	v53 =	vor.u32 $0x3D, v1;
	v52 =	vld.idx.msk [tilespmem:v44+s13+$0x0], $0xffff  }
0x2f6: {  	v54 =	vld.idx.msk [tilespmem:v47+s12+$0x0], $0xffff;
	v2 =	vadd.f32 v3, v2;
	v3 =	vmul.f32 v46, v45  }
0x2f7: {  	v56 =	vor.u32 $0x3E, v1;
	v55 =	vld.idx.msk [tilespmem:v47+s13+$0x0], $0xffff  }
0x2f8: {  	v57 =	vld.idx.msk [tilespmem:v50+s12+$0x0], $0xffff;
	v2 =	vadd.f32 v3, v2;
	v3 =	vmul.f32 v49, v48  }
0x2f9: {  	v1 =	vor.u32 $0x3F, v1;
	v58 =	vld.idx.msk [tilespmem:v50+s13+$0x0], $0xffff  }
0x2fa: {  	v59 =	vld.idx.msk [tilespmem:v53+s12+$0x0], $0xffff;
	v2 =	vadd.f32 v3, v2;
	v3 =	vmul.f32 v52, v51  }
0x2fb: {  	v60 =	vld.idx.msk [tilespmem:v53+s13+$0x0], $0xffff  }
0x2fc: {  	v62 =	vld.idx.msk [tilespmem:v56+s13+$0x0], $0xffff;
	v2 =	vadd.f32 v3, v2;
	v3 =	vmul.f32 v55, v54  }
0x2fd: {  	v61 =	vld.idx.msk [tilespmem:v56+s12+$0x0], $0xffff  }
0x2fe: {  	v63 =	vld.idx.msk [tilespmem:v1+s12+$0x0], $0xffff;
	v2 =	vadd.f32 v3, v2;
	v3 =	vmul.f32 v58, v57  }
0x2ff: {  	v1 =	vld.idx.msk [tilespmem:v1+s13+$0x0], $0xffff  }
0x300: {  	v2 =	vadd.f32 v3, v2;
	v3 =	vmul.f32 v60, v59;
	_ =	sdelay $0x1  }
0x301: {  	v2 =	vadd.f32 v3, v2;
	v3 =	vmul.f32 v62, v61;
	_ =	sdelay $0x1  }
0x302: {  	v1 =	vmul.f32 v1, v63;
	v2 =	vadd.f32 v3, v2;
	_ =	sdelay $0x1  }
0x303: {  	v1 =	vadd.f32 v1, v2  }
0x304: {  	s0 =	sadd.s32 $0x10, s16  }
0x305: {  	s28 =	simm.s32 $0x0;
	s1 =	rddreg [dreg:$0x1a];
	s3 =	simm.s32 $0x10400;
	[tilespmem:s0+$0x0] =	vst v1  }
0x306: {  	[hbm4b:s1+s28] =	stream.linear.scatter [tilespmem:s3], [sflag:$0x2], $0x100, $0x38;
	[tilespmem:$0x10500] =	vst v63  }
0x307: {  	_ =	swait.ge [sflag:s2], $0x100  }
0x308: {  	[sflag:s2] =	ssyncset.done $0x0  }
0x309: {  	s29 =	simm.s32 $0x100;
	[sflag:s2] =	ssyncadd.s32 $0xFFFFFF00  }
0x30a: {  	v1 =	vld [tilespmem:s29+$0x0]  }
0x30b: {  	s30 =	simm.s32 $0x300  }
0x30c: {  	v3 =	vld [tilespmem:s30+$0x0];
	_ =	sdelay $0x2  }
0x30d: {  	v2 =	vshll.u32 v1, $0x4  }
0x30e: {  	(v2sf) =	vpush v2, $0x0  }
0x30f: {  	v1 =	vshll.u32 v3, $0x4  }
0x310: {  	(v2sf) =	vpush v1, $0x0  }
0x311: {  	(v2sf) =	vpush v2, $0x1;
	_ =	sdelay $0x1  }
0x312: {  	(v2sf) =	vpush v1, $0x1;
	_ =	sdelay $0x1  }
0x313: {  	(v2sf) =	vpush v2, $0x2;
	_ =	sdelay $0x1  }
0x314: {  	(v2sf) =	vpush v1, $0x2;
	_ =	sdelay $0x1  }
0x315: {  	(v2sf) =	vpush v2, $0x3  }
0x316: {  	s17 =	simm.s32 $0x2000  }
0x317: {  	s31 =	simm.s32 $0x8400;
	s4 =	simm.s32 $0x400;
	s6 =	simm.s32 $0x600  }
0x318: {  	s7 =	simm.s32 $0x580;
	s15 =	simm.s32 $0x480;
	s20 =	simm.s32 $0x8480  }
0x319: {  	s22 =	simm.s32 $0x500;
	s25 =	simm.s32 $0x8500;
	s5 =	spop (v2sf);
	(v2sf) =	vpush v1, $0x3  }
0x31a: {  	s16 =	simm.s32 $0x0;
	s0 =	simm.s32 $0x8900;
	s1 =	simm.s32 $0x680  }
0x31b: {  	s2 =	simm.s32 $0x880;
	s5 =	sand.u32 $0x1FFFFFF0, s5;
	s8 =	spop (v2sf)  }
0x31c: {  	(v2sf) =	vpush v2, $0x4;
	s5 =	sadd.s32 s11, s5;
	s8 =	sand.u32 $0x1FFFFFF0, s8;
	s9 =	spop (v2sf)  }
0x31d: {  	(v2sf) =	vpush v1, $0x4;
	[tilespmem:s4], [sflag:$0x1] =	stream.linear.gather [hbm4b:s5+s10], $0x80, $0x38;
	[tilespmem:$0x10500] =	vst v63  }
0x31e: {  	s5 =	sadd.s32 s14, s8;
	s8 =	sand.u32 $0x1FFFFFF0, s9;
	s9 =	spop (v2sf)  }
0x31f: {  	(v2sf) =	vpush v2, $0x5;
	[tilespmem:s31], [sflag:$0x1] =	stream.linear.gather [hbm4b:s5+s10], $0x80, $0x38;
	[tilespmem:$0x10500] =	vst v63  }
0x320: {  	s18 =	sadd.s32 s11, s8;
	s19 =	sand.u32 $0x1FFFFFF0, s9;
	s21 =	spop (v2sf)  }
0x321: {  	[tilespmem:s15], [sflag:$0x1] =	stream.linear.gather [hbm4b:s18+s10], $0x80, $0x38;
	[tilespmem:$0x10500] =	vst v63  }
0x322: {  	(v2sf) =	vpush v1, $0x5;
	s8 =	sadd.s32 s14, s19;
	s5 =	sand.u32 $0x1FFFFFF0, s21;
	s23 =	spop (v2sf)  }
0x323: {  	[tilespmem:s20], [sflag:$0x1] =	stream.linear.gather [hbm4b:s8+s10], $0x80, $0x38;
	[tilespmem:$0x10500] =	vst v63  }
0x324: {  	(v2sf) =	vpush v2, $0x6;
	s5 =	sadd.s32 s11, s5;
	s24 =	spop (v2sf);
	s8 =	sand.u32 $0x1FFFFFF0, s23  }
0x325: {  	[tilespmem:s22], [sflag:$0x1] =	stream.linear.gather [hbm4b:s5+s10], $0x80, $0x38;
	[tilespmem:$0x10500] =	vst v63  }
0x326: {  	s4 =	simm.s32 $0x8580;
	(v2sf) =	vpush v1, $0x6;
	s28 =	sand.u32 $0x1FFFFFF0, s24;
	s26 =	sadd.s32 s14, s8  }
0x327: {  	[tilespmem:s25], [sflag:$0x1] =	stream.linear.gather [hbm4b:s26+s10], $0x80, $0x38;
	[tilespmem:$0x10500] =	vst v63  }
0x328: {  	s9 =	simm.s32 $0x8A00;
	s30 =	sadd.s32 s11, s28;
	s29 =	spop (v2sf)  }
0x329: {  	[tilespmem:s7], [sflag:$0x1] =	stream.linear.gather [hbm4b:s30+s10], $0x80, $0x38;
	[tilespmem:$0x10500] =	vst v63  }
0x32a: {  	s31 =	simm.s32 $0x8600;
	s21 =	simm.s32 $0x8680;
	(v2sf) =	vpush v2, $0x7;
	s3 =	sand.u32 $0x1FFFFFF0, s29  }
0x32b: {  	s23 =	simm.s32 $0x700;
	s15 =	spop (v2sf);
	s3 =	sadd.s32 s14, s3  }
0x32c: {  	(v2sf) =	vpush v1, $0x7;
	s7 =	sand.u32 $0x1FFFFFF0, s15;
	s18 =	spop (v2sf);
	s15 =	simm.s32 $0xA80  }
0x32d: {  	(v2sf) =	vpush v2, $0x8;
	[tilespmem:s4], [sflag:$0x1] =	stream.linear.gather [hbm4b:s3+s10], $0x80, $0x38;
	[tilespmem:$0x10500] =	vst v63  }
0x32e: {  	s19 =	sadd.s32 s11, s7;
	s20 =	sand.u32 $0x1FFFFFF0, s18;
	s22 =	spop (v2sf)  }
0x32f: {  	(v2sf) =	vpush v1, $0x8;
	s7 =	simm.s32 $0x8A80;
	s4 =	sadd.s32 s14, s20;
	s24 =	sand.u32 $0x1FFFFFF0, s22  }
0x330: {  	(v2sf) =	vpush v2, $0x9;
	[tilespmem:s6], [sflag:$0x1] =	stream.linear.gather [hbm4b:s19+s10], $0x80, $0x38;
	[tilespmem:$0x10500] =	vst v63  }
0x331: {  	s25 =	spop (v2sf);
	s22 =	simm.s32 $0x8780;
	s5 =	sadd.s32 s11, s24  }
0x332: {  	(v2sf) =	vpush v1, $0x9;
	[tilespmem:s31], [sflag:$0x1] =	stream.linear.gather [hbm4b:s4+s10], $0x80, $0x38;
	[tilespmem:$0x10500] =	vst v63  }
0x333: {  	s6 =	sand.u32 $0x1FFFFFF0, s25;
	s26 =	spop (v2sf);
	s19 =	simm.s32 $0x780;
	(v2sf) =	vpush v2, $0xA  }
0x334: {  	[tilespmem:s1], [sflag:$0x1] =	stream.linear.gather [hbm4b:s5+s10], $0x80, $0x38;
	[tilespmem:$0x10500] =	vst v63  }
0x335: {  	s28 =	sadd.s32 s14, s6;
	s29 =	sand.u32 $0x1FFFFFF0, s26;
	s30 =	spop (v2sf);
	(v2sf) =	vpush v1, $0xA  }
0x336: {  	[tilespmem:s21], [sflag:$0x1] =	stream.linear.gather [hbm4b:s28+s10], $0x80, $0x38;
	[tilespmem:$0x10500] =	vst v63  }
0x337: {  	s24 =	simm.s32 $0x800;
	s31 =	sadd.s32 s11, s29;
	s3 =	sand.u32 $0x1FFFFFF0, s30  }
0x338: {  	[tilespmem:s23], [sflag:$0x1] =	stream.linear.gather [hbm4b:s31+s10], $0x80, $0x38;
	[tilespmem:$0x10500] =	vst v63  }
0x339: {  	s6 =	simm.s32 $0x8700;
	s3 =	sadd.s32 s14, s3;
	s8 =	spop (v2sf)  }
0x33a: {  	[tilespmem:s6], [sflag:$0x1] =	stream.linear.gather [hbm4b:s3+s10], $0x80, $0x38;
	[tilespmem:$0x10500] =	vst v63  }
0x33b: {  	s1 =	simm.s32 $0x8980;
	(v2sf) =	vpush v2, $0xB;
	s5 =	sand.u32 $0x1FFFFFF0, s8;
	s18 =	spop (v2sf)  }
0x33c: {  	s28 =	simm.s32 $0x8800;
	s20 =	sadd.s32 s11, s5;
	s23 =	spop (v2sf)  }
0x33d: {  	(v2sf) =	vpush v1, $0xB;
	[tilespmem:s19], [sflag:$0x1] =	stream.linear.gather [hbm4b:s20+s10], $0x80, $0x38;
	[tilespmem:$0x10500] =	vst v63  }
0x33e: {  	s31 =	simm.s32 $0x8880;
	s21 =	sand.u32 $0x1FFFFFF0, s18;
	s25 =	spop (v2sf)  }
0x33f: {  	s5 =	sadd.s32 s14, s21;
	s4 =	sand.u32 $0x1FFFFFF0, s23;
	s26 =	spop (v2sf)  }
0x340: {  	[tilespmem:s22], [sflag:$0x1] =	stream.linear.gather [hbm4b:s5+s10], $0x80, $0x38;
	[tilespmem:$0x10500] =	vst v63  }
0x341: {  	s8 =	simm.s32 $0x900;
	(v2sf) =	vpush v2, $0xC;
	s4 =	sadd.s32 s11, s4;
	s6 =	spop (v2sf)  }
0x342: {  	s5 =	sand.u32 $0x1FFFFFF0, s25;
	s30 =	sand.u32 $0x1FFFFFF0, s26;
	s18 =	spop (v2sf)  }
0x343: {  	(v2sf) =	vpush v1, $0xC;
	[tilespmem:s24], [sflag:$0x1] =	stream.linear.gather [hbm4b:s4+s10], $0x80, $0x38;
	[tilespmem:$0x10500] =	vst v63  }
0x344: {  	s26 =	simm.s32 $0x980;
	s29 =	sadd.s32 s14, s5;
	s19 =	spop (v2sf)  }
0x345: {  	[tilespmem:s28], [sflag:$0x1] =	stream.linear.gather [hbm4b:s29+s10], $0x80, $0x38;
	[tilespmem:$0x10500] =	vst v63  }
0x346: {  	s5 =	sadd.s32 s11, s30;
	s4 =	sand.u32 $0x1FFFFFF0, s6;
	s21 =	sand.u32 $0x1FFFFFF0, s19  }
0x347: {  	[tilespmem:s2], [sflag:$0x1] =	stream.linear.gather [hbm4b:s5+s10], $0x80, $0x38;
	[tilespmem:$0x10500] =	vst v63  }
0x348: {  	s4 =	sadd.s32 s14, s4;
	s23 =	sadd.s32 s14, s21;
	s5 =	sand.u32 $0x1FFFFFF0, s18  }
0x349: {  	[tilespmem:s31], [sflag:$0x1] =	stream.linear.gather [hbm4b:s4+s10], $0x80, $0x38;
	[tilespmem:$0x10500] =	vst v63  }
0x34a: {  	s21 =	simm.s32 $0x110;
	s20 =	sadd.s32 s11, s5;
	s22 =	spop (v2sf)  }
0x34b: {  	[tilespmem:s8], [sflag:$0x1] =	stream.linear.gather [hbm4b:s20+s10], $0x80, $0x38;
	[tilespmem:$0x10500] =	vst v63  }
0x34c: {  	s24 =	sand.u32 $0x1FFFFFF0, s22;
	s25 =	spop (v2sf);
	s22 =	simm.s32 $0x310  }
0x34d: {  	(v2sf) =	vpush v2, $0xD;
	[tilespmem:s0], [sflag:$0x1] =	stream.linear.gather [hbm4b:s23+s10], $0x80, $0x38;
	[tilespmem:$0x10500] =	vst v63  }
0x34e: {  	(v2sf) =	vpush v1, $0xD;
	s28 =	sadd.s32 s11, s24;
	s29 =	sand.u32 $0x1FFFFFF0, s25;
	s25 =	simm.s32 $0xA00  }
0x34f: {  	(v2sf) =	vpush v2, $0xE;
	[tilespmem:s26], [sflag:$0x1] =	stream.linear.gather [hbm4b:s28+s10], $0x80, $0x38;
	[tilespmem:$0x10500] =	vst v63  }
0x350: {  	s24 =	simm.s32 $0xB00;
	s30 =	sadd.s32 s14, s29;
	(v2sf) =	vpush v1, $0xE;
	s31 =	spop (v2sf)  }
0x351: {  	(v2sf) =	vpush v2, $0xF;
	[tilespmem:s1], [sflag:$0x1] =	stream.linear.gather [hbm4b:s30+s10], $0x80, $0x38;
	[tilespmem:$0x10500] =	vst v63  }
0x352: {  	s23 =	simm.s32 $0x8B00;
	s0 =	sand.u32 $0x1FFFFFF0, s31;
	(v2sf) =	vpush v1, $0xF;
	s1 =	spop (v2sf)  }
.LBB2_8:
0x353: {  	_ =	sdelay $0x4  }
0x354: {  	s0 =	sadd.s32 s11, s0;
	s1 =	sand.u32 $0x1FFFFFF0, s1  }
0x355: {  	[tilespmem:s25], [sflag:$0x1] =	stream.linear.gather [hbm4b:s0+s10], $0x80, $0x38;
	[tilespmem:$0x10500] =	vst v63  }
0x356: {  	s18 =	sadd.s32 s14, s1  }
0x357: {  	[tilespmem:s9], [sflag:$0x1] =	stream.linear.gather [hbm4b:s18+s10], $0x80, $0x38;
	[tilespmem:$0x10500] =	vst v63  }
0x358: {  	s2 =	spop (v2sf)  }
0x359: {  	s19 =	sand.u32 $0x1FFFFFF0, s2;
	s20 =	spop (v2sf)  }
0x35a: {  	s25 =	sadd.s32 s11, s19;
	s26 =	sand.u32 $0x1FFFFFF0, s20;
	s28 =	spop (v2sf)  }
0x35b: {  	[tilespmem:s15], [sflag:$0x1] =	stream.linear.gather [hbm4b:s25+s10], $0x80, $0x38;
	[tilespmem:$0x10500] =	vst v63  }
0x35c: {  	s29 =	sadd.s32 s14, s26;
	s30 =	sand.u32 $0x1FFFFFF0, s28;
	s31 =	spop (v2sf)  }
0x35d: {  	[tilespmem:s7], [sflag:$0x1] =	stream.linear.gather [hbm4b:s29+s10], $0x80, $0x38;
	[tilespmem:$0x10500] =	vst v63  }
0x35e: {  	s3 =	sadd.s32 s11, s30;
	s4 =	sand.u32 $0x1FFFFFF0, s31;
	s5 =	spop (v2sf)  }
0x35f: {  	[tilespmem:s24], [sflag:$0x1] =	stream.linear.gather [hbm4b:s3+s10], $0x80, $0x38;
	[tilespmem:$0x10500] =	vst v63  }
0x360: {  	s6 =	sadd.s32 s14, s4;
	s7 =	sand.u32 $0x1FFFFFF0, s5;
	s8 =	spop (v2sf)  }
0x361: {  	[tilespmem:s23], [sflag:$0x1] =	stream.linear.gather [hbm4b:s6+s10], $0x80, $0x38;
	[tilespmem:$0x10500] =	vst v63  }
0x362: {  	s9 =	sadd.s32 $0xB80, s16;
	s1 =	sadd.s32 s11, s7;
	s2 =	sand.u32 $0x1FFFFFF0, s8  }
0x363: {  	[tilespmem:s9], [sflag:$0x1] =	stream.linear.gather [hbm4b:s1+s10], $0x80, $0x38;
	[tilespmem:$0x10500] =	vst v63  }
0x364: {  	s15 =	sadd.s32 $0x8B80, s16;
	s16 =	sadd.s32 s14, s2  }
0x365: {  	[tilespmem:s15], [sflag:$0x1] =	stream.linear.gather [hbm4b:s16+s10], $0x80, $0x38;
	[tilespmem:$0x10500] =	vst v63  }
0x366: {  	v1 =	vld [tilespmem:s21+$0x0];
	_ =	sdelay $0x1  }
0x367: {  	v3 =	vld [tilespmem:s22+$0x0];
	_ =	sdelay $0x2  }
0x368: {  	v2 =	vshll.u32 v1, $0x4  }
0x369: {  	(v2sf) =	vpush v2, $0x0  }
0x36a: {  	s18 =	smov.u32 s17;
	v1 =	vshll.u32 v3, $0x4  }
0x36b: {  	p0 =	sne.s32 s17, $0x1E000;
	s16 =	sshra.s32 s18, $0x2;
	(v2sf) =	vpush v1, $0x0  }
0x36c: {  	s17 =	sadd.s32 $0x2000, s17;
	s2 =	simm.s32 $0x0;
	s18 =	sadd.s32 $0x8400, s16  }
0x36d: {  	s14 =	sadd.s32 $0x680, s16;
	s0 =	sadd.s32 $0x880, s16;
	s29 =	sadd.s32 $0x400, s16  }
0x36e: {  	s5 =	sadd.s32 $0x600, s16;
	s19 =	sadd.s32 $0x8900, s16;
	s3 =	sadd.s32 $0x580, s16;
	(v2sf) =	vpush v2, $0x1  }
0x36f: {  	s1 =	sadd.s32 $0x8580, s16;
	s20 =	sadd.s32 $0x8A00, s16;
	s11 =	sadd.s32 $0x8600, s16  }
0x370: {  	s15 =	sadd.s32 $0xA80, s16;
	s28 =	sadd.s32 $0x8480, s16;
	[dreg:$0xc] =	wrdreg s0;
	(v2sf) =	vpush v1, $0x1  }
0x371: {  	s4 =	sadd.s32 $0x8500, s16;
	s10 =	sadd.s32 $0x8680, s16;
	[dreg:$0x8] =	wrdreg s19;
	(v2sf) =	vpush v2, $0x2  }
0x372: {  	s6 =	sadd.s32 $0x700, s16;
	s23 =	sadd.s32 $0x8980, s16;
	[dreg:$0x13] =	wrdreg s20  }
0x373: {  	s24 =	sadd.s32 $0x8A80, s16;
	s9 =	sadd.s32 $0x8700, s16;
	[dreg:$0xa] =	wrdreg s23  }
0x374: {  	s25 =	sadd.s32 $0x8880, s16;
	s26 =	sadd.s32 $0x900, s16;
	[dreg:$0x15] =	wrdreg s24  }
0x375: {  	s8 =	sadd.s32 $0x780, s16;
	s30 =	sadd.s32 $0x8800, s16;
	[dreg:$0x10] =	wrdreg s25;
	(v2sf) =	vpush v1, $0x2  }
0x376: {  	s7 =	sadd.s32 $0x8780, s16;
	s21 =	sadd.s32 $0x10, s21;
	[dreg:$0xe] =	wrdreg s26  }
0x377: {  	s22 =	sadd.s32 $0x10, s22;
	s0 =	sadd.s32 $0x500, s16;
	[dreg:$0x12] =	wrdreg s30;
	(v2sf) =	vpush v2, $0x3  }
0x378: {  	s25 =	sadd.s32 $0xA00, s16;
	s30 =	sadd.s32 $0x480, s16;
	s26 =	spop (v2sf)  }
0x379: {  	s19 =	sadd.s32 $0x800, s16;
	s20 =	rddreg [dreg:$0x5];
	s31 =	sand.u32 $0x1FFFFFF0, s26  }
0x37a: {  	[dreg:$0x18] =	wrdreg s19;
	(v2sf) =	vpush v1, $0x3;
	s19 =	spop (v2sf);
	s31 =	sadd.s32 s20, s31  }
0x37b: {  	[tilespmem:s29], [sflag:$0x1] =	stream.linear.gather [hbm4b:s31+s2], $0x80, $0x38;
	[tilespmem:$0x10500] =	vst v63  }
0x37c: {  	s24 =	sadd.s32 $0xB00, s16;
	(v2sf) =	vpush v2, $0x4;
	s19 =	sand.u32 $0x1FFFFFF0, s19;
	s31 =	rddreg [dreg:$0x6]  }
0x37d: {  	s20 =	spop (v2sf);
	s29 =	rddreg [dreg:$0x6];
	s19 =	sadd.s32 s31, s19  }
0x37e: {  	[tilespmem:s18], [sflag:$0x1] =	stream.linear.gather [hbm4b:s19+s2], $0x80, $0x38;
	[tilespmem:$0x10500] =	vst v63  }
0x37f: {  	(v2sf) =	vpush v1, $0x4;
	s20 =	sand.u32 $0x1FFFFFF0, s20;
	s31 =	spop (v2sf);
	s19 =	rddreg [dreg:$0x5]  }
0x380: {  	(v2sf) =	vpush v2, $0x5;
	s18 =	sadd.s32 s19, s20;
	s20 =	sand.u32 $0x1FFFFFF0, s31;
	s31 =	spop (v2sf)  }
0x381: {  	[tilespmem:s30], [sflag:$0x1] =	stream.linear.gather [hbm4b:s18+s2], $0x80, $0x38;
	[tilespmem:$0x10500] =	vst v63  }
0x382: {  	(v2sf) =	vpush v1, $0x5;
	s18 =	sadd.s32 s29, s20;
	s30 =	sand.u32 $0x1FFFFFF0, s31;
	s29 =	rddreg [dreg:$0x5]  }
0x383: {  	[tilespmem:s28], [sflag:$0x1] =	stream.linear.gather [hbm4b:s18+s2], $0x80, $0x38;
	[tilespmem:$0x10500] =	vst v63  }
0x384: {  	s23 =	sadd.s32 $0x8B00, s16;
	(v2sf) =	vpush v2, $0x6;
	s31 =	spop (v2sf);
	s18 =	sadd.s32 s29, s30  }
0x385: {  	[tilespmem:s0], [sflag:$0x1] =	stream.linear.gather [hbm4b:s18+s2], $0x80, $0x38;
	[tilespmem:$0x10500] =	vst v63  }
0x386: {  	s30 =	sand.u32 $0x1FFFFFF0, s31;
	s31 =	spop (v2sf);
	s18 =	rddreg [dreg:$0x6]  }
0x387: {  	(v2sf) =	vpush v1, $0x6;
	s29 =	rddreg [dreg:$0x5];
	s20 =	sand.u32 $0x1FFFFFF0, s31;
	s0 =	sadd.s32 s18, s30  }
0x388: {  	[tilespmem:s4], [sflag:$0x1] =	stream.linear.gather [hbm4b:s0+s2], $0x80, $0x38;
	[tilespmem:$0x10500] =	vst v63  }
0x389: {  	s26 =	sadd.s32 $0x980, s16;
	(v2sf) =	vpush v2, $0x7;
	s28 =	spop (v2sf);
	s0 =	sadd.s32 s29, s20  }
0x38a: {  	(v2sf) =	vpush v1, $0x7;
	[tilespmem:s3], [sflag:$0x1] =	stream.linear.gather [hbm4b:s0+s2], $0x80, $0x38;
	[tilespmem:$0x10500] =	vst v63  }
0x38b: {  	s31 =	spop (v2sf);
	(v2sf) =	vpush v2, $0x8;
	s30 =	sand.u32 $0x1FFFFFF0, s28;
	s3 =	rddreg [dreg:$0x6]  }
0x38c: {  	s19 =	rddreg [dreg:$0x5];
	s4 =	sand.u32 $0x1FFFFFF0, s31;
	s0 =	sadd.s32 s3, s30  }
0x38d: {  	[tilespmem:s1], [sflag:$0x1] =	stream.linear.gather [hbm4b:s0+s2], $0x80, $0x38;
	[tilespmem:$0x10500] =	vst v63  }
0x38e: {  	s29 =	rddreg [dreg:$0x6];
	s18 =	spop (v2sf);
	s0 =	sadd.s32 s19, s4  }
0x38f: {  	s20 =	sand.u32 $0x1FFFFFF0, s18;
	s28 =	spop (v2sf);
	s19 =	rddreg [dreg:$0x6]  }
0x390: {  	[tilespmem:s5], [sflag:$0x1] =	stream.linear.gather [hbm4b:s0+s2], $0x80, $0x38;
	[tilespmem:$0x10500] =	vst v63  }
0x391: {  	(v2sf) =	vpush v1, $0x8;
	s30 =	sand.u32 $0x1FFFFFF0, s28;
	s0 =	sadd.s32 s29, s20;
	s31 =	spop (v2sf)  }
0x392: {  	(v2sf) =	vpush v2, $0x9;
	[tilespmem:s11], [sflag:$0x1] =	stream.linear.gather [hbm4b:s0+s2], $0x80, $0x38;
	[tilespmem:$0x10500] =	vst v63  }
0x393: {  	s5 =	sand.u32 $0x1FFFFFF0, s31;
	s11 =	rddreg [dreg:$0x5];
	s18 =	spop (v2sf)  }
0x394: {  	s0 =	sadd.s32 s19, s5;
	s4 =	sadd.s32 s11, s30;
	s20 =	sand.u32 $0x1FFFFFF0, s18  }
0x395: {  	[tilespmem:s14], [sflag:$0x1] =	stream.linear.gather [hbm4b:s4+s2], $0x80, $0x38;
	[tilespmem:$0x10500] =	vst v63  }
0x396: {  	(v2sf) =	vpush v1, $0x9;
	s28 =	spop (v2sf);
	s18 =	rddreg [dreg:$0x6];
	s29 =	sadd.s32 s11, s20  }
0x397: {  	[tilespmem:s10], [sflag:$0x1] =	stream.linear.gather [hbm4b:s0+s2], $0x80, $0x38;
	[tilespmem:$0x10500] =	vst v63  }
0x398: {  	(v2sf) =	vpush v2, $0xA;
	s30 =	sand.u32 $0x1FFFFFF0, s28;
	s31 =	spop (v2sf);
	s10 =	simm.s32 $0x0  }
0x399: {  	s2 =	rddreg [dreg:$0x6];
	s3 =	sand.u32 $0x1FFFFFF0, s31;
	s4 =	spop (v2sf)  }
0x39a: {  	(v2sf) =	vpush v1, $0xA;
	s31 =	rddreg [dreg:$0x18];
	s0 =	sadd.s32 s2, s30;
	s14 =	spop (v2sf)  }
0x39b: {  	[tilespmem:s6], [sflag:$0x1] =	stream.linear.gather [hbm4b:s29+s10], $0x80, $0x38;
	[tilespmem:$0x10500] =	vst v63  }
0x39c: {  	(v2sf) =	vpush v2, $0xB;
	s5 =	sadd.s32 s11, s3;
	s19 =	sand.u32 $0x1FFFFFF0, s14;
	s14 =	rddreg [dreg:$0x6]  }
0x39d: {  	[tilespmem:s9], [sflag:$0x1] =	stream.linear.gather [hbm4b:s0+s10], $0x80, $0x38;
	[tilespmem:$0x10500] =	vst v63  }
0x39e: {  	s6 =	sand.u32 $0x1FFFFFF0, s4;
	s28 =	sadd.s32 s11, s19;
	s9 =	rddreg [dreg:$0x13]  }
0x39f: {  	[tilespmem:s8], [sflag:$0x1] =	stream.linear.gather [hbm4b:s5+s10], $0x80, $0x38;
	[tilespmem:$0x10500] =	vst v63  }
0x3a0: {  	(v2sf) =	vpush v1, $0xB;
	s0 =	sadd.s32 s18, s6;
	s6 =	rddreg [dreg:$0x12];
	s20 =	spop (v2sf)  }
0x3a1: {  	(v2sf) =	vpush v2, $0xC;
	s29 =	sand.u32 $0x1FFFFFF0, s20;
	s30 =	spop (v2sf);
	s20 =	rddreg [dreg:$0xc]  }
0x3a2: {  	[tilespmem:s7], [sflag:$0x1] =	stream.linear.gather [hbm4b:s0+s10], $0x80, $0x38;
	[tilespmem:$0x10500] =	vst v63  }
0x3a3: {  	(v2sf) =	vpush v1, $0xC;
	s7 =	rddreg [dreg:$0x15];
	s2 =	sadd.s32 s14, s29;
	s4 =	sand.u32 $0x1FFFFFF0, s30  }
0x3a4: {  	[tilespmem:s31], [sflag:$0x1] =	stream.linear.gather [hbm4b:s28+s10], $0x80, $0x38;
	[tilespmem:$0x10500] =	vst v63  }
0x3a5: {  	s5 =	spop (v2sf);
	s8 =	sadd.s32 s11, s4;
	s31 =	rddreg [dreg:$0x10]  }
0x3a6: {  	[tilespmem:s6], [sflag:$0x1] =	stream.linear.gather [hbm4b:s2+s10], $0x80, $0x38;
	[tilespmem:$0x10500] =	vst v63  }
0x3a7: {  	s18 =	sand.u32 $0x1FFFFFF0, s5;
	s5 =	rddreg [dreg:$0xe];
	s19 =	spop (v2sf)  }
0x3a8: {  	[tilespmem:s20], [sflag:$0x1] =	stream.linear.gather [hbm4b:s8+s10], $0x80, $0x38;
	[tilespmem:$0x10500] =	vst v63  }
0x3a9: {  	s28 =	sadd.s32 s14, s18;
	s29 =	sand.u32 $0x1FFFFFF0, s19;
	s30 =	spop (v2sf)  }
0x3aa: {  	[tilespmem:s31], [sflag:$0x1] =	stream.linear.gather [hbm4b:s28+s10], $0x80, $0x38;
	[tilespmem:$0x10500] =	vst v63  }
0x3ab: {  	s1 =	sadd.s32 s11, s29;
	s2 =	sand.u32 $0x1FFFFFF0, s30;
	s4 =	spop (v2sf)  }
0x3ac: {  	[tilespmem:s5], [sflag:$0x1] =	stream.linear.gather [hbm4b:s1+s10], $0x80, $0x38;
	[tilespmem:$0x10500] =	vst v63  }
0x3ad: {  	s19 =	rddreg [dreg:$0x8];
	s6 =	sadd.s32 s14, s2;
	s8 =	sand.u32 $0x1FFFFFF0, s4  }
0x3ae: {  	(v2sf) =	vpush v2, $0xD;
	[tilespmem:s19], [sflag:$0x1] =	stream.linear.gather [hbm4b:s6+s10], $0x80, $0x38;
	[tilespmem:$0x10500] =	vst v63  }
.Ltmp3:
0x3af: {  	(v2sf) =	vpush v1, $0xD;
	s18 =	spop (v2sf);
	s20 =	sadd.s32 s11, s8;
	(pc) =	sbr.rel @p0 .LBB2_8-.Ltmp3, $4  }
0x3b0: {  	(v2sf) =	vpush v2, $0xE;
	s28 =	sand.u32 $0x1FFFFFF0, s18;
	s29 =	spop (v2sf);
	s31 =	rddreg [dreg:$0xa]  }
0x3b1: {  	(v2sf) =	vpush v1, $0xE;
	[tilespmem:s26], [sflag:$0x1] =	stream.linear.gather [hbm4b:s20+s10], $0x80, $0x38;
	[tilespmem:$0x10500] =	vst v63  }
0x3b2: {  	(v2sf) =	vpush v2, $0xF;
	s30 =	sadd.s32 s14, s28;
	s0 =	sand.u32 $0x1FFFFFF0, s29;
	s1 =	spop (v2sf)  }
0x3b3: {  	(v2sf) =	vpush v1, $0xF;
	[tilespmem:s31], [sflag:$0x1] =	stream.linear.gather [hbm4b:s30+s10], $0x80, $0x38;
	[tilespmem:$0x10500] =	vst v63  }
0x3b4: {  	_ =	sdelay $0x4  }
0x3b5: {  	s0 =	sadd.s32 s11, s0;
	s1 =	sand.u32 $0x1FFFFFF0, s1  }
0x3b6: {  	[tilespmem:s25], [sflag:$0x1] =	stream.linear.gather [hbm4b:s0+s10], $0x80, $0x38;
	[tilespmem:$0x10500] =	vst v63  }
0x3b7: {  	s3 =	sadd.s32 s14, s1  }
0x3b8: {  	[tilespmem:s9], [sflag:$0x1] =	stream.linear.gather [hbm4b:s3+s10], $0x80, $0x38;
	[tilespmem:$0x10500] =	vst v63  }
0x3b9: {  	s2 =	spop (v2sf)  }
0x3ba: {  	s4 =	sand.u32 $0x1FFFFFF0, s2;
	s5 =	spop (v2sf)  }
0x3bb: {  	s6 =	sadd.s32 s11, s4;
	s8 =	sand.u32 $0x1FFFFFF0, s5;
	s9 =	spop (v2sf)  }
0x3bc: {  	[tilespmem:s15], [sflag:$0x1] =	stream.linear.gather [hbm4b:s6+s10], $0x80, $0x38;
	[tilespmem:$0x10500] =	vst v63  }
0x3bd: {  	s17 =	sadd.s32 s14, s8;
	s18 =	sand.u32 $0x1FFFFFF0, s9;
	s19 =	spop (v2sf)  }
0x3be: {  	[tilespmem:s7], [sflag:$0x1] =	stream.linear.gather [hbm4b:s17+s10], $0x80, $0x38;
	[tilespmem:$0x10500] =	vst v63  }
0x3bf: {  	s20 =	sadd.s32 s11, s18;
	s21 =	sand.u32 $0x1FFFFFF0, s19;
	s22 =	spop (v2sf)  }
0x3c0: {  	[tilespmem:s24], [sflag:$0x1] =	stream.linear.gather [hbm4b:s20+s10], $0x80, $0x38;
	[tilespmem:$0x10500] =	vst v63  }
0x3c1: {  	s25 =	sadd.s32 s14, s21;
	s26 =	sand.u32 $0x1FFFFFF0, s22;
	s28 =	spop (v2sf)  }
0x3c2: {  	[tilespmem:s23], [sflag:$0x1] =	stream.linear.gather [hbm4b:s25+s10], $0x80, $0x38;
	[tilespmem:$0x10500] =	vst v63  }
0x3c3: {  	s29 =	sadd.s32 $0xB80, s16;
	s1 =	sadd.s32 s11, s26;
	s2 =	sand.u32 $0x1FFFFFF0, s28  }
0x3c4: {  	[tilespmem:s29], [sflag:$0x1] =	stream.linear.gather [hbm4b:s1+s10], $0x80, $0x38;
	[tilespmem:$0x10500] =	vst v63  }
0x3c5: {  	s30 =	sadd.s32 $0x8B80, s16;
	s31 =	sadd.s32 s14, s2;
	s1 =	simm.s32 $0x1  }
0x3c6: {  	[tilespmem:s30], [sflag:$0x1] =	stream.linear.gather [hbm4b:s31+s10], $0x80, $0x38;
	[tilespmem:$0x10500] =	vst v63  }
0x3c7: {  	_ =	swait.ge [sflag:s1], $0x80  }
0x3c8: {  	[sflag:s1] =	ssyncset.done $0x0  }
0x3c9: {  	[sflag:s1] =	ssyncadd.s32 $0xFFFFFF80  }
0x3ca: {  	_ =	swait.ge [sflag:s1], $0x80  }
0x3cb: {  	s0 =	simm.s32 $0xFF;
	[sflag:s1] =	ssyncset.done $0x0  }
.LBB2_10:
0x3cc: {  	p0 =	sne.s32 s0, $0x1;
	s0 =	sadd.s32 $0xFFFFFFFF, s0;
	[sflag:s1] =	ssyncadd.s32 $0xFFFFFF80  }
.Ltmp4:
0x3cd: {  	_ =	swait.ge [sflag:s1], $0x80;
	(pc) =	sbr.rel @p0 .LBB2_10-.Ltmp4, $4  }
0x3ce: {  	[sflag:s1] =	ssyncset.done $0x0  }
0x3cf: {  	[sflag:s1] =	ssyncadd.s32 $0xFFFFFF80  }
0x3d0: {  	_ =	swait.ge [sflag:s1], $0x80  }
0x3d1: {  	[sflag:s1] =	ssyncset.done $0x0  }
0x3d2: {  	s0 =	simm.s32 $0x0  }
0x3d3: {  	v1 =	vmov s0  }
0x3d4: {  	v1 =	vshll.u32 v1, $0x7  }
0x3d5: {  	v1 =	vor.u32 v0, v1;
	_ =	sdelay $0x1  }
0x3d6: {  	v2 =	vor.u32 $0x1, v1;
	_ =	sdelay $0x1  }
0x3d7: {  	[sflag:s1] =	ssyncadd.s32 $0xFFFFFF80;
	v3 =	vor.u32 $0x2, v1  }
0x3d8: {  	v4 =	vld.idx.msk [tilespmem:v1+s13+$0x0], $0xffff  }
0x3d9: {  	v6 =	vor.u32 $0x3, v1;
	v5 =	vld.idx.msk [tilespmem:v1+s12+$0x0], $0xffff  }
0x3da: {  	v7 =	vld.idx.msk [tilespmem:v2+s12+$0x0], $0xffff  }
0x3db: {  	v8 =	vor.u32 $0x4, v1;
	v2 =	vld.idx.msk [tilespmem:v2+s13+$0x0], $0xffff  }
0x3dc: {  	v9 =	vld.idx.msk [tilespmem:v3+s12+$0x0], $0xffff  }
0x3dd: {  	v10 =	vor.u32 $0x5, v1;
	v3 =	vld.idx.msk [tilespmem:v3+s13+$0x0], $0xffff  }
0x3de: {  	v11 =	vld.idx.msk [tilespmem:v6+s12+$0x0], $0xffff;
	v4 =	vmul.f32 v4, v5  }
0x3df: {  	v5 =	vld.idx.msk [tilespmem:v6+s13+$0x0], $0xffff;
	v6 =	vor.u32 $0x6, v1  }
0x3e0: {  	v12 =	vld.idx.msk [tilespmem:v8+s12+$0x0], $0xffff;
	v2 =	vmul.f32 v2, v7;
	v4 =	vadd.f32 $0.0e+00, v4  }
0x3e1: {  	v61 =	vor.u32 $0x7, v1;
	v7 =	vld.idx.msk [tilespmem:v8+s13+$0x0], $0xffff  }
0x3e2: {  	v13 =	vld.idx.msk [tilespmem:v10+s12+$0x0], $0xffff;
	v3 =	vmul.f32 v3, v9;
	v2 =	vadd.f32 v2, v4  }
0x3e3: {  	v62 =	vor.u32 $0x8, v1;
	v4 =	vld.idx.msk [tilespmem:v10+s13+$0x0], $0xffff  }
0x3e4: {  	v63 =	vld.idx.msk [tilespmem:v6+s12+$0x0], $0xffff;
	v2 =	vadd.f32 v3, v2;
	v3 =	vmul.f32 v5, v11  }
0x3e5: {  	v5 =	vld.idx.msk [tilespmem:v6+s13+$0x0], $0xffff;
	v6 =	vor.u32 $0x9, v1  }
0x3e6: {  	v16 =	vld.idx.msk [tilespmem:v61+s12+$0x0], $0xffff;
	v2 =	vadd.f32 v3, v2;
	v3 =	vmul.f32 v7, v12  }
0x3e7: {  	v17 =	vor.u32 $0xA, v1;
	v7 =	vld.idx.msk [tilespmem:v61+s13+$0x0], $0xffff  }
0x3e8: {  	v18 =	vld.idx.msk [tilespmem:v62+s12+$0x0], $0xffff;
	v2 =	vadd.f32 v3, v2;
	v3 =	vmul.f32 v4, v13  }
0x3e9: {  	v19 =	vor.u32 $0xB, v1;
	v4 =	vld.idx.msk [tilespmem:v62+s13+$0x0], $0xffff  }
0x3ea: {  	v20 =	vld.idx.msk [tilespmem:v6+s12+$0x0], $0xffff;
	v2 =	vadd.f32 v3, v2;
	v3 =	vmul.f32 v5, v63  }
0x3eb: {  	v5 =	vld.idx.msk [tilespmem:v6+s13+$0x0], $0xffff;
	v6 =	vor.u32 $0xC, v1  }
0x3ec: {  	v21 =	vld.idx.msk [tilespmem:v17+s12+$0x0], $0xffff;
	v2 =	vadd.f32 v3, v2;
	v3 =	vmul.f32 v7, v16  }
0x3ed: {  	v22 =	vor.u32 $0xD, v1;
	v7 =	vld.idx.msk [tilespmem:v17+s13+$0x0], $0xffff  }
0x3ee: {  	v23 =	vld.idx.msk [tilespmem:v19+s12+$0x0], $0xffff;
	v2 =	vadd.f32 v3, v2;
	v3 =	vmul.f32 v4, v18  }
0x3ef: {  	v24 =	vor.u32 $0xE, v1;
	v4 =	vld.idx.msk [tilespmem:v19+s13+$0x0], $0xffff  }
0x3f0: {  	v25 =	vld.idx.msk [tilespmem:v6+s12+$0x0], $0xffff;
	v2 =	vadd.f32 v3, v2;
	v3 =	vmul.f32 v5, v20  }
0x3f1: {  	v5 =	vld.idx.msk [tilespmem:v6+s13+$0x0], $0xffff;
	v6 =	vor.u32 $0xF, v1  }
0x3f2: {  	v26 =	vld.idx.msk [tilespmem:v22+s12+$0x0], $0xffff;
	v2 =	vadd.f32 v3, v2;
	v3 =	vmul.f32 v7, v21  }
0x3f3: {  	v27 =	vor.u32 $0x10, v1;
	v7 =	vld.idx.msk [tilespmem:v22+s13+$0x0], $0xffff  }
0x3f4: {  	v28 =	vld.idx.msk [tilespmem:v24+s12+$0x0], $0xffff;
	v2 =	vadd.f32 v3, v2;
	v3 =	vmul.f32 v4, v23  }
0x3f5: {  	v29 =	vor.u32 $0x11, v1;
	v4 =	vld.idx.msk [tilespmem:v24+s13+$0x0], $0xffff  }
0x3f6: {  	v30 =	vld.idx.msk [tilespmem:v6+s12+$0x0], $0xffff;
	v2 =	vadd.f32 v3, v2;
	v3 =	vmul.f32 v5, v25  }
0x3f7: {  	v5 =	vld.idx.msk [tilespmem:v6+s13+$0x0], $0xffff;
	v6 =	vor.u32 $0x12, v1  }
0x3f8: {  	v31 =	vld.idx.msk [tilespmem:v27+s12+$0x0], $0xffff;
	v2 =	vadd.f32 v3, v2;
	v3 =	vmul.f32 v7, v26  }
0x3f9: {  	v32 =	vor.u32 $0x13, v1;
	v7 =	vld.idx.msk [tilespmem:v27+s13+$0x0], $0xffff  }
0x3fa: {  	v33 =	vld.idx.msk [tilespmem:v29+s12+$0x0], $0xffff;
	v2 =	vadd.f32 v3, v2;
	v3 =	vmul.f32 v4, v28  }
0x3fb: {  	v34 =	vor.u32 $0x14, v1;
	v4 =	vld.idx.msk [tilespmem:v29+s13+$0x0], $0xffff  }
0x3fc: {  	v35 =	vld.idx.msk [tilespmem:v6+s12+$0x0], $0xffff;
	v2 =	vadd.f32 v3, v2;
	v3 =	vmul.f32 v5, v30  }
0x3fd: {  	v5 =	vld.idx.msk [tilespmem:v6+s13+$0x0], $0xffff;
	v6 =	vor.u32 $0x15, v1  }
0x3fe: {  	v36 =	vld.idx.msk [tilespmem:v32+s12+$0x0], $0xffff;
	v2 =	vadd.f32 v3, v2;
	v3 =	vmul.f32 v7, v31  }
0x3ff: {  	v37 =	vor.u32 $0x16, v1;
	v7 =	vld.idx.msk [tilespmem:v32+s13+$0x0], $0xffff  }
0x400: {  	v38 =	vld.idx.msk [tilespmem:v34+s12+$0x0], $0xffff;
	v2 =	vadd.f32 v3, v2;
	v3 =	vmul.f32 v4, v33  }
0x401: {  	v39 =	vor.u32 $0x17, v1;
	v4 =	vld.idx.msk [tilespmem:v34+s13+$0x0], $0xffff  }
0x402: {  	v40 =	vld.idx.msk [tilespmem:v6+s12+$0x0], $0xffff;
	v2 =	vadd.f32 v3, v2;
	v3 =	vmul.f32 v5, v35  }
0x403: {  	v5 =	vld.idx.msk [tilespmem:v6+s13+$0x0], $0xffff;
	v6 =	vor.u32 $0x18, v1  }
0x404: {  	v41 =	vld.idx.msk [tilespmem:v37+s12+$0x0], $0xffff;
	v2 =	vadd.f32 v3, v2;
	v3 =	vmul.f32 v7, v36  }
0x405: {  	v42 =	vor.u32 $0x19, v1;
	v7 =	vld.idx.msk [tilespmem:v37+s13+$0x0], $0xffff  }
0x406: {  	v43 =	vld.idx.msk [tilespmem:v39+s12+$0x0], $0xffff;
	v2 =	vadd.f32 v3, v2;
	v3 =	vmul.f32 v4, v38  }
0x407: {  	v44 =	vor.u32 $0x1A, v1;
	v4 =	vld.idx.msk [tilespmem:v39+s13+$0x0], $0xffff  }
0x408: {  	v45 =	vld.idx.msk [tilespmem:v6+s12+$0x0], $0xffff;
	v2 =	vadd.f32 v3, v2;
	v3 =	vmul.f32 v5, v40  }
0x409: {  	v5 =	vld.idx.msk [tilespmem:v6+s13+$0x0], $0xffff;
	v6 =	vor.u32 $0x1B, v1  }
0x40a: {  	v46 =	vld.idx.msk [tilespmem:v42+s12+$0x0], $0xffff;
	v2 =	vadd.f32 v3, v2;
	v3 =	vmul.f32 v7, v41  }
0x40b: {  	v47 =	vor.u32 $0x1C, v1;
	v7 =	vld.idx.msk [tilespmem:v42+s13+$0x0], $0xffff  }
0x40c: {  	v48 =	vld.idx.msk [tilespmem:v44+s12+$0x0], $0xffff;
	v2 =	vadd.f32 v3, v2;
	v3 =	vmul.f32 v4, v43  }
0x40d: {  	v49 =	vor.u32 $0x1D, v1;
	v4 =	vld.idx.msk [tilespmem:v44+s13+$0x0], $0xffff  }
0x40e: {  	v50 =	vld.idx.msk [tilespmem:v6+s12+$0x0], $0xffff;
	v2 =	vadd.f32 v3, v2;
	v3 =	vmul.f32 v5, v45  }
0x40f: {  	v5 =	vld.idx.msk [tilespmem:v6+s13+$0x0], $0xffff;
	v6 =	vor.u32 $0x1E, v1  }
0x410: {  	v51 =	vld.idx.msk [tilespmem:v47+s12+$0x0], $0xffff;
	v2 =	vadd.f32 v3, v2;
	v3 =	vmul.f32 v7, v46  }
0x411: {  	v52 =	vor.u32 $0x1F, v1;
	v7 =	vld.idx.msk [tilespmem:v47+s13+$0x0], $0xffff  }
0x412: {  	v53 =	vld.idx.msk [tilespmem:v49+s12+$0x0], $0xffff;
	v2 =	vadd.f32 v3, v2;
	v3 =	vmul.f32 v4, v48  }
0x413: {  	v54 =	vor.u32 $0x20, v1;
	v4 =	vld.idx.msk [tilespmem:v49+s13+$0x0], $0xffff  }
0x414: {  	v55 =	vld.idx.msk [tilespmem:v6+s12+$0x0], $0xffff;
	v2 =	vadd.f32 v3, v2;
	v3 =	vmul.f32 v5, v50  }
0x415: {  	v5 =	vld.idx.msk [tilespmem:v6+s13+$0x0], $0xffff;
	v6 =	vor.u32 $0x21, v1  }
0x416: {  	v56 =	vld.idx.msk [tilespmem:v52+s12+$0x0], $0xffff;
	v2 =	vadd.f32 v3, v2;
	v3 =	vmul.f32 v7, v51  }
0x417: {  	v57 =	vor.u32 $0x22, v1;
	v7 =	vld.idx.msk [tilespmem:v52+s13+$0x0], $0xffff  }
0x418: {  	v58 =	vld.idx.msk [tilespmem:v54+s12+$0x0], $0xffff;
	v2 =	vadd.f32 v3, v2;
	v3 =	vmul.f32 v4, v53  }
0x419: {  	v59 =	vor.u32 $0x23, v1;
	v4 =	vld.idx.msk [tilespmem:v54+s13+$0x0], $0xffff  }
0x41a: {  	v60 =	vld.idx.msk [tilespmem:v6+s12+$0x0], $0xffff;
	v2 =	vadd.f32 v3, v2;
	v3 =	vmul.f32 v5, v55  }
0x41b: {  	v5 =	vld.idx.msk [tilespmem:v6+s13+$0x0], $0xffff;
	v6 =	vor.u32 $0x24, v1  }
0x41c: {  	v61 =	vld.idx.msk [tilespmem:v57+s12+$0x0], $0xffff;
	v2 =	vadd.f32 v3, v2;
	v3 =	vmul.f32 v7, v56  }
0x41d: {  	v62 =	vor.u32 $0x25, v1;
	v7 =	vld.idx.msk [tilespmem:v57+s13+$0x0], $0xffff  }
0x41e: {  	v63 =	vld.idx.msk [tilespmem:v59+s12+$0x0], $0xffff;
	v2 =	vadd.f32 v3, v2;
	v3 =	vmul.f32 v4, v58  }
0x41f: {  	v16 =	vor.u32 $0x26, v1;
	v4 =	vld.idx.msk [tilespmem:v59+s13+$0x0], $0xffff  }
0x420: {  	v17 =	vld.idx.msk [tilespmem:v6+s12+$0x0], $0xffff;
	v2 =	vadd.f32 v3, v2;
	v3 =	vmul.f32 v5, v60  }
0x421: {  	v5 =	vld.idx.msk [tilespmem:v6+s13+$0x0], $0xffff;
	v6 =	vor.u32 $0x27, v1  }
0x422: {  	v18 =	vld.idx.msk [tilespmem:v62+s12+$0x0], $0xffff;
	v2 =	vadd.f32 v3, v2;
	v3 =	vmul.f32 v7, v61  }
0x423: {  	v19 =	vor.u32 $0x28, v1;
	v7 =	vld.idx.msk [tilespmem:v62+s13+$0x0], $0xffff  }
0x424: {  	v20 =	vld.idx.msk [tilespmem:v16+s12+$0x0], $0xffff;
	v2 =	vadd.f32 v3, v2;
	v3 =	vmul.f32 v4, v63  }
0x425: {  	v21 =	vor.u32 $0x29, v1;
	v4 =	vld.idx.msk [tilespmem:v16+s13+$0x0], $0xffff  }
0x426: {  	v22 =	vld.idx.msk [tilespmem:v6+s12+$0x0], $0xffff;
	v2 =	vadd.f32 v3, v2;
	v3 =	vmul.f32 v5, v17  }
0x427: {  	v5 =	vld.idx.msk [tilespmem:v6+s13+$0x0], $0xffff;
	v6 =	vor.u32 $0x2A, v1  }
0x428: {  	v23 =	vld.idx.msk [tilespmem:v19+s12+$0x0], $0xffff;
	v2 =	vadd.f32 v3, v2;
	v3 =	vmul.f32 v7, v18  }
0x429: {  	v24 =	vor.u32 $0x2B, v1;
	v7 =	vld.idx.msk [tilespmem:v19+s13+$0x0], $0xffff  }
0x42a: {  	v25 =	vld.idx.msk [tilespmem:v21+s12+$0x0], $0xffff;
	v2 =	vadd.f32 v3, v2;
	v3 =	vmul.f32 v4, v20  }
0x42b: {  	v26 =	vor.u32 $0x2C, v1;
	v4 =	vld.idx.msk [tilespmem:v21+s13+$0x0], $0xffff  }
0x42c: {  	v27 =	vld.idx.msk [tilespmem:v6+s12+$0x0], $0xffff;
	v2 =	vadd.f32 v3, v2;
	v3 =	vmul.f32 v5, v22  }
0x42d: {  	v5 =	vld.idx.msk [tilespmem:v6+s13+$0x0], $0xffff;
	v6 =	vor.u32 $0x2D, v1  }
0x42e: {  	v28 =	vld.idx.msk [tilespmem:v24+s12+$0x0], $0xffff;
	v2 =	vadd.f32 v3, v2;
	v3 =	vmul.f32 v7, v23  }
0x42f: {  	v29 =	vor.u32 $0x2E, v1;
	v7 =	vld.idx.msk [tilespmem:v24+s13+$0x0], $0xffff  }
0x430: {  	v30 =	vld.idx.msk [tilespmem:v26+s12+$0x0], $0xffff;
	v2 =	vadd.f32 v3, v2;
	v3 =	vmul.f32 v4, v25  }
0x431: {  	v31 =	vor.u32 $0x2F, v1;
	v4 =	vld.idx.msk [tilespmem:v26+s13+$0x0], $0xffff  }
0x432: {  	v32 =	vld.idx.msk [tilespmem:v6+s12+$0x0], $0xffff;
	v2 =	vadd.f32 v3, v2;
	v3 =	vmul.f32 v5, v27  }
0x433: {  	v5 =	vld.idx.msk [tilespmem:v6+s13+$0x0], $0xffff;
	v6 =	vor.u32 $0x30, v1  }
0x434: {  	v33 =	vld.idx.msk [tilespmem:v29+s12+$0x0], $0xffff;
	v2 =	vadd.f32 v3, v2;
	v3 =	vmul.f32 v7, v28  }
0x435: {  	v34 =	vor.u32 $0x31, v1;
	v7 =	vld.idx.msk [tilespmem:v29+s13+$0x0], $0xffff  }
0x436: {  	v35 =	vld.idx.msk [tilespmem:v31+s12+$0x0], $0xffff;
	v2 =	vadd.f32 v3, v2;
	v3 =	vmul.f32 v4, v30  }
0x437: {  	v36 =	vor.u32 $0x32, v1;
	v4 =	vld.idx.msk [tilespmem:v31+s13+$0x0], $0xffff  }
0x438: {  	v37 =	vld.idx.msk [tilespmem:v6+s12+$0x0], $0xffff;
	v2 =	vadd.f32 v3, v2;
	v3 =	vmul.f32 v5, v32  }
0x439: {  	v5 =	vld.idx.msk [tilespmem:v6+s13+$0x0], $0xffff;
	v6 =	vor.u32 $0x33, v1  }
0x43a: {  	v38 =	vld.idx.msk [tilespmem:v34+s12+$0x0], $0xffff;
	v2 =	vadd.f32 v3, v2;
	v3 =	vmul.f32 v7, v33  }
0x43b: {  	v39 =	vor.u32 $0x34, v1;
	v7 =	vld.idx.msk [tilespmem:v34+s13+$0x0], $0xffff  }
0x43c: {  	v40 =	vld.idx.msk [tilespmem:v36+s12+$0x0], $0xffff;
	v2 =	vadd.f32 v3, v2;
	v3 =	vmul.f32 v4, v35  }
0x43d: {  	v41 =	vor.u32 $0x35, v1;
	v4 =	vld.idx.msk [tilespmem:v36+s13+$0x0], $0xffff  }
0x43e: {  	v42 =	vld.idx.msk [tilespmem:v6+s12+$0x0], $0xffff;
	v2 =	vadd.f32 v3, v2;
	v3 =	vmul.f32 v5, v37  }
0x43f: {  	v5 =	vld.idx.msk [tilespmem:v6+s13+$0x0], $0xffff;
	v6 =	vor.u32 $0x36, v1  }
0x440: {  	v43 =	vld.idx.msk [tilespmem:v39+s12+$0x0], $0xffff;
	v2 =	vadd.f32 v3, v2;
	v3 =	vmul.f32 v7, v38  }
0x441: {  	v44 =	vor.u32 $0x37, v1;
	v7 =	vld.idx.msk [tilespmem:v39+s13+$0x0], $0xffff  }
0x442: {  	v45 =	vld.idx.msk [tilespmem:v41+s12+$0x0], $0xffff;
	v2 =	vadd.f32 v3, v2;
	v3 =	vmul.f32 v4, v40  }
0x443: {  	v46 =	vor.u32 $0x38, v1;
	v4 =	vld.idx.msk [tilespmem:v41+s13+$0x0], $0xffff  }
0x444: {  	v47 =	vld.idx.msk [tilespmem:v6+s12+$0x0], $0xffff;
	v2 =	vadd.f32 v3, v2;
	v3 =	vmul.f32 v5, v42  }
0x445: {  	v5 =	vld.idx.msk [tilespmem:v6+s13+$0x0], $0xffff;
	v6 =	vor.u32 $0x39, v1  }
0x446: {  	v48 =	vld.idx.msk [tilespmem:v44+s12+$0x0], $0xffff;
	v2 =	vadd.f32 v3, v2;
	v3 =	vmul.f32 v7, v43  }
0x447: {  	v49 =	vor.u32 $0x3A, v1;
	v7 =	vld.idx.msk [tilespmem:v44+s13+$0x0], $0xffff  }
0x448: {  	v50 =	vld.idx.msk [tilespmem:v46+s12+$0x0], $0xffff;
	v2 =	vadd.f32 v3, v2;
	v3 =	vmul.f32 v4, v45  }
0x449: {  	v51 =	vor.u32 $0x3B, v1;
	v4 =	vld.idx.msk [tilespmem:v46+s13+$0x0], $0xffff  }
0x44a: {  	v52 =	vld.idx.msk [tilespmem:v6+s12+$0x0], $0xffff;
	v2 =	vadd.f32 v3, v2;
	v3 =	vmul.f32 v5, v47  }
0x44b: {  	v5 =	vld.idx.msk [tilespmem:v6+s13+$0x0], $0xffff;
	v6 =	vor.u32 $0x3C, v1  }
0x44c: {  	v53 =	vld.idx.msk [tilespmem:v49+s12+$0x0], $0xffff;
	v2 =	vadd.f32 v3, v2;
	v3 =	vmul.f32 v7, v48  }
0x44d: {  	v54 =	vor.u32 $0x3D, v1;
	v7 =	vld.idx.msk [tilespmem:v49+s13+$0x0], $0xffff  }
0x44e: {  	v55 =	vld.idx.msk [tilespmem:v51+s12+$0x0], $0xffff;
	v2 =	vadd.f32 v3, v2;
	v3 =	vmul.f32 v4, v50  }
0x44f: {  	v56 =	vor.u32 $0x3E, v1;
	v4 =	vld.idx.msk [tilespmem:v51+s13+$0x0], $0xffff  }
0x450: {  	v57 =	vld.idx.msk [tilespmem:v6+s12+$0x0], $0xffff;
	v2 =	vadd.f32 v3, v2;
	v3 =	vmul.f32 v5, v52  }
0x451: {  	v1 =	vor.u32 $0x3F, v1;
	v5 =	vld.idx.msk [tilespmem:v6+s13+$0x0], $0xffff  }
0x452: {  	v6 =	vld.idx.msk [tilespmem:v54+s12+$0x0], $0xffff;
	v2 =	vadd.f32 v3, v2;
	v3 =	vmul.f32 v7, v53  }
0x453: {  	v7 =	vld.idx.msk [tilespmem:v54+s13+$0x0], $0xffff  }
0x454: {  	v58 =	vld.idx.msk [tilespmem:v56+s12+$0x0], $0xffff;
	v2 =	vadd.f32 v3, v2;
	v3 =	vmul.f32 v4, v55  }
0x455: {  	v4 =	vld.idx.msk [tilespmem:v56+s13+$0x0], $0xffff  }
0x456: {  	v59 =	vld.idx.msk [tilespmem:v1+s12+$0x0], $0xffff;
	v2 =	vadd.f32 v3, v2;
	v3 =	vmul.f32 v5, v57  }
0x457: {  	v5 =	vld.idx.msk [tilespmem:v1+s13+$0x0], $0xffff  }
0x458: {  	v1 =	vadd.f32 v3, v2;
	v2 =	vmul.f32 v7, v6  }
0x459: {  	s30 =	simm.s32 $0x10  }
0x45a: {  	v3 =	vmov s30;
	v4 =	vmul.f32 v4, v58;
	v2 =	vadd.f32 v2, v1  }
0x45b: {  	v1 =	vshll.u32 v3, $0x7  }
0x45c: {  	v1 =	vor.u32 v0, v1;
	v3 =	vmul.f32 v5, v59;
	v2 =	vadd.f32 v4, v2;
	_ =	sdelay $0x1  }
0x45d: {  	v4 =	vor.u32 $0x1, v1;
	v2 =	vadd.f32 v3, v2  }
0x45e: {  	s16 =	simm.s32 $0x10400  }
0x45f: {  	v3 =	vor.u32 $0x2, v1;
	[tilespmem:s16+$0x0] =	vst v2  }
0x460: {  	v2 =	vld.idx.msk [tilespmem:v1+s13+$0x0], $0xffff  }
0x461: {  	v6 =	vor.u32 $0x3, v1;
	v5 =	vld.idx.msk [tilespmem:v1+s12+$0x0], $0xffff  }
0x462: {  	v7 =	vld.idx.msk [tilespmem:v4+s12+$0x0], $0xffff  }
0x463: {  	v60 =	vor.u32 $0x4, v1;
	v4 =	vld.idx.msk [tilespmem:v4+s13+$0x0], $0xffff  }
0x464: {  	v61 =	vld.idx.msk [tilespmem:v3+s12+$0x0], $0xffff  }
0x465: {  	v62 =	vor.u32 $0x5, v1;
	v3 =	vld.idx.msk [tilespmem:v3+s13+$0x0], $0xffff  }
0x466: {  	v63 =	vld.idx.msk [tilespmem:v6+s12+$0x0], $0xffff;
	v2 =	vmul.f32 v2, v5  }
0x467: {  	v5 =	vld.idx.msk [tilespmem:v6+s13+$0x0], $0xffff;
	v6 =	vor.u32 $0x6, v1  }
0x468: {  	v16 =	vld.idx.msk [tilespmem:v60+s12+$0x0], $0xffff;
	v4 =	vmul.f32 v4, v7;
	v2 =	vadd.f32 $0.0e+00, v2  }
0x469: {  	v17 =	vor.u32 $0x7, v1;
	v7 =	vld.idx.msk [tilespmem:v60+s13+$0x0], $0xffff  }
0x46a: {  	v18 =	vld.idx.msk [tilespmem:v62+s12+$0x0], $0xffff;
	v3 =	vmul.f32 v3, v61;
	v2 =	vadd.f32 v4, v2  }
0x46b: {  	v19 =	vor.u32 $0x8, v1;
	v4 =	vld.idx.msk [tilespmem:v62+s13+$0x0], $0xffff  }
0x46c: {  	v20 =	vld.idx.msk [tilespmem:v6+s12+$0x0], $0xffff;
	v2 =	vadd.f32 v3, v2;
	v3 =	vmul.f32 v5, v63  }
0x46d: {  	v5 =	vld.idx.msk [tilespmem:v6+s13+$0x0], $0xffff;
	v6 =	vor.u32 $0x9, v1  }
0x46e: {  	v21 =	vld.idx.msk [tilespmem:v17+s12+$0x0], $0xffff;
	v2 =	vadd.f32 v3, v2;
	v3 =	vmul.f32 v7, v16  }
0x46f: {  	v22 =	vor.u32 $0xA, v1;
	v7 =	vld.idx.msk [tilespmem:v17+s13+$0x0], $0xffff  }
0x470: {  	v23 =	vld.idx.msk [tilespmem:v19+s12+$0x0], $0xffff;
	v2 =	vadd.f32 v3, v2;
	v3 =	vmul.f32 v4, v18  }
0x471: {  	v24 =	vor.u32 $0xB, v1;
	v4 =	vld.idx.msk [tilespmem:v19+s13+$0x0], $0xffff  }
0x472: {  	v25 =	vld.idx.msk [tilespmem:v6+s12+$0x0], $0xffff;
	v2 =	vadd.f32 v3, v2;
	v3 =	vmul.f32 v5, v20  }
0x473: {  	v5 =	vld.idx.msk [tilespmem:v6+s13+$0x0], $0xffff;
	v6 =	vor.u32 $0xC, v1  }
0x474: {  	v26 =	vld.idx.msk [tilespmem:v22+s12+$0x0], $0xffff;
	v2 =	vadd.f32 v3, v2;
	v3 =	vmul.f32 v7, v21  }
0x475: {  	v27 =	vor.u32 $0xD, v1;
	v7 =	vld.idx.msk [tilespmem:v22+s13+$0x0], $0xffff  }
0x476: {  	v28 =	vld.idx.msk [tilespmem:v24+s12+$0x0], $0xffff;
	v2 =	vadd.f32 v3, v2;
	v3 =	vmul.f32 v4, v23  }
0x477: {  	v29 =	vor.u32 $0xE, v1;
	v4 =	vld.idx.msk [tilespmem:v24+s13+$0x0], $0xffff  }
0x478: {  	v30 =	vld.idx.msk [tilespmem:v6+s12+$0x0], $0xffff;
	v2 =	vadd.f32 v3, v2;
	v3 =	vmul.f32 v5, v25  }
0x479: {  	v5 =	vld.idx.msk [tilespmem:v6+s13+$0x0], $0xffff;
	v6 =	vor.u32 $0xF, v1  }
0x47a: {  	v31 =	vld.idx.msk [tilespmem:v27+s12+$0x0], $0xffff;
	v2 =	vadd.f32 v3, v2;
	v3 =	vmul.f32 v7, v26  }
0x47b: {  	v32 =	vor.u32 $0x10, v1;
	v7 =	vld.idx.msk [tilespmem:v27+s13+$0x0], $0xffff  }
0x47c: {  	v33 =	vld.idx.msk [tilespmem:v29+s12+$0x0], $0xffff;
	v2 =	vadd.f32 v3, v2;
	v3 =	vmul.f32 v4, v28  }
0x47d: {  	v34 =	vor.u32 $0x11, v1;
	v4 =	vld.idx.msk [tilespmem:v29+s13+$0x0], $0xffff  }
0x47e: {  	v35 =	vld.idx.msk [tilespmem:v6+s12+$0x0], $0xffff;
	v2 =	vadd.f32 v3, v2;
	v3 =	vmul.f32 v5, v30  }
0x47f: {  	v5 =	vld.idx.msk [tilespmem:v6+s13+$0x0], $0xffff;
	v6 =	vor.u32 $0x12, v1  }
0x480: {  	v36 =	vld.idx.msk [tilespmem:v32+s12+$0x0], $0xffff;
	v2 =	vadd.f32 v3, v2;
	v3 =	vmul.f32 v7, v31  }
0x481: {  	v37 =	vor.u32 $0x13, v1;
	v7 =	vld.idx.msk [tilespmem:v32+s13+$0x0], $0xffff  }
0x482: {  	v38 =	vld.idx.msk [tilespmem:v34+s12+$0x0], $0xffff;
	v2 =	vadd.f32 v3, v2;
	v3 =	vmul.f32 v4, v33  }
0x483: {  	v39 =	vor.u32 $0x14, v1;
	v4 =	vld.idx.msk [tilespmem:v34+s13+$0x0], $0xffff  }
0x484: {  	v40 =	vld.idx.msk [tilespmem:v6+s12+$0x0], $0xffff;
	v2 =	vadd.f32 v3, v2;
	v3 =	vmul.f32 v5, v35  }
0x485: {  	v5 =	vld.idx.msk [tilespmem:v6+s13+$0x0], $0xffff;
	v6 =	vor.u32 $0x15, v1  }
0x486: {  	v41 =	vld.idx.msk [tilespmem:v37+s12+$0x0], $0xffff;
	v2 =	vadd.f32 v3, v2;
	v3 =	vmul.f32 v7, v36  }
0x487: {  	v42 =	vor.u32 $0x16, v1;
	v7 =	vld.idx.msk [tilespmem:v37+s13+$0x0], $0xffff  }
0x488: {  	v43 =	vld.idx.msk [tilespmem:v39+s12+$0x0], $0xffff;
	v2 =	vadd.f32 v3, v2;
	v3 =	vmul.f32 v4, v38  }
0x489: {  	v44 =	vor.u32 $0x17, v1;
	v4 =	vld.idx.msk [tilespmem:v39+s13+$0x0], $0xffff  }
0x48a: {  	v45 =	vld.idx.msk [tilespmem:v6+s12+$0x0], $0xffff;
	v2 =	vadd.f32 v3, v2;
	v3 =	vmul.f32 v5, v40  }
0x48b: {  	v5 =	vld.idx.msk [tilespmem:v6+s13+$0x0], $0xffff;
	v6 =	vor.u32 $0x18, v1  }
0x48c: {  	v46 =	vld.idx.msk [tilespmem:v42+s12+$0x0], $0xffff;
	v2 =	vadd.f32 v3, v2;
	v3 =	vmul.f32 v7, v41  }
0x48d: {  	v47 =	vor.u32 $0x19, v1;
	v7 =	vld.idx.msk [tilespmem:v42+s13+$0x0], $0xffff  }
0x48e: {  	v48 =	vld.idx.msk [tilespmem:v44+s12+$0x0], $0xffff;
	v2 =	vadd.f32 v3, v2;
	v3 =	vmul.f32 v4, v43  }
0x48f: {  	v49 =	vor.u32 $0x1A, v1;
	v4 =	vld.idx.msk [tilespmem:v44+s13+$0x0], $0xffff  }
0x490: {  	v50 =	vld.idx.msk [tilespmem:v6+s12+$0x0], $0xffff;
	v2 =	vadd.f32 v3, v2;
	v3 =	vmul.f32 v5, v45  }
0x491: {  	v5 =	vld.idx.msk [tilespmem:v6+s13+$0x0], $0xffff;
	v6 =	vor.u32 $0x1B, v1  }
0x492: {  	v51 =	vld.idx.msk [tilespmem:v47+s12+$0x0], $0xffff;
	v2 =	vadd.f32 v3, v2;
	v3 =	vmul.f32 v7, v46  }
0x493: {  	v52 =	vor.u32 $0x1C, v1;
	v7 =	vld.idx.msk [tilespmem:v47+s13+$0x0], $0xffff  }
0x494: {  	v53 =	vld.idx.msk [tilespmem:v49+s12+$0x0], $0xffff;
	v2 =	vadd.f32 v3, v2;
	v3 =	vmul.f32 v4, v48  }
0x495: {  	v54 =	vor.u32 $0x1D, v1;
	v4 =	vld.idx.msk [tilespmem:v49+s13+$0x0], $0xffff  }
0x496: {  	v55 =	vld.idx.msk [tilespmem:v6+s12+$0x0], $0xffff;
	v2 =	vadd.f32 v3, v2;
	v3 =	vmul.f32 v5, v50  }
0x497: {  	v5 =	vld.idx.msk [tilespmem:v6+s13+$0x0], $0xffff;
	v6 =	vor.u32 $0x1E, v1  }
0x498: {  	v56 =	vld.idx.msk [tilespmem:v52+s12+$0x0], $0xffff;
	v2 =	vadd.f32 v3, v2;
	v3 =	vmul.f32 v7, v51  }
0x499: {  	v57 =	vor.u32 $0x1F, v1;
	v7 =	vld.idx.msk [tilespmem:v52+s13+$0x0], $0xffff  }
0x49a: {  	v58 =	vld.idx.msk [tilespmem:v54+s12+$0x0], $0xffff;
	v2 =	vadd.f32 v3, v2;
	v3 =	vmul.f32 v4, v53  }
0x49b: {  	v59 =	vor.u32 $0x20, v1;
	v4 =	vld.idx.msk [tilespmem:v54+s13+$0x0], $0xffff  }
0x49c: {  	v60 =	vld.idx.msk [tilespmem:v6+s12+$0x0], $0xffff;
	v2 =	vadd.f32 v3, v2;
	v3 =	vmul.f32 v5, v55  }
0x49d: {  	v5 =	vld.idx.msk [tilespmem:v6+s13+$0x0], $0xffff;
	v6 =	vor.u32 $0x21, v1  }
0x49e: {  	v61 =	vld.idx.msk [tilespmem:v57+s12+$0x0], $0xffff;
	v2 =	vadd.f32 v3, v2;
	v3 =	vmul.f32 v7, v56  }
0x49f: {  	v62 =	vor.u32 $0x22, v1;
	v7 =	vld.idx.msk [tilespmem:v57+s13+$0x0], $0xffff  }
0x4a0: {  	v63 =	vld.idx.msk [tilespmem:v59+s12+$0x0], $0xffff;
	v2 =	vadd.f32 v3, v2;
	v3 =	vmul.f32 v4, v58  }
0x4a1: {  	v16 =	vor.u32 $0x23, v1;
	v4 =	vld.idx.msk [tilespmem:v59+s13+$0x0], $0xffff  }
0x4a2: {  	v17 =	vld.idx.msk [tilespmem:v6+s12+$0x0], $0xffff;
	v2 =	vadd.f32 v3, v2;
	v3 =	vmul.f32 v5, v60  }
0x4a3: {  	v5 =	vld.idx.msk [tilespmem:v6+s13+$0x0], $0xffff;
	v6 =	vor.u32 $0x24, v1  }
0x4a4: {  	v18 =	vld.idx.msk [tilespmem:v62+s12+$0x0], $0xffff;
	v2 =	vadd.f32 v3, v2;
	v3 =	vmul.f32 v7, v61  }
0x4a5: {  	v19 =	vor.u32 $0x25, v1;
	v7 =	vld.idx.msk [tilespmem:v62+s13+$0x0], $0xffff  }
0x4a6: {  	v20 =	vld.idx.msk [tilespmem:v16+s12+$0x0], $0xffff;
	v2 =	vadd.f32 v3, v2;
	v3 =	vmul.f32 v4, v63  }
0x4a7: {  	v21 =	vor.u32 $0x26, v1;
	v4 =	vld.idx.msk [tilespmem:v16+s13+$0x0], $0xffff  }
0x4a8: {  	v22 =	vld.idx.msk [tilespmem:v6+s12+$0x0], $0xffff;
	v2 =	vadd.f32 v3, v2;
	v3 =	vmul.f32 v5, v17  }
0x4a9: {  	v5 =	vld.idx.msk [tilespmem:v6+s13+$0x0], $0xffff;
	v6 =	vor.u32 $0x27, v1  }
0x4aa: {  	v23 =	vld.idx.msk [tilespmem:v19+s12+$0x0], $0xffff;
	v2 =	vadd.f32 v3, v2;
	v3 =	vmul.f32 v7, v18  }
0x4ab: {  	v24 =	vor.u32 $0x28, v1;
	v7 =	vld.idx.msk [tilespmem:v19+s13+$0x0], $0xffff  }
0x4ac: {  	v25 =	vld.idx.msk [tilespmem:v21+s12+$0x0], $0xffff;
	v2 =	vadd.f32 v3, v2;
	v3 =	vmul.f32 v4, v20  }
0x4ad: {  	v26 =	vor.u32 $0x29, v1;
	v4 =	vld.idx.msk [tilespmem:v21+s13+$0x0], $0xffff  }
0x4ae: {  	v27 =	vld.idx.msk [tilespmem:v6+s12+$0x0], $0xffff;
	v2 =	vadd.f32 v3, v2;
	v3 =	vmul.f32 v5, v22  }
0x4af: {  	v5 =	vld.idx.msk [tilespmem:v6+s13+$0x0], $0xffff;
	v6 =	vor.u32 $0x2A, v1  }
0x4b0: {  	v28 =	vld.idx.msk [tilespmem:v24+s12+$0x0], $0xffff;
	v2 =	vadd.f32 v3, v2;
	v3 =	vmul.f32 v7, v23  }
0x4b1: {  	v29 =	vor.u32 $0x2B, v1;
	v7 =	vld.idx.msk [tilespmem:v24+s13+$0x0], $0xffff  }
0x4b2: {  	v30 =	vld.idx.msk [tilespmem:v26+s12+$0x0], $0xffff;
	v2 =	vadd.f32 v3, v2;
	v3 =	vmul.f32 v4, v25  }
0x4b3: {  	v31 =	vor.u32 $0x2C, v1;
	v4 =	vld.idx.msk [tilespmem:v26+s13+$0x0], $0xffff  }
0x4b4: {  	v32 =	vld.idx.msk [tilespmem:v6+s12+$0x0], $0xffff;
	v2 =	vadd.f32 v3, v2;
	v3 =	vmul.f32 v5, v27  }
0x4b5: {  	v5 =	vld.idx.msk [tilespmem:v6+s13+$0x0], $0xffff;
	v6 =	vor.u32 $0x2D, v1  }
0x4b6: {  	v33 =	vld.idx.msk [tilespmem:v29+s12+$0x0], $0xffff;
	v2 =	vadd.f32 v3, v2;
	v3 =	vmul.f32 v7, v28  }
0x4b7: {  	v34 =	vor.u32 $0x2E, v1;
	v7 =	vld.idx.msk [tilespmem:v29+s13+$0x0], $0xffff  }
0x4b8: {  	v35 =	vld.idx.msk [tilespmem:v31+s12+$0x0], $0xffff;
	v2 =	vadd.f32 v3, v2;
	v3 =	vmul.f32 v4, v30  }
0x4b9: {  	v36 =	vor.u32 $0x2F, v1;
	v4 =	vld.idx.msk [tilespmem:v31+s13+$0x0], $0xffff  }
0x4ba: {  	v37 =	vld.idx.msk [tilespmem:v6+s12+$0x0], $0xffff;
	v2 =	vadd.f32 v3, v2;
	v3 =	vmul.f32 v5, v32  }
0x4bb: {  	v5 =	vld.idx.msk [tilespmem:v6+s13+$0x0], $0xffff;
	v6 =	vor.u32 $0x30, v1  }
0x4bc: {  	v38 =	vld.idx.msk [tilespmem:v34+s12+$0x0], $0xffff;
	v2 =	vadd.f32 v3, v2;
	v3 =	vmul.f32 v7, v33  }
0x4bd: {  	v39 =	vor.u32 $0x31, v1;
	v7 =	vld.idx.msk [tilespmem:v34+s13+$0x0], $0xffff  }
0x4be: {  	v40 =	vld.idx.msk [tilespmem:v36+s12+$0x0], $0xffff;
	v2 =	vadd.f32 v3, v2;
	v3 =	vmul.f32 v4, v35  }
0x4bf: {  	v41 =	vor.u32 $0x32, v1;
	v4 =	vld.idx.msk [tilespmem:v36+s13+$0x0], $0xffff  }
0x4c0: {  	v42 =	vld.idx.msk [tilespmem:v6+s12+$0x0], $0xffff;
	v2 =	vadd.f32 v3, v2;
	v3 =	vmul.f32 v5, v37  }
0x4c1: {  	v5 =	vld.idx.msk [tilespmem:v6+s13+$0x0], $0xffff;
	v6 =	vor.u32 $0x33, v1  }
0x4c2: {  	v43 =	vld.idx.msk [tilespmem:v39+s12+$0x0], $0xffff;
	v2 =	vadd.f32 v3, v2;
	v3 =	vmul.f32 v7, v38  }
0x4c3: {  	v44 =	vor.u32 $0x34, v1;
	v7 =	vld.idx.msk [tilespmem:v39+s13+$0x0], $0xffff  }
0x4c4: {  	v45 =	vld.idx.msk [tilespmem:v41+s12+$0x0], $0xffff;
	v2 =	vadd.f32 v3, v2;
	v3 =	vmul.f32 v4, v40  }
0x4c5: {  	v46 =	vor.u32 $0x35, v1;
	v4 =	vld.idx.msk [tilespmem:v41+s13+$0x0], $0xffff  }
0x4c6: {  	v47 =	vld.idx.msk [tilespmem:v6+s12+$0x0], $0xffff;
	v2 =	vadd.f32 v3, v2;
	v3 =	vmul.f32 v5, v42  }
0x4c7: {  	v5 =	vld.idx.msk [tilespmem:v6+s13+$0x0], $0xffff;
	v6 =	vor.u32 $0x36, v1  }
0x4c8: {  	v48 =	vld.idx.msk [tilespmem:v44+s12+$0x0], $0xffff;
	v2 =	vadd.f32 v3, v2;
	v3 =	vmul.f32 v7, v43  }
0x4c9: {  	v49 =	vor.u32 $0x37, v1;
	v7 =	vld.idx.msk [tilespmem:v44+s13+$0x0], $0xffff  }
0x4ca: {  	v50 =	vld.idx.msk [tilespmem:v46+s12+$0x0], $0xffff;
	v2 =	vadd.f32 v3, v2;
	v3 =	vmul.f32 v4, v45  }
0x4cb: {  	v51 =	vor.u32 $0x38, v1;
	v4 =	vld.idx.msk [tilespmem:v46+s13+$0x0], $0xffff  }
0x4cc: {  	v52 =	vld.idx.msk [tilespmem:v6+s12+$0x0], $0xffff;
	v2 =	vadd.f32 v3, v2;
	v3 =	vmul.f32 v5, v47  }
0x4cd: {  	v5 =	vld.idx.msk [tilespmem:v6+s13+$0x0], $0xffff;
	v6 =	vor.u32 $0x39, v1  }
0x4ce: {  	v53 =	vld.idx.msk [tilespmem:v49+s12+$0x0], $0xffff;
	v2 =	vadd.f32 v3, v2;
	v3 =	vmul.f32 v7, v48  }
0x4cf: {  	v54 =	vor.u32 $0x3A, v1;
	v7 =	vld.idx.msk [tilespmem:v49+s13+$0x0], $0xffff  }
0x4d0: {  	v55 =	vld.idx.msk [tilespmem:v51+s12+$0x0], $0xffff;
	v2 =	vadd.f32 v3, v2;
	v3 =	vmul.f32 v4, v50  }
0x4d1: {  	v56 =	vor.u32 $0x3B, v1;
	v4 =	vld.idx.msk [tilespmem:v51+s13+$0x0], $0xffff  }
0x4d2: {  	v57 =	vld.idx.msk [tilespmem:v6+s12+$0x0], $0xffff;
	v2 =	vadd.f32 v3, v2;
	v3 =	vmul.f32 v5, v52  }
0x4d3: {  	v5 =	vld.idx.msk [tilespmem:v6+s13+$0x0], $0xffff;
	v6 =	vor.u32 $0x3C, v1  }
0x4d4: {  	v58 =	vld.idx.msk [tilespmem:v54+s12+$0x0], $0xffff;
	v2 =	vadd.f32 v3, v2;
	v3 =	vmul.f32 v7, v53  }
0x4d5: {  	v7 =	vld.idx.msk [tilespmem:v54+s13+$0x0], $0xffff  }
0x4d6: {  	v60 =	vld.idx.msk [tilespmem:v56+s12+$0x0], $0xffff;
	v2 =	vadd.f32 v3, v2;
	v3 =	vmul.f32 v4, v55  }
0x4d7: {  	v59 =	vor.u32 $0x3D, v1;
	v4 =	vld.idx.msk [tilespmem:v56+s13+$0x0], $0xffff  }
0x4d8: {  	v62 =	vld.idx.msk [tilespmem:v6+s12+$0x0], $0xffff;
	v2 =	vadd.f32 v3, v2;
	v3 =	vmul.f32 v5, v57  }
0x4d9: {  	v61 =	vor.u32 $0x3E, v1;
	v5 =	vld.idx.msk [tilespmem:v6+s13+$0x0], $0xffff  }
0x4da: {  	v2 =	vadd.f32 v3, v2;
	v3 =	vmul.f32 v7, v58  }
0x4db: {  	v1 =	vor.u32 $0x3F, v1  }
0x4dc: {  	v6 =	vld.idx.msk [tilespmem:v59+s12+$0x0], $0xffff;
	v2 =	vadd.f32 v3, v2;
	v3 =	vmul.f32 v4, v60  }
0x4dd: {  	v7 =	vld.idx.msk [tilespmem:v59+s13+$0x0], $0xffff  }
0x4de: {  	v63 =	vld.idx.msk [tilespmem:v61+s12+$0x0], $0xffff;
	v2 =	vadd.f32 v3, v2;
	v3 =	vmul.f32 v5, v62  }
0x4df: {  	v9 =	vld.idx.msk [tilespmem:v61+s13+$0x0], $0xffff  }
0x4e0: {  	v4 =	vadd.f32 v3, v2;
	v2 =	vld.idx.msk [tilespmem:v1+s12+$0x0], $0xffff  }
0x4e1: {  	v3 =	vld.idx.msk [tilespmem:v1+s13+$0x0], $0xffff  }
0x4e2: {  	v5 =	vmul.f32 v7, v6  }
0x4e3: {  	s31 =	simm.s32 $0x20  }
0x4e4: {  	v6 =	vmov s31;
	v4 =	vadd.f32 v5, v4;
	v5 =	vmul.f32 v9, v63  }
0x4e5: {  	s17 =	simm.s32 $0x30;
	s2 =	simm.s32 $0x2;
	v1 =	vshll.u32 v6, $0x7  }
.LBB2_12:
0x4e6: {  	p0 =	sne.s32 s17, $0xF0;
	v1 =	vor.u32 v0, v1;
	v4 =	vadd.f32 v5, v4;
	v2 =	vmul.f32 v3, v2;
	_ =	sdelay $0x1  }
0x4e7: {  	v3 =	vor.u32 $0x1, v1;
	v2 =	vadd.f32 v2, v4  }
0x4e8: {  	s16 =	sadd.s32 $0x10, s16  }
0x4e9: {  	v4 =	vor.u32 $0x2, v1;
	[tilespmem:s16+$0x0] =	vst v2  }
0x4ea: {  	v2 =	vld.idx.msk [tilespmem:v1+s13+$0x0], $0xffff  }
0x4eb: {  	v6 =	vor.u32 $0x3, v1;
	v5 =	vld.idx.msk [tilespmem:v1+s12+$0x0], $0xffff  }
0x4ec: {  	v7 =	vld.idx.msk [tilespmem:v3+s12+$0x0], $0xffff  }
0x4ed: {  	v8 =	vor.u32 $0x4, v1;
	v3 =	vld.idx.msk [tilespmem:v3+s13+$0x0], $0xffff  }
0x4ee: {  	v9 =	vld.idx.msk [tilespmem:v4+s12+$0x0], $0xffff  }
0x4ef: {  	v10 =	vor.u32 $0x5, v1;
	v4 =	vld.idx.msk [tilespmem:v4+s13+$0x0], $0xffff  }
0x4f0: {  	v11 =	vld.idx.msk [tilespmem:v6+s12+$0x0], $0xffff  }
0x4f1: {  	v2 =	vmul.f32 v2, v5;
	v5 =	vld.idx.msk [tilespmem:v6+s13+$0x0], $0xffff;
	v6 =	vor.u32 $0x6, v1  }
0x4f2: {  	v12 =	vld.idx.msk [tilespmem:v8+s12+$0x0], $0xffff  }
0x4f3: {  	v2 =	vadd.f32 $0.0e+00, v2;
	v3 =	vmul.f32 v3, v7;
	v7 =	vld.idx.msk [tilespmem:v8+s13+$0x0], $0xffff;
	v8 =	vor.u32 $0x7, v1  }
0x4f4: {  	v13 =	vld.idx.msk [tilespmem:v10+s12+$0x0], $0xffff  }
0x4f5: {  	v2 =	vadd.f32 v3, v2;
	v3 =	vmul.f32 v4, v9;
	v9 =	vor.u32 $0x8, v1;
	v4 =	vld.idx.msk [tilespmem:v10+s13+$0x0], $0xffff  }
0x4f6: {  	v10 =	vld.idx.msk [tilespmem:v6+s12+$0x0], $0xffff  }
0x4f7: {  	v2 =	vadd.f32 v3, v2;
	v3 =	vmul.f32 v5, v11;
	v5 =	vld.idx.msk [tilespmem:v6+s13+$0x0], $0xffff;
	v6 =	vor.u32 $0x9, v1  }
0x4f8: {  	v11 =	vld.idx.msk [tilespmem:v8+s12+$0x0], $0xffff  }
0x4f9: {  	v2 =	vadd.f32 v3, v2;
	v3 =	vmul.f32 v7, v12;
	v7 =	vld.idx.msk [tilespmem:v8+s13+$0x0], $0xffff;
	v8 =	vor.u32 $0xA, v1  }
0x4fa: {  	v12 =	vld.idx.msk [tilespmem:v9+s12+$0x0], $0xffff  }
0x4fb: {  	v2 =	vadd.f32 v3, v2;
	v3 =	vmul.f32 v4, v13;
	v4 =	vld.idx.msk [tilespmem:v9+s13+$0x0], $0xffff;
	v9 =	vor.u32 $0xB, v1  }
0x4fc: {  	v13 =	vld.idx.msk [tilespmem:v6+s12+$0x0], $0xffff  }
0x4fd: {  	v2 =	vadd.f32 v3, v2;
	v3 =	vmul.f32 v5, v10;
	v5 =	vld.idx.msk [tilespmem:v6+s13+$0x0], $0xffff;
	v6 =	vor.u32 $0xC, v1  }
0x4fe: {  	v10 =	vld.idx.msk [tilespmem:v8+s12+$0x0], $0xffff  }
0x4ff: {  	v2 =	vadd.f32 v3, v2;
	v3 =	vmul.f32 v7, v11;
	v7 =	vld.idx.msk [tilespmem:v8+s13+$0x0], $0xffff;
	v8 =	vor.u32 $0xD, v1  }
0x500: {  	v11 =	vld.idx.msk [tilespmem:v9+s12+$0x0], $0xffff  }
0x501: {  	v2 =	vadd.f32 v3, v2;
	v3 =	vmul.f32 v4, v12;
	v4 =	vld.idx.msk [tilespmem:v9+s13+$0x0], $0xffff;
	v9 =	vor.u32 $0xE, v1  }
0x502: {  	v12 =	vld.idx.msk [tilespmem:v6+s12+$0x0], $0xffff  }
0x503: {  	v2 =	vadd.f32 v3, v2;
	v3 =	vmul.f32 v5, v13;
	v5 =	vld.idx.msk [tilespmem:v6+s13+$0x0], $0xffff;
	v6 =	vor.u32 $0xF, v1  }
0x504: {  	v13 =	vld.idx.msk [tilespmem:v8+s12+$0x0], $0xffff  }
0x505: {  	v2 =	vadd.f32 v3, v2;
	v3 =	vmul.f32 v7, v10;
	v7 =	vld.idx.msk [tilespmem:v8+s13+$0x0], $0xffff;
	v8 =	vor.u32 $0x10, v1  }
0x506: {  	v10 =	vld.idx.msk [tilespmem:v9+s12+$0x0], $0xffff  }
0x507: {  	v2 =	vadd.f32 v3, v2;
	v3 =	vmul.f32 v4, v11;
	v4 =	vld.idx.msk [tilespmem:v9+s13+$0x0], $0xffff;
	v9 =	vor.u32 $0x11, v1  }
0x508: {  	v11 =	vld.idx.msk [tilespmem:v6+s12+$0x0], $0xffff  }
0x509: {  	v2 =	vadd.f32 v3, v2;
	v3 =	vmul.f32 v5, v12;
	v5 =	vld.idx.msk [tilespmem:v6+s13+$0x0], $0xffff;
	v6 =	vor.u32 $0x12, v1  }
0x50a: {  	v12 =	vld.idx.msk [tilespmem:v8+s12+$0x0], $0xffff  }
0x50b: {  	v2 =	vadd.f32 v3, v2;
	v3 =	vmul.f32 v7, v13;
	v7 =	vld.idx.msk [tilespmem:v8+s13+$0x0], $0xffff;
	v8 =	vor.u32 $0x13, v1  }
0x50c: {  	v13 =	vld.idx.msk [tilespmem:v9+s12+$0x0], $0xffff  }
0x50d: {  	v2 =	vadd.f32 v3, v2;
	v3 =	vmul.f32 v4, v10;
	v4 =	vld.idx.msk [tilespmem:v9+s13+$0x0], $0xffff;
	v9 =	vor.u32 $0x14, v1  }
0x50e: {  	v10 =	vld.idx.msk [tilespmem:v6+s12+$0x0], $0xffff  }
0x50f: {  	v2 =	vadd.f32 v3, v2;
	v3 =	vmul.f32 v5, v11;
	v5 =	vld.idx.msk [tilespmem:v6+s13+$0x0], $0xffff;
	v6 =	vor.u32 $0x15, v1  }
0x510: {  	v11 =	vld.idx.msk [tilespmem:v8+s12+$0x0], $0xffff  }
0x511: {  	v2 =	vadd.f32 v3, v2;
	v3 =	vmul.f32 v7, v12;
	v7 =	vld.idx.msk [tilespmem:v8+s13+$0x0], $0xffff;
	v8 =	vor.u32 $0x16, v1  }
0x512: {  	v12 =	vld.idx.msk [tilespmem:v9+s12+$0x0], $0xffff  }
0x513: {  	v2 =	vadd.f32 v3, v2;
	v3 =	vmul.f32 v4, v13;
	v4 =	vld.idx.msk [tilespmem:v9+s13+$0x0], $0xffff;
	v9 =	vor.u32 $0x17, v1  }
0x514: {  	v13 =	vld.idx.msk [tilespmem:v6+s12+$0x0], $0xffff  }
0x515: {  	v2 =	vadd.f32 v3, v2;
	v3 =	vmul.f32 v5, v10;
	v5 =	vld.idx.msk [tilespmem:v6+s13+$0x0], $0xffff;
	v6 =	vor.u32 $0x18, v1  }
0x516: {  	v10 =	vld.idx.msk [tilespmem:v8+s12+$0x0], $0xffff  }
0x517: {  	v2 =	vadd.f32 v3, v2;
	v3 =	vmul.f32 v7, v11;
	v7 =	vld.idx.msk [tilespmem:v8+s13+$0x0], $0xffff;
	v8 =	vor.u32 $0x19, v1  }
0x518: {  	v11 =	vld.idx.msk [tilespmem:v9+s12+$0x0], $0xffff  }
0x519: {  	v2 =	vadd.f32 v3, v2;
	v3 =	vmul.f32 v4, v12;
	v4 =	vld.idx.msk [tilespmem:v9+s13+$0x0], $0xffff;
	v9 =	vor.u32 $0x1A, v1  }
0x51a: {  	v12 =	vld.idx.msk [tilespmem:v6+s12+$0x0], $0xffff  }
0x51b: {  	v2 =	vadd.f32 v3, v2;
	v3 =	vmul.f32 v5, v13;
	v5 =	vld.idx.msk [tilespmem:v6+s13+$0x0], $0xffff;
	v6 =	vor.u32 $0x1B, v1  }
0x51c: {  	v13 =	vld.idx.msk [tilespmem:v8+s12+$0x0], $0xffff  }
0x51d: {  	v2 =	vadd.f32 v3, v2;
	v3 =	vmul.f32 v7, v10;
	v7 =	vld.idx.msk [tilespmem:v8+s13+$0x0], $0xffff;
	v8 =	vor.u32 $0x1C, v1  }
0x51e: {  	v10 =	vld.idx.msk [tilespmem:v9+s12+$0x0], $0xffff  }
0x51f: {  	v2 =	vadd.f32 v3, v2;
	v3 =	vmul.f32 v4, v11;
	v4 =	vld.idx.msk [tilespmem:v9+s13+$0x0], $0xffff;
	v9 =	vor.u32 $0x1D, v1  }
0x520: {  	v11 =	vld.idx.msk [tilespmem:v6+s12+$0x0], $0xffff  }
0x521: {  	v2 =	vadd.f32 v3, v2;
	v3 =	vmul.f32 v5, v12;
	v5 =	vld.idx.msk [tilespmem:v6+s13+$0x0], $0xffff;
	v6 =	vor.u32 $0x1E, v1  }
0x522: {  	v12 =	vld.idx.msk [tilespmem:v8+s12+$0x0], $0xffff  }
0x523: {  	v2 =	vadd.f32 v3, v2;
	v3 =	vmul.f32 v7, v13;
	v7 =	vld.idx.msk [tilespmem:v8+s13+$0x0], $0xffff;
	v8 =	vor.u32 $0x1F, v1  }
0x524: {  	v13 =	vld.idx.msk [tilespmem:v9+s12+$0x0], $0xffff  }
0x525: {  	v2 =	vadd.f32 v3, v2;
	v3 =	vmul.f32 v4, v10;
	v4 =	vld.idx.msk [tilespmem:v9+s13+$0x0], $0xffff;
	v9 =	vor.u32 $0x20, v1  }
0x526: {  	v10 =	vld.idx.msk [tilespmem:v6+s12+$0x0], $0xffff  }
0x527: {  	v2 =	vadd.f32 v3, v2;
	v3 =	vmul.f32 v5, v11;
	v5 =	vld.idx.msk [tilespmem:v6+s13+$0x0], $0xffff;
	v6 =	vor.u32 $0x21, v1  }
0x528: {  	v11 =	vld.idx.msk [tilespmem:v8+s12+$0x0], $0xffff  }
0x529: {  	v2 =	vadd.f32 v3, v2;
	v3 =	vmul.f32 v7, v12;
	v7 =	vld.idx.msk [tilespmem:v8+s13+$0x0], $0xffff;
	v8 =	vor.u32 $0x22, v1  }
0x52a: {  	v12 =	vld.idx.msk [tilespmem:v9+s12+$0x0], $0xffff  }
0x52b: {  	v2 =	vadd.f32 v3, v2;
	v3 =	vmul.f32 v4, v13;
	v4 =	vld.idx.msk [tilespmem:v9+s13+$0x0], $0xffff;
	v9 =	vor.u32 $0x23, v1  }
0x52c: {  	v13 =	vld.idx.msk [tilespmem:v6+s12+$0x0], $0xffff  }
0x52d: {  	v2 =	vadd.f32 v3, v2;
	v3 =	vmul.f32 v5, v10;
	v5 =	vld.idx.msk [tilespmem:v6+s13+$0x0], $0xffff;
	v6 =	vor.u32 $0x24, v1  }
0x52e: {  	v10 =	vld.idx.msk [tilespmem:v8+s12+$0x0], $0xffff  }
0x52f: {  	v2 =	vadd.f32 v3, v2;
	v3 =	vmul.f32 v7, v11;
	v7 =	vld.idx.msk [tilespmem:v8+s13+$0x0], $0xffff;
	v8 =	vor.u32 $0x25, v1  }
0x530: {  	v11 =	vld.idx.msk [tilespmem:v9+s12+$0x0], $0xffff  }
0x531: {  	v2 =	vadd.f32 v3, v2;
	v3 =	vmul.f32 v4, v12;
	v4 =	vld.idx.msk [tilespmem:v9+s13+$0x0], $0xffff;
	v9 =	vor.u32 $0x26, v1  }
0x532: {  	v12 =	vld.idx.msk [tilespmem:v6+s12+$0x0], $0xffff  }
0x533: {  	v2 =	vadd.f32 v3, v2;
	v3 =	vmul.f32 v5, v13;
	v5 =	vld.idx.msk [tilespmem:v6+s13+$0x0], $0xffff;
	v6 =	vor.u32 $0x27, v1  }
0x534: {  	v13 =	vld.idx.msk [tilespmem:v8+s12+$0x0], $0xffff  }
0x535: {  	v2 =	vadd.f32 v3, v2;
	v3 =	vmul.f32 v7, v10;
	v7 =	vld.idx.msk [tilespmem:v8+s13+$0x0], $0xffff;
	v8 =	vor.u32 $0x28, v1  }
0x536: {  	v10 =	vld.idx.msk [tilespmem:v9+s12+$0x0], $0xffff  }
0x537: {  	v2 =	vadd.f32 v3, v2;
	v3 =	vmul.f32 v4, v11;
	v4 =	vld.idx.msk [tilespmem:v9+s13+$0x0], $0xffff;
	v9 =	vor.u32 $0x29, v1  }
0x538: {  	v11 =	vld.idx.msk [tilespmem:v6+s12+$0x0], $0xffff  }
0x539: {  	v2 =	vadd.f32 v3, v2;
	v3 =	vmul.f32 v5, v12;
	v5 =	vld.idx.msk [tilespmem:v6+s13+$0x0], $0xffff;
	v6 =	vor.u32 $0x2A, v1  }
0x53a: {  	v12 =	vld.idx.msk [tilespmem:v8+s12+$0x0], $0xffff  }
0x53b: {  	v2 =	vadd.f32 v3, v2;
	v3 =	vmul.f32 v7, v13;
	v7 =	vld.idx.msk [tilespmem:v8+s13+$0x0], $0xffff;
	v8 =	vor.u32 $0x2B, v1  }
0x53c: {  	v13 =	vld.idx.msk [tilespmem:v9+s12+$0x0], $0xffff  }
0x53d: {  	v2 =	vadd.f32 v3, v2;
	v3 =	vmul.f32 v4, v10;
	v4 =	vld.idx.msk [tilespmem:v9+s13+$0x0], $0xffff;
	v9 =	vor.u32 $0x2C, v1  }
0x53e: {  	v10 =	vld.idx.msk [tilespmem:v6+s12+$0x0], $0xffff  }
0x53f: {  	v2 =	vadd.f32 v3, v2;
	v3 =	vmul.f32 v5, v11;
	v5 =	vld.idx.msk [tilespmem:v6+s13+$0x0], $0xffff;
	v6 =	vor.u32 $0x2D, v1  }
0x540: {  	v11 =	vld.idx.msk [tilespmem:v8+s12+$0x0], $0xffff  }
0x541: {  	v2 =	vadd.f32 v3, v2;
	v3 =	vmul.f32 v7, v12;
	v7 =	vld.idx.msk [tilespmem:v8+s13+$0x0], $0xffff;
	v8 =	vor.u32 $0x2E, v1  }
0x542: {  	v12 =	vld.idx.msk [tilespmem:v9+s12+$0x0], $0xffff  }
0x543: {  	v2 =	vadd.f32 v3, v2;
	v3 =	vmul.f32 v4, v13;
	v4 =	vld.idx.msk [tilespmem:v9+s13+$0x0], $0xffff;
	v9 =	vor.u32 $0x2F, v1  }
0x544: {  	v13 =	vld.idx.msk [tilespmem:v6+s12+$0x0], $0xffff  }
0x545: {  	v2 =	vadd.f32 v3, v2;
	v3 =	vmul.f32 v5, v10;
	v5 =	vld.idx.msk [tilespmem:v6+s13+$0x0], $0xffff;
	v6 =	vor.u32 $0x30, v1  }
0x546: {  	v10 =	vld.idx.msk [tilespmem:v8+s12+$0x0], $0xffff  }
0x547: {  	v2 =	vadd.f32 v3, v2;
	v3 =	vmul.f32 v7, v11;
	v7 =	vld.idx.msk [tilespmem:v8+s13+$0x0], $0xffff;
	v8 =	vor.u32 $0x31, v1  }
0x548: {  	v11 =	vld.idx.msk [tilespmem:v9+s12+$0x0], $0xffff  }
0x549: {  	v2 =	vadd.f32 v3, v2;
	v3 =	vmul.f32 v4, v12;
	v4 =	vld.idx.msk [tilespmem:v9+s13+$0x0], $0xffff;
	v9 =	vor.u32 $0x32, v1  }
0x54a: {  	v12 =	vld.idx.msk [tilespmem:v6+s12+$0x0], $0xffff  }
0x54b: {  	v2 =	vadd.f32 v3, v2;
	v3 =	vmul.f32 v5, v13;
	v5 =	vld.idx.msk [tilespmem:v6+s13+$0x0], $0xffff;
	v6 =	vor.u32 $0x33, v1  }
0x54c: {  	v13 =	vld.idx.msk [tilespmem:v8+s12+$0x0], $0xffff  }
0x54d: {  	v2 =	vadd.f32 v3, v2;
	v3 =	vmul.f32 v7, v10;
	v7 =	vld.idx.msk [tilespmem:v8+s13+$0x0], $0xffff;
	v8 =	vor.u32 $0x34, v1  }
0x54e: {  	v10 =	vld.idx.msk [tilespmem:v9+s12+$0x0], $0xffff  }
0x54f: {  	v2 =	vadd.f32 v3, v2;
	v3 =	vmul.f32 v4, v11;
	v4 =	vld.idx.msk [tilespmem:v9+s13+$0x0], $0xffff;
	v9 =	vor.u32 $0x35, v1  }
0x550: {  	v11 =	vld.idx.msk [tilespmem:v6+s12+$0x0], $0xffff  }
0x551: {  	v2 =	vadd.f32 v3, v2;
	v3 =	vmul.f32 v5, v12;
	v5 =	vld.idx.msk [tilespmem:v6+s13+$0x0], $0xffff;
	v6 =	vor.u32 $0x36, v1  }
0x552: {  	v12 =	vld.idx.msk [tilespmem:v8+s12+$0x0], $0xffff  }
0x553: {  	v2 =	vadd.f32 v3, v2;
	v3 =	vmul.f32 v7, v13;
	v7 =	vld.idx.msk [tilespmem:v8+s13+$0x0], $0xffff;
	v8 =	vor.u32 $0x37, v1  }
0x554: {  	v13 =	vld.idx.msk [tilespmem:v9+s12+$0x0], $0xffff  }
0x555: {  	v2 =	vadd.f32 v3, v2;
	v3 =	vmul.f32 v4, v10;
	v4 =	vld.idx.msk [tilespmem:v9+s13+$0x0], $0xffff;
	v9 =	vor.u32 $0x38, v1  }
0x556: {  	v10 =	vld.idx.msk [tilespmem:v6+s12+$0x0], $0xffff  }
0x557: {  	v2 =	vadd.f32 v3, v2;
	v3 =	vmul.f32 v5, v11;
	v5 =	vld.idx.msk [tilespmem:v6+s13+$0x0], $0xffff;
	v6 =	vor.u32 $0x39, v1  }
0x558: {  	v11 =	vld.idx.msk [tilespmem:v8+s12+$0x0], $0xffff  }
0x559: {  	v2 =	vadd.f32 v3, v2;
	v3 =	vmul.f32 v7, v12;
	v7 =	vld.idx.msk [tilespmem:v8+s13+$0x0], $0xffff;
	v8 =	vor.u32 $0x3A, v1  }
0x55a: {  	v12 =	vld.idx.msk [tilespmem:v9+s12+$0x0], $0xffff  }
0x55b: {  	v2 =	vadd.f32 v3, v2;
	v3 =	vmul.f32 v4, v13;
	v4 =	vld.idx.msk [tilespmem:v9+s13+$0x0], $0xffff;
	v9 =	vor.u32 $0x3B, v1  }
0x55c: {  	v13 =	vld.idx.msk [tilespmem:v6+s12+$0x0], $0xffff  }
0x55d: {  	v2 =	vadd.f32 v3, v2;
	v3 =	vmul.f32 v5, v10;
	v5 =	vld.idx.msk [tilespmem:v6+s13+$0x0], $0xffff;
	v6 =	vor.u32 $0x3C, v1  }
0x55e: {  	v10 =	vld.idx.msk [tilespmem:v8+s12+$0x0], $0xffff  }
0x55f: {  	v2 =	vadd.f32 v3, v2;
	v3 =	vmul.f32 v7, v11;
	v7 =	vld.idx.msk [tilespmem:v8+s13+$0x0], $0xffff;
	v8 =	vor.u32 $0x3D, v1  }
0x560: {  	v11 =	vld.idx.msk [tilespmem:v9+s12+$0x0], $0xffff  }
0x561: {  	v2 =	vadd.f32 v3, v2;
	v3 =	vmul.f32 v4, v12;
	v4 =	vld.idx.msk [tilespmem:v9+s13+$0x0], $0xffff;
	v9 =	vor.u32 $0x3E, v1  }
0x562: {  	v12 =	vld.idx.msk [tilespmem:v6+s12+$0x0], $0xffff  }
0x563: {  	v1 =	vor.u32 $0x3F, v1;
	v2 =	vadd.f32 v3, v2;
	v3 =	vmul.f32 v5, v13;
	v5 =	vld.idx.msk [tilespmem:v6+s13+$0x0], $0xffff  }
0x564: {  	v6 =	vld.idx.msk [tilespmem:v8+s12+$0x0], $0xffff  }
0x565: {  	v2 =	vadd.f32 v3, v2;
	v3 =	vmul.f32 v7, v10;
	v7 =	vld.idx.msk [tilespmem:v8+s13+$0x0], $0xffff  }
0x566: {  	v8 =	vld.idx.msk [tilespmem:v9+s12+$0x0], $0xffff  }
0x567: {  	v3 =	vadd.f32 v3, v2;
	v4 =	vmul.f32 v4, v11;
	v9 =	vld.idx.msk [tilespmem:v9+s13+$0x0], $0xffff  }
0x568: {  	v2 =	vld.idx.msk [tilespmem:v1+s12+$0x0], $0xffff  }
0x569: {  	v4 =	vadd.f32 v4, v3;
	v5 =	vmul.f32 v5, v12;
	v3 =	vld.idx.msk [tilespmem:v1+s13+$0x0], $0xffff  }
.Ltmp5:
0x56a: {  	(pc) =	sbr.rel @p0 .LBB2_12-.Ltmp5, $3  }
0x56b: {  	v1 =	vadd.f32 v5, v4;
	v4 =	vmul.f32 v7, v6;
	_ =	sdelay $0x1  }
0x56c: {  	v6 =	vmov s17;
	v4 =	vadd.f32 v4, v1;
	v5 =	vmul.f32 v9, v8  }
0x56d: {  	s17 =	sadd.s32 $0x10, s17;
	v1 =	vshll.u32 v6, $0x7  }
0x56e: {  	v1 =	vor.u32 v0, v1;
	v4 =	vadd.f32 v5, v4;
	v2 =	vmul.f32 v3, v2;
	_ =	sdelay $0x1  }
0x56f: {  	v3 =	vor.u32 $0x1, v1;
	v2 =	vadd.f32 v2, v4  }
0x570: {  	s16 =	sadd.s32 $0x10, s16  }
0x571: {  	v31 =	vor.u32 $0x2, v1;
	[tilespmem:s16+$0x0] =	vst v2  }
0x572: {  	v2 =	vld.idx.msk [tilespmem:v1+s13+$0x0], $0xffff  }
0x573: {  	v6 =	vor.u32 $0x3, v1;
	v32 =	vld.idx.msk [tilespmem:v1+s12+$0x0], $0xffff  }
0x574: {  	v7 =	vld.idx.msk [tilespmem:v3+s12+$0x0], $0xffff  }
0x575: {  	v8 =	vor.u32 $0x4, v1;
	v3 =	vld.idx.msk [tilespmem:v3+s13+$0x0], $0xffff  }
0x576: {  	v9 =	vld.idx.msk [tilespmem:v31+s12+$0x0], $0xffff  }
0x577: {  	v10 =	vor.u32 $0x5, v1;
	v4 =	vld.idx.msk [tilespmem:v31+s13+$0x0], $0xffff  }
0x578: {  	v11 =	vld.idx.msk [tilespmem:v6+s12+$0x0], $0xffff;
	v2 =	vmul.f32 v2, v32  }
0x579: {  	v34 =	vor.u32 $0x6, v1;
	v33 =	vld.idx.msk [tilespmem:v6+s13+$0x0], $0xffff  }
0x57a: {  	v12 =	vld.idx.msk [tilespmem:v8+s12+$0x0], $0xffff;
	v3 =	vmul.f32 v3, v7;
	v2 =	vadd.f32 $0.0e+00, v2  }
0x57b: {  	v36 =	vor.u32 $0x7, v1;
	v35 =	vld.idx.msk [tilespmem:v8+s13+$0x0], $0xffff  }
0x57c: {  	v13 =	vld.idx.msk [tilespmem:v10+s12+$0x0], $0xffff;
	v2 =	vadd.f32 v3, v2;
	v3 =	vmul.f32 v4, v9  }
0x57d: {  	v38 =	vor.u32 $0x8, v1;
	v37 =	vld.idx.msk [tilespmem:v10+s13+$0x0], $0xffff  }
0x57e: {  	v39 =	vld.idx.msk [tilespmem:v34+s12+$0x0], $0xffff;
	v2 =	vadd.f32 v3, v2;
	v3 =	vmul.f32 v33, v11  }
0x57f: {  	v41 =	vor.u32 $0x9, v1;
	v40 =	vld.idx.msk [tilespmem:v34+s13+$0x0], $0xffff  }
0x580: {  	v42 =	vld.idx.msk [tilespmem:v36+s12+$0x0], $0xffff;
	v2 =	vadd.f32 v3, v2;
	v3 =	vmul.f32 v35, v12  }
0x581: {  	v44 =	vor.u32 $0xA, v1;
	v43 =	vld.idx.msk [tilespmem:v36+s13+$0x0], $0xffff  }
0x582: {  	v45 =	vld.idx.msk [tilespmem:v38+s12+$0x0], $0xffff;
	v2 =	vadd.f32 v3, v2;
	v3 =	vmul.f32 v37, v13  }
0x583: {  	v47 =	vor.u32 $0xB, v1;
	v46 =	vld.idx.msk [tilespmem:v38+s13+$0x0], $0xffff  }
0x584: {  	v48 =	vld.idx.msk [tilespmem:v41+s12+$0x0], $0xffff;
	v2 =	vadd.f32 v3, v2;
	v3 =	vmul.f32 v40, v39  }
0x585: {  	v50 =	vor.u32 $0xC, v1;
	v49 =	vld.idx.msk [tilespmem:v41+s13+$0x0], $0xffff  }
0x586: {  	v51 =	vld.idx.msk [tilespmem:v44+s12+$0x0], $0xffff;
	v2 =	vadd.f32 v3, v2;
	v3 =	vmul.f32 v43, v42  }
0x587: {  	v53 =	vor.u32 $0xD, v1;
	v52 =	vld.idx.msk [tilespmem:v44+s13+$0x0], $0xffff  }
0x588: {  	v54 =	vld.idx.msk [tilespmem:v47+s12+$0x0], $0xffff;
	v2 =	vadd.f32 v3, v2;
	v3 =	vmul.f32 v46, v45  }
0x589: {  	v56 =	vor.u32 $0xE, v1;
	v55 =	vld.idx.msk [tilespmem:v47+s13+$0x0], $0xffff  }
0x58a: {  	v57 =	vld.idx.msk [tilespmem:v50+s12+$0x0], $0xffff;
	v2 =	vadd.f32 v3, v2;
	v3 =	vmul.f32 v49, v48  }
0x58b: {  	v59 =	vor.u32 $0xF, v1;
	v58 =	vld.idx.msk [tilespmem:v50+s13+$0x0], $0xffff  }
0x58c: {  	v60 =	vld.idx.msk [tilespmem:v53+s12+$0x0], $0xffff;
	v2 =	vadd.f32 v3, v2;
	v3 =	vmul.f32 v52, v51  }
0x58d: {  	v62 =	vor.u32 $0x10, v1;
	v61 =	vld.idx.msk [tilespmem:v53+s13+$0x0], $0xffff  }
0x58e: {  	v63 =	vld.idx.msk [tilespmem:v56+s12+$0x0], $0xffff;
	v2 =	vadd.f32 v3, v2;
	v3 =	vmul.f32 v55, v54  }
0x58f: {  	v17 =	vor.u32 $0x11, v1;
	v16 =	vld.idx.msk [tilespmem:v56+s13+$0x0], $0xffff  }
0x590: {  	v18 =	vld.idx.msk [tilespmem:v59+s12+$0x0], $0xffff;
	v2 =	vadd.f32 v3, v2;
	v3 =	vmul.f32 v58, v57  }
0x591: {  	v20 =	vor.u32 $0x12, v1;
	v19 =	vld.idx.msk [tilespmem:v59+s13+$0x0], $0xffff  }
0x592: {  	v21 =	vld.idx.msk [tilespmem:v62+s12+$0x0], $0xffff;
	v2 =	vadd.f32 v3, v2;
	v3 =	vmul.f32 v61, v60  }
0x593: {  	v23 =	vor.u32 $0x13, v1;
	v22 =	vld.idx.msk [tilespmem:v62+s13+$0x0], $0xffff  }
0x594: {  	v24 =	vld.idx.msk [tilespmem:v17+s12+$0x0], $0xffff;
	v2 =	vadd.f32 v3, v2;
	v3 =	vmul.f32 v16, v63  }
0x595: {  	v26 =	vor.u32 $0x14, v1;
	v25 =	vld.idx.msk [tilespmem:v17+s13+$0x0], $0xffff  }
0x596: {  	v27 =	vld.idx.msk [tilespmem:v20+s12+$0x0], $0xffff;
	v2 =	vadd.f32 v3, v2;
	v3 =	vmul.f32 v19, v18  }
0x597: {  	v29 =	vor.u32 $0x15, v1;
	v28 =	vld.idx.msk [tilespmem:v20+s13+$0x0], $0xffff  }
0x598: {  	v30 =	vld.idx.msk [tilespmem:v23+s12+$0x0], $0xffff;
	v2 =	vadd.f32 v3, v2;
	v3 =	vmul.f32 v22, v21  }
0x599: {  	v31 =	vld.idx.msk [tilespmem:v23+s13+$0x0], $0xffff;
	v32 =	vor.u32 $0x16, v1  }
0x59a: {  	v34 =	vld.idx.msk [tilespmem:v26+s13+$0x0], $0xffff;
	v2 =	vadd.f32 v3, v2;
	v3 =	vmul.f32 v25, v24  }
0x59b: {  	v33 =	vld.idx.msk [tilespmem:v26+s12+$0x0], $0xffff;
	v35 =	vor.u32 $0x17, v1  }
0x59c: {  	v36 =	vld.idx.msk [tilespmem:v29+s12+$0x0], $0xffff;
	v2 =	vadd.f32 v3, v2;
	v3 =	vmul.f32 v28, v27  }
0x59d: {  	v38 =	vor.u32 $0x18, v1;
	v37 =	vld.idx.msk [tilespmem:v29+s13+$0x0], $0xffff  }
0x59e: {  	v39 =	vld.idx.msk [tilespmem:v32+s12+$0x0], $0xffff;
	v2 =	vadd.f32 v3, v2;
	v3 =	vmul.f32 v31, v30  }
0x59f: {  	v41 =	vor.u32 $0x19, v1;
	v40 =	vld.idx.msk [tilespmem:v32+s13+$0x0], $0xffff  }
0x5a0: {  	v42 =	vld.idx.msk [tilespmem:v35+s12+$0x0], $0xffff;
	v2 =	vadd.f32 v3, v2;
	v3 =	vmul.f32 v34, v33  }
0x5a1: {  	v44 =	vor.u32 $0x1A, v1;
	v43 =	vld.idx.msk [tilespmem:v35+s13+$0x0], $0xffff  }
0x5a2: {  	v45 =	vld.idx.msk [tilespmem:v38+s12+$0x0], $0xffff;
	v2 =	vadd.f32 v3, v2;
	v3 =	vmul.f32 v37, v36  }
0x5a3: {  	v47 =	vor.u32 $0x1B, v1;
	v46 =	vld.idx.msk [tilespmem:v38+s13+$0x0], $0xffff  }
0x5a4: {  	v48 =	vld.idx.msk [tilespmem:v41+s12+$0x0], $0xffff;
	v2 =	vadd.f32 v3, v2;
	v3 =	vmul.f32 v40, v39  }
0x5a5: {  	v50 =	vor.u32 $0x1C, v1;
	v49 =	vld.idx.msk [tilespmem:v41+s13+$0x0], $0xffff  }
0x5a6: {  	v51 =	vld.idx.msk [tilespmem:v44+s12+$0x0], $0xffff;
	v2 =	vadd.f32 v3, v2;
	v3 =	vmul.f32 v43, v42  }
0x5a7: {  	v53 =	vor.u32 $0x1D, v1;
	v52 =	vld.idx.msk [tilespmem:v44+s13+$0x0], $0xffff  }
0x5a8: {  	v54 =	vld.idx.msk [tilespmem:v47+s12+$0x0], $0xffff;
	v2 =	vadd.f32 v3, v2;
	v3 =	vmul.f32 v46, v45  }
0x5a9: {  	v56 =	vor.u32 $0x1E, v1;
	v55 =	vld.idx.msk [tilespmem:v47+s13+$0x0], $0xffff  }
0x5aa: {  	v57 =	vld.idx.msk [tilespmem:v50+s12+$0x0], $0xffff;
	v2 =	vadd.f32 v3, v2;
	v3 =	vmul.f32 v49, v48  }
0x5ab: {  	v59 =	vor.u32 $0x1F, v1;
	v58 =	vld.idx.msk [tilespmem:v50+s13+$0x0], $0xffff  }
0x5ac: {  	v60 =	vld.idx.msk [tilespmem:v53+s12+$0x0], $0xffff;
	v2 =	vadd.f32 v3, v2;
	v3 =	vmul.f32 v52, v51  }
0x5ad: {  	v62 =	vor.u32 $0x20, v1;
	v61 =	vld.idx.msk [tilespmem:v53+s13+$0x0], $0xffff  }
0x5ae: {  	v63 =	vld.idx.msk [tilespmem:v56+s12+$0x0], $0xffff;
	v2 =	vadd.f32 v3, v2;
	v3 =	vmul.f32 v55, v54  }
0x5af: {  	v17 =	vor.u32 $0x21, v1;
	v16 =	vld.idx.msk [tilespmem:v56+s13+$0x0], $0xffff  }
0x5b0: {  	v18 =	vld.idx.msk [tilespmem:v59+s12+$0x0], $0xffff;
	v2 =	vadd.f32 v3, v2;
	v3 =	vmul.f32 v58, v57  }
0x5b1: {  	v20 =	vor.u32 $0x22, v1;
	v19 =	vld.idx.msk [tilespmem:v59+s13+$0x0], $0xffff  }
0x5b2: {  	v21 =	vld.idx.msk [tilespmem:v62+s12+$0x0], $0xffff;
	v2 =	vadd.f32 v3, v2;
	v3 =	vmul.f32 v61, v60  }
0x5b3: {  	v23 =	vor.u32 $0x23, v1;
	v22 =	vld.idx.msk [tilespmem:v62+s13+$0x0], $0xffff  }
0x5b4: {  	v24 =	vld.idx.msk [tilespmem:v17+s12+$0x0], $0xffff;
	v2 =	vadd.f32 v3, v2;
	v3 =	vmul.f32 v16, v63  }
0x5b5: {  	v26 =	vor.u32 $0x24, v1;
	v25 =	vld.idx.msk [tilespmem:v17+s13+$0x0], $0xffff  }
0x5b6: {  	v27 =	vld.idx.msk [tilespmem:v20+s12+$0x0], $0xffff;
	v2 =	vadd.f32 v3, v2;
	v3 =	vmul.f32 v19, v18  }
0x5b7: {  	v29 =	vor.u32 $0x25, v1;
	v28 =	vld.idx.msk [tilespmem:v20+s13+$0x0], $0xffff  }
0x5b8: {  	v30 =	vld.idx.msk [tilespmem:v23+s12+$0x0], $0xffff;
	v2 =	vadd.f32 v3, v2;
	v3 =	vmul.f32 v22, v21  }
0x5b9: {  	v32 =	vor.u32 $0x26, v1;
	v31 =	vld.idx.msk [tilespmem:v23+s13+$0x0], $0xffff  }
0x5ba: {  	v33 =	vld.idx.msk [tilespmem:v26+s12+$0x0], $0xffff;
	v2 =	vadd.f32 v3, v2;
	v3 =	vmul.f32 v25, v24  }
0x5bb: {  	v35 =	vor.u32 $0x27, v1;
	v34 =	vld.idx.msk [tilespmem:v26+s13+$0x0], $0xffff  }
0x5bc: {  	v36 =	vld.idx.msk [tilespmem:v29+s12+$0x0], $0xffff;
	v2 =	vadd.f32 v3, v2;
	v3 =	vmul.f32 v28, v27  }
0x5bd: {  	v38 =	vor.u32 $0x28, v1;
	v37 =	vld.idx.msk [tilespmem:v29+s13+$0x0], $0xffff  }
0x5be: {  	v39 =	vld.idx.msk [tilespmem:v32+s12+$0x0], $0xffff;
	v2 =	vadd.f32 v3, v2;
	v3 =	vmul.f32 v31, v30  }
0x5bf: {  	v41 =	vor.u32 $0x29, v1;
	v40 =	vld.idx.msk [tilespmem:v32+s13+$0x0], $0xffff  }
0x5c0: {  	v42 =	vld.idx.msk [tilespmem:v35+s12+$0x0], $0xffff;
	v2 =	vadd.f32 v3, v2;
	v3 =	vmul.f32 v34, v33  }
0x5c1: {  	v44 =	vor.u32 $0x2A, v1;
	v43 =	vld.idx.msk [tilespmem:v35+s13+$0x0], $0xffff  }
0x5c2: {  	v45 =	vld.idx.msk [tilespmem:v38+s12+$0x0], $0xffff;
	v2 =	vadd.f32 v3, v2;
	v3 =	vmul.f32 v37, v36  }
0x5c3: {  	v47 =	vor.u32 $0x2B, v1;
	v46 =	vld.idx.msk [tilespmem:v38+s13+$0x0], $0xffff  }
0x5c4: {  	v48 =	vld.idx.msk [tilespmem:v41+s12+$0x0], $0xffff;
	v2 =	vadd.f32 v3, v2;
	v3 =	vmul.f32 v40, v39  }
0x5c5: {  	v50 =	vor.u32 $0x2C, v1;
	v49 =	vld.idx.msk [tilespmem:v41+s13+$0x0], $0xffff  }
0x5c6: {  	v51 =	vld.idx.msk [tilespmem:v44+s12+$0x0], $0xffff;
	v2 =	vadd.f32 v3, v2;
	v3 =	vmul.f32 v43, v42  }
0x5c7: {  	v53 =	vor.u32 $0x2D, v1;
	v52 =	vld.idx.msk [tilespmem:v44+s13+$0x0], $0xffff  }
0x5c8: {  	v54 =	vld.idx.msk [tilespmem:v47+s12+$0x0], $0xffff;
	v2 =	vadd.f32 v3, v2;
	v3 =	vmul.f32 v46, v45  }
0x5c9: {  	v56 =	vor.u32 $0x2E, v1;
	v55 =	vld.idx.msk [tilespmem:v47+s13+$0x0], $0xffff  }
0x5ca: {  	v57 =	vld.idx.msk [tilespmem:v50+s12+$0x0], $0xffff;
	v2 =	vadd.f32 v3, v2;
	v3 =	vmul.f32 v49, v48  }
0x5cb: {  	v59 =	vor.u32 $0x2F, v1;
	v58 =	vld.idx.msk [tilespmem:v50+s13+$0x0], $0xffff  }
0x5cc: {  	v60 =	vld.idx.msk [tilespmem:v53+s12+$0x0], $0xffff;
	v2 =	vadd.f32 v3, v2;
	v3 =	vmul.f32 v52, v51  }
0x5cd: {  	v62 =	vor.u32 $0x30, v1;
	v61 =	vld.idx.msk [tilespmem:v53+s13+$0x0], $0xffff  }
0x5ce: {  	v63 =	vld.idx.msk [tilespmem:v56+s12+$0x0], $0xffff;
	v2 =	vadd.f32 v3, v2;
	v3 =	vmul.f32 v55, v54  }
0x5cf: {  	v17 =	vor.u32 $0x31, v1;
	v16 =	vld.idx.msk [tilespmem:v56+s13+$0x0], $0xffff  }
0x5d0: {  	v18 =	vld.idx.msk [tilespmem:v59+s12+$0x0], $0xffff;
	v2 =	vadd.f32 v3, v2;
	v3 =	vmul.f32 v58, v57  }
0x5d1: {  	v20 =	vor.u32 $0x32, v1;
	v19 =	vld.idx.msk [tilespmem:v59+s13+$0x0], $0xffff  }
0x5d2: {  	v21 =	vld.idx.msk [tilespmem:v62+s12+$0x0], $0xffff;
	v2 =	vadd.f32 v3, v2;
	v3 =	vmul.f32 v61, v60  }
0x5d3: {  	v23 =	vor.u32 $0x33, v1;
	v22 =	vld.idx.msk [tilespmem:v62+s13+$0x0], $0xffff  }
0x5d4: {  	v24 =	vld.idx.msk [tilespmem:v17+s12+$0x0], $0xffff;
	v2 =	vadd.f32 v3, v2;
	v3 =	vmul.f32 v16, v63  }
0x5d5: {  	v26 =	vor.u32 $0x34, v1;
	v25 =	vld.idx.msk [tilespmem:v17+s13+$0x0], $0xffff  }
0x5d6: {  	v27 =	vld.idx.msk [tilespmem:v20+s12+$0x0], $0xffff;
	v2 =	vadd.f32 v3, v2;
	v3 =	vmul.f32 v19, v18  }
0x5d7: {  	v29 =	vor.u32 $0x35, v1;
	v28 =	vld.idx.msk [tilespmem:v20+s13+$0x0], $0xffff  }
0x5d8: {  	v30 =	vld.idx.msk [tilespmem:v23+s12+$0x0], $0xffff;
	v2 =	vadd.f32 v3, v2;
	v3 =	vmul.f32 v22, v21  }
0x5d9: {  	v32 =	vor.u32 $0x36, v1;
	v31 =	vld.idx.msk [tilespmem:v23+s13+$0x0], $0xffff  }
0x5da: {  	v33 =	vld.idx.msk [tilespmem:v26+s12+$0x0], $0xffff;
	v2 =	vadd.f32 v3, v2;
	v3 =	vmul.f32 v25, v24  }
0x5db: {  	v35 =	vor.u32 $0x37, v1;
	v34 =	vld.idx.msk [tilespmem:v26+s13+$0x0], $0xffff  }
0x5dc: {  	v36 =	vld.idx.msk [tilespmem:v29+s12+$0x0], $0xffff;
	v2 =	vadd.f32 v3, v2;
	v3 =	vmul.f32 v28, v27  }
0x5dd: {  	v38 =	vor.u32 $0x38, v1;
	v37 =	vld.idx.msk [tilespmem:v29+s13+$0x0], $0xffff  }
0x5de: {  	v39 =	vld.idx.msk [tilespmem:v32+s12+$0x0], $0xffff;
	v2 =	vadd.f32 v3, v2;
	v3 =	vmul.f32 v31, v30  }
0x5df: {  	v41 =	vor.u32 $0x39, v1;
	v40 =	vld.idx.msk [tilespmem:v32+s13+$0x0], $0xffff  }
0x5e0: {  	v42 =	vld.idx.msk [tilespmem:v35+s12+$0x0], $0xffff;
	v2 =	vadd.f32 v3, v2;
	v3 =	vmul.f32 v34, v33  }
0x5e1: {  	v44 =	vor.u32 $0x3A, v1;
	v43 =	vld.idx.msk [tilespmem:v35+s13+$0x0], $0xffff  }
0x5e2: {  	v45 =	vld.idx.msk [tilespmem:v38+s12+$0x0], $0xffff;
	v2 =	vadd.f32 v3, v2;
	v3 =	vmul.f32 v37, v36  }
0x5e3: {  	v47 =	vor.u32 $0x3B, v1;
	v46 =	vld.idx.msk [tilespmem:v38+s13+$0x0], $0xffff  }
0x5e4: {  	v48 =	vld.idx.msk [tilespmem:v41+s12+$0x0], $0xffff;
	v2 =	vadd.f32 v3, v2;
	v3 =	vmul.f32 v40, v39  }
0x5e5: {  	v50 =	vor.u32 $0x3C, v1;
	v49 =	vld.idx.msk [tilespmem:v41+s13+$0x0], $0xffff  }
0x5e6: {  	v51 =	vld.idx.msk [tilespmem:v44+s12+$0x0], $0xffff;
	v2 =	vadd.f32 v3, v2;
	v3 =	vmul.f32 v43, v42  }
0x5e7: {  	v53 =	vor.u32 $0x3D, v1;
	v52 =	vld.idx.msk [tilespmem:v44+s13+$0x0], $0xffff  }
0x5e8: {  	v54 =	vld.idx.msk [tilespmem:v47+s12+$0x0], $0xffff;
	v2 =	vadd.f32 v3, v2;
	v3 =	vmul.f32 v46, v45  }
0x5e9: {  	v56 =	vor.u32 $0x3E, v1;
	v55 =	vld.idx.msk [tilespmem:v47+s13+$0x0], $0xffff  }
0x5ea: {  	v57 =	vld.idx.msk [tilespmem:v50+s12+$0x0], $0xffff;
	v2 =	vadd.f32 v3, v2;
	v3 =	vmul.f32 v49, v48  }
0x5eb: {  	v1 =	vor.u32 $0x3F, v1;
	v58 =	vld.idx.msk [tilespmem:v50+s13+$0x0], $0xffff  }
0x5ec: {  	v59 =	vld.idx.msk [tilespmem:v53+s12+$0x0], $0xffff;
	v2 =	vadd.f32 v3, v2;
	v3 =	vmul.f32 v52, v51  }
0x5ed: {  	v60 =	vld.idx.msk [tilespmem:v53+s13+$0x0], $0xffff  }
0x5ee: {  	v62 =	vld.idx.msk [tilespmem:v56+s13+$0x0], $0xffff;
	v2 =	vadd.f32 v3, v2;
	v3 =	vmul.f32 v55, v54  }
0x5ef: {  	v61 =	vld.idx.msk [tilespmem:v56+s12+$0x0], $0xffff  }
0x5f0: {  	v63 =	vld.idx.msk [tilespmem:v1+s12+$0x0], $0xffff;
	v2 =	vadd.f32 v3, v2;
	v3 =	vmul.f32 v58, v57  }
0x5f1: {  	v1 =	vld.idx.msk [tilespmem:v1+s13+$0x0], $0xffff  }
0x5f2: {  	v2 =	vadd.f32 v3, v2;
	v3 =	vmul.f32 v60, v59;
	_ =	sdelay $0x1  }
0x5f3: {  	v2 =	vadd.f32 v3, v2;
	v3 =	vmul.f32 v62, v61;
	_ =	sdelay $0x1  }
0x5f4: {  	v1 =	vmul.f32 v1, v63;
	v2 =	vadd.f32 v3, v2;
	_ =	sdelay $0x1  }
0x5f5: {  	v1 =	vadd.f32 v1, v2  }
0x5f6: {  	s0 =	sadd.s32 $0x10, s16  }
0x5f7: {  	s29 =	rddreg [dreg:$0x1c];
	s1 =	simm.s32 $0x10400;
	[tilespmem:s0+$0x0] =	vst v1  }
0x5f8: {  	[hbm4b:s29+s10] =	stream.linear.scatter [tilespmem:s1], [sflag:$0x2], $0x100, $0x38;
	[tilespmem:$0x10500] =	vst v63  }
0x5f9: {  	_ =	swait.ge [sflag:s2], $0x100  }
0x5fa: {  	s30 =	rddreg [dreg:$0x1e]  }
0x5fb: {  	s31 =	rddreg [dreg:$0x1d];
	s1 =	sadd.s32 $0x1, s30  }
0x5fc: {  	p0 =	sne.s32 s1, s31  }
.Ltmp6:
0x5fd: {  	_ = 	snop;
	(pc) =	sbr.rel @p0 .LBB2_1-.Ltmp6, $3  }
0x5fe: {  	_ =	sdelay $0x1  }
0x5ff: {  	[sflag:s2] =	ssyncset.done $0x0  }
0x600: {  	[sflag:s2] =	ssyncadd.s32 $0xFFFFFF00  }
0x601: {  	_ =	sfence.sel $0x180000  }
0x602: {  	[bflag:$0x0] =	sbarrier.arrive $0xFFFF  }
0x603: {  	_ =	strace $0x90000047  }
0x604: {  	s0 =	stileid.u32;
	[bflag:$0x2] =	sbarrier.arrive $0xFFFF  }
0x605: {  	p0 =	sne.s32 s0, $0x0;
	s0 =	rddreg [dreg:$0x4]  }
0x606: {  	s0 =	sadd.s32 @!p0 $0x100000, s0  }
0x607: {  	[sflag:s0] =	ssyncadd.tile.s32 @!p0 $0x1;
	_ =	shalt  }
.Lfunc_end2:
_tile_overlayer_lowered:
.L_overlay_start_2:
0x608: {  	(tag) =	ssettag $0x2  }
0x609: {  	s0 =	rddreg [dreg:$0x0];
	s2 =	stileid.u32  }
0x60a: {  	s1 =	rddreg [dreg:$0x1];
	p0 =	sne.s32 s2, $0x0  }
0x60b: {  	s3 =	rddreg [dreg:$0x2];
	[bflag:$0x3] =	sbarrier.arrive $0xFFFF;
	s2 =	simm.s32 @!p0 $0x1C02  }
0x60c: {  	[timem:s3], [sflag:s2] =	dma.local @!p0 [hbm:s0], s1  }
0x60d: {  	s0 =	simm.s32 @!p0 $0x2  }
0x60e: {  	_ =	swait.ge @!p0 [sflag:s0], s1  }
0x60f: {  	s1 =	ssub.s32 @!p0 $0x0, s1;
	[sflag:s0] =	ssyncset.done @!p0 $0x0  }
0x610: {  	[sflag:s0] =	ssyncadd.s32 @!p0 s1  }
0x611: {  	[bflag:$0x3] =	sbarrier.arrive $0xFFFF  }
0x612: {  	_ =	shalt  }

</sc_bundles>
